<compile_context>
chip_gen: v7x
topology: tpu7x:2x2x1
jax: 0.10.2.dev20260603
libtpu: 0.0.44.dev20260713+nightly
codegen_flags: <defaults>
</compile_context>

<pallas_src>
import functools

import jax
import jax.numpy as jnp
from jax import lax
from jax.experimental import pallas as pl
from jax.experimental.pallas import tpu as pltpu
from jax.experimental.pallas import tpu_sc as plsc

N = 10000
E = 320000
D = 128
NG = 64
NCLS = 10

NC = 2
NS = 16
NW = NC * NS
CB = 80
NCH = 126
EP = NW * NCH * CB
NPAD = 10112
RPT = NPAD // NS


@functools.lru_cache(maxsize=1)
def _sc_kernels():
    mesh = plsc.VectorSubcoreMesh(
        core_axis_name="c", subcore_axis_name="s",
        num_cores=NC, num_subcores=NS)

    def _unpack_dst(cidx, j, out_ref):
        for k in range(CB // 16):
            v = cidx[j, pl.ds(k * 16, 16)]
            out_ref[pl.ds(k * 16, 16)] = lax.shift_right_logical(v, 14)

    def _unpack_src(cidx, j, out_ref):
        for k in range(CB // 16):
            v = cidx[j, pl.ds(k * 16, 16)]
            out_ref[pl.ds(k * 16, 16)] = lax.bitwise_and(v, 16383)

    @functools.partial(
        pl.kernel,
        out_type=jax.ShapeDtypeStruct((NC, NPAD, D), jnp.float32),
        mesh=mesh,
        scratch_types=[
            pltpu.VMEM((NCH, CB), jnp.int32),
            [pltpu.VMEM((CB,), jnp.int32)] * 6,
            pltpu.VMEM((CB, D), jnp.float32),
            pltpu.VMEM_SHARED((NPAD, D), jnp.float32),
            pltpu.SemaphoreType.DMA,
        ],
    )
    def deg_kernel(cidx_hbm, zeros_hbm, ones_hbm, out_hbm, cidx, didx, ones_v,
                   deg_sh, sem):
        c = lax.axis_index("c")
        s = lax.axis_index("s")
        wid = c * NS + s
        lo = s * RPT
        pltpu.sync_copy(cidx_hbm.at[wid], cidx)
        pltpu.sync_copy(zeros_hbm.at[pl.ds(lo, RPT)], deg_sh.at[pl.ds(lo, RPT)])
        pltpu.sync_copy(ones_hbm, ones_v)
        plsc.subcore_barrier()

        @pl.loop(0, NCH // 6)
        def _(g):
            for b in range(6):
                _unpack_dst(cidx, g * 6 + b, didx[b])
                pltpu.async_copy(ones_v, deg_sh.at[didx[b]], sem, add=True)
            for b in range(6):
                pltpu.make_async_copy(ones_hbm, ones_v, sem).wait()

        plsc.subcore_barrier()
        pltpu.sync_copy(deg_sh.at[pl.ds(lo, RPT)],
                        out_hbm.at[c].at[pl.ds(lo, RPT)])

    @functools.partial(
        pl.kernel,
        out_type=jax.ShapeDtypeStruct((NC, NPAD, D), jnp.float32),
        mesh=mesh,
        scratch_types=[
            pltpu.VMEM((NCH, CB), jnp.int32),
            [pltpu.VMEM((CB,), jnp.int32)] * 3,
            pltpu.VMEM((CB,), jnp.int32),
            [pltpu.VMEM((CB, D), jnp.float32)] * 3,
            pltpu.VMEM_SHARED((NPAD, D), jnp.float32),
            [pltpu.SemaphoreType.DMA] * 3,
        ],
    )
    def agg_kernel(hp_hbm, cidx_hbm, zeros_hbm, out_hbm,
                   cidx, sidx, didx, rows, agg_sh, gsem):
        c = lax.axis_index("c")
        s = lax.axis_index("s")
        wid = c * NS + s
        lo = s * RPT

        pltpu.sync_copy(cidx_hbm.at[wid], cidx)

        for b in range(3):
            _unpack_src(cidx, b, sidx[b])
            pltpu.async_copy(hp_hbm.at[sidx[b]], rows[b], gsem[b])

        pltpu.sync_copy(zeros_hbm.at[pl.ds(lo, RPT)], agg_sh.at[pl.ds(lo, RPT)])
        plsc.subcore_barrier()

        @pl.loop(0, NCH // 3)
        def _(g):
            for r in range(3):
                j = g * 3 + r

                pltpu.make_async_copy(
                    hp_hbm.at[pl.ds(0, CB)], rows[r], gsem[r]).wait()

                _unpack_dst(cidx, j, didx)
                pltpu.sync_copy(rows[r], agg_sh.at[didx], add=True)

                @pl.when(j + 3 < NCH)
                def _():
                    _unpack_src(cidx, j + 3, sidx[r])
                    pltpu.async_copy(hp_hbm.at[sidx[r]], rows[r], gsem[r])

        plsc.subcore_barrier()
        pltpu.sync_copy(agg_sh.at[pl.ds(lo, RPT)],
                        out_hbm.at[c].at[pl.ds(lo, RPT)])

    return deg_kernel, agg_kernel


def _deg_call(cidxp, zerosD, onesD):
    return _sc_kernels()[0](cidxp, zerosD, onesD)


def _agg_call(hp, cidxp, zerosD):
    return _sc_kernels()[1](hp, cidxp, zerosD)



def _mm1_body(x_ref, w_ref, deg_ref, hp_ref, dinv_ref):
    dsum = deg_ref[0][:, 0:1] + deg_ref[1][:, 0:1] + 1.0
    dinv = jnp.broadcast_to(lax.rsqrt(dsum), (NPAD, D))
    h = jnp.dot(x_ref[...], w_ref[...], preferred_element_type=jnp.float32)
    hp_ref[...] = h * dinv
    dinv_ref[...] = dinv


_mm1_call = pl.pallas_call(
    _mm1_body,
    out_shape=[
        jax.ShapeDtypeStruct((NPAD, D), jnp.float32),
        jax.ShapeDtypeStruct((NPAD, D), jnp.float32),
    ],
)


def _comb_body(agg_ref, hp_ref, dinv_ref, b_ref, w_ref, out_ref):
    tot = agg_ref[0] + agg_ref[1] + hp_ref[...]
    xn = jnp.maximum(tot * dinv_ref[...] + b_ref[...], 0.0)
    row = lax.broadcasted_iota(jnp.int32, (NPAD, D), 0)
    xn = jnp.where(row < N, xn, 0.0)
    out_ref[...] = jnp.dot(xn, w_ref[...],
                           preferred_element_type=jnp.float32) * dinv_ref[...]


_comb_call = pl.pallas_call(
    _comb_body,
    out_shape=jax.ShapeDtypeStruct((NPAD, D), jnp.float32),
)


def _head_body(agg_ref, hp_ref, dinv_ref, b3_ref, batch_ref, gamma_ref,
               beta_ref, wl1_ref, bl1_ref, wl2_ref, bl2_ref, out_ref):
    tot = agg_ref[0] + agg_ref[1] + hp_ref[...]
    h = jnp.maximum(tot * dinv_ref[...] + b3_ref[...], 0.0)
    bat = batch_ref[...]
    gids = lax.broadcasted_iota(jnp.int32, (NG, NPAD), 0)
    P = (bat == gids).astype(jnp.float32)
    sums = jnp.dot(P, h, preferred_element_type=jnp.float32)
    cnt = jnp.sum(P, axis=1, keepdims=True)
    pooled = sums / jnp.maximum(cnt, 1.0)
    mu = jnp.mean(pooled, axis=0, keepdims=True)
    var = jnp.mean((pooled - mu) * (pooled - mu), axis=0, keepdims=True)
    hn = (pooled - mu) * lax.rsqrt(var + 1e-5) * gamma_ref[...] + beta_ref[...]
    h1 = jnp.dot(hn, wl1_ref[...], preferred_element_type=jnp.float32)
    h1 = h1 + bl1_ref[...]
    logits = jnp.dot(h1, wl2_ref[...], preferred_element_type=jnp.float32)
    logits = logits + bl2_ref[...]
    z = logits - jnp.max(logits, axis=-1, keepdims=True)
    ez = jnp.exp(z)
    out_ref[...] = ez / jnp.sum(ez, axis=-1, keepdims=True)


_head_call = pl.pallas_call(
    _head_body,
    out_shape=jax.ShapeDtypeStruct((NG, D), jnp.float32),
)



def kernel(x, edge_index, batch, batch_size, W1, b1, W2, b2, W3, b3,
           gamma, beta, Wl1, bl1, Wl2, bl2):
    xp = jnp.pad(x.astype(jnp.float32), ((0, NPAD - N), (0, 0)))
    src = edge_index[0]
    dst = edge_index[1]
    fill = jnp.full((EP - E,), NPAD - 1, jnp.int32)
    srcp = jnp.concatenate([src.astype(jnp.int32), fill])
    dstp = jnp.concatenate([dst.astype(jnp.int32), fill])
    cidxp = (srcp | (dstp << 14)).reshape(NW, NCH, CB)

    zerosD = jnp.zeros((NPAD, D), jnp.float32)
    onesD = jnp.ones((CB, D), jnp.float32)

    deg = _deg_call(cidxp, zerosD, onesD)
    hp1, dinv = _mm1_call(xp, W1, deg)

    agg1 = _agg_call(hp1, cidxp, zerosD)
    hp2 = _comb_call(agg1, hp1, dinv, b1.reshape(1, D), W2)
    agg2 = _agg_call(hp2, cidxp, zerosD)
    hp3 = _comb_call(agg2, hp2, dinv, b2.reshape(1, D), W3)
    agg3 = _agg_call(hp3, cidxp, zerosD)

    batchp = jnp.concatenate(
        [batch.astype(jnp.int32), jnp.full((NPAD - N,), NG, jnp.int32)]
    ).reshape(1, NPAD)
    wl2p = jnp.concatenate(
        [Wl2, jnp.zeros((D, D - NCLS), jnp.float32)], axis=1)
    bl2p = jnp.concatenate(
        [bl2, jnp.full((D - NCLS,), -1e9, jnp.float32)]).reshape(1, D)

    probs = _head_call(agg3, hp3, dinv, b3.reshape(1, D), batchp,
                       gamma.reshape(1, D), beta.reshape(1, D),
                       Wl1, bl1.reshape(1, D), wl2p, bl2p)
    return probs[:, :NCLS]

# --- scband reference (transcript-rebuilt; emitter-appended) ---
"""Pipeline reference for scband-m1-40441412059705 (READ-ONLY COPY).

The authoritative reference and input builder live on the scoring server;
editing this copy changes nothing except your own understanding.
"""

import jax, jax.numpy as jnp
import numpy as np

N_NODES = 10000
N_EDGES = 320000
D_FEAT = 128
HIDDEN = 128
N_CLASSES = 10
N_GRAPHS = 64


def setup_inputs(seed: int = 0) -> dict:
    key = jax.random.key(seed)
    ks = jax.random.split(key, 16)
    x = jax.random.normal(ks[0], (N_NODES, D_FEAT), dtype=jnp.float32)
    edge_index = jax.random.randint(ks[1], (2, N_EDGES), 0, N_NODES, dtype=jnp.int32)
    batch = jnp.sort(jax.random.randint(ks[2], (N_NODES,), 0, N_GRAPHS, dtype=jnp.int32))
    s = 0.05
    params = {
        'W1': jax.random.normal(ks[3], (D_FEAT, HIDDEN), jnp.float32) * s,
        'b1': jnp.zeros((HIDDEN,), jnp.float32),
        'W2': jax.random.normal(ks[4], (HIDDEN, HIDDEN), jnp.float32) * s,
        'b2': jnp.zeros((HIDDEN,), jnp.float32),
        'W3': jax.random.normal(ks[5], (HIDDEN, HIDDEN), jnp.float32) * s,
        'b3': jnp.zeros((HIDDEN,), jnp.float32),
        'gamma': jnp.ones((HIDDEN,), jnp.float32),
        'beta': jnp.zeros((HIDDEN,), jnp.float32),
        'Wl1': jax.random.normal(ks[6], (HIDDEN, HIDDEN), jnp.float32) * s,
        'bl1': jnp.zeros((HIDDEN,), jnp.float32),
        'Wl2': jax.random.normal(ks[7], (HIDDEN, N_CLASSES), jnp.float32) * s,
        'bl2': jnp.zeros((N_CLASSES,), jnp.float32),
    }
    inp = {'x': x, 'edge_index': edge_index, 'batch': batch, 'batch_size': N_GRAPHS}
    inp.update(params)
    return inp


def _gcn_conv(x, src, dst, W, b, num_nodes):
    # GCNConv: out = D^{-1/2} (A + I) D^{-1/2} X W + b (self-loops already in src/dst)
    h = x @ W
    deg = jnp.zeros((num_nodes,), h.dtype).at[dst].add(1.0)
    dinv = jnp.where(deg > 0, 1.0 / jnp.sqrt(deg), 0.0)
    norm = dinv[src] * dinv[dst]
    msg = h[src] * norm[:, None]
    out = jnp.zeros((num_nodes, h.shape[1]), h.dtype).at[dst].add(msg)
    return out + b


def reference(x, edge_index, batch, batch_size, W1, b1, W2, b2, W3, b3, gamma, beta, Wl1, bl1, Wl2, bl2):
    n = x.shape[0]
    loop = jnp.arange(n, dtype=edge_index.dtype)
    src = jnp.concatenate([edge_index[0], loop])
    dst = jnp.concatenate([edge_index[1], loop])

    h = jax.nn.relu(_gcn_conv(x, src, dst, W1, b1, n))
    # dropout is identity in eval mode
    h = jax.nn.relu(_gcn_conv(h, src, dst, W2, b2, n))
    h = jax.nn.relu(_gcn_conv(h, src, dst, W3, b3, n))
    h = h.astype(jnp.float32)

    # global mean pool over graphs
    bs = jnp.asarray(batch_size)
    bs_zero = (bs - bs).astype(jnp.float32)
    sums = jax.ops.segment_sum(h, batch, num_segments=N_GRAPHS)
    cnt = jax.ops.segment_sum(jnp.ones((n,), jnp.float32), batch, num_segments=N_GRAPHS) + bs_zero
    pooled = sums / jnp.maximum(cnt, 1.0)[:, None]

    # BatchNorm1d (batch statistics, biased variance as in torch training-mode math)
    mu = pooled.mean(axis=0)
    var = pooled.var(axis=0)
    hn = (pooled - mu) / jnp.sqrt(var + 1e-5) * gamma + beta

    h = hn @ Wl1 + bl1
    h = h @ Wl2 + bl2
    return jax.nn.softmax(h, axis=-1)

if __name__ == "__main__":
    import jax
    _d = setup_inputs()
    print(jax.jit(kernel)(*tuple(_d.values())))

</pallas_src>

<mosaic_0001>
#map = affine_map<(d0, d1) -> (0, 0, 0)>
#map1 = affine_map<(d0, d1) -> (0, 0)>
module attributes {stable_mosaic.version = 14 : i64} {
  func.func @deg_kernel(%arg0: i32, %arg1: i32, %arg2: memref<32x126x80xi32, #tpu.memory_space<hbm>>, %arg3: memref<10112x128xf32, #tpu.memory_space<hbm>>, %arg4: memref<80x128xf32, #tpu.memory_space<hbm>>, %arg5: memref<2x10112x128xf32, #tpu.memory_space<hbm>>, %arg6: memref<126x80xi32, #tpu.memory_space<vmem>>, %arg7: memref<80xi32, #tpu.memory_space<vmem>>, %arg8: memref<80xi32, #tpu.memory_space<vmem>>, %arg9: memref<80xi32, #tpu.memory_space<vmem>>, %arg10: memref<80xi32, #tpu.memory_space<vmem>>, %arg11: memref<80xi32, #tpu.memory_space<vmem>>, %arg12: memref<80xi32, #tpu.memory_space<vmem>>, %arg13: memref<80x128xf32, #tpu.memory_space<vmem>>, %arg14: memref<10112x128xf32, #tpu.memory_space<vmem_shared>>, %arg15: memref<!tpu.dma_semaphore, #tpu.memory_space<semaphore_mem>>) attributes {dimension_semantics = [#tpu.dimension_semantics<core_parallel>, #tpu.dimension_semantics<subcore_parallel>], iteration_bounds = array<i64: 2, 16>, scalar_prefetch = 0 : i64, scratch_operands = 10 : i64, tpu.core_type = #tpu.core_type<sc_vector_subcore>, window_params = [{transform_indices = #map}, {transform_indices = #map1}, {transform_indices = #map1}, {transform_indices = #map}]} {
    %mul3A = arith.constant 16 : i32
    %mul3A_0 = arith.muli %arg0, %mul3A : i32
    %add3A = arith.addi %mul3A_0, %arg1 : i32
    %mul3A_1 = arith.constant 632 : i32
    %mul3A_2 = arith.muli %arg1, %mul3A_1 : i32
    "tpu.region"() ({
      %run_scoped3A = tpu.sem_alloc : memref<!tpu.dma_semaphore, #tpu.memory_space<semaphore_mem>>
      %dma_start3A = arith.constant 0 : i32
      %dma_start3A_8 = arith.constant 0 : i32
      %dma_start3A_9 = tpu.memref_slice %arg2[%add3A, %dma_start3A, %dma_start3A_8] : memref<32x126x80xi32, #tpu.memory_space<hbm>> -> memref<1x126x80xi32, #tpu.memory_space<hbm>>
      %dma_start3A_10 = tpu.memref_squeeze %dma_start3A_9 : memref<1x126x80xi32, #tpu.memory_space<hbm>> -> memref<126x80xi32, #tpu.memory_space<hbm>>
      %dma_start3A_11 = arith.constant 0 : i32
      %dma_start3A_12 = arith.constant 0 : i32
      %dma_start3A_13 = tpu.memref_slice %arg2[%add3A, %dma_start3A_11, %dma_start3A_12] : memref<32x126x80xi32, #tpu.memory_space<hbm>> -> memref<1x126x80xi32, #tpu.memory_space<hbm>>
      %dma_start3A_14 = tpu.memref_squeeze %dma_start3A_13 : memref<1x126x80xi32, #tpu.memory_space<hbm>> -> memref<126x80xi32, #tpu.memory_space<hbm>>
      tpu.enqueue_dma source(%dma_start3A_14 : memref<126x80xi32, #tpu.memory_space<hbm>>) target(%arg6 : memref<126x80xi32, #tpu.memory_space<vmem>>) target_semaphore(%run_scoped3A : memref<!tpu.dma_semaphore, #tpu.memory_space<semaphore_mem>>)
      %dma_wait3A = arith.constant 0 : i32
      %dma_wait3A_15 = arith.constant 0 : i32
      %dma_wait3A_16 = tpu.memref_slice %arg2[%add3A, %dma_wait3A, %dma_wait3A_15] : memref<32x126x80xi32, #tpu.memory_space<hbm>> -> memref<1x126x80xi32, #tpu.memory_space<hbm>>
      %dma_wait3A_17 = tpu.memref_squeeze %dma_wait3A_16 : memref<1x126x80xi32, #tpu.memory_space<hbm>> -> memref<126x80xi32, #tpu.memory_space<hbm>>
      %dma_wait3A_18 = arith.constant 0 : i32
      %dma_wait3A_19 = arith.constant 0 : i32
      %dma_wait3A_20 = tpu.memref_slice %arg2[%add3A, %dma_wait3A_18, %dma_wait3A_19] : memref<32x126x80xi32, #tpu.memory_space<hbm>> -> memref<1x126x80xi32, #tpu.memory_space<hbm>>
      %dma_wait3A_21 = tpu.memref_squeeze %dma_wait3A_20 : memref<1x126x80xi32, #tpu.memory_space<hbm>> -> memref<126x80xi32, #tpu.memory_space<hbm>>
      tpu.wait_dma2 semaphore(%run_scoped3A : memref<!tpu.dma_semaphore, #tpu.memory_space<semaphore_mem>>) src(%dma_wait3A_21 : memref<126x80xi32, #tpu.memory_space<hbm>>) dst(%arg6 : memref<126x80xi32, #tpu.memory_space<vmem>>)
      tpu.yield
    }) : () -> ()
    "tpu.region"() ({
      %run_scoped3A = tpu.sem_alloc : memref<!tpu.dma_semaphore, #tpu.memory_space<semaphore_mem>>
      %dma_start3A = arith.constant 0 : i32
      %dma_start3A_8 = tpu.memref_slice %arg14[%mul3A_2, %dma_start3A] : memref<10112x128xf32, #tpu.memory_space<vmem_shared>> -> memref<632x128xf32, #tpu.memory_space<vmem_shared>>
      %dma_start3A_9 = arith.constant 0 : i32
      %dma_start3A_10 = tpu.memref_slice %arg3[%mul3A_2, %dma_start3A_9] : memref<10112x128xf32, #tpu.memory_space<hbm>> -> memref<632x128xf32, #tpu.memory_space<hbm>>
      tpu.enqueue_dma source(%dma_start3A_10 : memref<632x128xf32, #tpu.memory_space<hbm>>) target(%dma_start3A_8 : memref<632x128xf32, #tpu.memory_space<vmem_shared>>) target_semaphore(%run_scoped3A : memref<!tpu.dma_semaphore, #tpu.memory_space<semaphore_mem>>)
      %dma_wait3A = arith.constant 0 : i32
      %dma_wait3A_11 = tpu.memref_slice %arg14[%mul3A_2, %dma_wait3A] : memref<10112x128xf32, #tpu.memory_space<vmem_shared>> -> memref<632x128xf32, #tpu.memory_space<vmem_shared>>
      %dma_wait3A_12 = arith.constant 0 : i32
      %dma_wait3A_13 = tpu.memref_slice %arg3[%mul3A_2, %dma_wait3A_12] : memref<10112x128xf32, #tpu.memory_space<hbm>> -> memref<632x128xf32, #tpu.memory_space<hbm>>
      tpu.wait_dma2 semaphore(%run_scoped3A : memref<!tpu.dma_semaphore, #tpu.memory_space<semaphore_mem>>) src(%dma_wait3A_13 : memref<632x128xf32, #tpu.memory_space<hbm>>) dst(%dma_wait3A_11 : memref<632x128xf32, #tpu.memory_space<vmem_shared>>)
      tpu.yield
    }) : () -> ()
    "tpu.region"() ({
      %run_scoped3A = tpu.sem_alloc : memref<!tpu.dma_semaphore, #tpu.memory_space<semaphore_mem>>
      tpu.enqueue_dma source(%arg4 : memref<80x128xf32, #tpu.memory_space<hbm>>) target(%arg13 : memref<80x128xf32, #tpu.memory_space<vmem>>) target_semaphore(%run_scoped3A : memref<!tpu.dma_semaphore, #tpu.memory_space<semaphore_mem>>)
      tpu.wait_dma2 semaphore(%run_scoped3A : memref<!tpu.dma_semaphore, #tpu.memory_space<semaphore_mem>>) src(%arg4 : memref<80x128xf32, #tpu.memory_space<hbm>>) dst(%arg13 : memref<80x128xf32, #tpu.memory_space<vmem>>)
      tpu.yield
    }) : () -> ()
    %barrier3A = arith.constant 0 : index
    tpu.barrier barrier_id(%barrier3A)
    %scan3A = arith.constant 0 : i32
    %scan3A_3 = arith.constant 21 : i32
    %scan3A_4 = arith.addi %scan3A, %scan3A_3 : i32
    %scan3A_5 = arith.constant 1 : i32
    scf.for %scan3A_8 = %scan3A to %scan3A_4 step %scan3A_5  : i32 {
      %mul3A_9 = arith.constant 1 : i32
      %mul3A_10 = arith.muli %scan3A_8, %mul3A_9 : i32
      %add3A_11 = arith.constant 0 : i32
      %add3A_12 = arith.addi %add3A_11, %mul3A_10 : i32
      %mul3A_13 = arith.constant 6 : i32
      %mul3A_14 = arith.muli %add3A_12, %mul3A_13 : i32
      %add3A_15 = arith.constant 0 : i32
      %add3A_16 = arith.addi %mul3A_14, %add3A_15 : i32
      %get3A = arith.index_cast %add3A_16 : i32 to index
      %get3A_17 = arith.constant 0 : index
      %get3A_18 = tpu.vector_load %arg6[%get3A, %get3A_17] {strides = array<i32>} : memref<126x80xi32, #tpu.memory_space<vmem>>, vector<1x16xi32>,
      %get3A_19 = vector.shape_cast %get3A_18 : vector<1x16xi32> to vector<16xi32>
      %shift_right_logical3A = arith.constant 14 : i32
      %shift_right_logical3A_20 = vector.broadcast %shift_right_logical3A : i32 to vector<16xi32>
      %shift_right_logical3A_21 = arith.shrui %get3A_19, %shift_right_logical3A_20 : vector<16xi32>
      %swap3A = arith.constant 0 : index
      %swap3A_22 = tpu.vector_load %arg7[%swap3A] {strides = array<i32>} : memref<80xi32, #tpu.memory_space<vmem>>, vector<16xi32>,
      %swap3A_23 = vector.shape_cast %swap3A_22 : vector<16xi32> to vector<16xi32>
      %swap3A_24 = vector.shape_cast %shift_right_logical3A_21 : vector<16xi32> to vector<16xi32>
      tpu.vector_store %arg7[%swap3A], %swap3A_24 {strides = array<i32>} : memref<80xi32, #tpu.memory_space<vmem>>, vector<16xi32>,
      %get3A_25 = arith.index_cast %add3A_16 : i32 to index
      %get3A_26 = arith.constant 16 : index
      %get3A_27 = tpu.vector_load %arg6[%get3A_25, %get3A_26] {strides = array<i32>} : memref<126x80xi32, #tpu.memory_space<vmem>>, vector<1x16xi32>,
      %get3A_28 = vector.shape_cast %get3A_27 : vector<1x16xi32> to vector<16xi32>
      %shift_right_logical3A_29 = arith.constant 14 : i32
      %shift_right_logical3A_30 = vector.broadcast %shift_right_logical3A_29 : i32 to vector<16xi32>
      %shift_right_logical3A_31 = arith.shrui %get3A_28, %shift_right_logical3A_30 : vector<16xi32>
      %swap3A_32 = arith.constant 16 : index
      %swap3A_33 = tpu.vector_load %arg7[%swap3A_32] {strides = array<i32>} : memref<80xi32, #tpu.memory_space<vmem>>, vector<16xi32>,
      %swap3A_34 = vector.shape_cast %swap3A_33 : vector<16xi32> to vector<16xi32>
      %swap3A_35 = vector.shape_cast %shift_right_logical3A_31 : vector<16xi32> to vector<16xi32>
      tpu.vector_store %arg7[%swap3A_32], %swap3A_35 {strides = array<i32>} : memref<80xi32, #tpu.memory_space<vmem>>, vector<16xi32>,
      %get3A_36 = arith.index_cast %add3A_16 : i32 to index
      %get3A_37 = arith.constant 32 : index
      %get3A_38 = tpu.vector_load %arg6[%get3A_36, %get3A_37] {strides = array<i32>} : memref<126x80xi32, #tpu.memory_space<vmem>>, vector<1x16xi32>,
      %get3A_39 = vector.shape_cast %get3A_38 : vector<1x16xi32> to vector<16xi32>
      %shift_right_logical3A_40 = arith.constant 14 : i32
      %shift_right_logical3A_41 = vector.broadcast %shift_right_logical3A_40 : i32 to vector<16xi32>
      %shift_right_logical3A_42 = arith.shrui %get3A_39, %shift_right_logical3A_41 : vector<16xi32>
      %swap3A_43 = arith.constant 32 : index
      %swap3A_44 = tpu.vector_load %arg7[%swap3A_43] {strides = array<i32>} : memref<80xi32, #tpu.memory_space<vmem>>, vector<16xi32>,
      %swap3A_45 = vector.shape_cast %swap3A_44 : vector<16xi32> to vector<16xi32>
      %swap3A_46 = vector.shape_cast %shift_right_logical3A_42 : vector<16xi32> to vector<16xi32>
      tpu.vector_store %arg7[%swap3A_43], %swap3A_46 {strides = array<i32>} : memref<80xi32, #tpu.memory_space<vmem>>, vector<16xi32>,
      %get3A_47 = arith.index_cast %add3A_16 : i32 to index
      %get3A_48 = arith.constant 48 : index
      %get3A_49 = tpu.vector_load %arg6[%get3A_47, %get3A_48] {strides = array<i32>} : memref<126x80xi32, #tpu.memory_space<vmem>>, vector<1x16xi32>,
      %get3A_50 = vector.shape_cast %get3A_49 : vector<1x16xi32> to vector<16xi32>
      %shift_right_logical3A_51 = arith.constant 14 : i32
      %shift_right_logical3A_52 = vector.broadcast %shift_right_logical3A_51 : i32 to vector<16xi32>
      %shift_right_logical3A_53 = arith.shrui %get3A_50, %shift_right_logical3A_52 : vector<16xi32>
      %swap3A_54 = arith.constant 48 : index
      %swap3A_55 = tpu.vector_load %arg7[%swap3A_54] {strides = array<i32>} : memref<80xi32, #tpu.memory_space<vmem>>, vector<16xi32>,
      %swap3A_56 = vector.shape_cast %swap3A_55 : vector<16xi32> to vector<16xi32>
      %swap3A_57 = vector.shape_cast %shift_right_logical3A_53 : vector<16xi32> to vector<16xi32>
      tpu.vector_store %arg7[%swap3A_54], %swap3A_57 {strides = array<i32>} : memref<80xi32, #tpu.memory_space<vmem>>, vector<16xi32>,
      %get3A_58 = arith.index_cast %add3A_16 : i32 to index
      %get3A_59 = arith.constant 64 : index
      %get3A_60 = tpu.vector_load %arg6[%get3A_58, %get3A_59] {strides = array<i32>} : memref<126x80xi32, #tpu.memory_space<vmem>>, vector<1x16xi32>,
      %get3A_61 = vector.shape_cast %get3A_60 : vector<1x16xi32> to vector<16xi32>
      %shift_right_logical3A_62 = arith.constant 14 : i32
      %shift_right_logical3A_63 = vector.broadcast %shift_right_logical3A_62 : i32 to vector<16xi32>
      %shift_right_logical3A_64 = arith.shrui %get3A_61, %shift_right_logical3A_63 : vector<16xi32>
      %swap3A_65 = arith.constant 64 : index
      %swap3A_66 = tpu.vector_load %arg7[%swap3A_65] {strides = array<i32>} : memref<80xi32, #tpu.memory_space<vmem>>, vector<16xi32>,
      %swap3A_67 = vector.shape_cast %swap3A_66 : vector<16xi32> to vector<16xi32>
      %swap3A_68 = vector.shape_cast %shift_right_logical3A_64 : vector<16xi32> to vector<16xi32>
      tpu.vector_store %arg7[%swap3A_65], %swap3A_68 {strides = array<i32>} : memref<80xi32, #tpu.memory_space<vmem>>, vector<16xi32>,
      %dma_start3A = arith.constant 0 : i32
      %dma_start3A_69 = arith.constant 0 : i32
      %dma_start3A_70 = tpu.memref_slice %arg14[%dma_start3A, %dma_start3A_69] : memref<10112x128xf32, #tpu.memory_space<vmem_shared>> -> memref<10112x128xf32, #tpu.memory_space<vmem_shared>>
      tpu.enqueue_indirect_dma source(%arg13 : memref<80x128xf32, #tpu.memory_space<vmem>>) target(%dma_start3A_70 : memref<10112x128xf32, #tpu.memory_space<vmem_shared>>) offsets(%arg7 : memref<80xi32, #tpu.memory_space<vmem>>) semaphore(%arg15 : memref<!tpu.dma_semaphore, #tpu.memory_space<semaphore_mem>>) {add = true}
      %mul3A_71 = arith.constant 6 : i32
      %mul3A_72 = arith.muli %add3A_12, %mul3A_71 : i32
      %add3A_73 = arith.constant 1 : i32
      %add3A_74 = arith.addi %mul3A_72, %add3A_73 : i32
      %get3A_75 = arith.index_cast %add3A_74 : i32 to index
      %get3A_76 = arith.constant 0 : index
      %get3A_77 = tpu.vector_load %arg6[%get3A_75, %get3A_76] {strides = array<i32>} : memref<126x80xi32, #tpu.memory_space<vmem>>, vector<1x16xi32>,
      %get3A_78 = vector.shape_cast %get3A_77 : vector<1x16xi32> to vector<16xi32>
      %shift_right_logical3A_79 = arith.constant 14 : i32
      %shift_right_logical3A_80 = vector.broadcast %shift_right_logical3A_79 : i32 to vector<16xi32>
      %shift_right_logical3A_81 = arith.shrui %get3A_78, %shift_right_logical3A_80 : vector<16xi32>
      %swap3A_82 = arith.constant 0 : index
      %swap3A_83 = tpu.vector_load %arg8[%swap3A_82] {strides = array<i32>} : memref<80xi32, #tpu.memory_space<vmem>>, vector<16xi32>,
      %swap3A_84 = vector.shape_cast %swap3A_83 : vector<16xi32> to vector<16xi32>
      %swap3A_85 = vector.shape_cast %shift_right_logical3A_81 : vector<16xi32> to vector<16xi32>
      tpu.vector_store %arg8[%swap3A_82], %swap3A_85 {strides = array<i32>} : memref<80xi32, #tpu.memory_space<vmem>>, vector<16xi32>,
      %get3A_86 = arith.index_cast %add3A_74 : i32 to index
      %get3A_87 = arith.constant 16 : index
      %get3A_88 = tpu.vector_load %arg6[%get3A_86, %get3A_87] {strides = array<i32>} : memref<126x80xi32, #tpu.memory_space<vmem>>, vector<1x16xi32>,
      %get3A_89 = vector.shape_cast %get3A_88 : vector<1x16xi32> to vector<16xi32>
      %shift_right_logical3A_90 = arith.constant 14 : i32
      %shift_right_logical3A_91 = vector.broadcast %shift_right_logical3A_90 : i32 to vector<16xi32>
      %shift_right_logical3A_92 = arith.shrui %get3A_89, %shift_right_logical3A_91 : vector<16xi32>
      %swap3A_93 = arith.constant 16 : index
      %swap3A_94 = tpu.vector_load %arg8[%swap3A_93] {strides = array<i32>} : memref<80xi32, #tpu.memory_space<vmem>>, vector<16xi32>,
      %swap3A_95 = vector.shape_cast %swap3A_94 : vector<16xi32> to vector<16xi32>
      %swap3A_96 = vector.shape_cast %shift_right_logical3A_92 : vector<16xi32> to vector<16xi32>
      tpu.vector_store %arg8[%swap3A_93], %swap3A_96 {strides = array<i32>} : memref<80xi32, #tpu.memory_space<vmem>>, vector<16xi32>,
      %get3A_97 = arith.index_cast %add3A_74 : i32 to index
      %get3A_98 = arith.constant 32 : index
      %get3A_99 = tpu.vector_load %arg6[%get3A_97, %get3A_98] {strides = array<i32>} : memref<126x80xi32, #tpu.memory_space<vmem>>, vector<1x16xi32>,
      %get3A_100 = vector.shape_cast %get3A_99 : vector<1x16xi32> to vector<16xi32>
      %shift_right_logical3A_101 = arith.constant 14 : i32
      %shift_right_logical3A_102 = vector.broadcast %shift_right_logical3A_101 : i32 to vector<16xi32>
      %shift_right_logical3A_103 = arith.shrui %get3A_100, %shift_right_logical3A_102 : vector<16xi32>
      %swap3A_104 = arith.constant 32 : index
      %swap3A_105 = tpu.vector_load %arg8[%swap3A_104] {strides = array<i32>} : memref<80xi32, #tpu.memory_space<vmem>>, vector<16xi32>,
      %swap3A_106 = vector.shape_cast %swap3A_105 : vector<16xi32> to vector<16xi32>
      %swap3A_107 = vector.shape_cast %shift_right_logical3A_103 : vector<16xi32> to vector<16xi32>
      tpu.vector_store %arg8[%swap3A_104], %swap3A_107 {strides = array<i32>} : memref<80xi32, #tpu.memory_space<vmem>>, vector<16xi32>,
      %get3A_108 = arith.index_cast %add3A_74 : i32 to index
      %get3A_109 = arith.constant 48 : index
      %get3A_110 = tpu.vector_load %arg6[%get3A_108, %get3A_109] {strides = array<i32>} : memref<126x80xi32, #tpu.memory_space<vmem>>, vector<1x16xi32>,
      %get3A_111 = vector.shape_cast %get3A_110 : vector<1x16xi32> to vector<16xi32>
      %shift_right_logical3A_112 = arith.constant 14 : i32
      %shift_right_logical3A_113 = vector.broadcast %shift_right_logical3A_112 : i32 to vector<16xi32>
      %shift_right_logical3A_114 = arith.shrui %get3A_111, %shift_right_logical3A_113 : vector<16xi32>
      %swap3A_115 = arith.constant 48 : index
      %swap3A_116 = tpu.vector_load %arg8[%swap3A_115] {strides = array<i32>} : memref<80xi32, #tpu.memory_space<vmem>>, vector<16xi32>,
      %swap3A_117 = vector.shape_cast %swap3A_116 : vector<16xi32> to vector<16xi32>
      %swap3A_118 = vector.shape_cast %shift_right_logical3A_114 : vector<16xi32> to vector<16xi32>
      tpu.vector_store %arg8[%swap3A_115], %swap3A_118 {strides = array<i32>} : memref<80xi32, #tpu.memory_space<vmem>>, vector<16xi32>,
      %get3A_119 = arith.index_cast %add3A_74 : i32 to index
      %get3A_120 = arith.constant 64 : index
      %get3A_121 = tpu.vector_load %arg6[%get3A_119, %get3A_120] {strides = array<i32>} : memref<126x80xi32, #tpu.memory_space<vmem>>, vector<1x16xi32>,
      %get3A_122 = vector.shape_cast %get3A_121 : vector<1x16xi32> to vector<16xi32>
      %shift_right_logical3A_123 = arith.constant 14 : i32
      %shift_right_logical3A_124 = vector.broadcast %shift_right_logical3A_123 : i32 to vector<16xi32>
      %shift_right_logical3A_125 = arith.shrui %get3A_122, %shift_right_logical3A_124 : vector<16xi32>
      %swap3A_126 = arith.constant 64 : index
      %swap3A_127 = tpu.vector_load %arg8[%swap3A_126] {strides = array<i32>} : memref<80xi32, #tpu.memory_space<vmem>>, vector<16xi32>,
      %swap3A_128 = vector.shape_cast %swap3A_127 : vector<16xi32> to vector<16xi32>
      %swap3A_129 = vector.shape_cast %shift_right_logical3A_125 : vector<16xi32> to vector<16xi32>
      tpu.vector_store %arg8[%swap3A_126], %swap3A_129 {strides = array<i32>} : memref<80xi32, #tpu.memory_space<vmem>>, vector<16xi32>,
      %dma_start3A_130 = arith.constant 0 : i32
      %dma_start3A_131 = arith.constant 0 : i32
      %dma_start3A_132 = tpu.memref_slice %arg14[%dma_start3A_130, %dma_start3A_131] : memref<10112x128xf32, #tpu.memory_space<vmem_shared>> -> memref<10112x128xf32, #tpu.memory_space<vmem_shared>>
      tpu.enqueue_indirect_dma source(%arg13 : memref<80x128xf32, #tpu.memory_space<vmem>>) target(%dma_start3A_132 : memref<10112x128xf32, #tpu.memory_space<vmem_shared>>) offsets(%arg8 : memref<80xi32, #tpu.memory_space<vmem>>) semaphore(%arg15 : memref<!tpu.dma_semaphore, #tpu.memory_space<semaphore_mem>>) {add = true}
      %mul3A_133 = arith.constant 6 : i32
      %mul3A_134 = arith.muli %add3A_12, %mul3A_133 : i32
      %add3A_135 = arith.constant 2 : i32
      %add3A_136 = arith.addi %mul3A_134, %add3A_135 : i32
      %get3A_137 = arith.index_cast %add3A_136 : i32 to index
      %get3A_138 = arith.constant 0 : index
      %get3A_139 = tpu.vector_load %arg6[%get3A_137, %get3A_138] {strides = array<i32>} : memref<126x80xi32, #tpu.memory_space<vmem>>, vector<1x16xi32>,
      %get3A_140 = vector.shape_cast %get3A_139 : vector<1x16xi32> to vector<16xi32>
      %shift_right_logical3A_141 = arith.constant 14 : i32
      %shift_right_logical3A_142 = vector.broadcast %shift_right_logical3A_141 : i32 to vector<16xi32>
      %shift_right_logical3A_143 = arith.shrui %get3A_140, %shift_right_logical3A_142 : vector<16xi32>
      %swap3A_144 = arith.constant 0 : index
      %swap3A_145 = tpu.vector_load %arg9[%swap3A_144] {strides = array<i32>} : memref<80xi32, #tpu.memory_space<vmem>>, vector<16xi32>,
      %swap3A_146 = vector.shape_cast %swap3A_145 : vector<16xi32> to vector<16xi32>
      %swap3A_147 = vector.shape_cast %shift_right_logical3A_143 : vector<16xi32> to vector<16xi32>
      tpu.vector_store %arg9[%swap3A_144], %swap3A_147 {strides = array<i32>} : memref<80xi32, #tpu.memory_space<vmem>>, vector<16xi32>,
      %get3A_148 = arith.index_cast %add3A_136 : i32 to index
      %get3A_149 = arith.constant 16 : index
      %get3A_150 = tpu.vector_load %arg6[%get3A_148, %get3A_149] {strides = array<i32>} : memref<126x80xi32, #tpu.memory_space<vmem>>, vector<1x16xi32>,
      %get3A_151 = vector.shape_cast %get3A_150 : vector<1x16xi32> to vector<16xi32>
      %shift_right_logical3A_152 = arith.constant 14 : i32
      %shift_right_logical3A_153 = vector.broadcast %shift_right_logical3A_152 : i32 to vector<16xi32>
      %shift_right_logical3A_154 = arith.shrui %get3A_151, %shift_right_logical3A_153 : vector<16xi32>
      %swap3A_155 = arith.constant 16 : index
      %swap3A_156 = tpu.vector_load %arg9[%swap3A_155] {strides = array<i32>} : memref<80xi32, #tpu.memory_space<vmem>>, vector<16xi32>,
      %swap3A_157 = vector.shape_cast %swap3A_156 : vector<16xi32> to vector<16xi32>
      %swap3A_158 = vector.shape_cast %shift_right_logical3A_154 : vector<16xi32> to vector<16xi32>
      tpu.vector_store %arg9[%swap3A_155], %swap3A_158 {strides = array<i32>} : memref<80xi32, #tpu.memory_space<vmem>>, vector<16xi32>,
      %get3A_159 = arith.index_cast %add3A_136 : i32 to index
      %get3A_160 = arith.constant 32 : index
      %get3A_161 = tpu.vector_load %arg6[%get3A_159, %get3A_160] {strides = array<i32>} : memref<126x80xi32, #tpu.memory_space<vmem>>, vector<1x16xi32>,
      %get3A_162 = vector.shape_cast %get3A_161 : vector<1x16xi32> to vector<16xi32>
      %shift_right_logical3A_163 = arith.constant 14 : i32
      %shift_right_logical3A_164 = vector.broadcast %shift_right_logical3A_163 : i32 to vector<16xi32>
      %shift_right_logical3A_165 = arith.shrui %get3A_162, %shift_right_logical3A_164 : vector<16xi32>
      %swap3A_166 = arith.constant 32 : index
      %swap3A_167 = tpu.vector_load %arg9[%swap3A_166] {strides = array<i32>} : memref<80xi32, #tpu.memory_space<vmem>>, vector<16xi32>,
      %swap3A_168 = vector.shape_cast %swap3A_167 : vector<16xi32> to vector<16xi32>
      %swap3A_169 = vector.shape_cast %shift_right_logical3A_165 : vector<16xi32> to vector<16xi32>
      tpu.vector_store %arg9[%swap3A_166], %swap3A_169 {strides = array<i32>} : memref<80xi32, #tpu.memory_space<vmem>>, vector<16xi32>,
      %get3A_170 = arith.index_cast %add3A_136 : i32 to index
      %get3A_171 = arith.constant 48 : index
      %get3A_172 = tpu.vector_load %arg6[%get3A_170, %get3A_171] {strides = array<i32>} : memref<126x80xi32, #tpu.memory_space<vmem>>, vector<1x16xi32>,
      %get3A_173 = vector.shape_cast %get3A_172 : vector<1x16xi32> to vector<16xi32>
      %shift_right_logical3A_174 = arith.constant 14 : i32
      %shift_right_logical3A_175 = vector.broadcast %shift_right_logical3A_174 : i32 to vector<16xi32>
      %shift_right_logical3A_176 = arith.shrui %get3A_173, %shift_right_logical3A_175 : vector<16xi32>
      %swap3A_177 = arith.constant 48 : index
      %swap3A_178 = tpu.vector_load %arg9[%swap3A_177] {strides = array<i32>} : memref<80xi32, #tpu.memory_space<vmem>>, vector<16xi32>,
      %swap3A_179 = vector.shape_cast %swap3A_178 : vector<16xi32> to vector<16xi32>
      %swap3A_180 = vector.shape_cast %shift_right_logical3A_176 : vector<16xi32> to vector<16xi32>
      tpu.vector_store %arg9[%swap3A_177], %swap3A_180 {strides = array<i32>} : memref<80xi32, #tpu.memory_space<vmem>>, vector<16xi32>,
      %get3A_181 = arith.index_cast %add3A_136 : i32 to index
      %get3A_182 = arith.constant 64 : index
      %get3A_183 = tpu.vector_load %arg6[%get3A_181, %get3A_182] {strides = array<i32>} : memref<126x80xi32, #tpu.memory_space<vmem>>, vector<1x16xi32>,
      %get3A_184 = vector.shape_cast %get3A_183 : vector<1x16xi32> to vector<16xi32>
      %shift_right_logical3A_185 = arith.constant 14 : i32
      %shift_right_logical3A_186 = vector.broadcast %shift_right_logical3A_185 : i32 to vector<16xi32>
      %shift_right_logical3A_187 = arith.shrui %get3A_184, %shift_right_logical3A_186 : vector<16xi32>
      %swap3A_188 = arith.constant 64 : index
      %swap3A_189 = tpu.vector_load %arg9[%swap3A_188] {strides = array<i32>} : memref<80xi32, #tpu.memory_space<vmem>>, vector<16xi32>,
      %swap3A_190 = vector.shape_cast %swap3A_189 : vector<16xi32> to vector<16xi32>
      %swap3A_191 = vector.shape_cast %shift_right_logical3A_187 : vector<16xi32> to vector<16xi32>
      tpu.vector_store %arg9[%swap3A_188], %swap3A_191 {strides = array<i32>} : memref<80xi32, #tpu.memory_space<vmem>>, vector<16xi32>,
      %dma_start3A_192 = arith.constant 0 : i32
      %dma_start3A_193 = arith.constant 0 : i32
      %dma_start3A_194 = tpu.memref_slice %arg14[%dma_start3A_192, %dma_start3A_193] : memref<10112x128xf32, #tpu.memory_space<vmem_shared>> -> memref<10112x128xf32, #tpu.memory_space<vmem_shared>>
      tpu.enqueue_indirect_dma source(%arg13 : memref<80x128xf32, #tpu.memory_space<vmem>>) target(%dma_start3A_194 : memref<10112x128xf32, #tpu.memory_space<vmem_shared>>) offsets(%arg9 : memref<80xi32, #tpu.memory_space<vmem>>) semaphore(%arg15 : memref<!tpu.dma_semaphore, #tpu.memory_space<semaphore_mem>>) {add = true}
      %mul3A_195 = arith.constant 6 : i32
      %mul3A_196 = arith.muli %add3A_12, %mul3A_195 : i32
      %add3A_197 = arith.constant 3 : i32
      %add3A_198 = arith.addi %mul3A_196, %add3A_197 : i32
      %get3A_199 = arith.index_cast %add3A_198 : i32 to index
      %get3A_200 = arith.constant 0 : index
      %get3A_201 = tpu.vector_load %arg6[%get3A_199, %get3A_200] {strides = array<i32>} : memref<126x80xi32, #tpu.memory_space<vmem>>, vector<1x16xi32>,
      %get3A_202 = vector.shape_cast %get3A_201 : vector<1x16xi32> to vector<16xi32>
      %shift_right_logical3A_203 = arith.constant 14 : i32
      %shift_right_logical3A_204 = vector.broadcast %shift_right_logical3A_203 : i32 to vector<16xi32>
      %shift_right_logical3A_205 = arith.shrui %get3A_202, %shift_right_logical3A_204 : vector<16xi32>
      %swap3A_206 = arith.constant 0 : index
      %swap3A_207 = tpu.vector_load %arg10[%swap3A_206] {strides = array<i32>} : memref<80xi32, #tpu.memory_space<vmem>>, vector<16xi32>,
      %swap3A_208 = vector.shape_cast %swap3A_207 : vector<16xi32> to vector<16xi32>
      %swap3A_209 = vector.shape_cast %shift_right_logical3A_205 : vector<16xi32> to vector<16xi32>
      tpu.vector_store %arg10[%swap3A_206], %swap3A_209 {strides = array<i32>} : memref<80xi32, #tpu.memory_space<vmem>>, vector<16xi32>,
      %get3A_210 = arith.index_cast %add3A_198 : i32 to index
      %get3A_211 = arith.constant 16 : index
      %get3A_212 = tpu.vector_load %arg6[%get3A_210, %get3A_211] {strides = array<i32>} : memref<126x80xi32, #tpu.memory_space<vmem>>, vector<1x16xi32>,
      %get3A_213 = vector.shape_cast %get3A_212 : vector<1x16xi32> to vector<16xi32>
      %shift_right_logical3A_214 = arith.constant 14 : i32
      %shift_right_logical3A_215 = vector.broadcast %shift_right_logical3A_214 : i32 to vector<16xi32>
      %shift_right_logical3A_216 = arith.shrui %get3A_213, %shift_right_logical3A_215 : vector<16xi32>
      %swap3A_217 = arith.constant 16 : index
      %swap3A_218 = tpu.vector_load %arg10[%swap3A_217] {strides = array<i32>} : memref<80xi32, #tpu.memory_space<vmem>>, vector<16xi32>,
      %swap3A_219 = vector.shape_cast %swap3A_218 : vector<16xi32> to vector<16xi32>
      %swap3A_220 = vector.shape_cast %shift_right_logical3A_216 : vector<16xi32> to vector<16xi32>
      tpu.vector_store %arg10[%swap3A_217], %swap3A_220 {strides = array<i32>} : memref<80xi32, #tpu.memory_space<vmem>>, vector<16xi32>,
      %get3A_221 = arith.index_cast %add3A_198 : i32 to index
      %get3A_222 = arith.constant 32 : index
      %get3A_223 = tpu.vector_load %arg6[%get3A_221, %get3A_222] {strides = array<i32>} : memref<126x80xi32, #tpu.memory_space<vmem>>, vector<1x16xi32>,
      %get3A_224 = vector.shape_cast %get3A_223 : vector<1x16xi32> to vector<16xi32>
      %shift_right_logical3A_225 = arith.constant 14 : i32
      %shift_right_logical3A_226 = vector.broadcast %shift_right_logical3A_225 : i32 to vector<16xi32>
      %shift_right_logical3A_227 = arith.shrui %get3A_224, %shift_right_logical3A_226 : vector<16xi32>
      %swap3A_228 = arith.constant 32 : index
      %swap3A_229 = tpu.vector_load %arg10[%swap3A_228] {strides = array<i32>} : memref<80xi32, #tpu.memory_space<vmem>>, vector<16xi32>,
      %swap3A_230 = vector.shape_cast %swap3A_229 : vector<16xi32> to vector<16xi32>
      %swap3A_231 = vector.shape_cast %shift_right_logical3A_227 : vector<16xi32> to vector<16xi32>
      tpu.vector_store %arg10[%swap3A_228], %swap3A_231 {strides = array<i32>} : memref<80xi32, #tpu.memory_space<vmem>>, vector<16xi32>,
      %get3A_232 = arith.index_cast %add3A_198 : i32 to index
      %get3A_233 = arith.constant 48 : index
      %get3A_234 = tpu.vector_load %arg6[%get3A_232, %get3A_233] {strides = array<i32>} : memref<126x80xi32, #tpu.memory_space<vmem>>, vector<1x16xi32>,
      %get3A_235 = vector.shape_cast %get3A_234 : vector<1x16xi32> to vector<16xi32>
      %shift_right_logical3A_236 = arith.constant 14 : i32
      %shift_right_logical3A_237 = vector.broadcast %shift_right_logical3A_236 : i32 to vector<16xi32>
      %shift_right_logical3A_238 = arith.shrui %get3A_235, %shift_right_logical3A_237 : vector<16xi32>
      %swap3A_239 = arith.constant 48 : index
      %swap3A_240 = tpu.vector_load %arg10[%swap3A_239] {strides = array<i32>} : memref<80xi32, #tpu.memory_space<vmem>>, vector<16xi32>,
      %swap3A_241 = vector.shape_cast %swap3A_240 : vector<16xi32> to vector<16xi32>
      %swap3A_242 = vector.shape_cast %shift_right_logical3A_238 : vector<16xi32> to vector<16xi32>
      tpu.vector_store %arg10[%swap3A_239], %swap3A_242 {strides = array<i32>} : memref<80xi32, #tpu.memory_space<vmem>>, vector<16xi32>,
      %get3A_243 = arith.index_cast %add3A_198 : i32 to index
      %get3A_244 = arith.constant 64 : index
      %get3A_245 = tpu.vector_load %arg6[%get3A_243, %get3A_244] {strides = array<i32>} : memref<126x80xi32, #tpu.memory_space<vmem>>, vector<1x16xi32>,
      %get3A_246 = vector.shape_cast %get3A_245 : vector<1x16xi32> to vector<16xi32>
      %shift_right_logical3A_247 = arith.constant 14 : i32
      %shift_right_logical3A_248 = vector.broadcast %shift_right_logical3A_247 : i32 to vector<16xi32>
      %shift_right_logical3A_249 = arith.shrui %get3A_246, %shift_right_logical3A_248 : vector<16xi32>
      %swap3A_250 = arith.constant 64 : index
      %swap3A_251 = tpu.vector_load %arg10[%swap3A_250] {strides = array<i32>} : memref<80xi32, #tpu.memory_space<vmem>>, vector<16xi32>,
      %swap3A_252 = vector.shape_cast %swap3A_251 : vector<16xi32> to vector<16xi32>
      %swap3A_253 = vector.shape_cast %shift_right_logical3A_249 : vector<16xi32> to vector<16xi32>
      tpu.vector_store %arg10[%swap3A_250], %swap3A_253 {strides = array<i32>} : memref<80xi32, #tpu.memory_space<vmem>>, vector<16xi32>,
      %dma_start3A_254 = arith.constant 0 : i32
      %dma_start3A_255 = arith.constant 0 : i32
      %dma_start3A_256 = tpu.memref_slice %arg14[%dma_start3A_254, %dma_start3A_255] : memref<10112x128xf32, #tpu.memory_space<vmem_shared>> -> memref<10112x128xf32, #tpu.memory_space<vmem_shared>>
      tpu.enqueue_indirect_dma source(%arg13 : memref<80x128xf32, #tpu.memory_space<vmem>>) target(%dma_start3A_256 : memref<10112x128xf32, #tpu.memory_space<vmem_shared>>) offsets(%arg10 : memref<80xi32, #tpu.memory_space<vmem>>) semaphore(%arg15 : memref<!tpu.dma_semaphore, #tpu.memory_space<semaphore_mem>>) {add = true}
      %mul3A_257 = arith.constant 6 : i32
      %mul3A_258 = arith.muli %add3A_12, %mul3A_257 : i32
      %add3A_259 = arith.constant 4 : i32
      %add3A_260 = arith.addi %mul3A_258, %add3A_259 : i32
      %get3A_261 = arith.index_cast %add3A_260 : i32 to index
      %get3A_262 = arith.constant 0 : index
      %get3A_263 = tpu.vector_load %arg6[%get3A_261, %get3A_262] {strides = array<i32>} : memref<126x80xi32, #tpu.memory_space<vmem>>, vector<1x16xi32>,
      %get3A_264 = vector.shape_cast %get3A_263 : vector<1x16xi32> to vector<16xi32>
      %shift_right_logical3A_265 = arith.constant 14 : i32
      %shift_right_logical3A_266 = vector.broadcast %shift_right_logical3A_265 : i32 to vector<16xi32>
      %shift_right_logical3A_267 = arith.shrui %get3A_264, %shift_right_logical3A_266 : vector<16xi32>
      %swap3A_268 = arith.constant 0 : index
      %swap3A_269 = tpu.vector_load %arg11[%swap3A_268] {strides = array<i32>} : memref<80xi32, #tpu.memory_space<vmem>>, vector<16xi32>,
      %swap3A_270 = vector.shape_cast %swap3A_269 : vector<16xi32> to vector<16xi32>
      %swap3A_271 = vector.shape_cast %shift_right_logical3A_267 : vector<16xi32> to vector<16xi32>
      tpu.vector_store %arg11[%swap3A_268], %swap3A_271 {strides = array<i32>} : memref<80xi32, #tpu.memory_space<vmem>>, vector<16xi32>,
      %get3A_272 = arith.index_cast %add3A_260 : i32 to index
      %get3A_273 = arith.constant 16 : index
      %get3A_274 = tpu.vector_load %arg6[%get3A_272, %get3A_273] {strides = array<i32>} : memref<126x80xi32, #tpu.memory_space<vmem>>, vector<1x16xi32>,
      %get3A_275 = vector.shape_cast %get3A_274 : vector<1x16xi32> to vector<16xi32>
      %shift_right_logical3A_276 = arith.constant 14 : i32
      %shift_right_logical3A_277 = vector.broadcast %shift_right_logical3A_276 : i32 to vector<16xi32>
      %shift_right_logical3A_278 = arith.shrui %get3A_275, %shift_right_logical3A_277 : vector<16xi32>
      %swap3A_279 = arith.constant 16 : index
      %swap3A_280 = tpu.vector_load %arg11[%swap3A_279] {strides = array<i32>} : memref<80xi32, #tpu.memory_space<vmem>>, vector<16xi32>,
      %swap3A_281 = vector.shape_cast %swap3A_280 : vector<16xi32> to vector<16xi32>
      %swap3A_282 = vector.shape_cast %shift_right_logical3A_278 : vector<16xi32> to vector<16xi32>
      tpu.vector_store %arg11[%swap3A_279], %swap3A_282 {strides = array<i32>} : memref<80xi32, #tpu.memory_space<vmem>>, vector<16xi32>,
      %get3A_283 = arith.index_cast %add3A_260 : i32 to index
      %get3A_284 = arith.constant 32 : index
      %get3A_285 = tpu.vector_load %arg6[%get3A_283, %get3A_284] {strides = array<i32>} : memref<126x80xi32, #tpu.memory_space<vmem>>, vector<1x16xi32>,
      %get3A_286 = vector.shape_cast %get3A_285 : vector<1x16xi32> to vector<16xi32>
      %shift_right_logical3A_287 = arith.constant 14 : i32
      %shift_right_logical3A_288 = vector.broadcast %shift_right_logical3A_287 : i32 to vector<16xi32>
      %shift_right_logical3A_289 = arith.shrui %get3A_286, %shift_right_logical3A_288 : vector<16xi32>
      %swap3A_290 = arith.constant 32 : index
      %swap3A_291 = tpu.vector_load %arg11[%swap3A_290] {strides = array<i32>} : memref<80xi32, #tpu.memory_space<vmem>>, vector<16xi32>,
      %swap3A_292 = vector.shape_cast %swap3A_291 : vector<16xi32> to vector<16xi32>
      %swap3A_293 = vector.shape_cast %shift_right_logical3A_289 : vector<16xi32> to vector<16xi32>
      tpu.vector_store %arg11[%swap3A_290], %swap3A_293 {strides = array<i32>} : memref<80xi32, #tpu.memory_space<vmem>>, vector<16xi32>,
      %get3A_294 = arith.index_cast %add3A_260 : i32 to index
      %get3A_295 = arith.constant 48 : index
      %get3A_296 = tpu.vector_load %arg6[%get3A_294, %get3A_295] {strides = array<i32>} : memref<126x80xi32, #tpu.memory_space<vmem>>, vector<1x16xi32>,
      %get3A_297 = vector.shape_cast %get3A_296 : vector<1x16xi32> to vector<16xi32>
      %shift_right_logical3A_298 = arith.constant 14 : i32
      %shift_right_logical3A_299 = vector.broadcast %shift_right_logical3A_298 : i32 to vector<16xi32>
      %shift_right_logical3A_300 = arith.shrui %get3A_297, %shift_right_logical3A_299 : vector<16xi32>
      %swap3A_301 = arith.constant 48 : index
      %swap3A_302 = tpu.vector_load %arg11[%swap3A_301] {strides = array<i32>} : memref<80xi32, #tpu.memory_space<vmem>>, vector<16xi32>,
      %swap3A_303 = vector.shape_cast %swap3A_302 : vector<16xi32> to vector<16xi32>
      %swap3A_304 = vector.shape_cast %shift_right_logical3A_300 : vector<16xi32> to vector<16xi32>
      tpu.vector_store %arg11[%swap3A_301], %swap3A_304 {strides = array<i32>} : memref<80xi32, #tpu.memory_space<vmem>>, vector<16xi32>,
      %get3A_305 = arith.index_cast %add3A_260 : i32 to index
      %get3A_306 = arith.constant 64 : index
      %get3A_307 = tpu.vector_load %arg6[%get3A_305, %get3A_306] {strides = array<i32>} : memref<126x80xi32, #tpu.memory_space<vmem>>, vector<1x16xi32>,
      %get3A_308 = vector.shape_cast %get3A_307 : vector<1x16xi32> to vector<16xi32>
      %shift_right_logical3A_309 = arith.constant 14 : i32
      %shift_right_logical3A_310 = vector.broadcast %shift_right_logical3A_309 : i32 to vector<16xi32>
      %shift_right_logical3A_311 = arith.shrui %get3A_308, %shift_right_logical3A_310 : vector<16xi32>
      %swap3A_312 = arith.constant 64 : index
      %swap3A_313 = tpu.vector_load %arg11[%swap3A_312] {strides = array<i32>} : memref<80xi32, #tpu.memory_space<vmem>>, vector<16xi32>,
      %swap3A_314 = vector.shape_cast %swap3A_313 : vector<16xi32> to vector<16xi32>
      %swap3A_315 = vector.shape_cast %shift_right_logical3A_311 : vector<16xi32> to vector<16xi32>
      tpu.vector_store %arg11[%swap3A_312], %swap3A_315 {strides = array<i32>} : memref<80xi32, #tpu.memory_space<vmem>>, vector<16xi32>,
      %dma_start3A_316 = arith.constant 0 : i32
      %dma_start3A_317 = arith.constant 0 : i32
      %dma_start3A_318 = tpu.memref_slice %arg14[%dma_start3A_316, %dma_start3A_317] : memref<10112x128xf32, #tpu.memory_space<vmem_shared>> -> memref<10112x128xf32, #tpu.memory_space<vmem_shared>>
      tpu.enqueue_indirect_dma source(%arg13 : memref<80x128xf32, #tpu.memory_space<vmem>>) target(%dma_start3A_318 : memref<10112x128xf32, #tpu.memory_space<vmem_shared>>) offsets(%arg11 : memref<80xi32, #tpu.memory_space<vmem>>) semaphore(%arg15 : memref<!tpu.dma_semaphore, #tpu.memory_space<semaphore_mem>>) {add = true}
      %mul3A_319 = arith.constant 6 : i32
      %mul3A_320 = arith.muli %add3A_12, %mul3A_319 : i32
      %add3A_321 = arith.constant 5 : i32
      %add3A_322 = arith.addi %mul3A_320, %add3A_321 : i32
      %get3A_323 = arith.index_cast %add3A_322 : i32 to index
      %get3A_324 = arith.constant 0 : index
      %get3A_325 = tpu.vector_load %arg6[%get3A_323, %get3A_324] {strides = array<i32>} : memref<126x80xi32, #tpu.memory_space<vmem>>, vector<1x16xi32>,
      %get3A_326 = vector.shape_cast %get3A_325 : vector<1x16xi32> to vector<16xi32>
      %shift_right_logical3A_327 = arith.constant 14 : i32
      %shift_right_logical3A_328 = vector.broadcast %shift_right_logical3A_327 : i32 to vector<16xi32>
      %shift_right_logical3A_329 = arith.shrui %get3A_326, %shift_right_logical3A_328 : vector<16xi32>
      %swap3A_330 = arith.constant 0 : index
      %swap3A_331 = tpu.vector_load %arg12[%swap3A_330] {strides = array<i32>} : memref<80xi32, #tpu.memory_space<vmem>>, vector<16xi32>,
      %swap3A_332 = vector.shape_cast %swap3A_331 : vector<16xi32> to vector<16xi32>
      %swap3A_333 = vector.shape_cast %shift_right_logical3A_329 : vector<16xi32> to vector<16xi32>
      tpu.vector_store %arg12[%swap3A_330], %swap3A_333 {strides = array<i32>} : memref<80xi32, #tpu.memory_space<vmem>>, vector<16xi32>,
      %get3A_334 = arith.index_cast %add3A_322 : i32 to index
      %get3A_335 = arith.constant 16 : index
      %get3A_336 = tpu.vector_load %arg6[%get3A_334, %get3A_335] {strides = array<i32>} : memref<126x80xi32, #tpu.memory_space<vmem>>, vector<1x16xi32>,
      %get3A_337 = vector.shape_cast %get3A_336 : vector<1x16xi32> to vector<16xi32>
      %shift_right_logical3A_338 = arith.constant 14 : i32
      %shift_right_logical3A_339 = vector.broadcast %shift_right_logical3A_338 : i32 to vector<16xi32>
      %shift_right_logical3A_340 = arith.shrui %get3A_337, %shift_right_logical3A_339 : vector<16xi32>
      %swap3A_341 = arith.constant 16 : index
      %swap3A_342 = tpu.vector_load %arg12[%swap3A_341] {strides = array<i32>} : memref<80xi32, #tpu.memory_space<vmem>>, vector<16xi32>,
      %swap3A_343 = vector.shape_cast %swap3A_342 : vector<16xi32> to vector<16xi32>
      %swap3A_344 = vector.shape_cast %shift_right_logical3A_340 : vector<16xi32> to vector<16xi32>
      tpu.vector_store %arg12[%swap3A_341], %swap3A_344 {strides = array<i32>} : memref<80xi32, #tpu.memory_space<vmem>>, vector<16xi32>,
      %get3A_345 = arith.index_cast %add3A_322 : i32 to index
      %get3A_346 = arith.constant 32 : index
      %get3A_347 = tpu.vector_load %arg6[%get3A_345, %get3A_346] {strides = array<i32>} : memref<126x80xi32, #tpu.memory_space<vmem>>, vector<1x16xi32>,
      %get3A_348 = vector.shape_cast %get3A_347 : vector<1x16xi32> to vector<16xi32>
      %shift_right_logical3A_349 = arith.constant 14 : i32
      %shift_right_logical3A_350 = vector.broadcast %shift_right_logical3A_349 : i32 to vector<16xi32>
      %shift_right_logical3A_351 = arith.shrui %get3A_348, %shift_right_logical3A_350 : vector<16xi32>
      %swap3A_352 = arith.constant 32 : index
      %swap3A_353 = tpu.vector_load %arg12[%swap3A_352] {strides = array<i32>} : memref<80xi32, #tpu.memory_space<vmem>>, vector<16xi32>,
      %swap3A_354 = vector.shape_cast %swap3A_353 : vector<16xi32> to vector<16xi32>
      %swap3A_355 = vector.shape_cast %shift_right_logical3A_351 : vector<16xi32> to vector<16xi32>
      tpu.vector_store %arg12[%swap3A_352], %swap3A_355 {strides = array<i32>} : memref<80xi32, #tpu.memory_space<vmem>>, vector<16xi32>,
      %get3A_356 = arith.index_cast %add3A_322 : i32 to index
      %get3A_357 = arith.constant 48 : index
      %get3A_358 = tpu.vector_load %arg6[%get3A_356, %get3A_357] {strides = array<i32>} : memref<126x80xi32, #tpu.memory_space<vmem>>, vector<1x16xi32>,
      %get3A_359 = vector.shape_cast %get3A_358 : vector<1x16xi32> to vector<16xi32>
      %shift_right_logical3A_360 = arith.constant 14 : i32
      %shift_right_logical3A_361 = vector.broadcast %shift_right_logical3A_360 : i32 to vector<16xi32>
      %shift_right_logical3A_362 = arith.shrui %get3A_359, %shift_right_logical3A_361 : vector<16xi32>
      %swap3A_363 = arith.constant 48 : index
      %swap3A_364 = tpu.vector_load %arg12[%swap3A_363] {strides = array<i32>} : memref<80xi32, #tpu.memory_space<vmem>>, vector<16xi32>,
      %swap3A_365 = vector.shape_cast %swap3A_364 : vector<16xi32> to vector<16xi32>
      %swap3A_366 = vector.shape_cast %shift_right_logical3A_362 : vector<16xi32> to vector<16xi32>
      tpu.vector_store %arg12[%swap3A_363], %swap3A_366 {strides = array<i32>} : memref<80xi32, #tpu.memory_space<vmem>>, vector<16xi32>,
      %get3A_367 = arith.index_cast %add3A_322 : i32 to index
      %get3A_368 = arith.constant 64 : index
      %get3A_369 = tpu.vector_load %arg6[%get3A_367, %get3A_368] {strides = array<i32>} : memref<126x80xi32, #tpu.memory_space<vmem>>, vector<1x16xi32>,
      %get3A_370 = vector.shape_cast %get3A_369 : vector<1x16xi32> to vector<16xi32>
      %shift_right_logical3A_371 = arith.constant 14 : i32
      %shift_right_logical3A_372 = vector.broadcast %shift_right_logical3A_371 : i32 to vector<16xi32>
      %shift_right_logical3A_373 = arith.shrui %get3A_370, %shift_right_logical3A_372 : vector<16xi32>
      %swap3A_374 = arith.constant 64 : index
      %swap3A_375 = tpu.vector_load %arg12[%swap3A_374] {strides = array<i32>} : memref<80xi32, #tpu.memory_space<vmem>>, vector<16xi32>,
      %swap3A_376 = vector.shape_cast %swap3A_375 : vector<16xi32> to vector<16xi32>
      %swap3A_377 = vector.shape_cast %shift_right_logical3A_373 : vector<16xi32> to vector<16xi32>
      tpu.vector_store %arg12[%swap3A_374], %swap3A_377 {strides = array<i32>} : memref<80xi32, #tpu.memory_space<vmem>>, vector<16xi32>,
      %dma_start3A_378 = arith.constant 0 : i32
      %dma_start3A_379 = arith.constant 0 : i32
      %dma_start3A_380 = tpu.memref_slice %arg14[%dma_start3A_378, %dma_start3A_379] : memref<10112x128xf32, #tpu.memory_space<vmem_shared>> -> memref<10112x128xf32, #tpu.memory_space<vmem_shared>>
      tpu.enqueue_indirect_dma source(%arg13 : memref<80x128xf32, #tpu.memory_space<vmem>>) target(%dma_start3A_380 : memref<10112x128xf32, #tpu.memory_space<vmem_shared>>) offsets(%arg12 : memref<80xi32, #tpu.memory_space<vmem>>) semaphore(%arg15 : memref<!tpu.dma_semaphore, #tpu.memory_space<semaphore_mem>>) {add = true}
      tpu.wait_dma2 semaphore(%arg15 : memref<!tpu.dma_semaphore, #tpu.memory_space<semaphore_mem>>) src(%arg4 : memref<80x128xf32, #tpu.memory_space<hbm>>) dst(%arg13 : memref<80x128xf32, #tpu.memory_space<vmem>>)
      tpu.wait_dma2 semaphore(%arg15 : memref<!tpu.dma_semaphore, #tpu.memory_space<semaphore_mem>>) src(%arg4 : memref<80x128xf32, #tpu.memory_space<hbm>>) dst(%arg13 : memref<80x128xf32, #tpu.memory_space<vmem>>)
      tpu.wait_dma2 semaphore(%arg15 : memref<!tpu.dma_semaphore, #tpu.memory_space<semaphore_mem>>) src(%arg4 : memref<80x128xf32, #tpu.memory_space<hbm>>) dst(%arg13 : memref<80x128xf32, #tpu.memory_space<vmem>>)
      tpu.wait_dma2 semaphore(%arg15 : memref<!tpu.dma_semaphore, #tpu.memory_space<semaphore_mem>>) src(%arg4 : memref<80x128xf32, #tpu.memory_space<hbm>>) dst(%arg13 : memref<80x128xf32, #tpu.memory_space<vmem>>)
      tpu.wait_dma2 semaphore(%arg15 : memref<!tpu.dma_semaphore, #tpu.memory_space<semaphore_mem>>) src(%arg4 : memref<80x128xf32, #tpu.memory_space<hbm>>) dst(%arg13 : memref<80x128xf32, #tpu.memory_space<vmem>>)
      tpu.wait_dma2 semaphore(%arg15 : memref<!tpu.dma_semaphore, #tpu.memory_space<semaphore_mem>>) src(%arg4 : memref<80x128xf32, #tpu.memory_space<hbm>>) dst(%arg13 : memref<80x128xf32, #tpu.memory_space<vmem>>)
    }
    %scan3A_6 = arith.constant 21 : i32
    %barrier3A_7 = arith.constant 0 : index
    tpu.barrier barrier_id(%barrier3A_7)
    "tpu.region"() ({
      %run_scoped3A = tpu.sem_alloc : memref<!tpu.dma_semaphore, #tpu.memory_space<semaphore_mem>>
      %dma_start3A = arith.constant 0 : i32
      %dma_start3A_8 = arith.constant 0 : i32
      %dma_start3A_9 = tpu.memref_slice %arg5[%arg0, %dma_start3A, %dma_start3A_8] : memref<2x10112x128xf32, #tpu.memory_space<hbm>> -> memref<1x10112x128xf32, #tpu.memory_space<hbm>>
      %dma_start3A_10 = tpu.memref_squeeze %dma_start3A_9 : memref<1x10112x128xf32, #tpu.memory_space<hbm>> -> memref<10112x128xf32, #tpu.memory_space<hbm>>
      %dma_start3A_11 = arith.constant 0 : i32
      %dma_start3A_12 = tpu.memref_slice %dma_start3A_10[%mul3A_2, %dma_start3A_11] : memref<10112x128xf32, #tpu.memory_space<hbm>> -> memref<632x128xf32, #tpu.memory_space<hbm>>
      %dma_start3A_13 = arith.constant 0 : i32
      %dma_start3A_14 = tpu.memref_slice %arg14[%mul3A_2, %dma_start3A_13] : memref<10112x128xf32, #tpu.memory_space<vmem_shared>> -> memref<632x128xf32, #tpu.memory_space<vmem_shared>>
      tpu.enqueue_dma source(%dma_start3A_14 : memref<632x128xf32, #tpu.memory_space<vmem_shared>>) target(%dma_start3A_12 : memref<632x128xf32, #tpu.memory_space<hbm>>) target_semaphore(%run_scoped3A : memref<!tpu.dma_semaphore, #tpu.memory_space<semaphore_mem>>)
      %dma_wait3A = arith.constant 0 : i32
      %dma_wait3A_15 = arith.constant 0 : i32
      %dma_wait3A_16 = tpu.memref_slice %arg5[%arg0, %dma_wait3A, %dma_wait3A_15] : memref<2x10112x128xf32, #tpu.memory_space<hbm>> -> memref<1x10112x128xf32, #tpu.memory_space<hbm>>
      %dma_wait3A_17 = tpu.memref_squeeze %dma_wait3A_16 : memref<1x10112x128xf32, #tpu.memory_space<hbm>> -> memref<10112x128xf32, #tpu.memory_space<hbm>>
      %dma_wait3A_18 = arith.constant 0 : i32
      %dma_wait3A_19 = tpu.memref_slice %dma_wait3A_17[%mul3A_2, %dma_wait3A_18] : memref<10112x128xf32, #tpu.memory_space<hbm>> -> memref<632x128xf32, #tpu.memory_space<hbm>>
      %dma_wait3A_20 = arith.constant 0 : i32
      %dma_wait3A_21 = tpu.memref_slice %arg14[%mul3A_2, %dma_wait3A_20] : memref<10112x128xf32, #tpu.memory_space<vmem_shared>> -> memref<632x128xf32, #tpu.memory_space<vmem_shared>>
      tpu.wait_dma2 semaphore(%run_scoped3A : memref<!tpu.dma_semaphore, #tpu.memory_space<semaphore_mem>>) src(%dma_wait3A_21 : memref<632x128xf32, #tpu.memory_space<vmem_shared>>) dst(%dma_wait3A_19 : memref<632x128xf32, #tpu.memory_space<hbm>>)
      tpu.yield
    }) : () -> ()
    return
  }
}

#map = affine_map<(d0, d1) -> (0, 0)>
#map1 = affine_map<(d0, d1) -> (0, 0, 0)>
module attributes {stable_mosaic.version = 14 : i64} {
  func.func @agg_kernel(%arg0: i32, %arg1: i32, %arg2: memref<10112x128xf32, #tpu.memory_space<hbm>>, %arg3: memref<32x126x80xi32, #tpu.memory_space<hbm>>, %arg4: memref<10112x128xf32, #tpu.memory_space<hbm>>, %arg5: memref<2x10112x128xf32, #tpu.memory_space<hbm>>, %arg6: memref<126x80xi32, #tpu.memory_space<vmem>>, %arg7: memref<80xi32, #tpu.memory_space<vmem>>, %arg8: memref<80xi32, #tpu.memory_space<vmem>>, %arg9: memref<80xi32, #tpu.memory_space<vmem>>, %arg10: memref<80xi32, #tpu.memory_space<vmem>>, %arg11: memref<80x128xf32, #tpu.memory_space<vmem>>, %arg12: memref<80x128xf32, #tpu.memory_space<vmem>>, %arg13: memref<80x128xf32, #tpu.memory_space<vmem>>, %arg14: memref<10112x128xf32, #tpu.memory_space<vmem_shared>>, %arg15: memref<!tpu.dma_semaphore, #tpu.memory_space<semaphore_mem>>, %arg16: memref<!tpu.dma_semaphore, #tpu.memory_space<semaphore_mem>>, %arg17: memref<!tpu.dma_semaphore, #tpu.memory_space<semaphore_mem>>) attributes {dimension_semantics = [#tpu.dimension_semantics<core_parallel>, #tpu.dimension_semantics<subcore_parallel>], iteration_bounds = array<i64: 2, 16>, scalar_prefetch = 0 : i64, scratch_operands = 12 : i64, tpu.core_type = #tpu.core_type<sc_vector_subcore>, window_params = [{transform_indices = #map}, {transform_indices = #map1}, {transform_indices = #map}, {transform_indices = #map1}]} {
    %mul3A = arith.constant 16 : i32
    %mul3A_0 = arith.muli %arg0, %mul3A : i32
    %add3A = arith.addi %mul3A_0, %arg1 : i32
    %mul3A_1 = arith.constant 632 : i32
    %mul3A_2 = arith.muli %arg1, %mul3A_1 : i32
    "tpu.region"() ({
      %run_scoped3A = tpu.sem_alloc : memref<!tpu.dma_semaphore, #tpu.memory_space<semaphore_mem>>
      %dma_start3A_193 = arith.constant 0 : i32
      %dma_start3A_194 = arith.constant 0 : i32
      %dma_start3A_195 = tpu.memref_slice %arg3[%add3A, %dma_start3A_193, %dma_start3A_194] : memref<32x126x80xi32, #tpu.memory_space<hbm>> -> memref<1x126x80xi32, #tpu.memory_space<hbm>>
      %dma_start3A_196 = tpu.memref_squeeze %dma_start3A_195 : memref<1x126x80xi32, #tpu.memory_space<hbm>> -> memref<126x80xi32, #tpu.memory_space<hbm>>
      %dma_start3A_197 = arith.constant 0 : i32
      %dma_start3A_198 = arith.constant 0 : i32
      %dma_start3A_199 = tpu.memref_slice %arg3[%add3A, %dma_start3A_197, %dma_start3A_198] : memref<32x126x80xi32, #tpu.memory_space<hbm>> -> memref<1x126x80xi32, #tpu.memory_space<hbm>>
      %dma_start3A_200 = tpu.memref_squeeze %dma_start3A_199 : memref<1x126x80xi32, #tpu.memory_space<hbm>> -> memref<126x80xi32, #tpu.memory_space<hbm>>
      tpu.enqueue_dma source(%dma_start3A_200 : memref<126x80xi32, #tpu.memory_space<hbm>>) target(%arg6 : memref<126x80xi32, #tpu.memory_space<vmem>>) target_semaphore(%run_scoped3A : memref<!tpu.dma_semaphore, #tpu.memory_space<semaphore_mem>>)
      %dma_wait3A = arith.constant 0 : i32
      %dma_wait3A_201 = arith.constant 0 : i32
      %dma_wait3A_202 = tpu.memref_slice %arg3[%add3A, %dma_wait3A, %dma_wait3A_201] : memref<32x126x80xi32, #tpu.memory_space<hbm>> -> memref<1x126x80xi32, #tpu.memory_space<hbm>>
      %dma_wait3A_203 = tpu.memref_squeeze %dma_wait3A_202 : memref<1x126x80xi32, #tpu.memory_space<hbm>> -> memref<126x80xi32, #tpu.memory_space<hbm>>
      %dma_wait3A_204 = arith.constant 0 : i32
      %dma_wait3A_205 = arith.constant 0 : i32
      %dma_wait3A_206 = tpu.memref_slice %arg3[%add3A, %dma_wait3A_204, %dma_wait3A_205] : memref<32x126x80xi32, #tpu.memory_space<hbm>> -> memref<1x126x80xi32, #tpu.memory_space<hbm>>
      %dma_wait3A_207 = tpu.memref_squeeze %dma_wait3A_206 : memref<1x126x80xi32, #tpu.memory_space<hbm>> -> memref<126x80xi32, #tpu.memory_space<hbm>>
      tpu.wait_dma2 semaphore(%run_scoped3A : memref<!tpu.dma_semaphore, #tpu.memory_space<semaphore_mem>>) src(%dma_wait3A_207 : memref<126x80xi32, #tpu.memory_space<hbm>>) dst(%arg6 : memref<126x80xi32, #tpu.memory_space<vmem>>)
      tpu.yield
    }) : () -> ()
    %get3A = arith.constant 0 : i32
    %get3A_3 = arith.index_cast %get3A : i32 to index
    %get3A_4 = arith.constant 0 : index
    %get3A_5 = tpu.vector_load %arg6[%get3A_3, %get3A_4] {strides = array<i32>} : memref<126x80xi32, #tpu.memory_space<vmem>>, vector<1x16xi32>,
    %get3A_6 = vector.shape_cast %get3A_5 : vector<1x16xi32> to vector<16xi32>
    %and3A = arith.constant 16383 : i32
    %and3A_7 = vector.broadcast %and3A : i32 to vector<16xi32>
    %and3A_8 = arith.andi %get3A_6, %and3A_7 : vector<16xi32>
    %swap3A = arith.constant 0 : index
    %swap3A_9 = tpu.vector_load %arg7[%swap3A] {strides = array<i32>} : memref<80xi32, #tpu.memory_space<vmem>>, vector<16xi32>,
    %swap3A_10 = vector.shape_cast %swap3A_9 : vector<16xi32> to vector<16xi32>
    %swap3A_11 = vector.shape_cast %and3A_8 : vector<16xi32> to vector<16xi32>
    tpu.vector_store %arg7[%swap3A], %swap3A_11 {strides = array<i32>} : memref<80xi32, #tpu.memory_space<vmem>>, vector<16xi32>,
    %get3A_12 = arith.constant 0 : i32
    %get3A_13 = arith.index_cast %get3A_12 : i32 to index
    %get3A_14 = arith.constant 16 : index
    %get3A_15 = tpu.vector_load %arg6[%get3A_13, %get3A_14] {strides = array<i32>} : memref<126x80xi32, #tpu.memory_space<vmem>>, vector<1x16xi32>,
    %get3A_16 = vector.shape_cast %get3A_15 : vector<1x16xi32> to vector<16xi32>
    %and3A_17 = arith.constant 16383 : i32
    %and3A_18 = vector.broadcast %and3A_17 : i32 to vector<16xi32>
    %and3A_19 = arith.andi %get3A_16, %and3A_18 : vector<16xi32>
    %swap3A_20 = arith.constant 16 : index
    %swap3A_21 = tpu.vector_load %arg7[%swap3A_20] {strides = array<i32>} : memref<80xi32, #tpu.memory_space<vmem>>, vector<16xi32>,
    %swap3A_22 = vector.shape_cast %swap3A_21 : vector<16xi32> to vector<16xi32>
    %swap3A_23 = vector.shape_cast %and3A_19 : vector<16xi32> to vector<16xi32>
    tpu.vector_store %arg7[%swap3A_20], %swap3A_23 {strides = array<i32>} : memref<80xi32, #tpu.memory_space<vmem>>, vector<16xi32>,
    %get3A_24 = arith.constant 0 : i32
    %get3A_25 = arith.index_cast %get3A_24 : i32 to index
    %get3A_26 = arith.constant 32 : index
    %get3A_27 = tpu.vector_load %arg6[%get3A_25, %get3A_26] {strides = array<i32>} : memref<126x80xi32, #tpu.memory_space<vmem>>, vector<1x16xi32>,
    %get3A_28 = vector.shape_cast %get3A_27 : vector<1x16xi32> to vector<16xi32>
    %and3A_29 = arith.constant 16383 : i32
    %and3A_30 = vector.broadcast %and3A_29 : i32 to vector<16xi32>
    %and3A_31 = arith.andi %get3A_28, %and3A_30 : vector<16xi32>
    %swap3A_32 = arith.constant 32 : index
    %swap3A_33 = tpu.vector_load %arg7[%swap3A_32] {strides = array<i32>} : memref<80xi32, #tpu.memory_space<vmem>>, vector<16xi32>,
    %swap3A_34 = vector.shape_cast %swap3A_33 : vector<16xi32> to vector<16xi32>
    %swap3A_35 = vector.shape_cast %and3A_31 : vector<16xi32> to vector<16xi32>
    tpu.vector_store %arg7[%swap3A_32], %swap3A_35 {strides = array<i32>} : memref<80xi32, #tpu.memory_space<vmem>>, vector<16xi32>,
    %get3A_36 = arith.constant 0 : i32
    %get3A_37 = arith.index_cast %get3A_36 : i32 to index
    %get3A_38 = arith.constant 48 : index
    %get3A_39 = tpu.vector_load %arg6[%get3A_37, %get3A_38] {strides = array<i32>} : memref<126x80xi32, #tpu.memory_space<vmem>>, vector<1x16xi32>,
    %get3A_40 = vector.shape_cast %get3A_39 : vector<1x16xi32> to vector<16xi32>
    %and3A_41 = arith.constant 16383 : i32
    %and3A_42 = vector.broadcast %and3A_41 : i32 to vector<16xi32>
    %and3A_43 = arith.andi %get3A_40, %and3A_42 : vector<16xi32>
    %swap3A_44 = arith.constant 48 : index
    %swap3A_45 = tpu.vector_load %arg7[%swap3A_44] {strides = array<i32>} : memref<80xi32, #tpu.memory_space<vmem>>, vector<16xi32>,
    %swap3A_46 = vector.shape_cast %swap3A_45 : vector<16xi32> to vector<16xi32>
    %swap3A_47 = vector.shape_cast %and3A_43 : vector<16xi32> to vector<16xi32>
    tpu.vector_store %arg7[%swap3A_44], %swap3A_47 {strides = array<i32>} : memref<80xi32, #tpu.memory_space<vmem>>, vector<16xi32>,
    %get3A_48 = arith.constant 0 : i32
    %get3A_49 = arith.index_cast %get3A_48 : i32 to index
    %get3A_50 = arith.constant 64 : index
    %get3A_51 = tpu.vector_load %arg6[%get3A_49, %get3A_50] {strides = array<i32>} : memref<126x80xi32, #tpu.memory_space<vmem>>, vector<1x16xi32>,
    %get3A_52 = vector.shape_cast %get3A_51 : vector<1x16xi32> to vector<16xi32>
    %and3A_53 = arith.constant 16383 : i32
    %and3A_54 = vector.broadcast %and3A_53 : i32 to vector<16xi32>
    %and3A_55 = arith.andi %get3A_52, %and3A_54 : vector<16xi32>
    %swap3A_56 = arith.constant 64 : index
    %swap3A_57 = tpu.vector_load %arg7[%swap3A_56] {strides = array<i32>} : memref<80xi32, #tpu.memory_space<vmem>>, vector<16xi32>,
    %swap3A_58 = vector.shape_cast %swap3A_57 : vector<16xi32> to vector<16xi32>
    %swap3A_59 = vector.shape_cast %and3A_55 : vector<16xi32> to vector<16xi32>
    tpu.vector_store %arg7[%swap3A_56], %swap3A_59 {strides = array<i32>} : memref<80xi32, #tpu.memory_space<vmem>>, vector<16xi32>,
    %dma_start3A = arith.constant 0 : i32
    %dma_start3A_60 = arith.constant 0 : i32
    %dma_start3A_61 = tpu.memref_slice %arg2[%dma_start3A, %dma_start3A_60] : memref<10112x128xf32, #tpu.memory_space<hbm>> -> memref<10112x128xf32, #tpu.memory_space<hbm>>
    tpu.enqueue_indirect_dma source(%dma_start3A_61 : memref<10112x128xf32, #tpu.memory_space<hbm>>) target(%arg11 : memref<80x128xf32, #tpu.memory_space<vmem>>) offsets(%arg7 : memref<80xi32, #tpu.memory_space<vmem>>) semaphore(%arg15 : memref<!tpu.dma_semaphore, #tpu.memory_space<semaphore_mem>>)
    %get3A_62 = arith.constant 1 : i32
    %get3A_63 = arith.index_cast %get3A_62 : i32 to index
    %get3A_64 = arith.constant 0 : index
    %get3A_65 = tpu.vector_load %arg6[%get3A_63, %get3A_64] {strides = array<i32>} : memref<126x80xi32, #tpu.memory_space<vmem>>, vector<1x16xi32>,
    %get3A_66 = vector.shape_cast %get3A_65 : vector<1x16xi32> to vector<16xi32>
    %and3A_67 = arith.constant 16383 : i32
    %and3A_68 = vector.broadcast %and3A_67 : i32 to vector<16xi32>
    %and3A_69 = arith.andi %get3A_66, %and3A_68 : vector<16xi32>
    %swap3A_70 = arith.constant 0 : index
    %swap3A_71 = tpu.vector_load %arg8[%swap3A_70] {strides = array<i32>} : memref<80xi32, #tpu.memory_space<vmem>>, vector<16xi32>,
    %swap3A_72 = vector.shape_cast %swap3A_71 : vector<16xi32> to vector<16xi32>
    %swap3A_73 = vector.shape_cast %and3A_69 : vector<16xi32> to vector<16xi32>
    tpu.vector_store %arg8[%swap3A_70], %swap3A_73 {strides = array<i32>} : memref<80xi32, #tpu.memory_space<vmem>>, vector<16xi32>,
    %get3A_74 = arith.constant 1 : i32
    %get3A_75 = arith.index_cast %get3A_74 : i32 to index
    %get3A_76 = arith.constant 16 : index
    %get3A_77 = tpu.vector_load %arg6[%get3A_75, %get3A_76] {strides = array<i32>} : memref<126x80xi32, #tpu.memory_space<vmem>>, vector<1x16xi32>,
    %get3A_78 = vector.shape_cast %get3A_77 : vector<1x16xi32> to vector<16xi32>
    %and3A_79 = arith.constant 16383 : i32
    %and3A_80 = vector.broadcast %and3A_79 : i32 to vector<16xi32>
    %and3A_81 = arith.andi %get3A_78, %and3A_80 : vector<16xi32>
    %swap3A_82 = arith.constant 16 : index
    %swap3A_83 = tpu.vector_load %arg8[%swap3A_82] {strides = array<i32>} : memref<80xi32, #tpu.memory_space<vmem>>, vector<16xi32>,
    %swap3A_84 = vector.shape_cast %swap3A_83 : vector<16xi32> to vector<16xi32>
    %swap3A_85 = vector.shape_cast %and3A_81 : vector<16xi32> to vector<16xi32>
    tpu.vector_store %arg8[%swap3A_82], %swap3A_85 {strides = array<i32>} : memref<80xi32, #tpu.memory_space<vmem>>, vector<16xi32>,
    %get3A_86 = arith.constant 1 : i32
    %get3A_87 = arith.index_cast %get3A_86 : i32 to index
    %get3A_88 = arith.constant 32 : index
    %get3A_89 = tpu.vector_load %arg6[%get3A_87, %get3A_88] {strides = array<i32>} : memref<126x80xi32, #tpu.memory_space<vmem>>, vector<1x16xi32>,
    %get3A_90 = vector.shape_cast %get3A_89 : vector<1x16xi32> to vector<16xi32>
    %and3A_91 = arith.constant 16383 : i32
    %and3A_92 = vector.broadcast %and3A_91 : i32 to vector<16xi32>
    %and3A_93 = arith.andi %get3A_90, %and3A_92 : vector<16xi32>
    %swap3A_94 = arith.constant 32 : index
    %swap3A_95 = tpu.vector_load %arg8[%swap3A_94] {strides = array<i32>} : memref<80xi32, #tpu.memory_space<vmem>>, vector<16xi32>,
    %swap3A_96 = vector.shape_cast %swap3A_95 : vector<16xi32> to vector<16xi32>
    %swap3A_97 = vector.shape_cast %and3A_93 : vector<16xi32> to vector<16xi32>
    tpu.vector_store %arg8[%swap3A_94], %swap3A_97 {strides = array<i32>} : memref<80xi32, #tpu.memory_space<vmem>>, vector<16xi32>,
    %get3A_98 = arith.constant 1 : i32
    %get3A_99 = arith.index_cast %get3A_98 : i32 to index
    %get3A_100 = arith.constant 48 : index
    %get3A_101 = tpu.vector_load %arg6[%get3A_99, %get3A_100] {strides = array<i32>} : memref<126x80xi32, #tpu.memory_space<vmem>>, vector<1x16xi32>,
    %get3A_102 = vector.shape_cast %get3A_101 : vector<1x16xi32> to vector<16xi32>
    %and3A_103 = arith.constant 16383 : i32
    %and3A_104 = vector.broadcast %and3A_103 : i32 to vector<16xi32>
    %and3A_105 = arith.andi %get3A_102, %and3A_104 : vector<16xi32>
    %swap3A_106 = arith.constant 48 : index
    %swap3A_107 = tpu.vector_load %arg8[%swap3A_106] {strides = array<i32>} : memref<80xi32, #tpu.memory_space<vmem>>, vector<16xi32>,
    %swap3A_108 = vector.shape_cast %swap3A_107 : vector<16xi32> to vector<16xi32>
    %swap3A_109 = vector.shape_cast %and3A_105 : vector<16xi32> to vector<16xi32>
    tpu.vector_store %arg8[%swap3A_106], %swap3A_109 {strides = array<i32>} : memref<80xi32, #tpu.memory_space<vmem>>, vector<16xi32>,
    %get3A_110 = arith.constant 1 : i32
    %get3A_111 = arith.index_cast %get3A_110 : i32 to index
    %get3A_112 = arith.constant 64 : index
    %get3A_113 = tpu.vector_load %arg6[%get3A_111, %get3A_112] {strides = array<i32>} : memref<126x80xi32, #tpu.memory_space<vmem>>, vector<1x16xi32>,
    %get3A_114 = vector.shape_cast %get3A_113 : vector<1x16xi32> to vector<16xi32>
    %and3A_115 = arith.constant 16383 : i32
    %and3A_116 = vector.broadcast %and3A_115 : i32 to vector<16xi32>
    %and3A_117 = arith.andi %get3A_114, %and3A_116 : vector<16xi32>
    %swap3A_118 = arith.constant 64 : index
    %swap3A_119 = tpu.vector_load %arg8[%swap3A_118] {strides = array<i32>} : memref<80xi32, #tpu.memory_space<vmem>>, vector<16xi32>,
    %swap3A_120 = vector.shape_cast %swap3A_119 : vector<16xi32> to vector<16xi32>
    %swap3A_121 = vector.shape_cast %and3A_117 : vector<16xi32> to vector<16xi32>
    tpu.vector_store %arg8[%swap3A_118], %swap3A_121 {strides = array<i32>} : memref<80xi32, #tpu.memory_space<vmem>>, vector<16xi32>,
    %dma_start3A_122 = arith.constant 0 : i32
    %dma_start3A_123 = arith.constant 0 : i32
    %dma_start3A_124 = tpu.memref_slice %arg2[%dma_start3A_122, %dma_start3A_123] : memref<10112x128xf32, #tpu.memory_space<hbm>> -> memref<10112x128xf32, #tpu.memory_space<hbm>>
    tpu.enqueue_indirect_dma source(%dma_start3A_124 : memref<10112x128xf32, #tpu.memory_space<hbm>>) target(%arg12 : memref<80x128xf32, #tpu.memory_space<vmem>>) offsets(%arg8 : memref<80xi32, #tpu.memory_space<vmem>>) semaphore(%arg16 : memref<!tpu.dma_semaphore, #tpu.memory_space<semaphore_mem>>)
    %get3A_125 = arith.constant 2 : i32
    %get3A_126 = arith.index_cast %get3A_125 : i32 to index
    %get3A_127 = arith.constant 0 : index
    %get3A_128 = tpu.vector_load %arg6[%get3A_126, %get3A_127] {strides = array<i32>} : memref<126x80xi32, #tpu.memory_space<vmem>>, vector<1x16xi32>,
    %get3A_129 = vector.shape_cast %get3A_128 : vector<1x16xi32> to vector<16xi32>
    %and3A_130 = arith.constant 16383 : i32
    %and3A_131 = vector.broadcast %and3A_130 : i32 to vector<16xi32>
    %and3A_132 = arith.andi %get3A_129, %and3A_131 : vector<16xi32>
    %swap3A_133 = arith.constant 0 : index
    %swap3A_134 = tpu.vector_load %arg9[%swap3A_133] {strides = array<i32>} : memref<80xi32, #tpu.memory_space<vmem>>, vector<16xi32>,
    %swap3A_135 = vector.shape_cast %swap3A_134 : vector<16xi32> to vector<16xi32>
    %swap3A_136 = vector.shape_cast %and3A_132 : vector<16xi32> to vector<16xi32>
    tpu.vector_store %arg9[%swap3A_133], %swap3A_136 {strides = array<i32>} : memref<80xi32, #tpu.memory_space<vmem>>, vector<16xi32>,
    %get3A_137 = arith.constant 2 : i32
    %get3A_138 = arith.index_cast %get3A_137 : i32 to index
    %get3A_139 = arith.constant 16 : index
    %get3A_140 = tpu.vector_load %arg6[%get3A_138, %get3A_139] {strides = array<i32>} : memref<126x80xi32, #tpu.memory_space<vmem>>, vector<1x16xi32>,
    %get3A_141 = vector.shape_cast %get3A_140 : vector<1x16xi32> to vector<16xi32>
    %and3A_142 = arith.constant 16383 : i32
    %and3A_143 = vector.broadcast %and3A_142 : i32 to vector<16xi32>
    %and3A_144 = arith.andi %get3A_141, %and3A_143 : vector<16xi32>
    %swap3A_145 = arith.constant 16 : index
    %swap3A_146 = tpu.vector_load %arg9[%swap3A_145] {strides = array<i32>} : memref<80xi32, #tpu.memory_space<vmem>>, vector<16xi32>,
    %swap3A_147 = vector.shape_cast %swap3A_146 : vector<16xi32> to vector<16xi32>
    %swap3A_148 = vector.shape_cast %and3A_144 : vector<16xi32> to vector<16xi32>
    tpu.vector_store %arg9[%swap3A_145], %swap3A_148 {strides = array<i32>} : memref<80xi32, #tpu.memory_space<vmem>>, vector<16xi32>,
    %get3A_149 = arith.constant 2 : i32
    %get3A_150 = arith.index_cast %get3A_149 : i32 to index
    %get3A_151 = arith.constant 32 : index
    %get3A_152 = tpu.vector_load %arg6[%get3A_150, %get3A_151] {strides = array<i32>} : memref<126x80xi32, #tpu.memory_space<vmem>>, vector<1x16xi32>,
    %get3A_153 = vector.shape_cast %get3A_152 : vector<1x16xi32> to vector<16xi32>
    %and3A_154 = arith.constant 16383 : i32
    %and3A_155 = vector.broadcast %and3A_154 : i32 to vector<16xi32>
    %and3A_156 = arith.andi %get3A_153, %and3A_155 : vector<16xi32>
    %swap3A_157 = arith.constant 32 : index
    %swap3A_158 = tpu.vector_load %arg9[%swap3A_157] {strides = array<i32>} : memref<80xi32, #tpu.memory_space<vmem>>, vector<16xi32>,
    %swap3A_159 = vector.shape_cast %swap3A_158 : vector<16xi32> to vector<16xi32>
    %swap3A_160 = vector.shape_cast %and3A_156 : vector<16xi32> to vector<16xi32>
    tpu.vector_store %arg9[%swap3A_157], %swap3A_160 {strides = array<i32>} : memref<80xi32, #tpu.memory_space<vmem>>, vector<16xi32>,
    %get3A_161 = arith.constant 2 : i32
    %get3A_162 = arith.index_cast %get3A_161 : i32 to index
    %get3A_163 = arith.constant 48 : index
    %get3A_164 = tpu.vector_load %arg6[%get3A_162, %get3A_163] {strides = array<i32>} : memref<126x80xi32, #tpu.memory_space<vmem>>, vector<1x16xi32>,
    %get3A_165 = vector.shape_cast %get3A_164 : vector<1x16xi32> to vector<16xi32>
    %and3A_166 = arith.constant 16383 : i32
    %and3A_167 = vector.broadcast %and3A_166 : i32 to vector<16xi32>
    %and3A_168 = arith.andi %get3A_165, %and3A_167 : vector<16xi32>
    %swap3A_169 = arith.constant 48 : index
    %swap3A_170 = tpu.vector_load %arg9[%swap3A_169] {strides = array<i32>} : memref<80xi32, #tpu.memory_space<vmem>>, vector<16xi32>,
    %swap3A_171 = vector.shape_cast %swap3A_170 : vector<16xi32> to vector<16xi32>
    %swap3A_172 = vector.shape_cast %and3A_168 : vector<16xi32> to vector<16xi32>
    tpu.vector_store %arg9[%swap3A_169], %swap3A_172 {strides = array<i32>} : memref<80xi32, #tpu.memory_space<vmem>>, vector<16xi32>,
    %get3A_173 = arith.constant 2 : i32
    %get3A_174 = arith.index_cast %get3A_173 : i32 to index
    %get3A_175 = arith.constant 64 : index
    %get3A_176 = tpu.vector_load %arg6[%get3A_174, %get3A_175] {strides = array<i32>} : memref<126x80xi32, #tpu.memory_space<vmem>>, vector<1x16xi32>,
    %get3A_177 = vector.shape_cast %get3A_176 : vector<1x16xi32> to vector<16xi32>
    %and3A_178 = arith.constant 16383 : i32
    %and3A_179 = vector.broadcast %and3A_178 : i32 to vector<16xi32>
    %and3A_180 = arith.andi %get3A_177, %and3A_179 : vector<16xi32>
    %swap3A_181 = arith.constant 64 : index
    %swap3A_182 = tpu.vector_load %arg9[%swap3A_181] {strides = array<i32>} : memref<80xi32, #tpu.memory_space<vmem>>, vector<16xi32>,
    %swap3A_183 = vector.shape_cast %swap3A_182 : vector<16xi32> to vector<16xi32>
    %swap3A_184 = vector.shape_cast %and3A_180 : vector<16xi32> to vector<16xi32>
    tpu.vector_store %arg9[%swap3A_181], %swap3A_184 {strides = array<i32>} : memref<80xi32, #tpu.memory_space<vmem>>, vector<16xi32>,
    %dma_start3A_185 = arith.constant 0 : i32
    %dma_start3A_186 = arith.constant 0 : i32
    %dma_start3A_187 = tpu.memref_slice %arg2[%dma_start3A_185, %dma_start3A_186] : memref<10112x128xf32, #tpu.memory_space<hbm>> -> memref<10112x128xf32, #tpu.memory_space<hbm>>
    tpu.enqueue_indirect_dma source(%dma_start3A_187 : memref<10112x128xf32, #tpu.memory_space<hbm>>) target(%arg13 : memref<80x128xf32, #tpu.memory_space<vmem>>) offsets(%arg9 : memref<80xi32, #tpu.memory_space<vmem>>) semaphore(%arg17 : memref<!tpu.dma_semaphore, #tpu.memory_space<semaphore_mem>>)
    "tpu.region"() ({
      %run_scoped3A = tpu.sem_alloc : memref<!tpu.dma_semaphore, #tpu.memory_space<semaphore_mem>>
      %dma_start3A_193 = arith.constant 0 : i32
      %dma_start3A_194 = tpu.memref_slice %arg14[%mul3A_2, %dma_start3A_193] : memref<10112x128xf32, #tpu.memory_space<vmem_shared>> -> memref<632x128xf32, #tpu.memory_space<vmem_shared>>
      %dma_start3A_195 = arith.constant 0 : i32
      %dma_start3A_196 = tpu.memref_slice %arg4[%mul3A_2, %dma_start3A_195] : memref<10112x128xf32, #tpu.memory_space<hbm>> -> memref<632x128xf32, #tpu.memory_space<hbm>>
      tpu.enqueue_dma source(%dma_start3A_196 : memref<632x128xf32, #tpu.memory_space<hbm>>) target(%dma_start3A_194 : memref<632x128xf32, #tpu.memory_space<vmem_shared>>) target_semaphore(%run_scoped3A : memref<!tpu.dma_semaphore, #tpu.memory_space<semaphore_mem>>)
      %dma_wait3A = arith.constant 0 : i32
      %dma_wait3A_197 = tpu.memref_slice %arg14[%mul3A_2, %dma_wait3A] : memref<10112x128xf32, #tpu.memory_space<vmem_shared>> -> memref<632x128xf32, #tpu.memory_space<vmem_shared>>
      %dma_wait3A_198 = arith.constant 0 : i32
      %dma_wait3A_199 = tpu.memref_slice %arg4[%mul3A_2, %dma_wait3A_198] : memref<10112x128xf32, #tpu.memory_space<hbm>> -> memref<632x128xf32, #tpu.memory_space<hbm>>
      tpu.wait_dma2 semaphore(%run_scoped3A : memref<!tpu.dma_semaphore, #tpu.memory_space<semaphore_mem>>) src(%dma_wait3A_199 : memref<632x128xf32, #tpu.memory_space<hbm>>) dst(%dma_wait3A_197 : memref<632x128xf32, #tpu.memory_space<vmem_shared>>)
      tpu.yield
    }) : () -> ()
    %barrier3A = arith.constant 0 : index
    tpu.barrier barrier_id(%barrier3A)
    %scan3A = arith.constant 0 : i32
    %scan3A_188 = arith.constant 42 : i32
    %scan3A_189 = arith.addi %scan3A, %scan3A_188 : i32
    %scan3A_190 = arith.constant 1 : i32
    scf.for %scan3A_193 = %scan3A to %scan3A_189 step %scan3A_190  : i32 {
      %mul3A_194 = arith.constant 1 : i32
      %mul3A_195 = arith.muli %scan3A_193, %mul3A_194 : i32
      %add3A_196 = arith.constant 0 : i32
      %add3A_197 = arith.addi %add3A_196, %mul3A_195 : i32
      %mul3A_198 = arith.constant 3 : i32
      %mul3A_199 = arith.muli %add3A_197, %mul3A_198 : i32
      %add3A_200 = arith.constant 0 : i32
      %add3A_201 = arith.addi %mul3A_199, %add3A_200 : i32
      %dma_wait3A = arith.constant 0 : i32
      %dma_wait3A_202 = arith.constant 0 : i32
      %dma_wait3A_203 = tpu.memref_slice %arg2[%dma_wait3A, %dma_wait3A_202] : memref<10112x128xf32, #tpu.memory_space<hbm>> -> memref<80x128xf32, #tpu.memory_space<hbm>>
      %dma_wait3A_204 = arith.constant 0 : i32
      %dma_wait3A_205 = arith.constant 0 : i32
      %dma_wait3A_206 = tpu.memref_slice %arg2[%dma_wait3A_204, %dma_wait3A_205] : memref<10112x128xf32, #tpu.memory_space<hbm>> -> memref<80x128xf32, #tpu.memory_space<hbm>>
      tpu.wait_dma2 semaphore(%arg15 : memref<!tpu.dma_semaphore, #tpu.memory_space<semaphore_mem>>) src(%dma_wait3A_206 : memref<80x128xf32, #tpu.memory_space<hbm>>) dst(%arg11 : memref<80x128xf32, #tpu.memory_space<vmem>>)
      %get3A_207 = arith.index_cast %add3A_201 : i32 to index
      %get3A_208 = arith.constant 0 : index
      %get3A_209 = tpu.vector_load %arg6[%get3A_207, %get3A_208] {strides = array<i32>} : memref<126x80xi32, #tpu.memory_space<vmem>>, vector<1x16xi32>,
      %get3A_210 = vector.shape_cast %get3A_209 : vector<1x16xi32> to vector<16xi32>
      %shift_right_logical3A = arith.constant 14 : i32
      %shift_right_logical3A_211 = vector.broadcast %shift_right_logical3A : i32 to vector<16xi32>
      %shift_right_logical3A_212 = arith.shrui %get3A_210, %shift_right_logical3A_211 : vector<16xi32>
      %swap3A_213 = arith.constant 0 : index
      %swap3A_214 = tpu.vector_load %arg10[%swap3A_213] {strides = array<i32>} : memref<80xi32, #tpu.memory_space<vmem>>, vector<16xi32>,
      %swap3A_215 = vector.shape_cast %swap3A_214 : vector<16xi32> to vector<16xi32>
      %swap3A_216 = vector.shape_cast %shift_right_logical3A_212 : vector<16xi32> to vector<16xi32>
      tpu.vector_store %arg10[%swap3A_213], %swap3A_216 {strides = array<i32>} : memref<80xi32, #tpu.memory_space<vmem>>, vector<16xi32>,
      %get3A_217 = arith.index_cast %add3A_201 : i32 to index
      %get3A_218 = arith.constant 16 : index
      %get3A_219 = tpu.vector_load %arg6[%get3A_217, %get3A_218] {strides = array<i32>} : memref<126x80xi32, #tpu.memory_space<vmem>>, vector<1x16xi32>,
      %get3A_220 = vector.shape_cast %get3A_219 : vector<1x16xi32> to vector<16xi32>
      %shift_right_logical3A_221 = arith.constant 14 : i32
      %shift_right_logical3A_222 = vector.broadcast %shift_right_logical3A_221 : i32 to vector<16xi32>
      %shift_right_logical3A_223 = arith.shrui %get3A_220, %shift_right_logical3A_222 : vector<16xi32>
      %swap3A_224 = arith.constant 16 : index
      %swap3A_225 = tpu.vector_load %arg10[%swap3A_224] {strides = array<i32>} : memref<80xi32, #tpu.memory_space<vmem>>, vector<16xi32>,
      %swap3A_226 = vector.shape_cast %swap3A_225 : vector<16xi32> to vector<16xi32>
      %swap3A_227 = vector.shape_cast %shift_right_logical3A_223 : vector<16xi32> to vector<16xi32>
      tpu.vector_store %arg10[%swap3A_224], %swap3A_227 {strides = array<i32>} : memref<80xi32, #tpu.memory_space<vmem>>, vector<16xi32>,
      %get3A_228 = arith.index_cast %add3A_201 : i32 to index
      %get3A_229 = arith.constant 32 : index
      %get3A_230 = tpu.vector_load %arg6[%get3A_228, %get3A_229] {strides = array<i32>} : memref<126x80xi32, #tpu.memory_space<vmem>>, vector<1x16xi32>,
      %get3A_231 = vector.shape_cast %get3A_230 : vector<1x16xi32> to vector<16xi32>
      %shift_right_logical3A_232 = arith.constant 14 : i32
      %shift_right_logical3A_233 = vector.broadcast %shift_right_logical3A_232 : i32 to vector<16xi32>
      %shift_right_logical3A_234 = arith.shrui %get3A_231, %shift_right_logical3A_233 : vector<16xi32>
      %swap3A_235 = arith.constant 32 : index
      %swap3A_236 = tpu.vector_load %arg10[%swap3A_235] {strides = array<i32>} : memref<80xi32, #tpu.memory_space<vmem>>, vector<16xi32>,
      %swap3A_237 = vector.shape_cast %swap3A_236 : vector<16xi32> to vector<16xi32>
      %swap3A_238 = vector.shape_cast %shift_right_logical3A_234 : vector<16xi32> to vector<16xi32>
      tpu.vector_store %arg10[%swap3A_235], %swap3A_238 {strides = array<i32>} : memref<80xi32, #tpu.memory_space<vmem>>, vector<16xi32>,
      %get3A_239 = arith.index_cast %add3A_201 : i32 to index
      %get3A_240 = arith.constant 48 : index
      %get3A_241 = tpu.vector_load %arg6[%get3A_239, %get3A_240] {strides = array<i32>} : memref<126x80xi32, #tpu.memory_space<vmem>>, vector<1x16xi32>,
      %get3A_242 = vector.shape_cast %get3A_241 : vector<1x16xi32> to vector<16xi32>
      %shift_right_logical3A_243 = arith.constant 14 : i32
      %shift_right_logical3A_244 = vector.broadcast %shift_right_logical3A_243 : i32 to vector<16xi32>
      %shift_right_logical3A_245 = arith.shrui %get3A_242, %shift_right_logical3A_244 : vector<16xi32>
      %swap3A_246 = arith.constant 48 : index
      %swap3A_247 = tpu.vector_load %arg10[%swap3A_246] {strides = array<i32>} : memref<80xi32, #tpu.memory_space<vmem>>, vector<16xi32>,
      %swap3A_248 = vector.shape_cast %swap3A_247 : vector<16xi32> to vector<16xi32>
      %swap3A_249 = vector.shape_cast %shift_right_logical3A_245 : vector<16xi32> to vector<16xi32>
      tpu.vector_store %arg10[%swap3A_246], %swap3A_249 {strides = array<i32>} : memref<80xi32, #tpu.memory_space<vmem>>, vector<16xi32>,
      %get3A_250 = arith.index_cast %add3A_201 : i32 to index
      %get3A_251 = arith.constant 64 : index
      %get3A_252 = tpu.vector_load %arg6[%get3A_250, %get3A_251] {strides = array<i32>} : memref<126x80xi32, #tpu.memory_space<vmem>>, vector<1x16xi32>,
      %get3A_253 = vector.shape_cast %get3A_252 : vector<1x16xi32> to vector<16xi32>
      %shift_right_logical3A_254 = arith.constant 14 : i32
      %shift_right_logical3A_255 = vector.broadcast %shift_right_logical3A_254 : i32 to vector<16xi32>
      %shift_right_logical3A_256 = arith.shrui %get3A_253, %shift_right_logical3A_255 : vector<16xi32>
      %swap3A_257 = arith.constant 64 : index
      %swap3A_258 = tpu.vector_load %arg10[%swap3A_257] {strides = array<i32>} : memref<80xi32, #tpu.memory_space<vmem>>, vector<16xi32>,
      %swap3A_259 = vector.shape_cast %swap3A_258 : vector<16xi32> to vector<16xi32>
      %swap3A_260 = vector.shape_cast %shift_right_logical3A_256 : vector<16xi32> to vector<16xi32>
      tpu.vector_store %arg10[%swap3A_257], %swap3A_260 {strides = array<i32>} : memref<80xi32, #tpu.memory_space<vmem>>, vector<16xi32>,
      "tpu.region"() ({
        %run_scoped3A = tpu.sem_alloc : memref<!tpu.dma_semaphore, #tpu.memory_space<semaphore_mem>>
        %dma_start3A_409 = arith.constant 0 : i32
        %dma_start3A_410 = arith.constant 0 : i32
        %dma_start3A_411 = tpu.memref_slice %arg14[%dma_start3A_409, %dma_start3A_410] : memref<10112x128xf32, #tpu.memory_space<vmem_shared>> -> memref<10112x128xf32, #tpu.memory_space<vmem_shared>>
        tpu.enqueue_indirect_dma source(%arg11 : memref<80x128xf32, #tpu.memory_space<vmem>>) target(%dma_start3A_411 : memref<10112x128xf32, #tpu.memory_space<vmem_shared>>) offsets(%arg10 : memref<80xi32, #tpu.memory_space<vmem>>) semaphore(%run_scoped3A : memref<!tpu.dma_semaphore, #tpu.memory_space<semaphore_mem>>) {add = true}
        %dma_wait3A_412 = arith.constant 0 : i32
        %dma_wait3A_413 = arith.constant 0 : i32
        %dma_wait3A_414 = tpu.memref_slice %arg14[%dma_wait3A_412, %dma_wait3A_413] : memref<10112x128xf32, #tpu.memory_space<vmem_shared>> -> memref<10112x128xf32, #tpu.memory_space<vmem_shared>>
        tpu.wait_indirect_dma semaphore(%run_scoped3A : memref<!tpu.dma_semaphore, #tpu.memory_space<semaphore_mem>>) src(%arg11 : memref<80x128xf32, #tpu.memory_space<vmem>>) dst(%dma_wait3A_414 : memref<10112x128xf32, #tpu.memory_space<vmem_shared>>)
        tpu.yield
      }) : () -> ()
      %add3A_261 = arith.constant 3 : i32
      %add3A_262 = arith.addi %add3A_201, %add3A_261 : i32
      %lt3A = arith.constant 126 : i32
      %lt3A_263 = arith.cmpi slt, %add3A_262, %lt3A : i32
      %convert_element_type3A = arith.extui %lt3A_263 : i1 to i32
      %cond3A = arith.constant 0 : i32
      %cond3A_264 = arith.cmpi ne, %convert_element_type3A, %cond3A : i32
      scf.if %cond3A_264 {
        %add3A_409 = arith.constant 3 : i32
        %add3A_410 = arith.addi %add3A_201, %add3A_409 : i32
        %get3A_411 = arith.index_cast %add3A_410 : i32 to index
        %get3A_412 = arith.constant 0 : index
        %get3A_413 = tpu.vector_load %arg6[%get3A_411, %get3A_412] {strides = array<i32>} : memref<126x80xi32, #tpu.memory_space<vmem>>, vector<1x16xi32>,
        %get3A_414 = vector.shape_cast %get3A_413 : vector<1x16xi32> to vector<16xi32>
        %and3A_415 = arith.constant 16383 : i32
        %and3A_416 = vector.broadcast %and3A_415 : i32 to vector<16xi32>
        %and3A_417 = arith.andi %get3A_414, %and3A_416 : vector<16xi32>
        %swap3A_418 = arith.constant 0 : index
        %swap3A_419 = tpu.vector_load %arg7[%swap3A_418] {strides = array<i32>} : memref<80xi32, #tpu.memory_space<vmem>>, vector<16xi32>,
        %swap3A_420 = vector.shape_cast %swap3A_419 : vector<16xi32> to vector<16xi32>
        %swap3A_421 = vector.shape_cast %and3A_417 : vector<16xi32> to vector<16xi32>
        tpu.vector_store %arg7[%swap3A_418], %swap3A_421 {strides = array<i32>} : memref<80xi32, #tpu.memory_space<vmem>>, vector<16xi32>,
        %get3A_422 = arith.index_cast %add3A_410 : i32 to index
        %get3A_423 = arith.constant 16 : index
        %get3A_424 = tpu.vector_load %arg6[%get3A_422, %get3A_423] {strides = array<i32>} : memref<126x80xi32, #tpu.memory_space<vmem>>, vector<1x16xi32>,
        %get3A_425 = vector.shape_cast %get3A_424 : vector<1x16xi32> to vector<16xi32>
        %and3A_426 = arith.constant 16383 : i32
        %and3A_427 = vector.broadcast %and3A_426 : i32 to vector<16xi32>
        %and3A_428 = arith.andi %get3A_425, %and3A_427 : vector<16xi32>
        %swap3A_429 = arith.constant 16 : index
        %swap3A_430 = tpu.vector_load %arg7[%swap3A_429] {strides = array<i32>} : memref<80xi32, #tpu.memory_space<vmem>>, vector<16xi32>,
        %swap3A_431 = vector.shape_cast %swap3A_430 : vector<16xi32> to vector<16xi32>
        %swap3A_432 = vector.shape_cast %and3A_428 : vector<16xi32> to vector<16xi32>
        tpu.vector_store %arg7[%swap3A_429], %swap3A_432 {strides = array<i32>} : memref<80xi32, #tpu.memory_space<vmem>>, vector<16xi32>,
        %get3A_433 = arith.index_cast %add3A_410 : i32 to index
        %get3A_434 = arith.constant 32 : index
        %get3A_435 = tpu.vector_load %arg6[%get3A_433, %get3A_434] {strides = array<i32>} : memref<126x80xi32, #tpu.memory_space<vmem>>, vector<1x16xi32>,
        %get3A_436 = vector.shape_cast %get3A_435 : vector<1x16xi32> to vector<16xi32>
        %and3A_437 = arith.constant 16383 : i32
        %and3A_438 = vector.broadcast %and3A_437 : i32 to vector<16xi32>
        %and3A_439 = arith.andi %get3A_436, %and3A_438 : vector<16xi32>
        %swap3A_440 = arith.constant 32 : index
        %swap3A_441 = tpu.vector_load %arg7[%swap3A_440] {strides = array<i32>} : memref<80xi32, #tpu.memory_space<vmem>>, vector<16xi32>,
        %swap3A_442 = vector.shape_cast %swap3A_441 : vector<16xi32> to vector<16xi32>
        %swap3A_443 = vector.shape_cast %and3A_439 : vector<16xi32> to vector<16xi32>
        tpu.vector_store %arg7[%swap3A_440], %swap3A_443 {strides = array<i32>} : memref<80xi32, #tpu.memory_space<vmem>>, vector<16xi32>,
        %get3A_444 = arith.index_cast %add3A_410 : i32 to index
        %get3A_445 = arith.constant 48 : index
        %get3A_446 = tpu.vector_load %arg6[%get3A_444, %get3A_445] {strides = array<i32>} : memref<126x80xi32, #tpu.memory_space<vmem>>, vector<1x16xi32>,
        %get3A_447 = vector.shape_cast %get3A_446 : vector<1x16xi32> to vector<16xi32>
        %and3A_448 = arith.constant 16383 : i32
        %and3A_449 = vector.broadcast %and3A_448 : i32 to vector<16xi32>
        %and3A_450 = arith.andi %get3A_447, %and3A_449 : vector<16xi32>
        %swap3A_451 = arith.constant 48 : index
        %swap3A_452 = tpu.vector_load %arg7[%swap3A_451] {strides = array<i32>} : memref<80xi32, #tpu.memory_space<vmem>>, vector<16xi32>,
        %swap3A_453 = vector.shape_cast %swap3A_452 : vector<16xi32> to vector<16xi32>
        %swap3A_454 = vector.shape_cast %and3A_450 : vector<16xi32> to vector<16xi32>
        tpu.vector_store %arg7[%swap3A_451], %swap3A_454 {strides = array<i32>} : memref<80xi32, #tpu.memory_space<vmem>>, vector<16xi32>,
        %get3A_455 = arith.index_cast %add3A_410 : i32 to index
        %get3A_456 = arith.constant 64 : index
        %get3A_457 = tpu.vector_load %arg6[%get3A_455, %get3A_456] {strides = array<i32>} : memref<126x80xi32, #tpu.memory_space<vmem>>, vector<1x16xi32>,
        %get3A_458 = vector.shape_cast %get3A_457 : vector<1x16xi32> to vector<16xi32>
        %and3A_459 = arith.constant 16383 : i32
        %and3A_460 = vector.broadcast %and3A_459 : i32 to vector<16xi32>
        %and3A_461 = arith.andi %get3A_458, %and3A_460 : vector<16xi32>
        %swap3A_462 = arith.constant 64 : index
        %swap3A_463 = tpu.vector_load %arg7[%swap3A_462] {strides = array<i32>} : memref<80xi32, #tpu.memory_space<vmem>>, vector<16xi32>,
        %swap3A_464 = vector.shape_cast %swap3A_463 : vector<16xi32> to vector<16xi32>
        %swap3A_465 = vector.shape_cast %and3A_461 : vector<16xi32> to vector<16xi32>
        tpu.vector_store %arg7[%swap3A_462], %swap3A_465 {strides = array<i32>} : memref<80xi32, #tpu.memory_space<vmem>>, vector<16xi32>,
        %dma_start3A_466 = arith.constant 0 : i32
        %dma_start3A_467 = arith.constant 0 : i32
        %dma_start3A_468 = tpu.memref_slice %arg2[%dma_start3A_466, %dma_start3A_467] : memref<10112x128xf32, #tpu.memory_space<hbm>> -> memref<10112x128xf32, #tpu.memory_space<hbm>>
        tpu.enqueue_indirect_dma source(%dma_start3A_468 : memref<10112x128xf32, #tpu.memory_space<hbm>>) target(%arg11 : memref<80x128xf32, #tpu.memory_space<vmem>>) offsets(%arg7 : memref<80xi32, #tpu.memory_space<vmem>>) semaphore(%arg15 : memref<!tpu.dma_semaphore, #tpu.memory_space<semaphore_mem>>)
      } else {
      }
      %mul3A_265 = arith.constant 3 : i32
      %mul3A_266 = arith.muli %add3A_197, %mul3A_265 : i32
      %add3A_267 = arith.constant 1 : i32
      %add3A_268 = arith.addi %mul3A_266, %add3A_267 : i32
      %dma_wait3A_269 = arith.constant 0 : i32
      %dma_wait3A_270 = arith.constant 0 : i32
      %dma_wait3A_271 = tpu.memref_slice %arg2[%dma_wait3A_269, %dma_wait3A_270] : memref<10112x128xf32, #tpu.memory_space<hbm>> -> memref<80x128xf32, #tpu.memory_space<hbm>>
      %dma_wait3A_272 = arith.constant 0 : i32
      %dma_wait3A_273 = arith.constant 0 : i32
      %dma_wait3A_274 = tpu.memref_slice %arg2[%dma_wait3A_272, %dma_wait3A_273] : memref<10112x128xf32, #tpu.memory_space<hbm>> -> memref<80x128xf32, #tpu.memory_space<hbm>>
      tpu.wait_dma2 semaphore(%arg16 : memref<!tpu.dma_semaphore, #tpu.memory_space<semaphore_mem>>) src(%dma_wait3A_274 : memref<80x128xf32, #tpu.memory_space<hbm>>) dst(%arg12 : memref<80x128xf32, #tpu.memory_space<vmem>>)
      %get3A_275 = arith.index_cast %add3A_268 : i32 to index
      %get3A_276 = arith.constant 0 : index
      %get3A_277 = tpu.vector_load %arg6[%get3A_275, %get3A_276] {strides = array<i32>} : memref<126x80xi32, #tpu.memory_space<vmem>>, vector<1x16xi32>,
      %get3A_278 = vector.shape_cast %get3A_277 : vector<1x16xi32> to vector<16xi32>
      %shift_right_logical3A_279 = arith.constant 14 : i32
      %shift_right_logical3A_280 = vector.broadcast %shift_right_logical3A_279 : i32 to vector<16xi32>
      %shift_right_logical3A_281 = arith.shrui %get3A_278, %shift_right_logical3A_280 : vector<16xi32>
      %swap3A_282 = arith.constant 0 : index
      %swap3A_283 = tpu.vector_load %arg10[%swap3A_282] {strides = array<i32>} : memref<80xi32, #tpu.memory_space<vmem>>, vector<16xi32>,
      %swap3A_284 = vector.shape_cast %swap3A_283 : vector<16xi32> to vector<16xi32>
      %swap3A_285 = vector.shape_cast %shift_right_logical3A_281 : vector<16xi32> to vector<16xi32>
      tpu.vector_store %arg10[%swap3A_282], %swap3A_285 {strides = array<i32>} : memref<80xi32, #tpu.memory_space<vmem>>, vector<16xi32>,
      %get3A_286 = arith.index_cast %add3A_268 : i32 to index
      %get3A_287 = arith.constant 16 : index
      %get3A_288 = tpu.vector_load %arg6[%get3A_286, %get3A_287] {strides = array<i32>} : memref<126x80xi32, #tpu.memory_space<vmem>>, vector<1x16xi32>,
      %get3A_289 = vector.shape_cast %get3A_288 : vector<1x16xi32> to vector<16xi32>
      %shift_right_logical3A_290 = arith.constant 14 : i32
      %shift_right_logical3A_291 = vector.broadcast %shift_right_logical3A_290 : i32 to vector<16xi32>
      %shift_right_logical3A_292 = arith.shrui %get3A_289, %shift_right_logical3A_291 : vector<16xi32>
      %swap3A_293 = arith.constant 16 : index
      %swap3A_294 = tpu.vector_load %arg10[%swap3A_293] {strides = array<i32>} : memref<80xi32, #tpu.memory_space<vmem>>, vector<16xi32>,
      %swap3A_295 = vector.shape_cast %swap3A_294 : vector<16xi32> to vector<16xi32>
      %swap3A_296 = vector.shape_cast %shift_right_logical3A_292 : vector<16xi32> to vector<16xi32>
      tpu.vector_store %arg10[%swap3A_293], %swap3A_296 {strides = array<i32>} : memref<80xi32, #tpu.memory_space<vmem>>, vector<16xi32>,
      %get3A_297 = arith.index_cast %add3A_268 : i32 to index
      %get3A_298 = arith.constant 32 : index
      %get3A_299 = tpu.vector_load %arg6[%get3A_297, %get3A_298] {strides = array<i32>} : memref<126x80xi32, #tpu.memory_space<vmem>>, vector<1x16xi32>,
      %get3A_300 = vector.shape_cast %get3A_299 : vector<1x16xi32> to vector<16xi32>
      %shift_right_logical3A_301 = arith.constant 14 : i32
      %shift_right_logical3A_302 = vector.broadcast %shift_right_logical3A_301 : i32 to vector<16xi32>
      %shift_right_logical3A_303 = arith.shrui %get3A_300, %shift_right_logical3A_302 : vector<16xi32>
      %swap3A_304 = arith.constant 32 : index
      %swap3A_305 = tpu.vector_load %arg10[%swap3A_304] {strides = array<i32>} : memref<80xi32, #tpu.memory_space<vmem>>, vector<16xi32>,
      %swap3A_306 = vector.shape_cast %swap3A_305 : vector<16xi32> to vector<16xi32>
      %swap3A_307 = vector.shape_cast %shift_right_logical3A_303 : vector<16xi32> to vector<16xi32>
      tpu.vector_store %arg10[%swap3A_304], %swap3A_307 {strides = array<i32>} : memref<80xi32, #tpu.memory_space<vmem>>, vector<16xi32>,
      %get3A_308 = arith.index_cast %add3A_268 : i32 to index
      %get3A_309 = arith.constant 48 : index
      %get3A_310 = tpu.vector_load %arg6[%get3A_308, %get3A_309] {strides = array<i32>} : memref<126x80xi32, #tpu.memory_space<vmem>>, vector<1x16xi32>,
      %get3A_311 = vector.shape_cast %get3A_310 : vector<1x16xi32> to vector<16xi32>
      %shift_right_logical3A_312 = arith.constant 14 : i32
      %shift_right_logical3A_313 = vector.broadcast %shift_right_logical3A_312 : i32 to vector<16xi32>
      %shift_right_logical3A_314 = arith.shrui %get3A_311, %shift_right_logical3A_313 : vector<16xi32>
      %swap3A_315 = arith.constant 48 : index
      %swap3A_316 = tpu.vector_load %arg10[%swap3A_315] {strides = array<i32>} : memref<80xi32, #tpu.memory_space<vmem>>, vector<16xi32>,
      %swap3A_317 = vector.shape_cast %swap3A_316 : vector<16xi32> to vector<16xi32>
      %swap3A_318 = vector.shape_cast %shift_right_logical3A_314 : vector<16xi32> to vector<16xi32>
      tpu.vector_store %arg10[%swap3A_315], %swap3A_318 {strides = array<i32>} : memref<80xi32, #tpu.memory_space<vmem>>, vector<16xi32>,
      %get3A_319 = arith.index_cast %add3A_268 : i32 to index
      %get3A_320 = arith.constant 64 : index
      %get3A_321 = tpu.vector_load %arg6[%get3A_319, %get3A_320] {strides = array<i32>} : memref<126x80xi32, #tpu.memory_space<vmem>>, vector<1x16xi32>,
      %get3A_322 = vector.shape_cast %get3A_321 : vector<1x16xi32> to vector<16xi32>
      %shift_right_logical3A_323 = arith.constant 14 : i32
      %shift_right_logical3A_324 = vector.broadcast %shift_right_logical3A_323 : i32 to vector<16xi32>
      %shift_right_logical3A_325 = arith.shrui %get3A_322, %shift_right_logical3A_324 : vector<16xi32>
      %swap3A_326 = arith.constant 64 : index
      %swap3A_327 = tpu.vector_load %arg10[%swap3A_326] {strides = array<i32>} : memref<80xi32, #tpu.memory_space<vmem>>, vector<16xi32>,
      %swap3A_328 = vector.shape_cast %swap3A_327 : vector<16xi32> to vector<16xi32>
      %swap3A_329 = vector.shape_cast %shift_right_logical3A_325 : vector<16xi32> to vector<16xi32>
      tpu.vector_store %arg10[%swap3A_326], %swap3A_329 {strides = array<i32>} : memref<80xi32, #tpu.memory_space<vmem>>, vector<16xi32>,
      "tpu.region"() ({
        %run_scoped3A = tpu.sem_alloc : memref<!tpu.dma_semaphore, #tpu.memory_space<semaphore_mem>>
        %dma_start3A_409 = arith.constant 0 : i32
        %dma_start3A_410 = arith.constant 0 : i32
        %dma_start3A_411 = tpu.memref_slice %arg14[%dma_start3A_409, %dma_start3A_410] : memref<10112x128xf32, #tpu.memory_space<vmem_shared>> -> memref<10112x128xf32, #tpu.memory_space<vmem_shared>>
        tpu.enqueue_indirect_dma source(%arg12 : memref<80x128xf32, #tpu.memory_space<vmem>>) target(%dma_start3A_411 : memref<10112x128xf32, #tpu.memory_space<vmem_shared>>) offsets(%arg10 : memref<80xi32, #tpu.memory_space<vmem>>) semaphore(%run_scoped3A : memref<!tpu.dma_semaphore, #tpu.memory_space<semaphore_mem>>) {add = true}
        %dma_wait3A_412 = arith.constant 0 : i32
        %dma_wait3A_413 = arith.constant 0 : i32
        %dma_wait3A_414 = tpu.memref_slice %arg14[%dma_wait3A_412, %dma_wait3A_413] : memref<10112x128xf32, #tpu.memory_space<vmem_shared>> -> memref<10112x128xf32, #tpu.memory_space<vmem_shared>>
        tpu.wait_indirect_dma semaphore(%run_scoped3A : memref<!tpu.dma_semaphore, #tpu.memory_space<semaphore_mem>>) src(%arg12 : memref<80x128xf32, #tpu.memory_space<vmem>>) dst(%dma_wait3A_414 : memref<10112x128xf32, #tpu.memory_space<vmem_shared>>)
        tpu.yield
      }) : () -> ()
      %add3A_330 = arith.constant 3 : i32
      %add3A_331 = arith.addi %add3A_268, %add3A_330 : i32
      %lt3A_332 = arith.constant 126 : i32
      %lt3A_333 = arith.cmpi slt, %add3A_331, %lt3A_332 : i32
      %convert_element_type3A_334 = arith.extui %lt3A_333 : i1 to i32
      %cond3A_335 = arith.constant 0 : i32
      %cond3A_336 = arith.cmpi ne, %convert_element_type3A_334, %cond3A_335 : i32
      scf.if %cond3A_336 {
        %add3A_409 = arith.constant 3 : i32
        %add3A_410 = arith.addi %add3A_268, %add3A_409 : i32
        %get3A_411 = arith.index_cast %add3A_410 : i32 to index
        %get3A_412 = arith.constant 0 : index
        %get3A_413 = tpu.vector_load %arg6[%get3A_411, %get3A_412] {strides = array<i32>} : memref<126x80xi32, #tpu.memory_space<vmem>>, vector<1x16xi32>,
        %get3A_414 = vector.shape_cast %get3A_413 : vector<1x16xi32> to vector<16xi32>
        %and3A_415 = arith.constant 16383 : i32
        %and3A_416 = vector.broadcast %and3A_415 : i32 to vector<16xi32>
        %and3A_417 = arith.andi %get3A_414, %and3A_416 : vector<16xi32>
        %swap3A_418 = arith.constant 0 : index
        %swap3A_419 = tpu.vector_load %arg8[%swap3A_418] {strides = array<i32>} : memref<80xi32, #tpu.memory_space<vmem>>, vector<16xi32>,
        %swap3A_420 = vector.shape_cast %swap3A_419 : vector<16xi32> to vector<16xi32>
        %swap3A_421 = vector.shape_cast %and3A_417 : vector<16xi32> to vector<16xi32>
        tpu.vector_store %arg8[%swap3A_418], %swap3A_421 {strides = array<i32>} : memref<80xi32, #tpu.memory_space<vmem>>, vector<16xi32>,
        %get3A_422 = arith.index_cast %add3A_410 : i32 to index
        %get3A_423 = arith.constant 16 : index
        %get3A_424 = tpu.vector_load %arg6[%get3A_422, %get3A_423] {strides = array<i32>} : memref<126x80xi32, #tpu.memory_space<vmem>>, vector<1x16xi32>,
        %get3A_425 = vector.shape_cast %get3A_424 : vector<1x16xi32> to vector<16xi32>
        %and3A_426 = arith.constant 16383 : i32
        %and3A_427 = vector.broadcast %and3A_426 : i32 to vector<16xi32>
        %and3A_428 = arith.andi %get3A_425, %and3A_427 : vector<16xi32>
        %swap3A_429 = arith.constant 16 : index
        %swap3A_430 = tpu.vector_load %arg8[%swap3A_429] {strides = array<i32>} : memref<80xi32, #tpu.memory_space<vmem>>, vector<16xi32>,
        %swap3A_431 = vector.shape_cast %swap3A_430 : vector<16xi32> to vector<16xi32>
        %swap3A_432 = vector.shape_cast %and3A_428 : vector<16xi32> to vector<16xi32>
        tpu.vector_store %arg8[%swap3A_429], %swap3A_432 {strides = array<i32>} : memref<80xi32, #tpu.memory_space<vmem>>, vector<16xi32>,
        %get3A_433 = arith.index_cast %add3A_410 : i32 to index
        %get3A_434 = arith.constant 32 : index
        %get3A_435 = tpu.vector_load %arg6[%get3A_433, %get3A_434] {strides = array<i32>} : memref<126x80xi32, #tpu.memory_space<vmem>>, vector<1x16xi32>,
        %get3A_436 = vector.shape_cast %get3A_435 : vector<1x16xi32> to vector<16xi32>
        %and3A_437 = arith.constant 16383 : i32
        %and3A_438 = vector.broadcast %and3A_437 : i32 to vector<16xi32>
        %and3A_439 = arith.andi %get3A_436, %and3A_438 : vector<16xi32>
        %swap3A_440 = arith.constant 32 : index
        %swap3A_441 = tpu.vector_load %arg8[%swap3A_440] {strides = array<i32>} : memref<80xi32, #tpu.memory_space<vmem>>, vector<16xi32>,
        %swap3A_442 = vector.shape_cast %swap3A_441 : vector<16xi32> to vector<16xi32>
        %swap3A_443 = vector.shape_cast %and3A_439 : vector<16xi32> to vector<16xi32>
        tpu.vector_store %arg8[%swap3A_440], %swap3A_443 {strides = array<i32>} : memref<80xi32, #tpu.memory_space<vmem>>, vector<16xi32>,
        %get3A_444 = arith.index_cast %add3A_410 : i32 to index
        %get3A_445 = arith.constant 48 : index
        %get3A_446 = tpu.vector_load %arg6[%get3A_444, %get3A_445] {strides = array<i32>} : memref<126x80xi32, #tpu.memory_space<vmem>>, vector<1x16xi32>,
        %get3A_447 = vector.shape_cast %get3A_446 : vector<1x16xi32> to vector<16xi32>
        %and3A_448 = arith.constant 16383 : i32
        %and3A_449 = vector.broadcast %and3A_448 : i32 to vector<16xi32>
        %and3A_450 = arith.andi %get3A_447, %and3A_449 : vector<16xi32>
        %swap3A_451 = arith.constant 48 : index
        %swap3A_452 = tpu.vector_load %arg8[%swap3A_451] {strides = array<i32>} : memref<80xi32, #tpu.memory_space<vmem>>, vector<16xi32>,
        %swap3A_453 = vector.shape_cast %swap3A_452 : vector<16xi32> to vector<16xi32>
        %swap3A_454 = vector.shape_cast %and3A_450 : vector<16xi32> to vector<16xi32>
        tpu.vector_store %arg8[%swap3A_451], %swap3A_454 {strides = array<i32>} : memref<80xi32, #tpu.memory_space<vmem>>, vector<16xi32>,
        %get3A_455 = arith.index_cast %add3A_410 : i32 to index
        %get3A_456 = arith.constant 64 : index
        %get3A_457 = tpu.vector_load %arg6[%get3A_455, %get3A_456] {strides = array<i32>} : memref<126x80xi32, #tpu.memory_space<vmem>>, vector<1x16xi32>,
        %get3A_458 = vector.shape_cast %get3A_457 : vector<1x16xi32> to vector<16xi32>
        %and3A_459 = arith.constant 16383 : i32
        %and3A_460 = vector.broadcast %and3A_459 : i32 to vector<16xi32>
        %and3A_461 = arith.andi %get3A_458, %and3A_460 : vector<16xi32>
        %swap3A_462 = arith.constant 64 : index
        %swap3A_463 = tpu.vector_load %arg8[%swap3A_462] {strides = array<i32>} : memref<80xi32, #tpu.memory_space<vmem>>, vector<16xi32>,
        %swap3A_464 = vector.shape_cast %swap3A_463 : vector<16xi32> to vector<16xi32>
        %swap3A_465 = vector.shape_cast %and3A_461 : vector<16xi32> to vector<16xi32>
        tpu.vector_store %arg8[%swap3A_462], %swap3A_465 {strides = array<i32>} : memref<80xi32, #tpu.memory_space<vmem>>, vector<16xi32>,
        %dma_start3A_466 = arith.constant 0 : i32
        %dma_start3A_467 = arith.constant 0 : i32
        %dma_start3A_468 = tpu.memref_slice %arg2[%dma_start3A_466, %dma_start3A_467] : memref<10112x128xf32, #tpu.memory_space<hbm>> -> memref<10112x128xf32, #tpu.memory_space<hbm>>
        tpu.enqueue_indirect_dma source(%dma_start3A_468 : memref<10112x128xf32, #tpu.memory_space<hbm>>) target(%arg12 : memref<80x128xf32, #tpu.memory_space<vmem>>) offsets(%arg8 : memref<80xi32, #tpu.memory_space<vmem>>) semaphore(%arg16 : memref<!tpu.dma_semaphore, #tpu.memory_space<semaphore_mem>>)
      } else {
      }
      %mul3A_337 = arith.constant 3 : i32
      %mul3A_338 = arith.muli %add3A_197, %mul3A_337 : i32
      %add3A_339 = arith.constant 2 : i32
      %add3A_340 = arith.addi %mul3A_338, %add3A_339 : i32
      %dma_wait3A_341 = arith.constant 0 : i32
      %dma_wait3A_342 = arith.constant 0 : i32
      %dma_wait3A_343 = tpu.memref_slice %arg2[%dma_wait3A_341, %dma_wait3A_342] : memref<10112x128xf32, #tpu.memory_space<hbm>> -> memref<80x128xf32, #tpu.memory_space<hbm>>
      %dma_wait3A_344 = arith.constant 0 : i32
      %dma_wait3A_345 = arith.constant 0 : i32
      %dma_wait3A_346 = tpu.memref_slice %arg2[%dma_wait3A_344, %dma_wait3A_345] : memref<10112x128xf32, #tpu.memory_space<hbm>> -> memref<80x128xf32, #tpu.memory_space<hbm>>
      tpu.wait_dma2 semaphore(%arg17 : memref<!tpu.dma_semaphore, #tpu.memory_space<semaphore_mem>>) src(%dma_wait3A_346 : memref<80x128xf32, #tpu.memory_space<hbm>>) dst(%arg13 : memref<80x128xf32, #tpu.memory_space<vmem>>)
      %get3A_347 = arith.index_cast %add3A_340 : i32 to index
      %get3A_348 = arith.constant 0 : index
      %get3A_349 = tpu.vector_load %arg6[%get3A_347, %get3A_348] {strides = array<i32>} : memref<126x80xi32, #tpu.memory_space<vmem>>, vector<1x16xi32>,
      %get3A_350 = vector.shape_cast %get3A_349 : vector<1x16xi32> to vector<16xi32>
      %shift_right_logical3A_351 = arith.constant 14 : i32
      %shift_right_logical3A_352 = vector.broadcast %shift_right_logical3A_351 : i32 to vector<16xi32>
      %shift_right_logical3A_353 = arith.shrui %get3A_350, %shift_right_logical3A_352 : vector<16xi32>
      %swap3A_354 = arith.constant 0 : index
      %swap3A_355 = tpu.vector_load %arg10[%swap3A_354] {strides = array<i32>} : memref<80xi32, #tpu.memory_space<vmem>>, vector<16xi32>,
      %swap3A_356 = vector.shape_cast %swap3A_355 : vector<16xi32> to vector<16xi32>
      %swap3A_357 = vector.shape_cast %shift_right_logical3A_353 : vector<16xi32> to vector<16xi32>
      tpu.vector_store %arg10[%swap3A_354], %swap3A_357 {strides = array<i32>} : memref<80xi32, #tpu.memory_space<vmem>>, vector<16xi32>,
      %get3A_358 = arith.index_cast %add3A_340 : i32 to index
      %get3A_359 = arith.constant 16 : index
      %get3A_360 = tpu.vector_load %arg6[%get3A_358, %get3A_359] {strides = array<i32>} : memref<126x80xi32, #tpu.memory_space<vmem>>, vector<1x16xi32>,
      %get3A_361 = vector.shape_cast %get3A_360 : vector<1x16xi32> to vector<16xi32>
      %shift_right_logical3A_362 = arith.constant 14 : i32
      %shift_right_logical3A_363 = vector.broadcast %shift_right_logical3A_362 : i32 to vector<16xi32>
      %shift_right_logical3A_364 = arith.shrui %get3A_361, %shift_right_logical3A_363 : vector<16xi32>
      %swap3A_365 = arith.constant 16 : index
      %swap3A_366 = tpu.vector_load %arg10[%swap3A_365] {strides = array<i32>} : memref<80xi32, #tpu.memory_space<vmem>>, vector<16xi32>,
      %swap3A_367 = vector.shape_cast %swap3A_366 : vector<16xi32> to vector<16xi32>
      %swap3A_368 = vector.shape_cast %shift_right_logical3A_364 : vector<16xi32> to vector<16xi32>
      tpu.vector_store %arg10[%swap3A_365], %swap3A_368 {strides = array<i32>} : memref<80xi32, #tpu.memory_space<vmem>>, vector<16xi32>,
      %get3A_369 = arith.index_cast %add3A_340 : i32 to index
      %get3A_370 = arith.constant 32 : index
      %get3A_371 = tpu.vector_load %arg6[%get3A_369, %get3A_370] {strides = array<i32>} : memref<126x80xi32, #tpu.memory_space<vmem>>, vector<1x16xi32>,
      %get3A_372 = vector.shape_cast %get3A_371 : vector<1x16xi32> to vector<16xi32>
      %shift_right_logical3A_373 = arith.constant 14 : i32
      %shift_right_logical3A_374 = vector.broadcast %shift_right_logical3A_373 : i32 to vector<16xi32>
      %shift_right_logical3A_375 = arith.shrui %get3A_372, %shift_right_logical3A_374 : vector<16xi32>
      %swap3A_376 = arith.constant 32 : index
      %swap3A_377 = tpu.vector_load %arg10[%swap3A_376] {strides = array<i32>} : memref<80xi32, #tpu.memory_space<vmem>>, vector<16xi32>,
      %swap3A_378 = vector.shape_cast %swap3A_377 : vector<16xi32> to vector<16xi32>
      %swap3A_379 = vector.shape_cast %shift_right_logical3A_375 : vector<16xi32> to vector<16xi32>
      tpu.vector_store %arg10[%swap3A_376], %swap3A_379 {strides = array<i32>} : memref<80xi32, #tpu.memory_space<vmem>>, vector<16xi32>,
      %get3A_380 = arith.index_cast %add3A_340 : i32 to index
      %get3A_381 = arith.constant 48 : index
      %get3A_382 = tpu.vector_load %arg6[%get3A_380, %get3A_381] {strides = array<i32>} : memref<126x80xi32, #tpu.memory_space<vmem>>, vector<1x16xi32>,
      %get3A_383 = vector.shape_cast %get3A_382 : vector<1x16xi32> to vector<16xi32>
      %shift_right_logical3A_384 = arith.constant 14 : i32
      %shift_right_logical3A_385 = vector.broadcast %shift_right_logical3A_384 : i32 to vector<16xi32>
      %shift_right_logical3A_386 = arith.shrui %get3A_383, %shift_right_logical3A_385 : vector<16xi32>
      %swap3A_387 = arith.constant 48 : index
      %swap3A_388 = tpu.vector_load %arg10[%swap3A_387] {strides = array<i32>} : memref<80xi32, #tpu.memory_space<vmem>>, vector<16xi32>,
      %swap3A_389 = vector.shape_cast %swap3A_388 : vector<16xi32> to vector<16xi32>
      %swap3A_390 = vector.shape_cast %shift_right_logical3A_386 : vector<16xi32> to vector<16xi32>
      tpu.vector_store %arg10[%swap3A_387], %swap3A_390 {strides = array<i32>} : memref<80xi32, #tpu.memory_space<vmem>>, vector<16xi32>,
      %get3A_391 = arith.index_cast %add3A_340 : i32 to index
      %get3A_392 = arith.constant 64 : index
      %get3A_393 = tpu.vector_load %arg6[%get3A_391, %get3A_392] {strides = array<i32>} : memref<126x80xi32, #tpu.memory_space<vmem>>, vector<1x16xi32>,
      %get3A_394 = vector.shape_cast %get3A_393 : vector<1x16xi32> to vector<16xi32>
      %shift_right_logical3A_395 = arith.constant 14 : i32
      %shift_right_logical3A_396 = vector.broadcast %shift_right_logical3A_395 : i32 to vector<16xi32>
      %shift_right_logical3A_397 = arith.shrui %get3A_394, %shift_right_logical3A_396 : vector<16xi32>
      %swap3A_398 = arith.constant 64 : index
      %swap3A_399 = tpu.vector_load %arg10[%swap3A_398] {strides = array<i32>} : memref<80xi32, #tpu.memory_space<vmem>>, vector<16xi32>,
      %swap3A_400 = vector.shape_cast %swap3A_399 : vector<16xi32> to vector<16xi32>
      %swap3A_401 = vector.shape_cast %shift_right_logical3A_397 : vector<16xi32> to vector<16xi32>
      tpu.vector_store %arg10[%swap3A_398], %swap3A_401 {strides = array<i32>} : memref<80xi32, #tpu.memory_space<vmem>>, vector<16xi32>,
      "tpu.region"() ({
        %run_scoped3A = tpu.sem_alloc : memref<!tpu.dma_semaphore, #tpu.memory_space<semaphore_mem>>
        %dma_start3A_409 = arith.constant 0 : i32
        %dma_start3A_410 = arith.constant 0 : i32
        %dma_start3A_411 = tpu.memref_slice %arg14[%dma_start3A_409, %dma_start3A_410] : memref<10112x128xf32, #tpu.memory_space<vmem_shared>> -> memref<10112x128xf32, #tpu.memory_space<vmem_shared>>
        tpu.enqueue_indirect_dma source(%arg13 : memref<80x128xf32, #tpu.memory_space<vmem>>) target(%dma_start3A_411 : memref<10112x128xf32, #tpu.memory_space<vmem_shared>>) offsets(%arg10 : memref<80xi32, #tpu.memory_space<vmem>>) semaphore(%run_scoped3A : memref<!tpu.dma_semaphore, #tpu.memory_space<semaphore_mem>>) {add = true}
        %dma_wait3A_412 = arith.constant 0 : i32
        %dma_wait3A_413 = arith.constant 0 : i32
        %dma_wait3A_414 = tpu.memref_slice %arg14[%dma_wait3A_412, %dma_wait3A_413] : memref<10112x128xf32, #tpu.memory_space<vmem_shared>> -> memref<10112x128xf32, #tpu.memory_space<vmem_shared>>
        tpu.wait_indirect_dma semaphore(%run_scoped3A : memref<!tpu.dma_semaphore, #tpu.memory_space<semaphore_mem>>) src(%arg13 : memref<80x128xf32, #tpu.memory_space<vmem>>) dst(%dma_wait3A_414 : memref<10112x128xf32, #tpu.memory_space<vmem_shared>>)
        tpu.yield
      }) : () -> ()
      %add3A_402 = arith.constant 3 : i32
      %add3A_403 = arith.addi %add3A_340, %add3A_402 : i32
      %lt3A_404 = arith.constant 126 : i32
      %lt3A_405 = arith.cmpi slt, %add3A_403, %lt3A_404 : i32
      %convert_element_type3A_406 = arith.extui %lt3A_405 : i1 to i32
      %cond3A_407 = arith.constant 0 : i32
      %cond3A_408 = arith.cmpi ne, %convert_element_type3A_406, %cond3A_407 : i32
      scf.if %cond3A_408 {
        %add3A_409 = arith.constant 3 : i32
        %add3A_410 = arith.addi %add3A_340, %add3A_409 : i32
        %get3A_411 = arith.index_cast %add3A_410 : i32 to index
        %get3A_412 = arith.constant 0 : index
        %get3A_413 = tpu.vector_load %arg6[%get3A_411, %get3A_412] {strides = array<i32>} : memref<126x80xi32, #tpu.memory_space<vmem>>, vector<1x16xi32>,
        %get3A_414 = vector.shape_cast %get3A_413 : vector<1x16xi32> to vector<16xi32>
        %and3A_415 = arith.constant 16383 : i32
        %and3A_416 = vector.broadcast %and3A_415 : i32 to vector<16xi32>
        %and3A_417 = arith.andi %get3A_414, %and3A_416 : vector<16xi32>
        %swap3A_418 = arith.constant 0 : index
        %swap3A_419 = tpu.vector_load %arg9[%swap3A_418] {strides = array<i32>} : memref<80xi32, #tpu.memory_space<vmem>>, vector<16xi32>,
        %swap3A_420 = vector.shape_cast %swap3A_419 : vector<16xi32> to vector<16xi32>
        %swap3A_421 = vector.shape_cast %and3A_417 : vector<16xi32> to vector<16xi32>
        tpu.vector_store %arg9[%swap3A_418], %swap3A_421 {strides = array<i32>} : memref<80xi32, #tpu.memory_space<vmem>>, vector<16xi32>,
        %get3A_422 = arith.index_cast %add3A_410 : i32 to index
        %get3A_423 = arith.constant 16 : index
        %get3A_424 = tpu.vector_load %arg6[%get3A_422, %get3A_423] {strides = array<i32>} : memref<126x80xi32, #tpu.memory_space<vmem>>, vector<1x16xi32>,
        %get3A_425 = vector.shape_cast %get3A_424 : vector<1x16xi32> to vector<16xi32>
        %and3A_426 = arith.constant 16383 : i32
        %and3A_427 = vector.broadcast %and3A_426 : i32 to vector<16xi32>
        %and3A_428 = arith.andi %get3A_425, %and3A_427 : vector<16xi32>
        %swap3A_429 = arith.constant 16 : index
        %swap3A_430 = tpu.vector_load %arg9[%swap3A_429] {strides = array<i32>} : memref<80xi32, #tpu.memory_space<vmem>>, vector<16xi32>,
        %swap3A_431 = vector.shape_cast %swap3A_430 : vector<16xi32> to vector<16xi32>
        %swap3A_432 = vector.shape_cast %and3A_428 : vector<16xi32> to vector<16xi32>
        tpu.vector_store %arg9[%swap3A_429], %swap3A_432 {strides = array<i32>} : memref<80xi32, #tpu.memory_space<vmem>>, vector<16xi32>,
        %get3A_433 = arith.index_cast %add3A_410 : i32 to index
        %get3A_434 = arith.constant 32 : index
        %get3A_435 = tpu.vector_load %arg6[%get3A_433, %get3A_434] {strides = array<i32>} : memref<126x80xi32, #tpu.memory_space<vmem>>, vector<1x16xi32>,
        %get3A_436 = vector.shape_cast %get3A_435 : vector<1x16xi32> to vector<16xi32>
        %and3A_437 = arith.constant 16383 : i32
        %and3A_438 = vector.broadcast %and3A_437 : i32 to vector<16xi32>
        %and3A_439 = arith.andi %get3A_436, %and3A_438 : vector<16xi32>
        %swap3A_440 = arith.constant 32 : index
        %swap3A_441 = tpu.vector_load %arg9[%swap3A_440] {strides = array<i32>} : memref<80xi32, #tpu.memory_space<vmem>>, vector<16xi32>,
        %swap3A_442 = vector.shape_cast %swap3A_441 : vector<16xi32> to vector<16xi32>
        %swap3A_443 = vector.shape_cast %and3A_439 : vector<16xi32> to vector<16xi32>
        tpu.vector_store %arg9[%swap3A_440], %swap3A_443 {strides = array<i32>} : memref<80xi32, #tpu.memory_space<vmem>>, vector<16xi32>,
        %get3A_444 = arith.index_cast %add3A_410 : i32 to index
        %get3A_445 = arith.constant 48 : index
        %get3A_446 = tpu.vector_load %arg6[%get3A_444, %get3A_445] {strides = array<i32>} : memref<126x80xi32, #tpu.memory_space<vmem>>, vector<1x16xi32>,
        %get3A_447 = vector.shape_cast %get3A_446 : vector<1x16xi32> to vector<16xi32>
        %and3A_448 = arith.constant 16383 : i32
        %and3A_449 = vector.broadcast %and3A_448 : i32 to vector<16xi32>
        %and3A_450 = arith.andi %get3A_447, %and3A_449 : vector<16xi32>
        %swap3A_451 = arith.constant 48 : index
        %swap3A_452 = tpu.vector_load %arg9[%swap3A_451] {strides = array<i32>} : memref<80xi32, #tpu.memory_space<vmem>>, vector<16xi32>,
        %swap3A_453 = vector.shape_cast %swap3A_452 : vector<16xi32> to vector<16xi32>
        %swap3A_454 = vector.shape_cast %and3A_450 : vector<16xi32> to vector<16xi32>
        tpu.vector_store %arg9[%swap3A_451], %swap3A_454 {strides = array<i32>} : memref<80xi32, #tpu.memory_space<vmem>>, vector<16xi32>,
        %get3A_455 = arith.index_cast %add3A_410 : i32 to index
        %get3A_456 = arith.constant 64 : index
        %get3A_457 = tpu.vector_load %arg6[%get3A_455, %get3A_456] {strides = array<i32>} : memref<126x80xi32, #tpu.memory_space<vmem>>, vector<1x16xi32>,
        %get3A_458 = vector.shape_cast %get3A_457 : vector<1x16xi32> to vector<16xi32>
        %and3A_459 = arith.constant 16383 : i32
        %and3A_460 = vector.broadcast %and3A_459 : i32 to vector<16xi32>
        %and3A_461 = arith.andi %get3A_458, %and3A_460 : vector<16xi32>
        %swap3A_462 = arith.constant 64 : index
        %swap3A_463 = tpu.vector_load %arg9[%swap3A_462] {strides = array<i32>} : memref<80xi32, #tpu.memory_space<vmem>>, vector<16xi32>,
        %swap3A_464 = vector.shape_cast %swap3A_463 : vector<16xi32> to vector<16xi32>
        %swap3A_465 = vector.shape_cast %and3A_461 : vector<16xi32> to vector<16xi32>
        tpu.vector_store %arg9[%swap3A_462], %swap3A_465 {strides = array<i32>} : memref<80xi32, #tpu.memory_space<vmem>>, vector<16xi32>,
        %dma_start3A_466 = arith.constant 0 : i32
        %dma_start3A_467 = arith.constant 0 : i32
        %dma_start3A_468 = tpu.memref_slice %arg2[%dma_start3A_466, %dma_start3A_467] : memref<10112x128xf32, #tpu.memory_space<hbm>> -> memref<10112x128xf32, #tpu.memory_space<hbm>>
        tpu.enqueue_indirect_dma source(%dma_start3A_468 : memref<10112x128xf32, #tpu.memory_space<hbm>>) target(%arg13 : memref<80x128xf32, #tpu.memory_space<vmem>>) offsets(%arg9 : memref<80xi32, #tpu.memory_space<vmem>>) semaphore(%arg17 : memref<!tpu.dma_semaphore, #tpu.memory_space<semaphore_mem>>)
      } else {
      }
    }
    %scan3A_191 = arith.constant 42 : i32
    %barrier3A_192 = arith.constant 0 : index
    tpu.barrier barrier_id(%barrier3A_192)
    "tpu.region"() ({
      %run_scoped3A = tpu.sem_alloc : memref<!tpu.dma_semaphore, #tpu.memory_space<semaphore_mem>>
      %dma_start3A_193 = arith.constant 0 : i32
      %dma_start3A_194 = arith.constant 0 : i32
      %dma_start3A_195 = tpu.memref_slice %arg5[%arg0, %dma_start3A_193, %dma_start3A_194] : memref<2x10112x128xf32, #tpu.memory_space<hbm>> -> memref<1x10112x128xf32, #tpu.memory_space<hbm>>
      %dma_start3A_196 = tpu.memref_squeeze %dma_start3A_195 : memref<1x10112x128xf32, #tpu.memory_space<hbm>> -> memref<10112x128xf32, #tpu.memory_space<hbm>>
      %dma_start3A_197 = arith.constant 0 : i32
      %dma_start3A_198 = tpu.memref_slice %dma_start3A_196[%mul3A_2, %dma_start3A_197] : memref<10112x128xf32, #tpu.memory_space<hbm>> -> memref<632x128xf32, #tpu.memory_space<hbm>>
      %dma_start3A_199 = arith.constant 0 : i32
      %dma_start3A_200 = tpu.memref_slice %arg14[%mul3A_2, %dma_start3A_199] : memref<10112x128xf32, #tpu.memory_space<vmem_shared>> -> memref<632x128xf32, #tpu.memory_space<vmem_shared>>
      tpu.enqueue_dma source(%dma_start3A_200 : memref<632x128xf32, #tpu.memory_space<vmem_shared>>) target(%dma_start3A_198 : memref<632x128xf32, #tpu.memory_space<hbm>>) target_semaphore(%run_scoped3A : memref<!tpu.dma_semaphore, #tpu.memory_space<semaphore_mem>>)
      %dma_wait3A = arith.constant 0 : i32
      %dma_wait3A_201 = arith.constant 0 : i32
      %dma_wait3A_202 = tpu.memref_slice %arg5[%arg0, %dma_wait3A, %dma_wait3A_201] : memref<2x10112x128xf32, #tpu.memory_space<hbm>> -> memref<1x10112x128xf32, #tpu.memory_space<hbm>>
      %dma_wait3A_203 = tpu.memref_squeeze %dma_wait3A_202 : memref<1x10112x128xf32, #tpu.memory_space<hbm>> -> memref<10112x128xf32, #tpu.memory_space<hbm>>
      %dma_wait3A_204 = arith.constant 0 : i32
      %dma_wait3A_205 = tpu.memref_slice %dma_wait3A_203[%mul3A_2, %dma_wait3A_204] : memref<10112x128xf32, #tpu.memory_space<hbm>> -> memref<632x128xf32, #tpu.memory_space<hbm>>
      %dma_wait3A_206 = arith.constant 0 : i32
      %dma_wait3A_207 = tpu.memref_slice %arg14[%mul3A_2, %dma_wait3A_206] : memref<10112x128xf32, #tpu.memory_space<vmem_shared>> -> memref<632x128xf32, #tpu.memory_space<vmem_shared>>
      tpu.wait_dma2 semaphore(%run_scoped3A : memref<!tpu.dma_semaphore, #tpu.memory_space<semaphore_mem>>) src(%dma_wait3A_207 : memref<632x128xf32, #tpu.memory_space<vmem_shared>>) dst(%dma_wait3A_205 : memref<632x128xf32, #tpu.memory_space<hbm>>)
      tpu.yield
    }) : () -> ()
    return
  }
}

#map = affine_map<(d0, d1) -> (0, 0)>
#map1 = affine_map<(d0, d1) -> (0, 0, 0)>
module attributes {stable_mosaic.version = 14 : i64} {
  func.func @agg_kernel(%arg0: i32, %arg1: i32, %arg2: memref<10112x128xf32, #tpu.memory_space<hbm>>, %arg3: memref<32x126x80xi32, #tpu.memory_space<hbm>>, %arg4: memref<10112x128xf32, #tpu.memory_space<hbm>>, %arg5: memref<2x10112x128xf32, #tpu.memory_space<hbm>>, %arg6: memref<126x80xi32, #tpu.memory_space<vmem>>, %arg7: memref<80xi32, #tpu.memory_space<vmem>>, %arg8: memref<80xi32, #tpu.memory_space<vmem>>, %arg9: memref<80xi32, #tpu.memory_space<vmem>>, %arg10: memref<80xi32, #tpu.memory_space<vmem>>, %arg11: memref<80x128xf32, #tpu.memory_space<vmem>>, %arg12: memref<80x128xf32, #tpu.memory_space<vmem>>, %arg13: memref<80x128xf32, #tpu.memory_space<vmem>>, %arg14: memref<10112x128xf32, #tpu.memory_space<vmem_shared>>, %arg15: memref<!tpu.dma_semaphore, #tpu.memory_space<semaphore_mem>>, %arg16: memref<!tpu.dma_semaphore, #tpu.memory_space<semaphore_mem>>, %arg17: memref<!tpu.dma_semaphore, #tpu.memory_space<semaphore_mem>>) attributes {dimension_semantics = [#tpu.dimension_semantics<core_parallel>, #tpu.dimension_semantics<subcore_parallel>], iteration_bounds = array<i64: 2, 16>, scalar_prefetch = 0 : i64, scratch_operands = 12 : i64, tpu.core_type = #tpu.core_type<sc_vector_subcore>, window_params = [{transform_indices = #map}, {transform_indices = #map1}, {transform_indices = #map}, {transform_indices = #map1}]} {
    %mul3A = arith.constant 16 : i32
    %mul3A_0 = arith.muli %arg0, %mul3A : i32
    %add3A = arith.addi %mul3A_0, %arg1 : i32
    %mul3A_1 = arith.constant 632 : i32
    %mul3A_2 = arith.muli %arg1, %mul3A_1 : i32
    "tpu.region"() ({
      %run_scoped3A = tpu.sem_alloc : memref<!tpu.dma_semaphore, #tpu.memory_space<semaphore_mem>>
      %dma_start3A_193 = arith.constant 0 : i32
      %dma_start3A_194 = arith.constant 0 : i32
      %dma_start3A_195 = tpu.memref_slice %arg3[%add3A, %dma_start3A_193, %dma_start3A_194] : memref<32x126x80xi32, #tpu.memory_space<hbm>> -> memref<1x126x80xi32, #tpu.memory_space<hbm>>
      %dma_start3A_196 = tpu.memref_squeeze %dma_start3A_195 : memref<1x126x80xi32, #tpu.memory_space<hbm>> -> memref<126x80xi32, #tpu.memory_space<hbm>>
      %dma_start3A_197 = arith.constant 0 : i32
      %dma_start3A_198 = arith.constant 0 : i32
      %dma_start3A_199 = tpu.memref_slice %arg3[%add3A, %dma_start3A_197, %dma_start3A_198] : memref<32x126x80xi32, #tpu.memory_space<hbm>> -> memref<1x126x80xi32, #tpu.memory_space<hbm>>
      %dma_start3A_200 = tpu.memref_squeeze %dma_start3A_199 : memref<1x126x80xi32, #tpu.memory_space<hbm>> -> memref<126x80xi32, #tpu.memory_space<hbm>>
      tpu.enqueue_dma source(%dma_start3A_200 : memref<126x80xi32, #tpu.memory_space<hbm>>) target(%arg6 : memref<126x80xi32, #tpu.memory_space<vmem>>) target_semaphore(%run_scoped3A : memref<!tpu.dma_semaphore, #tpu.memory_space<semaphore_mem>>)
      %dma_wait3A = arith.constant 0 : i32
      %dma_wait3A_201 = arith.constant 0 : i32
      %dma_wait3A_202 = tpu.memref_slice %arg3[%add3A, %dma_wait3A, %dma_wait3A_201] : memref<32x126x80xi32, #tpu.memory_space<hbm>> -> memref<1x126x80xi32, #tpu.memory_space<hbm>>
      %dma_wait3A_203 = tpu.memref_squeeze %dma_wait3A_202 : memref<1x126x80xi32, #tpu.memory_space<hbm>> -> memref<126x80xi32, #tpu.memory_space<hbm>>
      %dma_wait3A_204 = arith.constant 0 : i32
      %dma_wait3A_205 = arith.constant 0 : i32
      %dma_wait3A_206 = tpu.memref_slice %arg3[%add3A, %dma_wait3A_204, %dma_wait3A_205] : memref<32x126x80xi32, #tpu.memory_space<hbm>> -> memref<1x126x80xi32, #tpu.memory_space<hbm>>
      %dma_wait3A_207 = tpu.memref_squeeze %dma_wait3A_206 : memref<1x126x80xi32, #tpu.memory_space<hbm>> -> memref<126x80xi32, #tpu.memory_space<hbm>>
      tpu.wait_dma2 semaphore(%run_scoped3A : memref<!tpu.dma_semaphore, #tpu.memory_space<semaphore_mem>>) src(%dma_wait3A_207 : memref<126x80xi32, #tpu.memory_space<hbm>>) dst(%arg6 : memref<126x80xi32, #tpu.memory_space<vmem>>)
      tpu.yield
    }) : () -> ()
    %get3A = arith.constant 0 : i32
    %get3A_3 = arith.index_cast %get3A : i32 to index
    %get3A_4 = arith.constant 0 : index
    %get3A_5 = tpu.vector_load %arg6[%get3A_3, %get3A_4] {strides = array<i32>} : memref<126x80xi32, #tpu.memory_space<vmem>>, vector<1x16xi32>,
    %get3A_6 = vector.shape_cast %get3A_5 : vector<1x16xi32> to vector<16xi32>
    %and3A = arith.constant 16383 : i32
    %and3A_7 = vector.broadcast %and3A : i32 to vector<16xi32>
    %and3A_8 = arith.andi %get3A_6, %and3A_7 : vector<16xi32>
    %swap3A = arith.constant 0 : index
    %swap3A_9 = tpu.vector_load %arg7[%swap3A] {strides = array<i32>} : memref<80xi32, #tpu.memory_space<vmem>>, vector<16xi32>,
    %swap3A_10 = vector.shape_cast %swap3A_9 : vector<16xi32> to vector<16xi32>
    %swap3A_11 = vector.shape_cast %and3A_8 : vector<16xi32> to vector<16xi32>
    tpu.vector_store %arg7[%swap3A], %swap3A_11 {strides = array<i32>} : memref<80xi32, #tpu.memory_space<vmem>>, vector<16xi32>,
    %get3A_12 = arith.constant 0 : i32
    %get3A_13 = arith.index_cast %get3A_12 : i32 to index
    %get3A_14 = arith.constant 16 : index
    %get3A_15 = tpu.vector_load %arg6[%get3A_13, %get3A_14] {strides = array<i32>} : memref<126x80xi32, #tpu.memory_space<vmem>>, vector<1x16xi32>,
    %get3A_16 = vector.shape_cast %get3A_15 : vector<1x16xi32> to vector<16xi32>
    %and3A_17 = arith.constant 16383 : i32
    %and3A_18 = vector.broadcast %and3A_17 : i32 to vector<16xi32>
    %and3A_19 = arith.andi %get3A_16, %and3A_18 : vector<16xi32>
    %swap3A_20 = arith.constant 16 : index
    %swap3A_21 = tpu.vector_load %arg7[%swap3A_20] {strides = array<i32>} : memref<80xi32, #tpu.memory_space<vmem>>, vector<16xi32>,
    %swap3A_22 = vector.shape_cast %swap3A_21 : vector<16xi32> to vector<16xi32>
    %swap3A_23 = vector.shape_cast %and3A_19 : vector<16xi32> to vector<16xi32>
    tpu.vector_store %arg7[%swap3A_20], %swap3A_23 {strides = array<i32>} : memref<80xi32, #tpu.memory_space<vmem>>, vector<16xi32>,
    %get3A_24 = arith.constant 0 : i32
    %get3A_25 = arith.index_cast %get3A_24 : i32 to index
    %get3A_26 = arith.constant 32 : index
    %get3A_27 = tpu.vector_load %arg6[%get3A_25, %get3A_26] {strides = array<i32>} : memref<126x80xi32, #tpu.memory_space<vmem>>, vector<1x16xi32>,
    %get3A_28 = vector.shape_cast %get3A_27 : vector<1x16xi32> to vector<16xi32>
    %and3A_29 = arith.constant 16383 : i32
    %and3A_30 = vector.broadcast %and3A_29 : i32 to vector<16xi32>
    %and3A_31 = arith.andi %get3A_28, %and3A_30 : vector<16xi32>
    %swap3A_32 = arith.constant 32 : index
    %swap3A_33 = tpu.vector_load %arg7[%swap3A_32] {strides = array<i32>} : memref<80xi32, #tpu.memory_space<vmem>>, vector<16xi32>,
    %swap3A_34 = vector.shape_cast %swap3A_33 : vector<16xi32> to vector<16xi32>
    %swap3A_35 = vector.shape_cast %and3A_31 : vector<16xi32> to vector<16xi32>
    tpu.vector_store %arg7[%swap3A_32], %swap3A_35 {strides = array<i32>} : memref<80xi32, #tpu.memory_space<vmem>>, vector<16xi32>,
    %get3A_36 = arith.constant 0 : i32
    %get3A_37 = arith.index_cast %get3A_36 : i32 to index
    %get3A_38 = arith.constant 48 : index
    %get3A_39 = tpu.vector_load %arg6[%get3A_37, %get3A_38] {strides = array<i32>} : memref<126x80xi32, #tpu.memory_space<vmem>>, vector<1x16xi32>,
    %get3A_40 = vector.shape_cast %get3A_39 : vector<1x16xi32> to vector<16xi32>
    %and3A_41 = arith.constant 16383 : i32
    %and3A_42 = vector.broadcast %and3A_41 : i32 to vector<16xi32>
    %and3A_43 = arith.andi %get3A_40, %and3A_42 : vector<16xi32>
    %swap3A_44 = arith.constant 48 : index
    %swap3A_45 = tpu.vector_load %arg7[%swap3A_44] {strides = array<i32>} : memref<80xi32, #tpu.memory_space<vmem>>, vector<16xi32>,
    %swap3A_46 = vector.shape_cast %swap3A_45 : vector<16xi32> to vector<16xi32>
    %swap3A_47 = vector.shape_cast %and3A_43 : vector<16xi32> to vector<16xi32>
    tpu.vector_store %arg7[%swap3A_44], %swap3A_47 {strides = array<i32>} : memref<80xi32, #tpu.memory_space<vmem>>, vector<16xi32>,
    %get3A_48 = arith.constant 0 : i32
    %get3A_49 = arith.index_cast %get3A_48 : i32 to index
    %get3A_50 = arith.constant 64 : index
    %get3A_51 = tpu.vector_load %arg6[%get3A_49, %get3A_50] {strides = array<i32>} : memref<126x80xi32, #tpu.memory_space<vmem>>, vector<1x16xi32>,
    %get3A_52 = vector.shape_cast %get3A_51 : vector<1x16xi32> to vector<16xi32>
    %and3A_53 = arith.constant 16383 : i32
    %and3A_54 = vector.broadcast %and3A_53 : i32 to vector<16xi32>
    %and3A_55 = arith.andi %get3A_52, %and3A_54 : vector<16xi32>
    %swap3A_56 = arith.constant 64 : index
    %swap3A_57 = tpu.vector_load %arg7[%swap3A_56] {strides = array<i32>} : memref<80xi32, #tpu.memory_space<vmem>>, vector<16xi32>,
    %swap3A_58 = vector.shape_cast %swap3A_57 : vector<16xi32> to vector<16xi32>
    %swap3A_59 = vector.shape_cast %and3A_55 : vector<16xi32> to vector<16xi32>
    tpu.vector_store %arg7[%swap3A_56], %swap3A_59 {strides = array<i32>} : memref<80xi32, #tpu.memory_space<vmem>>, vector<16xi32>,
    %dma_start3A = arith.constant 0 : i32
    %dma_start3A_60 = arith.constant 0 : i32
    %dma_start3A_61 = tpu.memref_slice %arg2[%dma_start3A, %dma_start3A_60] : memref<10112x128xf32, #tpu.memory_space<hbm>> -> memref<10112x128xf32, #tpu.memory_space<hbm>>
    tpu.enqueue_indirect_dma source(%dma_start3A_61 : memref<10112x128xf32, #tpu.memory_space<hbm>>) target(%arg11 : memref<80x128xf32, #tpu.memory_space<vmem>>) offsets(%arg7 : memref<80xi32, #tpu.memory_space<vmem>>) semaphore(%arg15 : memref<!tpu.dma_semaphore, #tpu.memory_space<semaphore_mem>>)
    %get3A_62 = arith.constant 1 : i32
    %get3A_63 = arith.index_cast %get3A_62 : i32 to index
    %get3A_64 = arith.constant 0 : index
    %get3A_65 = tpu.vector_load %arg6[%get3A_63, %get3A_64] {strides = array<i32>} : memref<126x80xi32, #tpu.memory_space<vmem>>, vector<1x16xi32>,
    %get3A_66 = vector.shape_cast %get3A_65 : vector<1x16xi32> to vector<16xi32>
    %and3A_67 = arith.constant 16383 : i32
    %and3A_68 = vector.broadcast %and3A_67 : i32 to vector<16xi32>
    %and3A_69 = arith.andi %get3A_66, %and3A_68 : vector<16xi32>
    %swap3A_70 = arith.constant 0 : index
    %swap3A_71 = tpu.vector_load %arg8[%swap3A_70] {strides = array<i32>} : memref<80xi32, #tpu.memory_space<vmem>>, vector<16xi32>,
    %swap3A_72 = vector.shape_cast %swap3A_71 : vector<16xi32> to vector<16xi32>
    %swap3A_73 = vector.shape_cast %and3A_69 : vector<16xi32> to vector<16xi32>
    tpu.vector_store %arg8[%swap3A_70], %swap3A_73 {strides = array<i32>} : memref<80xi32, #tpu.memory_space<vmem>>, vector<16xi32>,
    %get3A_74 = arith.constant 1 : i32
    %get3A_75 = arith.index_cast %get3A_74 : i32 to index
    %get3A_76 = arith.constant 16 : index
    %get3A_77 = tpu.vector_load %arg6[%get3A_75, %get3A_76] {strides = array<i32>} : memref<126x80xi32, #tpu.memory_space<vmem>>, vector<1x16xi32>,
    %get3A_78 = vector.shape_cast %get3A_77 : vector<1x16xi32> to vector<16xi32>
    %and3A_79 = arith.constant 16383 : i32
    %and3A_80 = vector.broadcast %and3A_79 : i32 to vector<16xi32>
    %and3A_81 = arith.andi %get3A_78, %and3A_80 : vector<16xi32>
    %swap3A_82 = arith.constant 16 : index
    %swap3A_83 = tpu.vector_load %arg8[%swap3A_82] {strides = array<i32>} : memref<80xi32, #tpu.memory_space<vmem>>, vector<16xi32>,
    %swap3A_84 = vector.shape_cast %swap3A_83 : vector<16xi32> to vector<16xi32>
    %swap3A_85 = vector.shape_cast %and3A_81 : vector<16xi32> to vector<16xi32>
    tpu.vector_store %arg8[%swap3A_82], %swap3A_85 {strides = array<i32>} : memref<80xi32, #tpu.memory_space<vmem>>, vector<16xi32>,
    %get3A_86 = arith.constant 1 : i32
    %get3A_87 = arith.index_cast %get3A_86 : i32 to index
    %get3A_88 = arith.constant 32 : index
    %get3A_89 = tpu.vector_load %arg6[%get3A_87, %get3A_88] {strides = array<i32>} : memref<126x80xi32, #tpu.memory_space<vmem>>, vector<1x16xi32>,
    %get3A_90 = vector.shape_cast %get3A_89 : vector<1x16xi32> to vector<16xi32>
    %and3A_91 = arith.constant 16383 : i32
    %and3A_92 = vector.broadcast %and3A_91 : i32 to vector<16xi32>
    %and3A_93 = arith.andi %get3A_90, %and3A_92 : vector<16xi32>
    %swap3A_94 = arith.constant 32 : index
    %swap3A_95 = tpu.vector_load %arg8[%swap3A_94] {strides = array<i32>} : memref<80xi32, #tpu.memory_space<vmem>>, vector<16xi32>,
    %swap3A_96 = vector.shape_cast %swap3A_95 : vector<16xi32> to vector<16xi32>
    %swap3A_97 = vector.shape_cast %and3A_93 : vector<16xi32> to vector<16xi32>
    tpu.vector_store %arg8[%swap3A_94], %swap3A_97 {strides = array<i32>} : memref<80xi32, #tpu.memory_space<vmem>>, vector<16xi32>,
    %get3A_98 = arith.constant 1 : i32
    %get3A_99 = arith.index_cast %get3A_98 : i32 to index
    %get3A_100 = arith.constant 48 : index
    %get3A_101 = tpu.vector_load %arg6[%get3A_99, %get3A_100] {strides = array<i32>} : memref<126x80xi32, #tpu.memory_space<vmem>>, vector<1x16xi32>,
    %get3A_102 = vector.shape_cast %get3A_101 : vector<1x16xi32> to vector<16xi32>
    %and3A_103 = arith.constant 16383 : i32
    %and3A_104 = vector.broadcast %and3A_103 : i32 to vector<16xi32>
    %and3A_105 = arith.andi %get3A_102, %and3A_104 : vector<16xi32>
    %swap3A_106 = arith.constant 48 : index
    %swap3A_107 = tpu.vector_load %arg8[%swap3A_106] {strides = array<i32>} : memref<80xi32, #tpu.memory_space<vmem>>, vector<16xi32>,
    %swap3A_108 = vector.shape_cast %swap3A_107 : vector<16xi32> to vector<16xi32>
    %swap3A_109 = vector.shape_cast %and3A_105 : vector<16xi32> to vector<16xi32>
    tpu.vector_store %arg8[%swap3A_106], %swap3A_109 {strides = array<i32>} : memref<80xi32, #tpu.memory_space<vmem>>, vector<16xi32>,
    %get3A_110 = arith.constant 1 : i32
    %get3A_111 = arith.index_cast %get3A_110 : i32 to index
    %get3A_112 = arith.constant 64 : index
    %get3A_113 = tpu.vector_load %arg6[%get3A_111, %get3A_112] {strides = array<i32>} : memref<126x80xi32, #tpu.memory_space<vmem>>, vector<1x16xi32>,
    %get3A_114 = vector.shape_cast %get3A_113 : vector<1x16xi32> to vector<16xi32>
    %and3A_115 = arith.constant 16383 : i32
    %and3A_116 = vector.broadcast %and3A_115 : i32 to vector<16xi32>
    %and3A_117 = arith.andi %get3A_114, %and3A_116 : vector<16xi32>
    %swap3A_118 = arith.constant 64 : index
    %swap3A_119 = tpu.vector_load %arg8[%swap3A_118] {strides = array<i32>} : memref<80xi32, #tpu.memory_space<vmem>>, vector<16xi32>,
    %swap3A_120 = vector.shape_cast %swap3A_119 : vector<16xi32> to vector<16xi32>
    %swap3A_121 = vector.shape_cast %and3A_117 : vector<16xi32> to vector<16xi32>
    tpu.vector_store %arg8[%swap3A_118], %swap3A_121 {strides = array<i32>} : memref<80xi32, #tpu.memory_space<vmem>>, vector<16xi32>,
    %dma_start3A_122 = arith.constant 0 : i32
    %dma_start3A_123 = arith.constant 0 : i32
    %dma_start3A_124 = tpu.memref_slice %arg2[%dma_start3A_122, %dma_start3A_123] : memref<10112x128xf32, #tpu.memory_space<hbm>> -> memref<10112x128xf32, #tpu.memory_space<hbm>>
    tpu.enqueue_indirect_dma source(%dma_start3A_124 : memref<10112x128xf32, #tpu.memory_space<hbm>>) target(%arg12 : memref<80x128xf32, #tpu.memory_space<vmem>>) offsets(%arg8 : memref<80xi32, #tpu.memory_space<vmem>>) semaphore(%arg16 : memref<!tpu.dma_semaphore, #tpu.memory_space<semaphore_mem>>)
    %get3A_125 = arith.constant 2 : i32
    %get3A_126 = arith.index_cast %get3A_125 : i32 to index
    %get3A_127 = arith.constant 0 : index
    %get3A_128 = tpu.vector_load %arg6[%get3A_126, %get3A_127] {strides = array<i32>} : memref<126x80xi32, #tpu.memory_space<vmem>>, vector<1x16xi32>,
    %get3A_129 = vector.shape_cast %get3A_128 : vector<1x16xi32> to vector<16xi32>
    %and3A_130 = arith.constant 16383 : i32
    %and3A_131 = vector.broadcast %and3A_130 : i32 to vector<16xi32>
    %and3A_132 = arith.andi %get3A_129, %and3A_131 : vector<16xi32>
    %swap3A_133 = arith.constant 0 : index
    %swap3A_134 = tpu.vector_load %arg9[%swap3A_133] {strides = array<i32>} : memref<80xi32, #tpu.memory_space<vmem>>, vector<16xi32>,
    %swap3A_135 = vector.shape_cast %swap3A_134 : vector<16xi32> to vector<16xi32>
    %swap3A_136 = vector.shape_cast %and3A_132 : vector<16xi32> to vector<16xi32>
    tpu.vector_store %arg9[%swap3A_133], %swap3A_136 {strides = array<i32>} : memref<80xi32, #tpu.memory_space<vmem>>, vector<16xi32>,
    %get3A_137 = arith.constant 2 : i32
    %get3A_138 = arith.index_cast %get3A_137 : i32 to index
    %get3A_139 = arith.constant 16 : index
    %get3A_140 = tpu.vector_load %arg6[%get3A_138, %get3A_139] {strides = array<i32>} : memref<126x80xi32, #tpu.memory_space<vmem>>, vector<1x16xi32>,
    %get3A_141 = vector.shape_cast %get3A_140 : vector<1x16xi32> to vector<16xi32>
    %and3A_142 = arith.constant 16383 : i32
    %and3A_143 = vector.broadcast %and3A_142 : i32 to vector<16xi32>
    %and3A_144 = arith.andi %get3A_141, %and3A_143 : vector<16xi32>
    %swap3A_145 = arith.constant 16 : index
    %swap3A_146 = tpu.vector_load %arg9[%swap3A_145] {strides = array<i32>} : memref<80xi32, #tpu.memory_space<vmem>>, vector<16xi32>,
    %swap3A_147 = vector.shape_cast %swap3A_146 : vector<16xi32> to vector<16xi32>
    %swap3A_148 = vector.shape_cast %and3A_144 : vector<16xi32> to vector<16xi32>
    tpu.vector_store %arg9[%swap3A_145], %swap3A_148 {strides = array<i32>} : memref<80xi32, #tpu.memory_space<vmem>>, vector<16xi32>,
    %get3A_149 = arith.constant 2 : i32
    %get3A_150 = arith.index_cast %get3A_149 : i32 to index
    %get3A_151 = arith.constant 32 : index
    %get3A_152 = tpu.vector_load %arg6[%get3A_150, %get3A_151] {strides = array<i32>} : memref<126x80xi32, #tpu.memory_space<vmem>>, vector<1x16xi32>,
    %get3A_153 = vector.shape_cast %get3A_152 : vector<1x16xi32> to vector<16xi32>
    %and3A_154 = arith.constant 16383 : i32
    %and3A_155 = vector.broadcast %and3A_154 : i32 to vector<16xi32>
    %and3A_156 = arith.andi %get3A_153, %and3A_155 : vector<16xi32>
    %swap3A_157 = arith.constant 32 : index
    %swap3A_158 = tpu.vector_load %arg9[%swap3A_157] {strides = array<i32>} : memref<80xi32, #tpu.memory_space<vmem>>, vector<16xi32>,
    %swap3A_159 = vector.shape_cast %swap3A_158 : vector<16xi32> to vector<16xi32>
    %swap3A_160 = vector.shape_cast %and3A_156 : vector<16xi32> to vector<16xi32>
    tpu.vector_store %arg9[%swap3A_157], %swap3A_160 {strides = array<i32>} : memref<80xi32, #tpu.memory_space<vmem>>, vector<16xi32>,
    %get3A_161 = arith.constant 2 : i32
    %get3A_162 = arith.index_cast %get3A_161 : i32 to index
    %get3A_163 = arith.constant 48 : index
    %get3A_164 = tpu.vector_load %arg6[%get3A_162, %get3A_163] {strides = array<i32>} : memref<126x80xi32, #tpu.memory_space<vmem>>, vector<1x16xi32>,
    %get3A_165 = vector.shape_cast %get3A_164 : vector<1x16xi32> to vector<16xi32>
    %and3A_166 = arith.constant 16383 : i32
    %and3A_167 = vector.broadcast %and3A_166 : i32 to vector<16xi32>
    %and3A_168 = arith.andi %get3A_165, %and3A_167 : vector<16xi32>
    %swap3A_169 = arith.constant 48 : index
    %swap3A_170 = tpu.vector_load %arg9[%swap3A_169] {strides = array<i32>} : memref<80xi32, #tpu.memory_space<vmem>>, vector<16xi32>,
    %swap3A_171 = vector.shape_cast %swap3A_170 : vector<16xi32> to vector<16xi32>
    %swap3A_172 = vector.shape_cast %and3A_168 : vector<16xi32> to vector<16xi32>
    tpu.vector_store %arg9[%swap3A_169], %swap3A_172 {strides = array<i32>} : memref<80xi32, #tpu.memory_space<vmem>>, vector<16xi32>,
    %get3A_173 = arith.constant 2 : i32
    %get3A_174 = arith.index_cast %get3A_173 : i32 to index
    %get3A_175 = arith.constant 64 : index
    %get3A_176 = tpu.vector_load %arg6[%get3A_174, %get3A_175] {strides = array<i32>} : memref<126x80xi32, #tpu.memory_space<vmem>>, vector<1x16xi32>,
    %get3A_177 = vector.shape_cast %get3A_176 : vector<1x16xi32> to vector<16xi32>
    %and3A_178 = arith.constant 16383 : i32
    %and3A_179 = vector.broadcast %and3A_178 : i32 to vector<16xi32>
    %and3A_180 = arith.andi %get3A_177, %and3A_179 : vector<16xi32>
    %swap3A_181 = arith.constant 64 : index
    %swap3A_182 = tpu.vector_load %arg9[%swap3A_181] {strides = array<i32>} : memref<80xi32, #tpu.memory_space<vmem>>, vector<16xi32>,
    %swap3A_183 = vector.shape_cast %swap3A_182 : vector<16xi32> to vector<16xi32>
    %swap3A_184 = vector.shape_cast %and3A_180 : vector<16xi32> to vector<16xi32>
    tpu.vector_store %arg9[%swap3A_181], %swap3A_184 {strides = array<i32>} : memref<80xi32, #tpu.memory_space<vmem>>, vector<16xi32>,
    %dma_start3A_185 = arith.constant 0 : i32
    %dma_start3A_186 = arith.constant 0 : i32
    %dma_start3A_187 = tpu.memref_slice %arg2[%dma_start3A_185, %dma_start3A_186] : memref<10112x128xf32, #tpu.memory_space<hbm>> -> memref<10112x128xf32, #tpu.memory_space<hbm>>
    tpu.enqueue_indirect_dma source(%dma_start3A_187 : memref<10112x128xf32, #tpu.memory_space<hbm>>) target(%arg13 : memref<80x128xf32, #tpu.memory_space<vmem>>) offsets(%arg9 : memref<80xi32, #tpu.memory_space<vmem>>) semaphore(%arg17 : memref<!tpu.dma_semaphore, #tpu.memory_space<semaphore_mem>>)
    "tpu.region"() ({
      %run_scoped3A = tpu.sem_alloc : memref<!tpu.dma_semaphore, #tpu.memory_space<semaphore_mem>>
      %dma_start3A_193 = arith.constant 0 : i32
      %dma_start3A_194 = tpu.memref_slice %arg14[%mul3A_2, %dma_start3A_193] : memref<10112x128xf32, #tpu.memory_space<vmem_shared>> -> memref<632x128xf32, #tpu.memory_space<vmem_shared>>
      %dma_start3A_195 = arith.constant 0 : i32
      %dma_start3A_196 = tpu.memref_slice %arg4[%mul3A_2, %dma_start3A_195] : memref<10112x128xf32, #tpu.memory_space<hbm>> -> memref<632x128xf32, #tpu.memory_space<hbm>>
      tpu.enqueue_dma source(%dma_start3A_196 : memref<632x128xf32, #tpu.memory_space<hbm>>) target(%dma_start3A_194 : memref<632x128xf32, #tpu.memory_space<vmem_shared>>) target_semaphore(%run_scoped3A : memref<!tpu.dma_semaphore, #tpu.memory_space<semaphore_mem>>)
      %dma_wait3A = arith.constant 0 : i32
      %dma_wait3A_197 = tpu.memref_slice %arg14[%mul3A_2, %dma_wait3A] : memref<10112x128xf32, #tpu.memory_space<vmem_shared>> -> memref<632x128xf32, #tpu.memory_space<vmem_shared>>
      %dma_wait3A_198 = arith.constant 0 : i32
      %dma_wait3A_199 = tpu.memref_slice %arg4[%mul3A_2, %dma_wait3A_198] : memref<10112x128xf32, #tpu.memory_space<hbm>> -> memref<632x128xf32, #tpu.memory_space<hbm>>
      tpu.wait_dma2 semaphore(%run_scoped3A : memref<!tpu.dma_semaphore, #tpu.memory_space<semaphore_mem>>) src(%dma_wait3A_199 : memref<632x128xf32, #tpu.memory_space<hbm>>) dst(%dma_wait3A_197 : memref<632x128xf32, #tpu.memory_space<vmem_shared>>)
      tpu.yield
    }) : () -> ()
    %barrier3A = arith.constant 0 : index
    tpu.barrier barrier_id(%barrier3A)
    %scan3A = arith.constant 0 : i32
    %scan3A_188 = arith.constant 42 : i32
    %scan3A_189 = arith.addi %scan3A, %scan3A_188 : i32
    %scan3A_190 = arith.constant 1 : i32
    scf.for %scan3A_193 = %scan3A to %scan3A_189 step %scan3A_190  : i32 {
      %mul3A_194 = arith.constant 1 : i32
      %mul3A_195 = arith.muli %scan3A_193, %mul3A_194 : i32
      %add3A_196 = arith.constant 0 : i32
      %add3A_197 = arith.addi %add3A_196, %mul3A_195 : i32
      %mul3A_198 = arith.constant 3 : i32
      %mul3A_199 = arith.muli %add3A_197, %mul3A_198 : i32
      %add3A_200 = arith.constant 0 : i32
      %add3A_201 = arith.addi %mul3A_199, %add3A_200 : i32
      %dma_wait3A = arith.constant 0 : i32
      %dma_wait3A_202 = arith.constant 0 : i32
      %dma_wait3A_203 = tpu.memref_slice %arg2[%dma_wait3A, %dma_wait3A_202] : memref<10112x128xf32, #tpu.memory_space<hbm>> -> memref<80x128xf32, #tpu.memory_space<hbm>>
      %dma_wait3A_204 = arith.constant 0 : i32
      %dma_wait3A_205 = arith.constant 0 : i32
      %dma_wait3A_206 = tpu.memref_slice %arg2[%dma_wait3A_204, %dma_wait3A_205] : memref<10112x128xf32, #tpu.memory_space<hbm>> -> memref<80x128xf32, #tpu.memory_space<hbm>>
      tpu.wait_dma2 semaphore(%arg15 : memref<!tpu.dma_semaphore, #tpu.memory_space<semaphore_mem>>) src(%dma_wait3A_206 : memref<80x128xf32, #tpu.memory_space<hbm>>) dst(%arg11 : memref<80x128xf32, #tpu.memory_space<vmem>>)
      %get3A_207 = arith.index_cast %add3A_201 : i32 to index
      %get3A_208 = arith.constant 0 : index
      %get3A_209 = tpu.vector_load %arg6[%get3A_207, %get3A_208] {strides = array<i32>} : memref<126x80xi32, #tpu.memory_space<vmem>>, vector<1x16xi32>,
      %get3A_210 = vector.shape_cast %get3A_209 : vector<1x16xi32> to vector<16xi32>
      %shift_right_logical3A = arith.constant 14 : i32
      %shift_right_logical3A_211 = vector.broadcast %shift_right_logical3A : i32 to vector<16xi32>
      %shift_right_logical3A_212 = arith.shrui %get3A_210, %shift_right_logical3A_211 : vector<16xi32>
      %swap3A_213 = arith.constant 0 : index
      %swap3A_214 = tpu.vector_load %arg10[%swap3A_213] {strides = array<i32>} : memref<80xi32, #tpu.memory_space<vmem>>, vector<16xi32>,
      %swap3A_215 = vector.shape_cast %swap3A_214 : vector<16xi32> to vector<16xi32>
      %swap3A_216 = vector.shape_cast %shift_right_logical3A_212 : vector<16xi32> to vector<16xi32>
      tpu.vector_store %arg10[%swap3A_213], %swap3A_216 {strides = array<i32>} : memref<80xi32, #tpu.memory_space<vmem>>, vector<16xi32>,
      %get3A_217 = arith.index_cast %add3A_201 : i32 to index
      %get3A_218 = arith.constant 16 : index
      %get3A_219 = tpu.vector_load %arg6[%get3A_217, %get3A_218] {strides = array<i32>} : memref<126x80xi32, #tpu.memory_space<vmem>>, vector<1x16xi32>,
      %get3A_220 = vector.shape_cast %get3A_219 : vector<1x16xi32> to vector<16xi32>
      %shift_right_logical3A_221 = arith.constant 14 : i32
      %shift_right_logical3A_222 = vector.broadcast %shift_right_logical3A_221 : i32 to vector<16xi32>
      %shift_right_logical3A_223 = arith.shrui %get3A_220, %shift_right_logical3A_222 : vector<16xi32>
      %swap3A_224 = arith.constant 16 : index
      %swap3A_225 = tpu.vector_load %arg10[%swap3A_224] {strides = array<i32>} : memref<80xi32, #tpu.memory_space<vmem>>, vector<16xi32>,
      %swap3A_226 = vector.shape_cast %swap3A_225 : vector<16xi32> to vector<16xi32>
      %swap3A_227 = vector.shape_cast %shift_right_logical3A_223 : vector<16xi32> to vector<16xi32>
      tpu.vector_store %arg10[%swap3A_224], %swap3A_227 {strides = array<i32>} : memref<80xi32, #tpu.memory_space<vmem>>, vector<16xi32>,
      %get3A_228 = arith.index_cast %add3A_201 : i32 to index
      %get3A_229 = arith.constant 32 : index
      %get3A_230 = tpu.vector_load %arg6[%get3A_228, %get3A_229] {strides = array<i32>} : memref<126x80xi32, #tpu.memory_space<vmem>>, vector<1x16xi32>,
      %get3A_231 = vector.shape_cast %get3A_230 : vector<1x16xi32> to vector<16xi32>
      %shift_right_logical3A_232 = arith.constant 14 : i32
      %shift_right_logical3A_233 = vector.broadcast %shift_right_logical3A_232 : i32 to vector<16xi32>
      %shift_right_logical3A_234 = arith.shrui %get3A_231, %shift_right_logical3A_233 : vector<16xi32>
      %swap3A_235 = arith.constant 32 : index
      %swap3A_236 = tpu.vector_load %arg10[%swap3A_235] {strides = array<i32>} : memref<80xi32, #tpu.memory_space<vmem>>, vector<16xi32>,
      %swap3A_237 = vector.shape_cast %swap3A_236 : vector<16xi32> to vector<16xi32>
      %swap3A_238 = vector.shape_cast %shift_right_logical3A_234 : vector<16xi32> to vector<16xi32>
      tpu.vector_store %arg10[%swap3A_235], %swap3A_238 {strides = array<i32>} : memref<80xi32, #tpu.memory_space<vmem>>, vector<16xi32>,
      %get3A_239 = arith.index_cast %add3A_201 : i32 to index
      %get3A_240 = arith.constant 48 : index
      %get3A_241 = tpu.vector_load %arg6[%get3A_239, %get3A_240] {strides = array<i32>} : memref<126x80xi32, #tpu.memory_space<vmem>>, vector<1x16xi32>,
      %get3A_242 = vector.shape_cast %get3A_241 : vector<1x16xi32> to vector<16xi32>
      %shift_right_logical3A_243 = arith.constant 14 : i32
      %shift_right_logical3A_244 = vector.broadcast %shift_right_logical3A_243 : i32 to vector<16xi32>
      %shift_right_logical3A_245 = arith.shrui %get3A_242, %shift_right_logical3A_244 : vector<16xi32>
      %swap3A_246 = arith.constant 48 : index
      %swap3A_247 = tpu.vector_load %arg10[%swap3A_246] {strides = array<i32>} : memref<80xi32, #tpu.memory_space<vmem>>, vector<16xi32>,
      %swap3A_248 = vector.shape_cast %swap3A_247 : vector<16xi32> to vector<16xi32>
      %swap3A_249 = vector.shape_cast %shift_right_logical3A_245 : vector<16xi32> to vector<16xi32>
      tpu.vector_store %arg10[%swap3A_246], %swap3A_249 {strides = array<i32>} : memref<80xi32, #tpu.memory_space<vmem>>, vector<16xi32>,
      %get3A_250 = arith.index_cast %add3A_201 : i32 to index
      %get3A_251 = arith.constant 64 : index
      %get3A_252 = tpu.vector_load %arg6[%get3A_250, %get3A_251] {strides = array<i32>} : memref<126x80xi32, #tpu.memory_space<vmem>>, vector<1x16xi32>,
      %get3A_253 = vector.shape_cast %get3A_252 : vector<1x16xi32> to vector<16xi32>
      %shift_right_logical3A_254 = arith.constant 14 : i32
      %shift_right_logical3A_255 = vector.broadcast %shift_right_logical3A_254 : i32 to vector<16xi32>
      %shift_right_logical3A_256 = arith.shrui %get3A_253, %shift_right_logical3A_255 : vector<16xi32>
      %swap3A_257 = arith.constant 64 : index
      %swap3A_258 = tpu.vector_load %arg10[%swap3A_257] {strides = array<i32>} : memref<80xi32, #tpu.memory_space<vmem>>, vector<16xi32>,
      %swap3A_259 = vector.shape_cast %swap3A_258 : vector<16xi32> to vector<16xi32>
      %swap3A_260 = vector.shape_cast %shift_right_logical3A_256 : vector<16xi32> to vector<16xi32>
      tpu.vector_store %arg10[%swap3A_257], %swap3A_260 {strides = array<i32>} : memref<80xi32, #tpu.memory_space<vmem>>, vector<16xi32>,
      "tpu.region"() ({
        %run_scoped3A = tpu.sem_alloc : memref<!tpu.dma_semaphore, #tpu.memory_space<semaphore_mem>>
        %dma_start3A_409 = arith.constant 0 : i32
        %dma_start3A_410 = arith.constant 0 : i32
        %dma_start3A_411 = tpu.memref_slice %arg14[%dma_start3A_409, %dma_start3A_410] : memref<10112x128xf32, #tpu.memory_space<vmem_shared>> -> memref<10112x128xf32, #tpu.memory_space<vmem_shared>>
        tpu.enqueue_indirect_dma source(%arg11 : memref<80x128xf32, #tpu.memory_space<vmem>>) target(%dma_start3A_411 : memref<10112x128xf32, #tpu.memory_space<vmem_shared>>) offsets(%arg10 : memref<80xi32, #tpu.memory_space<vmem>>) semaphore(%run_scoped3A : memref<!tpu.dma_semaphore, #tpu.memory_space<semaphore_mem>>) {add = true}
        %dma_wait3A_412 = arith.constant 0 : i32
        %dma_wait3A_413 = arith.constant 0 : i32
        %dma_wait3A_414 = tpu.memref_slice %arg14[%dma_wait3A_412, %dma_wait3A_413] : memref<10112x128xf32, #tpu.memory_space<vmem_shared>> -> memref<10112x128xf32, #tpu.memory_space<vmem_shared>>
        tpu.wait_indirect_dma semaphore(%run_scoped3A : memref<!tpu.dma_semaphore, #tpu.memory_space<semaphore_mem>>) src(%arg11 : memref<80x128xf32, #tpu.memory_space<vmem>>) dst(%dma_wait3A_414 : memref<10112x128xf32, #tpu.memory_space<vmem_shared>>)
        tpu.yield
      }) : () -> ()
      %add3A_261 = arith.constant 3 : i32
      %add3A_262 = arith.addi %add3A_201, %add3A_261 : i32
      %lt3A = arith.constant 126 : i32
      %lt3A_263 = arith.cmpi slt, %add3A_262, %lt3A : i32
      %convert_element_type3A = arith.extui %lt3A_263 : i1 to i32
      %cond3A = arith.constant 0 : i32
      %cond3A_264 = arith.cmpi ne, %convert_element_type3A, %cond3A : i32
      scf.if %cond3A_264 {
        %add3A_409 = arith.constant 3 : i32
        %add3A_410 = arith.addi %add3A_201, %add3A_409 : i32
        %get3A_411 = arith.index_cast %add3A_410 : i32 to index
        %get3A_412 = arith.constant 0 : index
        %get3A_413 = tpu.vector_load %arg6[%get3A_411, %get3A_412] {strides = array<i32>} : memref<126x80xi32, #tpu.memory_space<vmem>>, vector<1x16xi32>,
        %get3A_414 = vector.shape_cast %get3A_413 : vector<1x16xi32> to vector<16xi32>
        %and3A_415 = arith.constant 16383 : i32
        %and3A_416 = vector.broadcast %and3A_415 : i32 to vector<16xi32>
        %and3A_417 = arith.andi %get3A_414, %and3A_416 : vector<16xi32>
        %swap3A_418 = arith.constant 0 : index
        %swap3A_419 = tpu.vector_load %arg7[%swap3A_418] {strides = array<i32>} : memref<80xi32, #tpu.memory_space<vmem>>, vector<16xi32>,
        %swap3A_420 = vector.shape_cast %swap3A_419 : vector<16xi32> to vector<16xi32>
        %swap3A_421 = vector.shape_cast %and3A_417 : vector<16xi32> to vector<16xi32>
        tpu.vector_store %arg7[%swap3A_418], %swap3A_421 {strides = array<i32>} : memref<80xi32, #tpu.memory_space<vmem>>, vector<16xi32>,
        %get3A_422 = arith.index_cast %add3A_410 : i32 to index
        %get3A_423 = arith.constant 16 : index
        %get3A_424 = tpu.vector_load %arg6[%get3A_422, %get3A_423] {strides = array<i32>} : memref<126x80xi32, #tpu.memory_space<vmem>>, vector<1x16xi32>,
        %get3A_425 = vector.shape_cast %get3A_424 : vector<1x16xi32> to vector<16xi32>
        %and3A_426 = arith.constant 16383 : i32
        %and3A_427 = vector.broadcast %and3A_426 : i32 to vector<16xi32>
        %and3A_428 = arith.andi %get3A_425, %and3A_427 : vector<16xi32>
        %swap3A_429 = arith.constant 16 : index
        %swap3A_430 = tpu.vector_load %arg7[%swap3A_429] {strides = array<i32>} : memref<80xi32, #tpu.memory_space<vmem>>, vector<16xi32>,
        %swap3A_431 = vector.shape_cast %swap3A_430 : vector<16xi32> to vector<16xi32>
        %swap3A_432 = vector.shape_cast %and3A_428 : vector<16xi32> to vector<16xi32>
        tpu.vector_store %arg7[%swap3A_429], %swap3A_432 {strides = array<i32>} : memref<80xi32, #tpu.memory_space<vmem>>, vector<16xi32>,
        %get3A_433 = arith.index_cast %add3A_410 : i32 to index
        %get3A_434 = arith.constant 32 : index
        %get3A_435 = tpu.vector_load %arg6[%get3A_433, %get3A_434] {strides = array<i32>} : memref<126x80xi32, #tpu.memory_space<vmem>>, vector<1x16xi32>,
        %get3A_436 = vector.shape_cast %get3A_435 : vector<1x16xi32> to vector<16xi32>
        %and3A_437 = arith.constant 16383 : i32
        %and3A_438 = vector.broadcast %and3A_437 : i32 to vector<16xi32>
        %and3A_439 = arith.andi %get3A_436, %and3A_438 : vector<16xi32>
        %swap3A_440 = arith.constant 32 : index
        %swap3A_441 = tpu.vector_load %arg7[%swap3A_440] {strides = array<i32>} : memref<80xi32, #tpu.memory_space<vmem>>, vector<16xi32>,
        %swap3A_442 = vector.shape_cast %swap3A_441 : vector<16xi32> to vector<16xi32>
        %swap3A_443 = vector.shape_cast %and3A_439 : vector<16xi32> to vector<16xi32>
        tpu.vector_store %arg7[%swap3A_440], %swap3A_443 {strides = array<i32>} : memref<80xi32, #tpu.memory_space<vmem>>, vector<16xi32>,
        %get3A_444 = arith.index_cast %add3A_410 : i32 to index
        %get3A_445 = arith.constant 48 : index
        %get3A_446 = tpu.vector_load %arg6[%get3A_444, %get3A_445] {strides = array<i32>} : memref<126x80xi32, #tpu.memory_space<vmem>>, vector<1x16xi32>,
        %get3A_447 = vector.shape_cast %get3A_446 : vector<1x16xi32> to vector<16xi32>
        %and3A_448 = arith.constant 16383 : i32
        %and3A_449 = vector.broadcast %and3A_448 : i32 to vector<16xi32>
        %and3A_450 = arith.andi %get3A_447, %and3A_449 : vector<16xi32>
        %swap3A_451 = arith.constant 48 : index
        %swap3A_452 = tpu.vector_load %arg7[%swap3A_451] {strides = array<i32>} : memref<80xi32, #tpu.memory_space<vmem>>, vector<16xi32>,
        %swap3A_453 = vector.shape_cast %swap3A_452 : vector<16xi32> to vector<16xi32>
        %swap3A_454 = vector.shape_cast %and3A_450 : vector<16xi32> to vector<16xi32>
        tpu.vector_store %arg7[%swap3A_451], %swap3A_454 {strides = array<i32>} : memref<80xi32, #tpu.memory_space<vmem>>, vector<16xi32>,
        %get3A_455 = arith.index_cast %add3A_410 : i32 to index
        %get3A_456 = arith.constant 64 : index
        %get3A_457 = tpu.vector_load %arg6[%get3A_455, %get3A_456] {strides = array<i32>} : memref<126x80xi32, #tpu.memory_space<vmem>>, vector<1x16xi32>,
        %get3A_458 = vector.shape_cast %get3A_457 : vector<1x16xi32> to vector<16xi32>
        %and3A_459 = arith.constant 16383 : i32
        %and3A_460 = vector.broadcast %and3A_459 : i32 to vector<16xi32>
        %and3A_461 = arith.andi %get3A_458, %and3A_460 : vector<16xi32>
        %swap3A_462 = arith.constant 64 : index
        %swap3A_463 = tpu.vector_load %arg7[%swap3A_462] {strides = array<i32>} : memref<80xi32, #tpu.memory_space<vmem>>, vector<16xi32>,
        %swap3A_464 = vector.shape_cast %swap3A_463 : vector<16xi32> to vector<16xi32>
        %swap3A_465 = vector.shape_cast %and3A_461 : vector<16xi32> to vector<16xi32>
        tpu.vector_store %arg7[%swap3A_462], %swap3A_465 {strides = array<i32>} : memref<80xi32, #tpu.memory_space<vmem>>, vector<16xi32>,
        %dma_start3A_466 = arith.constant 0 : i32
        %dma_start3A_467 = arith.constant 0 : i32
        %dma_start3A_468 = tpu.memref_slice %arg2[%dma_start3A_466, %dma_start3A_467] : memref<10112x128xf32, #tpu.memory_space<hbm>> -> memref<10112x128xf32, #tpu.memory_space<hbm>>
        tpu.enqueue_indirect_dma source(%dma_start3A_468 : memref<10112x128xf32, #tpu.memory_space<hbm>>) target(%arg11 : memref<80x128xf32, #tpu.memory_space<vmem>>) offsets(%arg7 : memref<80xi32, #tpu.memory_space<vmem>>) semaphore(%arg15 : memref<!tpu.dma_semaphore, #tpu.memory_space<semaphore_mem>>)
      } else {
      }
      %mul3A_265 = arith.constant 3 : i32
      %mul3A_266 = arith.muli %add3A_197, %mul3A_265 : i32
      %add3A_267 = arith.constant 1 : i32
      %add3A_268 = arith.addi %mul3A_266, %add3A_267 : i32
      %dma_wait3A_269 = arith.constant 0 : i32
      %dma_wait3A_270 = arith.constant 0 : i32
      %dma_wait3A_271 = tpu.memref_slice %arg2[%dma_wait3A_269, %dma_wait3A_270] : memref<10112x128xf32, #tpu.memory_space<hbm>> -> memref<80x128xf32, #tpu.memory_space<hbm>>
      %dma_wait3A_272 = arith.constant 0 : i32
      %dma_wait3A_273 = arith.constant 0 : i32
      %dma_wait3A_274 = tpu.memref_slice %arg2[%dma_wait3A_272, %dma_wait3A_273] : memref<10112x128xf32, #tpu.memory_space<hbm>> -> memref<80x128xf32, #tpu.memory_space<hbm>>
      tpu.wait_dma2 semaphore(%arg16 : memref<!tpu.dma_semaphore, #tpu.memory_space<semaphore_mem>>) src(%dma_wait3A_274 : memref<80x128xf32, #tpu.memory_space<hbm>>) dst(%arg12 : memref<80x128xf32, #tpu.memory_space<vmem>>)
      %get3A_275 = arith.index_cast %add3A_268 : i32 to index
      %get3A_276 = arith.constant 0 : index
      %get3A_277 = tpu.vector_load %arg6[%get3A_275, %get3A_276] {strides = array<i32>} : memref<126x80xi32, #tpu.memory_space<vmem>>, vector<1x16xi32>,
      %get3A_278 = vector.shape_cast %get3A_277 : vector<1x16xi32> to vector<16xi32>
      %shift_right_logical3A_279 = arith.constant 14 : i32
      %shift_right_logical3A_280 = vector.broadcast %shift_right_logical3A_279 : i32 to vector<16xi32>
      %shift_right_logical3A_281 = arith.shrui %get3A_278, %shift_right_logical3A_280 : vector<16xi32>
      %swap3A_282 = arith.constant 0 : index
      %swap3A_283 = tpu.vector_load %arg10[%swap3A_282] {strides = array<i32>} : memref<80xi32, #tpu.memory_space<vmem>>, vector<16xi32>,
      %swap3A_284 = vector.shape_cast %swap3A_283 : vector<16xi32> to vector<16xi32>
      %swap3A_285 = vector.shape_cast %shift_right_logical3A_281 : vector<16xi32> to vector<16xi32>
      tpu.vector_store %arg10[%swap3A_282], %swap3A_285 {strides = array<i32>} : memref<80xi32, #tpu.memory_space<vmem>>, vector<16xi32>,
      %get3A_286 = arith.index_cast %add3A_268 : i32 to index
      %get3A_287 = arith.constant 16 : index
      %get3A_288 = tpu.vector_load %arg6[%get3A_286, %get3A_287] {strides = array<i32>} : memref<126x80xi32, #tpu.memory_space<vmem>>, vector<1x16xi32>,
      %get3A_289 = vector.shape_cast %get3A_288 : vector<1x16xi32> to vector<16xi32>
      %shift_right_logical3A_290 = arith.constant 14 : i32
      %shift_right_logical3A_291 = vector.broadcast %shift_right_logical3A_290 : i32 to vector<16xi32>
      %shift_right_logical3A_292 = arith.shrui %get3A_289, %shift_right_logical3A_291 : vector<16xi32>
      %swap3A_293 = arith.constant 16 : index
      %swap3A_294 = tpu.vector_load %arg10[%swap3A_293] {strides = array<i32>} : memref<80xi32, #tpu.memory_space<vmem>>, vector<16xi32>,
      %swap3A_295 = vector.shape_cast %swap3A_294 : vector<16xi32> to vector<16xi32>
      %swap3A_296 = vector.shape_cast %shift_right_logical3A_292 : vector<16xi32> to vector<16xi32>
      tpu.vector_store %arg10[%swap3A_293], %swap3A_296 {strides = array<i32>} : memref<80xi32, #tpu.memory_space<vmem>>, vector<16xi32>,
      %get3A_297 = arith.index_cast %add3A_268 : i32 to index
      %get3A_298 = arith.constant 32 : index
      %get3A_299 = tpu.vector_load %arg6[%get3A_297, %get3A_298] {strides = array<i32>} : memref<126x80xi32, #tpu.memory_space<vmem>>, vector<1x16xi32>,
      %get3A_300 = vector.shape_cast %get3A_299 : vector<1x16xi32> to vector<16xi32>
      %shift_right_logical3A_301 = arith.constant 14 : i32
      %shift_right_logical3A_302 = vector.broadcast %shift_right_logical3A_301 : i32 to vector<16xi32>
      %shift_right_logical3A_303 = arith.shrui %get3A_300, %shift_right_logical3A_302 : vector<16xi32>
      %swap3A_304 = arith.constant 32 : index
      %swap3A_305 = tpu.vector_load %arg10[%swap3A_304] {strides = array<i32>} : memref<80xi32, #tpu.memory_space<vmem>>, vector<16xi32>,
      %swap3A_306 = vector.shape_cast %swap3A_305 : vector<16xi32> to vector<16xi32>
      %swap3A_307 = vector.shape_cast %shift_right_logical3A_303 : vector<16xi32> to vector<16xi32>
      tpu.vector_store %arg10[%swap3A_304], %swap3A_307 {strides = array<i32>} : memref<80xi32, #tpu.memory_space<vmem>>, vector<16xi32>,
      %get3A_308 = arith.index_cast %add3A_268 : i32 to index
      %get3A_309 = arith.constant 48 : index
      %get3A_310 = tpu.vector_load %arg6[%get3A_308, %get3A_309] {strides = array<i32>} : memref<126x80xi32, #tpu.memory_space<vmem>>, vector<1x16xi32>,
      %get3A_311 = vector.shape_cast %get3A_310 : vector<1x16xi32> to vector<16xi32>
      %shift_right_logical3A_312 = arith.constant 14 : i32
      %shift_right_logical3A_313 = vector.broadcast %shift_right_logical3A_312 : i32 to vector<16xi32>
      %shift_right_logical3A_314 = arith.shrui %get3A_311, %shift_right_logical3A_313 : vector<16xi32>
      %swap3A_315 = arith.constant 48 : index
      %swap3A_316 = tpu.vector_load %arg10[%swap3A_315] {strides = array<i32>} : memref<80xi32, #tpu.memory_space<vmem>>, vector<16xi32>,
      %swap3A_317 = vector.shape_cast %swap3A_316 : vector<16xi32> to vector<16xi32>
      %swap3A_318 = vector.shape_cast %shift_right_logical3A_314 : vector<16xi32> to vector<16xi32>
      tpu.vector_store %arg10[%swap3A_315], %swap3A_318 {strides = array<i32>} : memref<80xi32, #tpu.memory_space<vmem>>, vector<16xi32>,
      %get3A_319 = arith.index_cast %add3A_268 : i32 to index
      %get3A_320 = arith.constant 64 : index
      %get3A_321 = tpu.vector_load %arg6[%get3A_319, %get3A_320] {strides = array<i32>} : memref<126x80xi32, #tpu.memory_space<vmem>>, vector<1x16xi32>,
      %get3A_322 = vector.shape_cast %get3A_321 : vector<1x16xi32> to vector<16xi32>
      %shift_right_logical3A_323 = arith.constant 14 : i32
      %shift_right_logical3A_324 = vector.broadcast %shift_right_logical3A_323 : i32 to vector<16xi32>
      %shift_right_logical3A_325 = arith.shrui %get3A_322, %shift_right_logical3A_324 : vector<16xi32>
      %swap3A_326 = arith.constant 64 : index
      %swap3A_327 = tpu.vector_load %arg10[%swap3A_326] {strides = array<i32>} : memref<80xi32, #tpu.memory_space<vmem>>, vector<16xi32>,
      %swap3A_328 = vector.shape_cast %swap3A_327 : vector<16xi32> to vector<16xi32>
      %swap3A_329 = vector.shape_cast %shift_right_logical3A_325 : vector<16xi32> to vector<16xi32>
      tpu.vector_store %arg10[%swap3A_326], %swap3A_329 {strides = array<i32>} : memref<80xi32, #tpu.memory_space<vmem>>, vector<16xi32>,
      "tpu.region"() ({
        %run_scoped3A = tpu.sem_alloc : memref<!tpu.dma_semaphore, #tpu.memory_space<semaphore_mem>>
        %dma_start3A_409 = arith.constant 0 : i32
        %dma_start3A_410 = arith.constant 0 : i32
        %dma_start3A_411 = tpu.memref_slice %arg14[%dma_start3A_409, %dma_start3A_410] : memref<10112x128xf32, #tpu.memory_space<vmem_shared>> -> memref<10112x128xf32, #tpu.memory_space<vmem_shared>>
        tpu.enqueue_indirect_dma source(%arg12 : memref<80x128xf32, #tpu.memory_space<vmem>>) target(%dma_start3A_411 : memref<10112x128xf32, #tpu.memory_space<vmem_shared>>) offsets(%arg10 : memref<80xi32, #tpu.memory_space<vmem>>) semaphore(%run_scoped3A : memref<!tpu.dma_semaphore, #tpu.memory_space<semaphore_mem>>) {add = true}
        %dma_wait3A_412 = arith.constant 0 : i32
        %dma_wait3A_413 = arith.constant 0 : i32
        %dma_wait3A_414 = tpu.memref_slice %arg14[%dma_wait3A_412, %dma_wait3A_413] : memref<10112x128xf32, #tpu.memory_space<vmem_shared>> -> memref<10112x128xf32, #tpu.memory_space<vmem_shared>>
        tpu.wait_indirect_dma semaphore(%run_scoped3A : memref<!tpu.dma_semaphore, #tpu.memory_space<semaphore_mem>>) src(%arg12 : memref<80x128xf32, #tpu.memory_space<vmem>>) dst(%dma_wait3A_414 : memref<10112x128xf32, #tpu.memory_space<vmem_shared>>)
        tpu.yield
      }) : () -> ()
      %add3A_330 = arith.constant 3 : i32
      %add3A_331 = arith.addi %add3A_268, %add3A_330 : i32
      %lt3A_332 = arith.constant 126 : i32
      %lt3A_333 = arith.cmpi slt, %add3A_331, %lt3A_332 : i32
      %convert_element_type3A_334 = arith.extui %lt3A_333 : i1 to i32
      %cond3A_335 = arith.constant 0 : i32
      %cond3A_336 = arith.cmpi ne, %convert_element_type3A_334, %cond3A_335 : i32
      scf.if %cond3A_336 {
        %add3A_409 = arith.constant 3 : i32
        %add3A_410 = arith.addi %add3A_268, %add3A_409 : i32
        %get3A_411 = arith.index_cast %add3A_410 : i32 to index
        %get3A_412 = arith.constant 0 : index
        %get3A_413 = tpu.vector_load %arg6[%get3A_411, %get3A_412] {strides = array<i32>} : memref<126x80xi32, #tpu.memory_space<vmem>>, vector<1x16xi32>,
        %get3A_414 = vector.shape_cast %get3A_413 : vector<1x16xi32> to vector<16xi32>
        %and3A_415 = arith.constant 16383 : i32
        %and3A_416 = vector.broadcast %and3A_415 : i32 to vector<16xi32>
        %and3A_417 = arith.andi %get3A_414, %and3A_416 : vector<16xi32>
        %swap3A_418 = arith.constant 0 : index
        %swap3A_419 = tpu.vector_load %arg8[%swap3A_418] {strides = array<i32>} : memref<80xi32, #tpu.memory_space<vmem>>, vector<16xi32>,
        %swap3A_420 = vector.shape_cast %swap3A_419 : vector<16xi32> to vector<16xi32>
        %swap3A_421 = vector.shape_cast %and3A_417 : vector<16xi32> to vector<16xi32>
        tpu.vector_store %arg8[%swap3A_418], %swap3A_421 {strides = array<i32>} : memref<80xi32, #tpu.memory_space<vmem>>, vector<16xi32>,
        %get3A_422 = arith.index_cast %add3A_410 : i32 to index
        %get3A_423 = arith.constant 16 : index
        %get3A_424 = tpu.vector_load %arg6[%get3A_422, %get3A_423] {strides = array<i32>} : memref<126x80xi32, #tpu.memory_space<vmem>>, vector<1x16xi32>,
        %get3A_425 = vector.shape_cast %get3A_424 : vector<1x16xi32> to vector<16xi32>
        %and3A_426 = arith.constant 16383 : i32
        %and3A_427 = vector.broadcast %and3A_426 : i32 to vector<16xi32>
        %and3A_428 = arith.andi %get3A_425, %and3A_427 : vector<16xi32>
        %swap3A_429 = arith.constant 16 : index
        %swap3A_430 = tpu.vector_load %arg8[%swap3A_429] {strides = array<i32>} : memref<80xi32, #tpu.memory_space<vmem>>, vector<16xi32>,
        %swap3A_431 = vector.shape_cast %swap3A_430 : vector<16xi32> to vector<16xi32>
        %swap3A_432 = vector.shape_cast %and3A_428 : vector<16xi32> to vector<16xi32>
        tpu.vector_store %arg8[%swap3A_429], %swap3A_432 {strides = array<i32>} : memref<80xi32, #tpu.memory_space<vmem>>, vector<16xi32>,
        %get3A_433 = arith.index_cast %add3A_410 : i32 to index
        %get3A_434 = arith.constant 32 : index
        %get3A_435 = tpu.vector_load %arg6[%get3A_433, %get3A_434] {strides = array<i32>} : memref<126x80xi32, #tpu.memory_space<vmem>>, vector<1x16xi32>,
        %get3A_436 = vector.shape_cast %get3A_435 : vector<1x16xi32> to vector<16xi32>
        %and3A_437 = arith.constant 16383 : i32
        %and3A_438 = vector.broadcast %and3A_437 : i32 to vector<16xi32>
        %and3A_439 = arith.andi %get3A_436, %and3A_438 : vector<16xi32>
        %swap3A_440 = arith.constant 32 : index
        %swap3A_441 = tpu.vector_load %arg8[%swap3A_440] {strides = array<i32>} : memref<80xi32, #tpu.memory_space<vmem>>, vector<16xi32>,
        %swap3A_442 = vector.shape_cast %swap3A_441 : vector<16xi32> to vector<16xi32>
        %swap3A_443 = vector.shape_cast %and3A_439 : vector<16xi32> to vector<16xi32>
        tpu.vector_store %arg8[%swap3A_440], %swap3A_443 {strides = array<i32>} : memref<80xi32, #tpu.memory_space<vmem>>, vector<16xi32>,
        %get3A_444 = arith.index_cast %add3A_410 : i32 to index
        %get3A_445 = arith.constant 48 : index
        %get3A_446 = tpu.vector_load %arg6[%get3A_444, %get3A_445] {strides = array<i32>} : memref<126x80xi32, #tpu.memory_space<vmem>>, vector<1x16xi32>,
        %get3A_447 = vector.shape_cast %get3A_446 : vector<1x16xi32> to vector<16xi32>
        %and3A_448 = arith.constant 16383 : i32
        %and3A_449 = vector.broadcast %and3A_448 : i32 to vector<16xi32>
        %and3A_450 = arith.andi %get3A_447, %and3A_449 : vector<16xi32>
        %swap3A_451 = arith.constant 48 : index
        %swap3A_452 = tpu.vector_load %arg8[%swap3A_451] {strides = array<i32>} : memref<80xi32, #tpu.memory_space<vmem>>, vector<16xi32>,
        %swap3A_453 = vector.shape_cast %swap3A_452 : vector<16xi32> to vector<16xi32>
        %swap3A_454 = vector.shape_cast %and3A_450 : vector<16xi32> to vector<16xi32>
        tpu.vector_store %arg8[%swap3A_451], %swap3A_454 {strides = array<i32>} : memref<80xi32, #tpu.memory_space<vmem>>, vector<16xi32>,
        %get3A_455 = arith.index_cast %add3A_410 : i32 to index
        %get3A_456 = arith.constant 64 : index
        %get3A_457 = tpu.vector_load %arg6[%get3A_455, %get3A_456] {strides = array<i32>} : memref<126x80xi32, #tpu.memory_space<vmem>>, vector<1x16xi32>,
        %get3A_458 = vector.shape_cast %get3A_457 : vector<1x16xi32> to vector<16xi32>
        %and3A_459 = arith.constant 16383 : i32
        %and3A_460 = vector.broadcast %and3A_459 : i32 to vector<16xi32>
        %and3A_461 = arith.andi %get3A_458, %and3A_460 : vector<16xi32>
        %swap3A_462 = arith.constant 64 : index
        %swap3A_463 = tpu.vector_load %arg8[%swap3A_462] {strides = array<i32>} : memref<80xi32, #tpu.memory_space<vmem>>, vector<16xi32>,
        %swap3A_464 = vector.shape_cast %swap3A_463 : vector<16xi32> to vector<16xi32>
        %swap3A_465 = vector.shape_cast %and3A_461 : vector<16xi32> to vector<16xi32>
        tpu.vector_store %arg8[%swap3A_462], %swap3A_465 {strides = array<i32>} : memref<80xi32, #tpu.memory_space<vmem>>, vector<16xi32>,
        %dma_start3A_466 = arith.constant 0 : i32
        %dma_start3A_467 = arith.constant 0 : i32
        %dma_start3A_468 = tpu.memref_slice %arg2[%dma_start3A_466, %dma_start3A_467] : memref<10112x128xf32, #tpu.memory_space<hbm>> -> memref<10112x128xf32, #tpu.memory_space<hbm>>
        tpu.enqueue_indirect_dma source(%dma_start3A_468 : memref<10112x128xf32, #tpu.memory_space<hbm>>) target(%arg12 : memref<80x128xf32, #tpu.memory_space<vmem>>) offsets(%arg8 : memref<80xi32, #tpu.memory_space<vmem>>) semaphore(%arg16 : memref<!tpu.dma_semaphore, #tpu.memory_space<semaphore_mem>>)
      } else {
      }
      %mul3A_337 = arith.constant 3 : i32
      %mul3A_338 = arith.muli %add3A_197, %mul3A_337 : i32
      %add3A_339 = arith.constant 2 : i32
      %add3A_340 = arith.addi %mul3A_338, %add3A_339 : i32
      %dma_wait3A_341 = arith.constant 0 : i32
      %dma_wait3A_342 = arith.constant 0 : i32
      %dma_wait3A_343 = tpu.memref_slice %arg2[%dma_wait3A_341, %dma_wait3A_342] : memref<10112x128xf32, #tpu.memory_space<hbm>> -> memref<80x128xf32, #tpu.memory_space<hbm>>
      %dma_wait3A_344 = arith.constant 0 : i32
      %dma_wait3A_345 = arith.constant 0 : i32
      %dma_wait3A_346 = tpu.memref_slice %arg2[%dma_wait3A_344, %dma_wait3A_345] : memref<10112x128xf32, #tpu.memory_space<hbm>> -> memref<80x128xf32, #tpu.memory_space<hbm>>
      tpu.wait_dma2 semaphore(%arg17 : memref<!tpu.dma_semaphore, #tpu.memory_space<semaphore_mem>>) src(%dma_wait3A_346 : memref<80x128xf32, #tpu.memory_space<hbm>>) dst(%arg13 : memref<80x128xf32, #tpu.memory_space<vmem>>)
      %get3A_347 = arith.index_cast %add3A_340 : i32 to index
      %get3A_348 = arith.constant 0 : index
      %get3A_349 = tpu.vector_load %arg6[%get3A_347, %get3A_348] {strides = array<i32>} : memref<126x80xi32, #tpu.memory_space<vmem>>, vector<1x16xi32>,
      %get3A_350 = vector.shape_cast %get3A_349 : vector<1x16xi32> to vector<16xi32>
      %shift_right_logical3A_351 = arith.constant 14 : i32
      %shift_right_logical3A_352 = vector.broadcast %shift_right_logical3A_351 : i32 to vector<16xi32>
      %shift_right_logical3A_353 = arith.shrui %get3A_350, %shift_right_logical3A_352 : vector<16xi32>
      %swap3A_354 = arith.constant 0 : index
      %swap3A_355 = tpu.vector_load %arg10[%swap3A_354] {strides = array<i32>} : memref<80xi32, #tpu.memory_space<vmem>>, vector<16xi32>,
      %swap3A_356 = vector.shape_cast %swap3A_355 : vector<16xi32> to vector<16xi32>
      %swap3A_357 = vector.shape_cast %shift_right_logical3A_353 : vector<16xi32> to vector<16xi32>
      tpu.vector_store %arg10[%swap3A_354], %swap3A_357 {strides = array<i32>} : memref<80xi32, #tpu.memory_space<vmem>>, vector<16xi32>,
      %get3A_358 = arith.index_cast %add3A_340 : i32 to index
      %get3A_359 = arith.constant 16 : index
      %get3A_360 = tpu.vector_load %arg6[%get3A_358, %get3A_359] {strides = array<i32>} : memref<126x80xi32, #tpu.memory_space<vmem>>, vector<1x16xi32>,
      %get3A_361 = vector.shape_cast %get3A_360 : vector<1x16xi32> to vector<16xi32>
      %shift_right_logical3A_362 = arith.constant 14 : i32
      %shift_right_logical3A_363 = vector.broadcast %shift_right_logical3A_362 : i32 to vector<16xi32>
      %shift_right_logical3A_364 = arith.shrui %get3A_361, %shift_right_logical3A_363 : vector<16xi32>
      %swap3A_365 = arith.constant 16 : index
      %swap3A_366 = tpu.vector_load %arg10[%swap3A_365] {strides = array<i32>} : memref<80xi32, #tpu.memory_space<vmem>>, vector<16xi32>,
      %swap3A_367 = vector.shape_cast %swap3A_366 : vector<16xi32> to vector<16xi32>
      %swap3A_368 = vector.shape_cast %shift_right_logical3A_364 : vector<16xi32> to vector<16xi32>
      tpu.vector_store %arg10[%swap3A_365], %swap3A_368 {strides = array<i32>} : memref<80xi32, #tpu.memory_space<vmem>>, vector<16xi32>,
      %get3A_369 = arith.index_cast %add3A_340 : i32 to index
      %get3A_370 = arith.constant 32 : index
      %get3A_371 = tpu.vector_load %arg6[%get3A_369, %get3A_370] {strides = array<i32>} : memref<126x80xi32, #tpu.memory_space<vmem>>, vector<1x16xi32>,
      %get3A_372 = vector.shape_cast %get3A_371 : vector<1x16xi32> to vector<16xi32>
      %shift_right_logical3A_373 = arith.constant 14 : i32
      %shift_right_logical3A_374 = vector.broadcast %shift_right_logical3A_373 : i32 to vector<16xi32>
      %shift_right_logical3A_375 = arith.shrui %get3A_372, %shift_right_logical3A_374 : vector<16xi32>
      %swap3A_376 = arith.constant 32 : index
      %swap3A_377 = tpu.vector_load %arg10[%swap3A_376] {strides = array<i32>} : memref<80xi32, #tpu.memory_space<vmem>>, vector<16xi32>,
      %swap3A_378 = vector.shape_cast %swap3A_377 : vector<16xi32> to vector<16xi32>
      %swap3A_379 = vector.shape_cast %shift_right_logical3A_375 : vector<16xi32> to vector<16xi32>
      tpu.vector_store %arg10[%swap3A_376], %swap3A_379 {strides = array<i32>} : memref<80xi32, #tpu.memory_space<vmem>>, vector<16xi32>,
      %get3A_380 = arith.index_cast %add3A_340 : i32 to index
      %get3A_381 = arith.constant 48 : index
      %get3A_382 = tpu.vector_load %arg6[%get3A_380, %get3A_381] {strides = array<i32>} : memref<126x80xi32, #tpu.memory_space<vmem>>, vector<1x16xi32>,
      %get3A_383 = vector.shape_cast %get3A_382 : vector<1x16xi32> to vector<16xi32>
      %shift_right_logical3A_384 = arith.constant 14 : i32
      %shift_right_logical3A_385 = vector.broadcast %shift_right_logical3A_384 : i32 to vector<16xi32>
      %shift_right_logical3A_386 = arith.shrui %get3A_383, %shift_right_logical3A_385 : vector<16xi32>
      %swap3A_387 = arith.constant 48 : index
      %swap3A_388 = tpu.vector_load %arg10[%swap3A_387] {strides = array<i32>} : memref<80xi32, #tpu.memory_space<vmem>>, vector<16xi32>,
      %swap3A_389 = vector.shape_cast %swap3A_388 : vector<16xi32> to vector<16xi32>
      %swap3A_390 = vector.shape_cast %shift_right_logical3A_386 : vector<16xi32> to vector<16xi32>
      tpu.vector_store %arg10[%swap3A_387], %swap3A_390 {strides = array<i32>} : memref<80xi32, #tpu.memory_space<vmem>>, vector<16xi32>,
      %get3A_391 = arith.index_cast %add3A_340 : i32 to index
      %get3A_392 = arith.constant 64 : index
      %get3A_393 = tpu.vector_load %arg6[%get3A_391, %get3A_392] {strides = array<i32>} : memref<126x80xi32, #tpu.memory_space<vmem>>, vector<1x16xi32>,
      %get3A_394 = vector.shape_cast %get3A_393 : vector<1x16xi32> to vector<16xi32>
      %shift_right_logical3A_395 = arith.constant 14 : i32
      %shift_right_logical3A_396 = vector.broadcast %shift_right_logical3A_395 : i32 to vector<16xi32>
      %shift_right_logical3A_397 = arith.shrui %get3A_394, %shift_right_logical3A_396 : vector<16xi32>
      %swap3A_398 = arith.constant 64 : index
      %swap3A_399 = tpu.vector_load %arg10[%swap3A_398] {strides = array<i32>} : memref<80xi32, #tpu.memory_space<vmem>>, vector<16xi32>,
      %swap3A_400 = vector.shape_cast %swap3A_399 : vector<16xi32> to vector<16xi32>
      %swap3A_401 = vector.shape_cast %shift_right_logical3A_397 : vector<16xi32> to vector<16xi32>
      tpu.vector_store %arg10[%swap3A_398], %swap3A_401 {strides = array<i32>} : memref<80xi32, #tpu.memory_space<vmem>>, vector<16xi32>,
      "tpu.region"() ({
        %run_scoped3A = tpu.sem_alloc : memref<!tpu.dma_semaphore, #tpu.memory_space<semaphore_mem>>
        %dma_start3A_409 = arith.constant 0 : i32
        %dma_start3A_410 = arith.constant 0 : i32
        %dma_start3A_411 = tpu.memref_slice %arg14[%dma_start3A_409, %dma_start3A_410] : memref<10112x128xf32, #tpu.memory_space<vmem_shared>> -> memref<10112x128xf32, #tpu.memory_space<vmem_shared>>
        tpu.enqueue_indirect_dma source(%arg13 : memref<80x128xf32, #tpu.memory_space<vmem>>) target(%dma_start3A_411 : memref<10112x128xf32, #tpu.memory_space<vmem_shared>>) offsets(%arg10 : memref<80xi32, #tpu.memory_space<vmem>>) semaphore(%run_scoped3A : memref<!tpu.dma_semaphore, #tpu.memory_space<semaphore_mem>>) {add = true}
        %dma_wait3A_412 = arith.constant 0 : i32
        %dma_wait3A_413 = arith.constant 0 : i32
        %dma_wait3A_414 = tpu.memref_slice %arg14[%dma_wait3A_412, %dma_wait3A_413] : memref<10112x128xf32, #tpu.memory_space<vmem_shared>> -> memref<10112x128xf32, #tpu.memory_space<vmem_shared>>
        tpu.wait_indirect_dma semaphore(%run_scoped3A : memref<!tpu.dma_semaphore, #tpu.memory_space<semaphore_mem>>) src(%arg13 : memref<80x128xf32, #tpu.memory_space<vmem>>) dst(%dma_wait3A_414 : memref<10112x128xf32, #tpu.memory_space<vmem_shared>>)
        tpu.yield
      }) : () -> ()
      %add3A_402 = arith.constant 3 : i32
      %add3A_403 = arith.addi %add3A_340, %add3A_402 : i32
      %lt3A_404 = arith.constant 126 : i32
      %lt3A_405 = arith.cmpi slt, %add3A_403, %lt3A_404 : i32
      %convert_element_type3A_406 = arith.extui %lt3A_405 : i1 to i32
      %cond3A_407 = arith.constant 0 : i32
      %cond3A_408 = arith.cmpi ne, %convert_element_type3A_406, %cond3A_407 : i32
      scf.if %cond3A_408 {
        %add3A_409 = arith.constant 3 : i32
        %add3A_410 = arith.addi %add3A_340, %add3A_409 : i32
        %get3A_411 = arith.index_cast %add3A_410 : i32 to index
        %get3A_412 = arith.constant 0 : index
        %get3A_413 = tpu.vector_load %arg6[%get3A_411, %get3A_412] {strides = array<i32>} : memref<126x80xi32, #tpu.memory_space<vmem>>, vector<1x16xi32>,
        %get3A_414 = vector.shape_cast %get3A_413 : vector<1x16xi32> to vector<16xi32>
        %and3A_415 = arith.constant 16383 : i32
        %and3A_416 = vector.broadcast %and3A_415 : i32 to vector<16xi32>
        %and3A_417 = arith.andi %get3A_414, %and3A_416 : vector<16xi32>
        %swap3A_418 = arith.constant 0 : index
        %swap3A_419 = tpu.vector_load %arg9[%swap3A_418] {strides = array<i32>} : memref<80xi32, #tpu.memory_space<vmem>>, vector<16xi32>,
        %swap3A_420 = vector.shape_cast %swap3A_419 : vector<16xi32> to vector<16xi32>
        %swap3A_421 = vector.shape_cast %and3A_417 : vector<16xi32> to vector<16xi32>
        tpu.vector_store %arg9[%swap3A_418], %swap3A_421 {strides = array<i32>} : memref<80xi32, #tpu.memory_space<vmem>>, vector<16xi32>,
        %get3A_422 = arith.index_cast %add3A_410 : i32 to index
        %get3A_423 = arith.constant 16 : index
        %get3A_424 = tpu.vector_load %arg6[%get3A_422, %get3A_423] {strides = array<i32>} : memref<126x80xi32, #tpu.memory_space<vmem>>, vector<1x16xi32>,
        %get3A_425 = vector.shape_cast %get3A_424 : vector<1x16xi32> to vector<16xi32>
        %and3A_426 = arith.constant 16383 : i32
        %and3A_427 = vector.broadcast %and3A_426 : i32 to vector<16xi32>
        %and3A_428 = arith.andi %get3A_425, %and3A_427 : vector<16xi32>
        %swap3A_429 = arith.constant 16 : index
        %swap3A_430 = tpu.vector_load %arg9[%swap3A_429] {strides = array<i32>} : memref<80xi32, #tpu.memory_space<vmem>>, vector<16xi32>,
        %swap3A_431 = vector.shape_cast %swap3A_430 : vector<16xi32> to vector<16xi32>
        %swap3A_432 = vector.shape_cast %and3A_428 : vector<16xi32> to vector<16xi32>
        tpu.vector_store %arg9[%swap3A_429], %swap3A_432 {strides = array<i32>} : memref<80xi32, #tpu.memory_space<vmem>>, vector<16xi32>,
        %get3A_433 = arith.index_cast %add3A_410 : i32 to index
        %get3A_434 = arith.constant 32 : index
        %get3A_435 = tpu.vector_load %arg6[%get3A_433, %get3A_434] {strides = array<i32>} : memref<126x80xi32, #tpu.memory_space<vmem>>, vector<1x16xi32>,
        %get3A_436 = vector.shape_cast %get3A_435 : vector<1x16xi32> to vector<16xi32>
        %and3A_437 = arith.constant 16383 : i32
        %and3A_438 = vector.broadcast %and3A_437 : i32 to vector<16xi32>
        %and3A_439 = arith.andi %get3A_436, %and3A_438 : vector<16xi32>
        %swap3A_440 = arith.constant 32 : index
        %swap3A_441 = tpu.vector_load %arg9[%swap3A_440] {strides = array<i32>} : memref<80xi32, #tpu.memory_space<vmem>>, vector<16xi32>,
        %swap3A_442 = vector.shape_cast %swap3A_441 : vector<16xi32> to vector<16xi32>
        %swap3A_443 = vector.shape_cast %and3A_439 : vector<16xi32> to vector<16xi32>
        tpu.vector_store %arg9[%swap3A_440], %swap3A_443 {strides = array<i32>} : memref<80xi32, #tpu.memory_space<vmem>>, vector<16xi32>,
        %get3A_444 = arith.index_cast %add3A_410 : i32 to index
        %get3A_445 = arith.constant 48 : index
        %get3A_446 = tpu.vector_load %arg6[%get3A_444, %get3A_445] {strides = array<i32>} : memref<126x80xi32, #tpu.memory_space<vmem>>, vector<1x16xi32>,
        %get3A_447 = vector.shape_cast %get3A_446 : vector<1x16xi32> to vector<16xi32>
        %and3A_448 = arith.constant 16383 : i32
        %and3A_449 = vector.broadcast %and3A_448 : i32 to vector<16xi32>
        %and3A_450 = arith.andi %get3A_447, %and3A_449 : vector<16xi32>
        %swap3A_451 = arith.constant 48 : index
        %swap3A_452 = tpu.vector_load %arg9[%swap3A_451] {strides = array<i32>} : memref<80xi32, #tpu.memory_space<vmem>>, vector<16xi32>,
        %swap3A_453 = vector.shape_cast %swap3A_452 : vector<16xi32> to vector<16xi32>
        %swap3A_454 = vector.shape_cast %and3A_450 : vector<16xi32> to vector<16xi32>
        tpu.vector_store %arg9[%swap3A_451], %swap3A_454 {strides = array<i32>} : memref<80xi32, #tpu.memory_space<vmem>>, vector<16xi32>,
        %get3A_455 = arith.index_cast %add3A_410 : i32 to index
        %get3A_456 = arith.constant 64 : index
        %get3A_457 = tpu.vector_load %arg6[%get3A_455, %get3A_456] {strides = array<i32>} : memref<126x80xi32, #tpu.memory_space<vmem>>, vector<1x16xi32>,
        %get3A_458 = vector.shape_cast %get3A_457 : vector<1x16xi32> to vector<16xi32>
        %and3A_459 = arith.constant 16383 : i32
        %and3A_460 = vector.broadcast %and3A_459 : i32 to vector<16xi32>
        %and3A_461 = arith.andi %get3A_458, %and3A_460 : vector<16xi32>
        %swap3A_462 = arith.constant 64 : index
        %swap3A_463 = tpu.vector_load %arg9[%swap3A_462] {strides = array<i32>} : memref<80xi32, #tpu.memory_space<vmem>>, vector<16xi32>,
        %swap3A_464 = vector.shape_cast %swap3A_463 : vector<16xi32> to vector<16xi32>
        %swap3A_465 = vector.shape_cast %and3A_461 : vector<16xi32> to vector<16xi32>
        tpu.vector_store %arg9[%swap3A_462], %swap3A_465 {strides = array<i32>} : memref<80xi32, #tpu.memory_space<vmem>>, vector<16xi32>,
        %dma_start3A_466 = arith.constant 0 : i32
        %dma_start3A_467 = arith.constant 0 : i32
        %dma_start3A_468 = tpu.memref_slice %arg2[%dma_start3A_466, %dma_start3A_467] : memref<10112x128xf32, #tpu.memory_space<hbm>> -> memref<10112x128xf32, #tpu.memory_space<hbm>>
        tpu.enqueue_indirect_dma source(%dma_start3A_468 : memref<10112x128xf32, #tpu.memory_space<hbm>>) target(%arg13 : memref<80x128xf32, #tpu.memory_space<vmem>>) offsets(%arg9 : memref<80xi32, #tpu.memory_space<vmem>>) semaphore(%arg17 : memref<!tpu.dma_semaphore, #tpu.memory_space<semaphore_mem>>)
      } else {
      }
    }
    %scan3A_191 = arith.constant 42 : i32
    %barrier3A_192 = arith.constant 0 : index
    tpu.barrier barrier_id(%barrier3A_192)
    "tpu.region"() ({
      %run_scoped3A = tpu.sem_alloc : memref<!tpu.dma_semaphore, #tpu.memory_space<semaphore_mem>>
      %dma_start3A_193 = arith.constant 0 : i32
      %dma_start3A_194 = arith.constant 0 : i32
      %dma_start3A_195 = tpu.memref_slice %arg5[%arg0, %dma_start3A_193, %dma_start3A_194] : memref<2x10112x128xf32, #tpu.memory_space<hbm>> -> memref<1x10112x128xf32, #tpu.memory_space<hbm>>
      %dma_start3A_196 = tpu.memref_squeeze %dma_start3A_195 : memref<1x10112x128xf32, #tpu.memory_space<hbm>> -> memref<10112x128xf32, #tpu.memory_space<hbm>>
      %dma_start3A_197 = arith.constant 0 : i32
      %dma_start3A_198 = tpu.memref_slice %dma_start3A_196[%mul3A_2, %dma_start3A_197] : memref<10112x128xf32, #tpu.memory_space<hbm>> -> memref<632x128xf32, #tpu.memory_space<hbm>>
      %dma_start3A_199 = arith.constant 0 : i32
      %dma_start3A_200 = tpu.memref_slice %arg14[%mul3A_2, %dma_start3A_199] : memref<10112x128xf32, #tpu.memory_space<vmem_shared>> -> memref<632x128xf32, #tpu.memory_space<vmem_shared>>
      tpu.enqueue_dma source(%dma_start3A_200 : memref<632x128xf32, #tpu.memory_space<vmem_shared>>) target(%dma_start3A_198 : memref<632x128xf32, #tpu.memory_space<hbm>>) target_semaphore(%run_scoped3A : memref<!tpu.dma_semaphore, #tpu.memory_space<semaphore_mem>>)
      %dma_wait3A = arith.constant 0 : i32
      %dma_wait3A_201 = arith.constant 0 : i32
      %dma_wait3A_202 = tpu.memref_slice %arg5[%arg0, %dma_wait3A, %dma_wait3A_201] : memref<2x10112x128xf32, #tpu.memory_space<hbm>> -> memref<1x10112x128xf32, #tpu.memory_space<hbm>>
      %dma_wait3A_203 = tpu.memref_squeeze %dma_wait3A_202 : memref<1x10112x128xf32, #tpu.memory_space<hbm>> -> memref<10112x128xf32, #tpu.memory_space<hbm>>
      %dma_wait3A_204 = arith.constant 0 : i32
      %dma_wait3A_205 = tpu.memref_slice %dma_wait3A_203[%mul3A_2, %dma_wait3A_204] : memref<10112x128xf32, #tpu.memory_space<hbm>> -> memref<632x128xf32, #tpu.memory_space<hbm>>
      %dma_wait3A_206 = arith.constant 0 : i32
      %dma_wait3A_207 = tpu.memref_slice %arg14[%mul3A_2, %dma_wait3A_206] : memref<10112x128xf32, #tpu.memory_space<vmem_shared>> -> memref<632x128xf32, #tpu.memory_space<vmem_shared>>
      tpu.wait_dma2 semaphore(%run_scoped3A : memref<!tpu.dma_semaphore, #tpu.memory_space<semaphore_mem>>) src(%dma_wait3A_207 : memref<632x128xf32, #tpu.memory_space<vmem_shared>>) dst(%dma_wait3A_205 : memref<632x128xf32, #tpu.memory_space<hbm>>)
      tpu.yield
    }) : () -> ()
    return
  }
}

#map = affine_map<(d0, d1) -> (0, 0)>
#map1 = affine_map<(d0, d1) -> (0, 0, 0)>
module attributes {stable_mosaic.version = 14 : i64} {
  func.func @agg_kernel(%arg0: i32, %arg1: i32, %arg2: memref<10112x128xf32, #tpu.memory_space<hbm>>, %arg3: memref<32x126x80xi32, #tpu.memory_space<hbm>>, %arg4: memref<10112x128xf32, #tpu.memory_space<hbm>>, %arg5: memref<2x10112x128xf32, #tpu.memory_space<hbm>>, %arg6: memref<126x80xi32, #tpu.memory_space<vmem>>, %arg7: memref<80xi32, #tpu.memory_space<vmem>>, %arg8: memref<80xi32, #tpu.memory_space<vmem>>, %arg9: memref<80xi32, #tpu.memory_space<vmem>>, %arg10: memref<80xi32, #tpu.memory_space<vmem>>, %arg11: memref<80x128xf32, #tpu.memory_space<vmem>>, %arg12: memref<80x128xf32, #tpu.memory_space<vmem>>, %arg13: memref<80x128xf32, #tpu.memory_space<vmem>>, %arg14: memref<10112x128xf32, #tpu.memory_space<vmem_shared>>, %arg15: memref<!tpu.dma_semaphore, #tpu.memory_space<semaphore_mem>>, %arg16: memref<!tpu.dma_semaphore, #tpu.memory_space<semaphore_mem>>, %arg17: memref<!tpu.dma_semaphore, #tpu.memory_space<semaphore_mem>>) attributes {dimension_semantics = [#tpu.dimension_semantics<core_parallel>, #tpu.dimension_semantics<subcore_parallel>], iteration_bounds = array<i64: 2, 16>, scalar_prefetch = 0 : i64, scratch_operands = 12 : i64, tpu.core_type = #tpu.core_type<sc_vector_subcore>, window_params = [{transform_indices = #map}, {transform_indices = #map1}, {transform_indices = #map}, {transform_indices = #map1}]} {
    %mul3A = arith.constant 16 : i32
    %mul3A_0 = arith.muli %arg0, %mul3A : i32
    %add3A = arith.addi %mul3A_0, %arg1 : i32
    %mul3A_1 = arith.constant 632 : i32
    %mul3A_2 = arith.muli %arg1, %mul3A_1 : i32
    "tpu.region"() ({
      %run_scoped3A = tpu.sem_alloc : memref<!tpu.dma_semaphore, #tpu.memory_space<semaphore_mem>>
      %dma_start3A_193 = arith.constant 0 : i32
      %dma_start3A_194 = arith.constant 0 : i32
      %dma_start3A_195 = tpu.memref_slice %arg3[%add3A, %dma_start3A_193, %dma_start3A_194] : memref<32x126x80xi32, #tpu.memory_space<hbm>> -> memref<1x126x80xi32, #tpu.memory_space<hbm>>
      %dma_start3A_196 = tpu.memref_squeeze %dma_start3A_195 : memref<1x126x80xi32, #tpu.memory_space<hbm>> -> memref<126x80xi32, #tpu.memory_space<hbm>>
      %dma_start3A_197 = arith.constant 0 : i32
      %dma_start3A_198 = arith.constant 0 : i32
      %dma_start3A_199 = tpu.memref_slice %arg3[%add3A, %dma_start3A_197, %dma_start3A_198] : memref<32x126x80xi32, #tpu.memory_space<hbm>> -> memref<1x126x80xi32, #tpu.memory_space<hbm>>
      %dma_start3A_200 = tpu.memref_squeeze %dma_start3A_199 : memref<1x126x80xi32, #tpu.memory_space<hbm>> -> memref<126x80xi32, #tpu.memory_space<hbm>>
      tpu.enqueue_dma source(%dma_start3A_200 : memref<126x80xi32, #tpu.memory_space<hbm>>) target(%arg6 : memref<126x80xi32, #tpu.memory_space<vmem>>) target_semaphore(%run_scoped3A : memref<!tpu.dma_semaphore, #tpu.memory_space<semaphore_mem>>)
      %dma_wait3A = arith.constant 0 : i32
      %dma_wait3A_201 = arith.constant 0 : i32
      %dma_wait3A_202 = tpu.memref_slice %arg3[%add3A, %dma_wait3A, %dma_wait3A_201] : memref<32x126x80xi32, #tpu.memory_space<hbm>> -> memref<1x126x80xi32, #tpu.memory_space<hbm>>
      %dma_wait3A_203 = tpu.memref_squeeze %dma_wait3A_202 : memref<1x126x80xi32, #tpu.memory_space<hbm>> -> memref<126x80xi32, #tpu.memory_space<hbm>>
      %dma_wait3A_204 = arith.constant 0 : i32
      %dma_wait3A_205 = arith.constant 0 : i32
      %dma_wait3A_206 = tpu.memref_slice %arg3[%add3A, %dma_wait3A_204, %dma_wait3A_205] : memref<32x126x80xi32, #tpu.memory_space<hbm>> -> memref<1x126x80xi32, #tpu.memory_space<hbm>>
      %dma_wait3A_207 = tpu.memref_squeeze %dma_wait3A_206 : memref<1x126x80xi32, #tpu.memory_space<hbm>> -> memref<126x80xi32, #tpu.memory_space<hbm>>
      tpu.wait_dma2 semaphore(%run_scoped3A : memref<!tpu.dma_semaphore, #tpu.memory_space<semaphore_mem>>) src(%dma_wait3A_207 : memref<126x80xi32, #tpu.memory_space<hbm>>) dst(%arg6 : memref<126x80xi32, #tpu.memory_space<vmem>>)
      tpu.yield
    }) : () -> ()
    %get3A = arith.constant 0 : i32
    %get3A_3 = arith.index_cast %get3A : i32 to index
    %get3A_4 = arith.constant 0 : index
    %get3A_5 = tpu.vector_load %arg6[%get3A_3, %get3A_4] {strides = array<i32>} : memref<126x80xi32, #tpu.memory_space<vmem>>, vector<1x16xi32>,
    %get3A_6 = vector.shape_cast %get3A_5 : vector<1x16xi32> to vector<16xi32>
    %and3A = arith.constant 16383 : i32
    %and3A_7 = vector.broadcast %and3A : i32 to vector<16xi32>
    %and3A_8 = arith.andi %get3A_6, %and3A_7 : vector<16xi32>
    %swap3A = arith.constant 0 : index
    %swap3A_9 = tpu.vector_load %arg7[%swap3A] {strides = array<i32>} : memref<80xi32, #tpu.memory_space<vmem>>, vector<16xi32>,
    %swap3A_10 = vector.shape_cast %swap3A_9 : vector<16xi32> to vector<16xi32>
    %swap3A_11 = vector.shape_cast %and3A_8 : vector<16xi32> to vector<16xi32>
    tpu.vector_store %arg7[%swap3A], %swap3A_11 {strides = array<i32>} : memref<80xi32, #tpu.memory_space<vmem>>, vector<16xi32>,
    %get3A_12 = arith.constant 0 : i32
    %get3A_13 = arith.index_cast %get3A_12 : i32 to index
    %get3A_14 = arith.constant 16 : index
    %get3A_15 = tpu.vector_load %arg6[%get3A_13, %get3A_14] {strides = array<i32>} : memref<126x80xi32, #tpu.memory_space<vmem>>, vector<1x16xi32>,
    %get3A_16 = vector.shape_cast %get3A_15 : vector<1x16xi32> to vector<16xi32>
    %and3A_17 = arith.constant 16383 : i32
    %and3A_18 = vector.broadcast %and3A_17 : i32 to vector<16xi32>
    %and3A_19 = arith.andi %get3A_16, %and3A_18 : vector<16xi32>
    %swap3A_20 = arith.constant 16 : index
    %swap3A_21 = tpu.vector_load %arg7[%swap3A_20] {strides = array<i32>} : memref<80xi32, #tpu.memory_space<vmem>>, vector<16xi32>,
    %swap3A_22 = vector.shape_cast %swap3A_21 : vector<16xi32> to vector<16xi32>
    %swap3A_23 = vector.shape_cast %and3A_19 : vector<16xi32> to vector<16xi32>
    tpu.vector_store %arg7[%swap3A_20], %swap3A_23 {strides = array<i32>} : memref<80xi32, #tpu.memory_space<vmem>>, vector<16xi32>,
    %get3A_24 = arith.constant 0 : i32
    %get3A_25 = arith.index_cast %get3A_24 : i32 to index
    %get3A_26 = arith.constant 32 : index
    %get3A_27 = tpu.vector_load %arg6[%get3A_25, %get3A_26] {strides = array<i32>} : memref<126x80xi32, #tpu.memory_space<vmem>>, vector<1x16xi32>,
    %get3A_28 = vector.shape_cast %get3A_27 : vector<1x16xi32> to vector<16xi32>
    %and3A_29 = arith.constant 16383 : i32
    %and3A_30 = vector.broadcast %and3A_29 : i32 to vector<16xi32>
    %and3A_31 = arith.andi %get3A_28, %and3A_30 : vector<16xi32>
    %swap3A_32 = arith.constant 32 : index
    %swap3A_33 = tpu.vector_load %arg7[%swap3A_32] {strides = array<i32>} : memref<80xi32, #tpu.memory_space<vmem>>, vector<16xi32>,
    %swap3A_34 = vector.shape_cast %swap3A_33 : vector<16xi32> to vector<16xi32>
    %swap3A_35 = vector.shape_cast %and3A_31 : vector<16xi32> to vector<16xi32>
    tpu.vector_store %arg7[%swap3A_32], %swap3A_35 {strides = array<i32>} : memref<80xi32, #tpu.memory_space<vmem>>, vector<16xi32>,
    %get3A_36 = arith.constant 0 : i32
    %get3A_37 = arith.index_cast %get3A_36 : i32 to index
    %get3A_38 = arith.constant 48 : index
    %get3A_39 = tpu.vector_load %arg6[%get3A_37, %get3A_38] {strides = array<i32>} : memref<126x80xi32, #tpu.memory_space<vmem>>, vector<1x16xi32>,
    %get3A_40 = vector.shape_cast %get3A_39 : vector<1x16xi32> to vector<16xi32>
    %and3A_41 = arith.constant 16383 : i32
    %and3A_42 = vector.broadcast %and3A_41 : i32 to vector<16xi32>
    %and3A_43 = arith.andi %get3A_40, %and3A_42 : vector<16xi32>
    %swap3A_44 = arith.constant 48 : index
    %swap3A_45 = tpu.vector_load %arg7[%swap3A_44] {strides = array<i32>} : memref<80xi32, #tpu.memory_space<vmem>>, vector<16xi32>,
    %swap3A_46 = vector.shape_cast %swap3A_45 : vector<16xi32> to vector<16xi32>
    %swap3A_47 = vector.shape_cast %and3A_43 : vector<16xi32> to vector<16xi32>
    tpu.vector_store %arg7[%swap3A_44], %swap3A_47 {strides = array<i32>} : memref<80xi32, #tpu.memory_space<vmem>>, vector<16xi32>,
    %get3A_48 = arith.constant 0 : i32
    %get3A_49 = arith.index_cast %get3A_48 : i32 to index
    %get3A_50 = arith.constant 64 : index
    %get3A_51 = tpu.vector_load %arg6[%get3A_49, %get3A_50] {strides = array<i32>} : memref<126x80xi32, #tpu.memory_space<vmem>>, vector<1x16xi32>,
    %get3A_52 = vector.shape_cast %get3A_51 : vector<1x16xi32> to vector<16xi32>
    %and3A_53 = arith.constant 16383 : i32
    %and3A_54 = vector.broadcast %and3A_53 : i32 to vector<16xi32>
    %and3A_55 = arith.andi %get3A_52, %and3A_54 : vector<16xi32>
    %swap3A_56 = arith.constant 64 : index
    %swap3A_57 = tpu.vector_load %arg7[%swap3A_56] {strides = array<i32>} : memref<80xi32, #tpu.memory_space<vmem>>, vector<16xi32>,
    %swap3A_58 = vector.shape_cast %swap3A_57 : vector<16xi32> to vector<16xi32>
    %swap3A_59 = vector.shape_cast %and3A_55 : vector<16xi32> to vector<16xi32>
    tpu.vector_store %arg7[%swap3A_56], %swap3A_59 {strides = array<i32>} : memref<80xi32, #tpu.memory_space<vmem>>, vector<16xi32>,
    %dma_start3A = arith.constant 0 : i32
    %dma_start3A_60 = arith.constant 0 : i32
    %dma_start3A_61 = tpu.memref_slice %arg2[%dma_start3A, %dma_start3A_60] : memref<10112x128xf32, #tpu.memory_space<hbm>> -> memref<10112x128xf32, #tpu.memory_space<hbm>>
    tpu.enqueue_indirect_dma source(%dma_start3A_61 : memref<10112x128xf32, #tpu.memory_space<hbm>>) target(%arg11 : memref<80x128xf32, #tpu.memory_space<vmem>>) offsets(%arg7 : memref<80xi32, #tpu.memory_space<vmem>>) semaphore(%arg15 : memref<!tpu.dma_semaphore, #tpu.memory_space<semaphore_mem>>)
    %get3A_62 = arith.constant 1 : i32
    %get3A_63 = arith.index_cast %get3A_62 : i32 to index
    %get3A_64 = arith.constant 0 : index
    %get3A_65 = tpu.vector_load %arg6[%get3A_63, %get3A_64] {strides = array<i32>} : memref<126x80xi32, #tpu.memory_space<vmem>>, vector<1x16xi32>,
    %get3A_66 = vector.shape_cast %get3A_65 : vector<1x16xi32> to vector<16xi32>
    %and3A_67 = arith.constant 16383 : i32
    %and3A_68 = vector.broadcast %and3A_67 : i32 to vector<16xi32>
    %and3A_69 = arith.andi %get3A_66, %and3A_68 : vector<16xi32>
    %swap3A_70 = arith.constant 0 : index
    %swap3A_71 = tpu.vector_load %arg8[%swap3A_70] {strides = array<i32>} : memref<80xi32, #tpu.memory_space<vmem>>, vector<16xi32>,
    %swap3A_72 = vector.shape_cast %swap3A_71 : vector<16xi32> to vector<16xi32>
    %swap3A_73 = vector.shape_cast %and3A_69 : vector<16xi32> to vector<16xi32>
    tpu.vector_store %arg8[%swap3A_70], %swap3A_73 {strides = array<i32>} : memref<80xi32, #tpu.memory_space<vmem>>, vector<16xi32>,
    %get3A_74 = arith.constant 1 : i32
    %get3A_75 = arith.index_cast %get3A_74 : i32 to index
    %get3A_76 = arith.constant 16 : index
    %get3A_77 = tpu.vector_load %arg6[%get3A_75, %get3A_76] {strides = array<i32>} : memref<126x80xi32, #tpu.memory_space<vmem>>, vector<1x16xi32>,
    %get3A_78 = vector.shape_cast %get3A_77 : vector<1x16xi32> to vector<16xi32>
    %and3A_79 = arith.constant 16383 : i32
    %and3A_80 = vector.broadcast %and3A_79 : i32 to vector<16xi32>
    %and3A_81 = arith.andi %get3A_78, %and3A_80 : vector<16xi32>
    %swap3A_82 = arith.constant 16 : index
    %swap3A_83 = tpu.vector_load %arg8[%swap3A_82] {strides = array<i32>} : memref<80xi32, #tpu.memory_space<vmem>>, vector<16xi32>,
    %swap3A_84 = vector.shape_cast %swap3A_83 : vector<16xi32> to vector<16xi32>
    %swap3A_85 = vector.shape_cast %and3A_81 : vector<16xi32> to vector<16xi32>
    tpu.vector_store %arg8[%swap3A_82], %swap3A_85 {strides = array<i32>} : memref<80xi32, #tpu.memory_space<vmem>>, vector<16xi32>,
    %get3A_86 = arith.constant 1 : i32
    %get3A_87 = arith.index_cast %get3A_86 : i32 to index
    %get3A_88 = arith.constant 32 : index
    %get3A_89 = tpu.vector_load %arg6[%get3A_87, %get3A_88] {strides = array<i32>} : memref<126x80xi32, #tpu.memory_space<vmem>>, vector<1x16xi32>,
    %get3A_90 = vector.shape_cast %get3A_89 : vector<1x16xi32> to vector<16xi32>
    %and3A_91 = arith.constant 16383 : i32
    %and3A_92 = vector.broadcast %and3A_91 : i32 to vector<16xi32>
    %and3A_93 = arith.andi %get3A_90, %and3A_92 : vector<16xi32>
    %swap3A_94 = arith.constant 32 : index
    %swap3A_95 = tpu.vector_load %arg8[%swap3A_94] {strides = array<i32>} : memref<80xi32, #tpu.memory_space<vmem>>, vector<16xi32>,
    %swap3A_96 = vector.shape_cast %swap3A_95 : vector<16xi32> to vector<16xi32>
    %swap3A_97 = vector.shape_cast %and3A_93 : vector<16xi32> to vector<16xi32>
    tpu.vector_store %arg8[%swap3A_94], %swap3A_97 {strides = array<i32>} : memref<80xi32, #tpu.memory_space<vmem>>, vector<16xi32>,
    %get3A_98 = arith.constant 1 : i32
    %get3A_99 = arith.index_cast %get3A_98 : i32 to index
    %get3A_100 = arith.constant 48 : index
    %get3A_101 = tpu.vector_load %arg6[%get3A_99, %get3A_100] {strides = array<i32>} : memref<126x80xi32, #tpu.memory_space<vmem>>, vector<1x16xi32>,
    %get3A_102 = vector.shape_cast %get3A_101 : vector<1x16xi32> to vector<16xi32>
    %and3A_103 = arith.constant 16383 : i32
    %and3A_104 = vector.broadcast %and3A_103 : i32 to vector<16xi32>
    %and3A_105 = arith.andi %get3A_102, %and3A_104 : vector<16xi32>
    %swap3A_106 = arith.constant 48 : index
    %swap3A_107 = tpu.vector_load %arg8[%swap3A_106] {strides = array<i32>} : memref<80xi32, #tpu.memory_space<vmem>>, vector<16xi32>,
    %swap3A_108 = vector.shape_cast %swap3A_107 : vector<16xi32> to vector<16xi32>
    %swap3A_109 = vector.shape_cast %and3A_105 : vector<16xi32> to vector<16xi32>
    tpu.vector_store %arg8[%swap3A_106], %swap3A_109 {strides = array<i32>} : memref<80xi32, #tpu.memory_space<vmem>>, vector<16xi32>,
    %get3A_110 = arith.constant 1 : i32
    %get3A_111 = arith.index_cast %get3A_110 : i32 to index
    %get3A_112 = arith.constant 64 : index
    %get3A_113 = tpu.vector_load %arg6[%get3A_111, %get3A_112] {strides = array<i32>} : memref<126x80xi32, #tpu.memory_space<vmem>>, vector<1x16xi32>,
    %get3A_114 = vector.shape_cast %get3A_113 : vector<1x16xi32> to vector<16xi32>
    %and3A_115 = arith.constant 16383 : i32
    %and3A_116 = vector.broadcast %and3A_115 : i32 to vector<16xi32>
    %and3A_117 = arith.andi %get3A_114, %and3A_116 : vector<16xi32>
    %swap3A_118 = arith.constant 64 : index
    %swap3A_119 = tpu.vector_load %arg8[%swap3A_118] {strides = array<i32>} : memref<80xi32, #tpu.memory_space<vmem>>, vector<16xi32>,
    %swap3A_120 = vector.shape_cast %swap3A_119 : vector<16xi32> to vector<16xi32>
    %swap3A_121 = vector.shape_cast %and3A_117 : vector<16xi32> to vector<16xi32>
    tpu.vector_store %arg8[%swap3A_118], %swap3A_121 {strides = array<i32>} : memref<80xi32, #tpu.memory_space<vmem>>, vector<16xi32>,
    %dma_start3A_122 = arith.constant 0 : i32
    %dma_start3A_123 = arith.constant 0 : i32
    %dma_start3A_124 = tpu.memref_slice %arg2[%dma_start3A_122, %dma_start3A_123] : memref<10112x128xf32, #tpu.memory_space<hbm>> -> memref<10112x128xf32, #tpu.memory_space<hbm>>
    tpu.enqueue_indirect_dma source(%dma_start3A_124 : memref<10112x128xf32, #tpu.memory_space<hbm>>) target(%arg12 : memref<80x128xf32, #tpu.memory_space<vmem>>) offsets(%arg8 : memref<80xi32, #tpu.memory_space<vmem>>) semaphore(%arg16 : memref<!tpu.dma_semaphore, #tpu.memory_space<semaphore_mem>>)
    %get3A_125 = arith.constant 2 : i32
    %get3A_126 = arith.index_cast %get3A_125 : i32 to index
    %get3A_127 = arith.constant 0 : index
    %get3A_128 = tpu.vector_load %arg6[%get3A_126, %get3A_127] {strides = array<i32>} : memref<126x80xi32, #tpu.memory_space<vmem>>, vector<1x16xi32>,
    %get3A_129 = vector.shape_cast %get3A_128 : vector<1x16xi32> to vector<16xi32>
    %and3A_130 = arith.constant 16383 : i32
    %and3A_131 = vector.broadcast %and3A_130 : i32 to vector<16xi32>
    %and3A_132 = arith.andi %get3A_129, %and3A_131 : vector<16xi32>
    %swap3A_133 = arith.constant 0 : index
    %swap3A_134 = tpu.vector_load %arg9[%swap3A_133] {strides = array<i32>} : memref<80xi32, #tpu.memory_space<vmem>>, vector<16xi32>,
    %swap3A_135 = vector.shape_cast %swap3A_134 : vector<16xi32> to vector<16xi32>
    %swap3A_136 = vector.shape_cast %and3A_132 : vector<16xi32> to vector<16xi32>
    tpu.vector_store %arg9[%swap3A_133], %swap3A_136 {strides = array<i32>} : memref<80xi32, #tpu.memory_space<vmem>>, vector<16xi32>,
    %get3A_137 = arith.constant 2 : i32
    %get3A_138 = arith.index_cast %get3A_137 : i32 to index
    %get3A_139 = arith.constant 16 : index
    %get3A_140 = tpu.vector_load %arg6[%get3A_138, %get3A_139] {strides = array<i32>} : memref<126x80xi32, #tpu.memory_space<vmem>>, vector<1x16xi32>,
    %get3A_141 = vector.shape_cast %get3A_140 : vector<1x16xi32> to vector<16xi32>
    %and3A_142 = arith.constant 16383 : i32
    %and3A_143 = vector.broadcast %and3A_142 : i32 to vector<16xi32>
    %and3A_144 = arith.andi %get3A_141, %and3A_143 : vector<16xi32>
    %swap3A_145 = arith.constant 16 : index
    %swap3A_146 = tpu.vector_load %arg9[%swap3A_145] {strides = array<i32>} : memref<80xi32, #tpu.memory_space<vmem>>, vector<16xi32>,
    %swap3A_147 = vector.shape_cast %swap3A_146 : vector<16xi32> to vector<16xi32>
    %swap3A_148 = vector.shape_cast %and3A_144 : vector<16xi32> to vector<16xi32>
    tpu.vector_store %arg9[%swap3A_145], %swap3A_148 {strides = array<i32>} : memref<80xi32, #tpu.memory_space<vmem>>, vector<16xi32>,
    %get3A_149 = arith.constant 2 : i32
    %get3A_150 = arith.index_cast %get3A_149 : i32 to index
    %get3A_151 = arith.constant 32 : index
    %get3A_152 = tpu.vector_load %arg6[%get3A_150, %get3A_151] {strides = array<i32>} : memref<126x80xi32, #tpu.memory_space<vmem>>, vector<1x16xi32>,
    %get3A_153 = vector.shape_cast %get3A_152 : vector<1x16xi32> to vector<16xi32>
    %and3A_154 = arith.constant 16383 : i32
    %and3A_155 = vector.broadcast %and3A_154 : i32 to vector<16xi32>
    %and3A_156 = arith.andi %get3A_153, %and3A_155 : vector<16xi32>
    %swap3A_157 = arith.constant 32 : index
    %swap3A_158 = tpu.vector_load %arg9[%swap3A_157] {strides = array<i32>} : memref<80xi32, #tpu.memory_space<vmem>>, vector<16xi32>,
    %swap3A_159 = vector.shape_cast %swap3A_158 : vector<16xi32> to vector<16xi32>
    %swap3A_160 = vector.shape_cast %and3A_156 : vector<16xi32> to vector<16xi32>
    tpu.vector_store %arg9[%swap3A_157], %swap3A_160 {strides = array<i32>} : memref<80xi32, #tpu.memory_space<vmem>>, vector<16xi32>,
    %get3A_161 = arith.constant 2 : i32
    %get3A_162 = arith.index_cast %get3A_161 : i32 to index
    %get3A_163 = arith.constant 48 : index
    %get3A_164 = tpu.vector_load %arg6[%get3A_162, %get3A_163] {strides = array<i32>} : memref<126x80xi32, #tpu.memory_space<vmem>>, vector<1x16xi32>,
    %get3A_165 = vector.shape_cast %get3A_164 : vector<1x16xi32> to vector<16xi32>
    %and3A_166 = arith.constant 16383 : i32
    %and3A_167 = vector.broadcast %and3A_166 : i32 to vector<16xi32>
    %and3A_168 = arith.andi %get3A_165, %and3A_167 : vector<16xi32>
    %swap3A_169 = arith.constant 48 : index
    %swap3A_170 = tpu.vector_load %arg9[%swap3A_169] {strides = array<i32>} : memref<80xi32, #tpu.memory_space<vmem>>, vector<16xi32>,
    %swap3A_171 = vector.shape_cast %swap3A_170 : vector<16xi32> to vector<16xi32>
    %swap3A_172 = vector.shape_cast %and3A_168 : vector<16xi32> to vector<16xi32>
    tpu.vector_store %arg9[%swap3A_169], %swap3A_172 {strides = array<i32>} : memref<80xi32, #tpu.memory_space<vmem>>, vector<16xi32>,
    %get3A_173 = arith.constant 2 : i32
    %get3A_174 = arith.index_cast %get3A_173 : i32 to index
    %get3A_175 = arith.constant 64 : index
    %get3A_176 = tpu.vector_load %arg6[%get3A_174, %get3A_175] {strides = array<i32>} : memref<126x80xi32, #tpu.memory_space<vmem>>, vector<1x16xi32>,
    %get3A_177 = vector.shape_cast %get3A_176 : vector<1x16xi32> to vector<16xi32>
    %and3A_178 = arith.constant 16383 : i32
    %and3A_179 = vector.broadcast %and3A_178 : i32 to vector<16xi32>
    %and3A_180 = arith.andi %get3A_177, %and3A_179 : vector<16xi32>
    %swap3A_181 = arith.constant 64 : index
    %swap3A_182 = tpu.vector_load %arg9[%swap3A_181] {strides = array<i32>} : memref<80xi32, #tpu.memory_space<vmem>>, vector<16xi32>,
    %swap3A_183 = vector.shape_cast %swap3A_182 : vector<16xi32> to vector<16xi32>
    %swap3A_184 = vector.shape_cast %and3A_180 : vector<16xi32> to vector<16xi32>
    tpu.vector_store %arg9[%swap3A_181], %swap3A_184 {strides = array<i32>} : memref<80xi32, #tpu.memory_space<vmem>>, vector<16xi32>,
    %dma_start3A_185 = arith.constant 0 : i32
    %dma_start3A_186 = arith.constant 0 : i32
    %dma_start3A_187 = tpu.memref_slice %arg2[%dma_start3A_185, %dma_start3A_186] : memref<10112x128xf32, #tpu.memory_space<hbm>> -> memref<10112x128xf32, #tpu.memory_space<hbm>>
    tpu.enqueue_indirect_dma source(%dma_start3A_187 : memref<10112x128xf32, #tpu.memory_space<hbm>>) target(%arg13 : memref<80x128xf32, #tpu.memory_space<vmem>>) offsets(%arg9 : memref<80xi32, #tpu.memory_space<vmem>>) semaphore(%arg17 : memref<!tpu.dma_semaphore, #tpu.memory_space<semaphore_mem>>)
    "tpu.region"() ({
      %run_scoped3A = tpu.sem_alloc : memref<!tpu.dma_semaphore, #tpu.memory_space<semaphore_mem>>
      %dma_start3A_193 = arith.constant 0 : i32
      %dma_start3A_194 = tpu.memref_slice %arg14[%mul3A_2, %dma_start3A_193] : memref<10112x128xf32, #tpu.memory_space<vmem_shared>> -> memref<632x128xf32, #tpu.memory_space<vmem_shared>>
      %dma_start3A_195 = arith.constant 0 : i32
      %dma_start3A_196 = tpu.memref_slice %arg4[%mul3A_2, %dma_start3A_195] : memref<10112x128xf32, #tpu.memory_space<hbm>> -> memref<632x128xf32, #tpu.memory_space<hbm>>
      tpu.enqueue_dma source(%dma_start3A_196 : memref<632x128xf32, #tpu.memory_space<hbm>>) target(%dma_start3A_194 : memref<632x128xf32, #tpu.memory_space<vmem_shared>>) target_semaphore(%run_scoped3A : memref<!tpu.dma_semaphore, #tpu.memory_space<semaphore_mem>>)
      %dma_wait3A = arith.constant 0 : i32
      %dma_wait3A_197 = tpu.memref_slice %arg14[%mul3A_2, %dma_wait3A] : memref<10112x128xf32, #tpu.memory_space<vmem_shared>> -> memref<632x128xf32, #tpu.memory_space<vmem_shared>>
      %dma_wait3A_198 = arith.constant 0 : i32
      %dma_wait3A_199 = tpu.memref_slice %arg4[%mul3A_2, %dma_wait3A_198] : memref<10112x128xf32, #tpu.memory_space<hbm>> -> memref<632x128xf32, #tpu.memory_space<hbm>>
      tpu.wait_dma2 semaphore(%run_scoped3A : memref<!tpu.dma_semaphore, #tpu.memory_space<semaphore_mem>>) src(%dma_wait3A_199 : memref<632x128xf32, #tpu.memory_space<hbm>>) dst(%dma_wait3A_197 : memref<632x128xf32, #tpu.memory_space<vmem_shared>>)
      tpu.yield
    }) : () -> ()
    %barrier3A = arith.constant 0 : index
    tpu.barrier barrier_id(%barrier3A)
    %scan3A = arith.constant 0 : i32
    %scan3A_188 = arith.constant 42 : i32
    %scan3A_189 = arith.addi %scan3A, %scan3A_188 : i32
    %scan3A_190 = arith.constant 1 : i32
    scf.for %scan3A_193 = %scan3A to %scan3A_189 step %scan3A_190  : i32 {
      %mul3A_194 = arith.constant 1 : i32
      %mul3A_195 = arith.muli %scan3A_193, %mul3A_194 : i32
      %add3A_196 = arith.constant 0 : i32
      %add3A_197 = arith.addi %add3A_196, %mul3A_195 : i32
      %mul3A_198 = arith.constant 3 : i32
      %mul3A_199 = arith.muli %add3A_197, %mul3A_198 : i32
      %add3A_200 = arith.constant 0 : i32
      %add3A_201 = arith.addi %mul3A_199, %add3A_200 : i32
      %dma_wait3A = arith.constant 0 : i32
      %dma_wait3A_202 = arith.constant 0 : i32
      %dma_wait3A_203 = tpu.memref_slice %arg2[%dma_wait3A, %dma_wait3A_202] : memref<10112x128xf32, #tpu.memory_space<hbm>> -> memref<80x128xf32, #tpu.memory_space<hbm>>
      %dma_wait3A_204 = arith.constant 0 : i32
      %dma_wait3A_205 = arith.constant 0 : i32
      %dma_wait3A_206 = tpu.memref_slice %arg2[%dma_wait3A_204, %dma_wait3A_205] : memref<10112x128xf32, #tpu.memory_space<hbm>> -> memref<80x128xf32, #tpu.memory_space<hbm>>
      tpu.wait_dma2 semaphore(%arg15 : memref<!tpu.dma_semaphore, #tpu.memory_space<semaphore_mem>>) src(%dma_wait3A_206 : memref<80x128xf32, #tpu.memory_space<hbm>>) dst(%arg11 : memref<80x128xf32, #tpu.memory_space<vmem>>)
      %get3A_207 = arith.index_cast %add3A_201 : i32 to index
      %get3A_208 = arith.constant 0 : index
      %get3A_209 = tpu.vector_load %arg6[%get3A_207, %get3A_208] {strides = array<i32>} : memref<126x80xi32, #tpu.memory_space<vmem>>, vector<1x16xi32>,
      %get3A_210 = vector.shape_cast %get3A_209 : vector<1x16xi32> to vector<16xi32>
      %shift_right_logical3A = arith.constant 14 : i32
      %shift_right_logical3A_211 = vector.broadcast %shift_right_logical3A : i32 to vector<16xi32>
      %shift_right_logical3A_212 = arith.shrui %get3A_210, %shift_right_logical3A_211 : vector<16xi32>
      %swap3A_213 = arith.constant 0 : index
      %swap3A_214 = tpu.vector_load %arg10[%swap3A_213] {strides = array<i32>} : memref<80xi32, #tpu.memory_space<vmem>>, vector<16xi32>,
      %swap3A_215 = vector.shape_cast %swap3A_214 : vector<16xi32> to vector<16xi32>
      %swap3A_216 = vector.shape_cast %shift_right_logical3A_212 : vector<16xi32> to vector<16xi32>
      tpu.vector_store %arg10[%swap3A_213], %swap3A_216 {strides = array<i32>} : memref<80xi32, #tpu.memory_space<vmem>>, vector<16xi32>,
      %get3A_217 = arith.index_cast %add3A_201 : i32 to index
      %get3A_218 = arith.constant 16 : index
      %get3A_219 = tpu.vector_load %arg6[%get3A_217, %get3A_218] {strides = array<i32>} : memref<126x80xi32, #tpu.memory_space<vmem>>, vector<1x16xi32>,
      %get3A_220 = vector.shape_cast %get3A_219 : vector<1x16xi32> to vector<16xi32>
      %shift_right_logical3A_221 = arith.constant 14 : i32
      %shift_right_logical3A_222 = vector.broadcast %shift_right_logical3A_221 : i32 to vector<16xi32>
      %shift_right_logical3A_223 = arith.shrui %get3A_220, %shift_right_logical3A_222 : vector<16xi32>
      %swap3A_224 = arith.constant 16 : index
      %swap3A_225 = tpu.vector_load %arg10[%swap3A_224] {strides = array<i32>} : memref<80xi32, #tpu.memory_space<vmem>>, vector<16xi32>,
      %swap3A_226 = vector.shape_cast %swap3A_225 : vector<16xi32> to vector<16xi32>
      %swap3A_227 = vector.shape_cast %shift_right_logical3A_223 : vector<16xi32> to vector<16xi32>
      tpu.vector_store %arg10[%swap3A_224], %swap3A_227 {strides = array<i32>} : memref<80xi32, #tpu.memory_space<vmem>>, vector<16xi32>,
      %get3A_228 = arith.index_cast %add3A_201 : i32 to index
      %get3A_229 = arith.constant 32 : index
      %get3A_230 = tpu.vector_load %arg6[%get3A_228, %get3A_229] {strides = array<i32>} : memref<126x80xi32, #tpu.memory_space<vmem>>, vector<1x16xi32>,
      %get3A_231 = vector.shape_cast %get3A_230 : vector<1x16xi32> to vector<16xi32>
      %shift_right_logical3A_232 = arith.constant 14 : i32
      %shift_right_logical3A_233 = vector.broadcast %shift_right_logical3A_232 : i32 to vector<16xi32>
      %shift_right_logical3A_234 = arith.shrui %get3A_231, %shift_right_logical3A_233 : vector<16xi32>
      %swap3A_235 = arith.constant 32 : index
      %swap3A_236 = tpu.vector_load %arg10[%swap3A_235] {strides = array<i32>} : memref<80xi32, #tpu.memory_space<vmem>>, vector<16xi32>,
      %swap3A_237 = vector.shape_cast %swap3A_236 : vector<16xi32> to vector<16xi32>
      %swap3A_238 = vector.shape_cast %shift_right_logical3A_234 : vector<16xi32> to vector<16xi32>
      tpu.vector_store %arg10[%swap3A_235], %swap3A_238 {strides = array<i32>} : memref<80xi32, #tpu.memory_space<vmem>>, vector<16xi32>,
      %get3A_239 = arith.index_cast %add3A_201 : i32 to index
      %get3A_240 = arith.constant 48 : index
      %get3A_241 = tpu.vector_load %arg6[%get3A_239, %get3A_240] {strides = array<i32>} : memref<126x80xi32, #tpu.memory_space<vmem>>, vector<1x16xi32>,
      %get3A_242 = vector.shape_cast %get3A_241 : vector<1x16xi32> to vector<16xi32>
      %shift_right_logical3A_243 = arith.constant 14 : i32
      %shift_right_logical3A_244 = vector.broadcast %shift_right_logical3A_243 : i32 to vector<16xi32>
      %shift_right_logical3A_245 = arith.shrui %get3A_242, %shift_right_logical3A_244 : vector<16xi32>
      %swap3A_246 = arith.constant 48 : index
      %swap3A_247 = tpu.vector_load %arg10[%swap3A_246] {strides = array<i32>} : memref<80xi32, #tpu.memory_space<vmem>>, vector<16xi32>,
      %swap3A_248 = vector.shape_cast %swap3A_247 : vector<16xi32> to vector<16xi32>
      %swap3A_249 = vector.shape_cast %shift_right_logical3A_245 : vector<16xi32> to vector<16xi32>
      tpu.vector_store %arg10[%swap3A_246], %swap3A_249 {strides = array<i32>} : memref<80xi32, #tpu.memory_space<vmem>>, vector<16xi32>,
      %get3A_250 = arith.index_cast %add3A_201 : i32 to index
      %get3A_251 = arith.constant 64 : index
      %get3A_252 = tpu.vector_load %arg6[%get3A_250, %get3A_251] {strides = array<i32>} : memref<126x80xi32, #tpu.memory_space<vmem>>, vector<1x16xi32>,
      %get3A_253 = vector.shape_cast %get3A_252 : vector<1x16xi32> to vector<16xi32>
      %shift_right_logical3A_254 = arith.constant 14 : i32
      %shift_right_logical3A_255 = vector.broadcast %shift_right_logical3A_254 : i32 to vector<16xi32>
      %shift_right_logical3A_256 = arith.shrui %get3A_253, %shift_right_logical3A_255 : vector<16xi32>
      %swap3A_257 = arith.constant 64 : index
      %swap3A_258 = tpu.vector_load %arg10[%swap3A_257] {strides = array<i32>} : memref<80xi32, #tpu.memory_space<vmem>>, vector<16xi32>,
      %swap3A_259 = vector.shape_cast %swap3A_258 : vector<16xi32> to vector<16xi32>
      %swap3A_260 = vector.shape_cast %shift_right_logical3A_256 : vector<16xi32> to vector<16xi32>
      tpu.vector_store %arg10[%swap3A_257], %swap3A_260 {strides = array<i32>} : memref<80xi32, #tpu.memory_space<vmem>>, vector<16xi32>,
      "tpu.region"() ({
        %run_scoped3A = tpu.sem_alloc : memref<!tpu.dma_semaphore, #tpu.memory_space<semaphore_mem>>
        %dma_start3A_409 = arith.constant 0 : i32
        %dma_start3A_410 = arith.constant 0 : i32
        %dma_start3A_411 = tpu.memref_slice %arg14[%dma_start3A_409, %dma_start3A_410] : memref<10112x128xf32, #tpu.memory_space<vmem_shared>> -> memref<10112x128xf32, #tpu.memory_space<vmem_shared>>
        tpu.enqueue_indirect_dma source(%arg11 : memref<80x128xf32, #tpu.memory_space<vmem>>) target(%dma_start3A_411 : memref<10112x128xf32, #tpu.memory_space<vmem_shared>>) offsets(%arg10 : memref<80xi32, #tpu.memory_space<vmem>>) semaphore(%run_scoped3A : memref<!tpu.dma_semaphore, #tpu.memory_space<semaphore_mem>>) {add = true}
        %dma_wait3A_412 = arith.constant 0 : i32
        %dma_wait3A_413 = arith.constant 0 : i32
        %dma_wait3A_414 = tpu.memref_slice %arg14[%dma_wait3A_412, %dma_wait3A_413] : memref<10112x128xf32, #tpu.memory_space<vmem_shared>> -> memref<10112x128xf32, #tpu.memory_space<vmem_shared>>
        tpu.wait_indirect_dma semaphore(%run_scoped3A : memref<!tpu.dma_semaphore, #tpu.memory_space<semaphore_mem>>) src(%arg11 : memref<80x128xf32, #tpu.memory_space<vmem>>) dst(%dma_wait3A_414 : memref<10112x128xf32, #tpu.memory_space<vmem_shared>>)
        tpu.yield
      }) : () -> ()
      %add3A_261 = arith.constant 3 : i32
      %add3A_262 = arith.addi %add3A_201, %add3A_261 : i32
      %lt3A = arith.constant 126 : i32
      %lt3A_263 = arith.cmpi slt, %add3A_262, %lt3A : i32
      %convert_element_type3A = arith.extui %lt3A_263 : i1 to i32
      %cond3A = arith.constant 0 : i32
      %cond3A_264 = arith.cmpi ne, %convert_element_type3A, %cond3A : i32
      scf.if %cond3A_264 {
        %add3A_409 = arith.constant 3 : i32
        %add3A_410 = arith.addi %add3A_201, %add3A_409 : i32
        %get3A_411 = arith.index_cast %add3A_410 : i32 to index
        %get3A_412 = arith.constant 0 : index
        %get3A_413 = tpu.vector_load %arg6[%get3A_411, %get3A_412] {strides = array<i32>} : memref<126x80xi32, #tpu.memory_space<vmem>>, vector<1x16xi32>,
        %get3A_414 = vector.shape_cast %get3A_413 : vector<1x16xi32> to vector<16xi32>
        %and3A_415 = arith.constant 16383 : i32
        %and3A_416 = vector.broadcast %and3A_415 : i32 to vector<16xi32>
        %and3A_417 = arith.andi %get3A_414, %and3A_416 : vector<16xi32>
        %swap3A_418 = arith.constant 0 : index
        %swap3A_419 = tpu.vector_load %arg7[%swap3A_418] {strides = array<i32>} : memref<80xi32, #tpu.memory_space<vmem>>, vector<16xi32>,
        %swap3A_420 = vector.shape_cast %swap3A_419 : vector<16xi32> to vector<16xi32>
        %swap3A_421 = vector.shape_cast %and3A_417 : vector<16xi32> to vector<16xi32>
        tpu.vector_store %arg7[%swap3A_418], %swap3A_421 {strides = array<i32>} : memref<80xi32, #tpu.memory_space<vmem>>, vector<16xi32>,
        %get3A_422 = arith.index_cast %add3A_410 : i32 to index
        %get3A_423 = arith.constant 16 : index
        %get3A_424 = tpu.vector_load %arg6[%get3A_422, %get3A_423] {strides = array<i32>} : memref<126x80xi32, #tpu.memory_space<vmem>>, vector<1x16xi32>,
        %get3A_425 = vector.shape_cast %get3A_424 : vector<1x16xi32> to vector<16xi32>
        %and3A_426 = arith.constant 16383 : i32
        %and3A_427 = vector.broadcast %and3A_426 : i32 to vector<16xi32>
        %and3A_428 = arith.andi %get3A_425, %and3A_427 : vector<16xi32>
        %swap3A_429 = arith.constant 16 : index
        %swap3A_430 = tpu.vector_load %arg7[%swap3A_429] {strides = array<i32>} : memref<80xi32, #tpu.memory_space<vmem>>, vector<16xi32>,
        %swap3A_431 = vector.shape_cast %swap3A_430 : vector<16xi32> to vector<16xi32>
        %swap3A_432 = vector.shape_cast %and3A_428 : vector<16xi32> to vector<16xi32>
        tpu.vector_store %arg7[%swap3A_429], %swap3A_432 {strides = array<i32>} : memref<80xi32, #tpu.memory_space<vmem>>, vector<16xi32>,
        %get3A_433 = arith.index_cast %add3A_410 : i32 to index
        %get3A_434 = arith.constant 32 : index
        %get3A_435 = tpu.vector_load %arg6[%get3A_433, %get3A_434] {strides = array<i32>} : memref<126x80xi32, #tpu.memory_space<vmem>>, vector<1x16xi32>,
        %get3A_436 = vector.shape_cast %get3A_435 : vector<1x16xi32> to vector<16xi32>
        %and3A_437 = arith.constant 16383 : i32
        %and3A_438 = vector.broadcast %and3A_437 : i32 to vector<16xi32>
        %and3A_439 = arith.andi %get3A_436, %and3A_438 : vector<16xi32>
        %swap3A_440 = arith.constant 32 : index
        %swap3A_441 = tpu.vector_load %arg7[%swap3A_440] {strides = array<i32>} : memref<80xi32, #tpu.memory_space<vmem>>, vector<16xi32>,
        %swap3A_442 = vector.shape_cast %swap3A_441 : vector<16xi32> to vector<16xi32>
        %swap3A_443 = vector.shape_cast %and3A_439 : vector<16xi32> to vector<16xi32>
        tpu.vector_store %arg7[%swap3A_440], %swap3A_443 {strides = array<i32>} : memref<80xi32, #tpu.memory_space<vmem>>, vector<16xi32>,
        %get3A_444 = arith.index_cast %add3A_410 : i32 to index
        %get3A_445 = arith.constant 48 : index
        %get3A_446 = tpu.vector_load %arg6[%get3A_444, %get3A_445] {strides = array<i32>} : memref<126x80xi32, #tpu.memory_space<vmem>>, vector<1x16xi32>,
        %get3A_447 = vector.shape_cast %get3A_446 : vector<1x16xi32> to vector<16xi32>
        %and3A_448 = arith.constant 16383 : i32
        %and3A_449 = vector.broadcast %and3A_448 : i32 to vector<16xi32>
        %and3A_450 = arith.andi %get3A_447, %and3A_449 : vector<16xi32>
        %swap3A_451 = arith.constant 48 : index
        %swap3A_452 = tpu.vector_load %arg7[%swap3A_451] {strides = array<i32>} : memref<80xi32, #tpu.memory_space<vmem>>, vector<16xi32>,
        %swap3A_453 = vector.shape_cast %swap3A_452 : vector<16xi32> to vector<16xi32>
        %swap3A_454 = vector.shape_cast %and3A_450 : vector<16xi32> to vector<16xi32>
        tpu.vector_store %arg7[%swap3A_451], %swap3A_454 {strides = array<i32>} : memref<80xi32, #tpu.memory_space<vmem>>, vector<16xi32>,
        %get3A_455 = arith.index_cast %add3A_410 : i32 to index
        %get3A_456 = arith.constant 64 : index
        %get3A_457 = tpu.vector_load %arg6[%get3A_455, %get3A_456] {strides = array<i32>} : memref<126x80xi32, #tpu.memory_space<vmem>>, vector<1x16xi32>,
        %get3A_458 = vector.shape_cast %get3A_457 : vector<1x16xi32> to vector<16xi32>
        %and3A_459 = arith.constant 16383 : i32
        %and3A_460 = vector.broadcast %and3A_459 : i32 to vector<16xi32>
        %and3A_461 = arith.andi %get3A_458, %and3A_460 : vector<16xi32>
        %swap3A_462 = arith.constant 64 : index
        %swap3A_463 = tpu.vector_load %arg7[%swap3A_462] {strides = array<i32>} : memref<80xi32, #tpu.memory_space<vmem>>, vector<16xi32>,
        %swap3A_464 = vector.shape_cast %swap3A_463 : vector<16xi32> to vector<16xi32>
        %swap3A_465 = vector.shape_cast %and3A_461 : vector<16xi32> to vector<16xi32>
        tpu.vector_store %arg7[%swap3A_462], %swap3A_465 {strides = array<i32>} : memref<80xi32, #tpu.memory_space<vmem>>, vector<16xi32>,
        %dma_start3A_466 = arith.constant 0 : i32
        %dma_start3A_467 = arith.constant 0 : i32
        %dma_start3A_468 = tpu.memref_slice %arg2[%dma_start3A_466, %dma_start3A_467] : memref<10112x128xf32, #tpu.memory_space<hbm>> -> memref<10112x128xf32, #tpu.memory_space<hbm>>
        tpu.enqueue_indirect_dma source(%dma_start3A_468 : memref<10112x128xf32, #tpu.memory_space<hbm>>) target(%arg11 : memref<80x128xf32, #tpu.memory_space<vmem>>) offsets(%arg7 : memref<80xi32, #tpu.memory_space<vmem>>) semaphore(%arg15 : memref<!tpu.dma_semaphore, #tpu.memory_space<semaphore_mem>>)
      } else {
      }
      %mul3A_265 = arith.constant 3 : i32
      %mul3A_266 = arith.muli %add3A_197, %mul3A_265 : i32
      %add3A_267 = arith.constant 1 : i32
      %add3A_268 = arith.addi %mul3A_266, %add3A_267 : i32
      %dma_wait3A_269 = arith.constant 0 : i32
      %dma_wait3A_270 = arith.constant 0 : i32
      %dma_wait3A_271 = tpu.memref_slice %arg2[%dma_wait3A_269, %dma_wait3A_270] : memref<10112x128xf32, #tpu.memory_space<hbm>> -> memref<80x128xf32, #tpu.memory_space<hbm>>
      %dma_wait3A_272 = arith.constant 0 : i32
      %dma_wait3A_273 = arith.constant 0 : i32
      %dma_wait3A_274 = tpu.memref_slice %arg2[%dma_wait3A_272, %dma_wait3A_273] : memref<10112x128xf32, #tpu.memory_space<hbm>> -> memref<80x128xf32, #tpu.memory_space<hbm>>
      tpu.wait_dma2 semaphore(%arg16 : memref<!tpu.dma_semaphore, #tpu.memory_space<semaphore_mem>>) src(%dma_wait3A_274 : memref<80x128xf32, #tpu.memory_space<hbm>>) dst(%arg12 : memref<80x128xf32, #tpu.memory_space<vmem>>)
      %get3A_275 = arith.index_cast %add3A_268 : i32 to index
      %get3A_276 = arith.constant 0 : index
      %get3A_277 = tpu.vector_load %arg6[%get3A_275, %get3A_276] {strides = array<i32>} : memref<126x80xi32, #tpu.memory_space<vmem>>, vector<1x16xi32>,
      %get3A_278 = vector.shape_cast %get3A_277 : vector<1x16xi32> to vector<16xi32>
      %shift_right_logical3A_279 = arith.constant 14 : i32
      %shift_right_logical3A_280 = vector.broadcast %shift_right_logical3A_279 : i32 to vector<16xi32>
      %shift_right_logical3A_281 = arith.shrui %get3A_278, %shift_right_logical3A_280 : vector<16xi32>
      %swap3A_282 = arith.constant 0 : index
      %swap3A_283 = tpu.vector_load %arg10[%swap3A_282] {strides = array<i32>} : memref<80xi32, #tpu.memory_space<vmem>>, vector<16xi32>,
      %swap3A_284 = vector.shape_cast %swap3A_283 : vector<16xi32> to vector<16xi32>
      %swap3A_285 = vector.shape_cast %shift_right_logical3A_281 : vector<16xi32> to vector<16xi32>
      tpu.vector_store %arg10[%swap3A_282], %swap3A_285 {strides = array<i32>} : memref<80xi32, #tpu.memory_space<vmem>>, vector<16xi32>,
      %get3A_286 = arith.index_cast %add3A_268 : i32 to index
      %get3A_287 = arith.constant 16 : index
      %get3A_288 = tpu.vector_load %arg6[%get3A_286, %get3A_287] {strides = array<i32>} : memref<126x80xi32, #tpu.memory_space<vmem>>, vector<1x16xi32>,
      %get3A_289 = vector.shape_cast %get3A_288 : vector<1x16xi32> to vector<16xi32>
      %shift_right_logical3A_290 = arith.constant 14 : i32
      %shift_right_logical3A_291 = vector.broadcast %shift_right_logical3A_290 : i32 to vector<16xi32>
      %shift_right_logical3A_292 = arith.shrui %get3A_289, %shift_right_logical3A_291 : vector<16xi32>
      %swap3A_293 = arith.constant 16 : index
      %swap3A_294 = tpu.vector_load %arg10[%swap3A_293] {strides = array<i32>} : memref<80xi32, #tpu.memory_space<vmem>>, vector<16xi32>,
      %swap3A_295 = vector.shape_cast %swap3A_294 : vector<16xi32> to vector<16xi32>
      %swap3A_296 = vector.shape_cast %shift_right_logical3A_292 : vector<16xi32> to vector<16xi32>
      tpu.vector_store %arg10[%swap3A_293], %swap3A_296 {strides = array<i32>} : memref<80xi32, #tpu.memory_space<vmem>>, vector<16xi32>,
      %get3A_297 = arith.index_cast %add3A_268 : i32 to index
      %get3A_298 = arith.constant 32 : index
      %get3A_299 = tpu.vector_load %arg6[%get3A_297, %get3A_298] {strides = array<i32>} : memref<126x80xi32, #tpu.memory_space<vmem>>, vector<1x16xi32>,
      %get3A_300 = vector.shape_cast %get3A_299 : vector<1x16xi32> to vector<16xi32>
      %shift_right_logical3A_301 = arith.constant 14 : i32
      %shift_right_logical3A_302 = vector.broadcast %shift_right_logical3A_301 : i32 to vector<16xi32>
      %shift_right_logical3A_303 = arith.shrui %get3A_300, %shift_right_logical3A_302 : vector<16xi32>
      %swap3A_304 = arith.constant 32 : index
      %swap3A_305 = tpu.vector_load %arg10[%swap3A_304] {strides = array<i32>} : memref<80xi32, #tpu.memory_space<vmem>>, vector<16xi32>,
      %swap3A_306 = vector.shape_cast %swap3A_305 : vector<16xi32> to vector<16xi32>
      %swap3A_307 = vector.shape_cast %shift_right_logical3A_303 : vector<16xi32> to vector<16xi32>
      tpu.vector_store %arg10[%swap3A_304], %swap3A_307 {strides = array<i32>} : memref<80xi32, #tpu.memory_space<vmem>>, vector<16xi32>,
      %get3A_308 = arith.index_cast %add3A_268 : i32 to index
      %get3A_309 = arith.constant 48 : index
      %get3A_310 = tpu.vector_load %arg6[%get3A_308, %get3A_309] {strides = array<i32>} : memref<126x80xi32, #tpu.memory_space<vmem>>, vector<1x16xi32>,
      %get3A_311 = vector.shape_cast %get3A_310 : vector<1x16xi32> to vector<16xi32>
      %shift_right_logical3A_312 = arith.constant 14 : i32
      %shift_right_logical3A_313 = vector.broadcast %shift_right_logical3A_312 : i32 to vector<16xi32>
      %shift_right_logical3A_314 = arith.shrui %get3A_311, %shift_right_logical3A_313 : vector<16xi32>
      %swap3A_315 = arith.constant 48 : index
      %swap3A_316 = tpu.vector_load %arg10[%swap3A_315] {strides = array<i32>} : memref<80xi32, #tpu.memory_space<vmem>>, vector<16xi32>,
      %swap3A_317 = vector.shape_cast %swap3A_316 : vector<16xi32> to vector<16xi32>
      %swap3A_318 = vector.shape_cast %shift_right_logical3A_314 : vector<16xi32> to vector<16xi32>
      tpu.vector_store %arg10[%swap3A_315], %swap3A_318 {strides = array<i32>} : memref<80xi32, #tpu.memory_space<vmem>>, vector<16xi32>,
      %get3A_319 = arith.index_cast %add3A_268 : i32 to index
      %get3A_320 = arith.constant 64 : index
      %get3A_321 = tpu.vector_load %arg6[%get3A_319, %get3A_320] {strides = array<i32>} : memref<126x80xi32, #tpu.memory_space<vmem>>, vector<1x16xi32>,
      %get3A_322 = vector.shape_cast %get3A_321 : vector<1x16xi32> to vector<16xi32>
      %shift_right_logical3A_323 = arith.constant 14 : i32
      %shift_right_logical3A_324 = vector.broadcast %shift_right_logical3A_323 : i32 to vector<16xi32>
      %shift_right_logical3A_325 = arith.shrui %get3A_322, %shift_right_logical3A_324 : vector<16xi32>
      %swap3A_326 = arith.constant 64 : index
      %swap3A_327 = tpu.vector_load %arg10[%swap3A_326] {strides = array<i32>} : memref<80xi32, #tpu.memory_space<vmem>>, vector<16xi32>,
      %swap3A_328 = vector.shape_cast %swap3A_327 : vector<16xi32> to vector<16xi32>
      %swap3A_329 = vector.shape_cast %shift_right_logical3A_325 : vector<16xi32> to vector<16xi32>
      tpu.vector_store %arg10[%swap3A_326], %swap3A_329 {strides = array<i32>} : memref<80xi32, #tpu.memory_space<vmem>>, vector<16xi32>,
      "tpu.region"() ({
        %run_scoped3A = tpu.sem_alloc : memref<!tpu.dma_semaphore, #tpu.memory_space<semaphore_mem>>
        %dma_start3A_409 = arith.constant 0 : i32
        %dma_start3A_410 = arith.constant 0 : i32
        %dma_start3A_411 = tpu.memref_slice %arg14[%dma_start3A_409, %dma_start3A_410] : memref<10112x128xf32, #tpu.memory_space<vmem_shared>> -> memref<10112x128xf32, #tpu.memory_space<vmem_shared>>
        tpu.enqueue_indirect_dma source(%arg12 : memref<80x128xf32, #tpu.memory_space<vmem>>) target(%dma_start3A_411 : memref<10112x128xf32, #tpu.memory_space<vmem_shared>>) offsets(%arg10 : memref<80xi32, #tpu.memory_space<vmem>>) semaphore(%run_scoped3A : memref<!tpu.dma_semaphore, #tpu.memory_space<semaphore_mem>>) {add = true}
        %dma_wait3A_412 = arith.constant 0 : i32
        %dma_wait3A_413 = arith.constant 0 : i32
        %dma_wait3A_414 = tpu.memref_slice %arg14[%dma_wait3A_412, %dma_wait3A_413] : memref<10112x128xf32, #tpu.memory_space<vmem_shared>> -> memref<10112x128xf32, #tpu.memory_space<vmem_shared>>
        tpu.wait_indirect_dma semaphore(%run_scoped3A : memref<!tpu.dma_semaphore, #tpu.memory_space<semaphore_mem>>) src(%arg12 : memref<80x128xf32, #tpu.memory_space<vmem>>) dst(%dma_wait3A_414 : memref<10112x128xf32, #tpu.memory_space<vmem_shared>>)
        tpu.yield
      }) : () -> ()
      %add3A_330 = arith.constant 3 : i32
      %add3A_331 = arith.addi %add3A_268, %add3A_330 : i32
      %lt3A_332 = arith.constant 126 : i32
      %lt3A_333 = arith.cmpi slt, %add3A_331, %lt3A_332 : i32
      %convert_element_type3A_334 = arith.extui %lt3A_333 : i1 to i32
      %cond3A_335 = arith.constant 0 : i32
      %cond3A_336 = arith.cmpi ne, %convert_element_type3A_334, %cond3A_335 : i32
      scf.if %cond3A_336 {
        %add3A_409 = arith.constant 3 : i32
        %add3A_410 = arith.addi %add3A_268, %add3A_409 : i32
        %get3A_411 = arith.index_cast %add3A_410 : i32 to index
        %get3A_412 = arith.constant 0 : index
        %get3A_413 = tpu.vector_load %arg6[%get3A_411, %get3A_412] {strides = array<i32>} : memref<126x80xi32, #tpu.memory_space<vmem>>, vector<1x16xi32>,
        %get3A_414 = vector.shape_cast %get3A_413 : vector<1x16xi32> to vector<16xi32>
        %and3A_415 = arith.constant 16383 : i32
        %and3A_416 = vector.broadcast %and3A_415 : i32 to vector<16xi32>
        %and3A_417 = arith.andi %get3A_414, %and3A_416 : vector<16xi32>
        %swap3A_418 = arith.constant 0 : index
        %swap3A_419 = tpu.vector_load %arg8[%swap3A_418] {strides = array<i32>} : memref<80xi32, #tpu.memory_space<vmem>>, vector<16xi32>,
        %swap3A_420 = vector.shape_cast %swap3A_419 : vector<16xi32> to vector<16xi32>
        %swap3A_421 = vector.shape_cast %and3A_417 : vector<16xi32> to vector<16xi32>
        tpu.vector_store %arg8[%swap3A_418], %swap3A_421 {strides = array<i32>} : memref<80xi32, #tpu.memory_space<vmem>>, vector<16xi32>,
        %get3A_422 = arith.index_cast %add3A_410 : i32 to index
        %get3A_423 = arith.constant 16 : index
        %get3A_424 = tpu.vector_load %arg6[%get3A_422, %get3A_423] {strides = array<i32>} : memref<126x80xi32, #tpu.memory_space<vmem>>, vector<1x16xi32>,
        %get3A_425 = vector.shape_cast %get3A_424 : vector<1x16xi32> to vector<16xi32>
        %and3A_426 = arith.constant 16383 : i32
        %and3A_427 = vector.broadcast %and3A_426 : i32 to vector<16xi32>
        %and3A_428 = arith.andi %get3A_425, %and3A_427 : vector<16xi32>
        %swap3A_429 = arith.constant 16 : index
        %swap3A_430 = tpu.vector_load %arg8[%swap3A_429] {strides = array<i32>} : memref<80xi32, #tpu.memory_space<vmem>>, vector<16xi32>,
        %swap3A_431 = vector.shape_cast %swap3A_430 : vector<16xi32> to vector<16xi32>
        %swap3A_432 = vector.shape_cast %and3A_428 : vector<16xi32> to vector<16xi32>
        tpu.vector_store %arg8[%swap3A_429], %swap3A_432 {strides = array<i32>} : memref<80xi32, #tpu.memory_space<vmem>>, vector<16xi32>,
        %get3A_433 = arith.index_cast %add3A_410 : i32 to index
        %get3A_434 = arith.constant 32 : index
        %get3A_435 = tpu.vector_load %arg6[%get3A_433, %get3A_434] {strides = array<i32>} : memref<126x80xi32, #tpu.memory_space<vmem>>, vector<1x16xi32>,
        %get3A_436 = vector.shape_cast %get3A_435 : vector<1x16xi32> to vector<16xi32>
        %and3A_437 = arith.constant 16383 : i32
        %and3A_438 = vector.broadcast %and3A_437 : i32 to vector<16xi32>
        %and3A_439 = arith.andi %get3A_436, %and3A_438 : vector<16xi32>
        %swap3A_440 = arith.constant 32 : index
        %swap3A_441 = tpu.vector_load %arg8[%swap3A_440] {strides = array<i32>} : memref<80xi32, #tpu.memory_space<vmem>>, vector<16xi32>,
        %swap3A_442 = vector.shape_cast %swap3A_441 : vector<16xi32> to vector<16xi32>
        %swap3A_443 = vector.shape_cast %and3A_439 : vector<16xi32> to vector<16xi32>
        tpu.vector_store %arg8[%swap3A_440], %swap3A_443 {strides = array<i32>} : memref<80xi32, #tpu.memory_space<vmem>>, vector<16xi32>,
        %get3A_444 = arith.index_cast %add3A_410 : i32 to index
        %get3A_445 = arith.constant 48 : index
        %get3A_446 = tpu.vector_load %arg6[%get3A_444, %get3A_445] {strides = array<i32>} : memref<126x80xi32, #tpu.memory_space<vmem>>, vector<1x16xi32>,
        %get3A_447 = vector.shape_cast %get3A_446 : vector<1x16xi32> to vector<16xi32>
        %and3A_448 = arith.constant 16383 : i32
        %and3A_449 = vector.broadcast %and3A_448 : i32 to vector<16xi32>
        %and3A_450 = arith.andi %get3A_447, %and3A_449 : vector<16xi32>
        %swap3A_451 = arith.constant 48 : index
        %swap3A_452 = tpu.vector_load %arg8[%swap3A_451] {strides = array<i32>} : memref<80xi32, #tpu.memory_space<vmem>>, vector<16xi32>,
        %swap3A_453 = vector.shape_cast %swap3A_452 : vector<16xi32> to vector<16xi32>
        %swap3A_454 = vector.shape_cast %and3A_450 : vector<16xi32> to vector<16xi32>
        tpu.vector_store %arg8[%swap3A_451], %swap3A_454 {strides = array<i32>} : memref<80xi32, #tpu.memory_space<vmem>>, vector<16xi32>,
        %get3A_455 = arith.index_cast %add3A_410 : i32 to index
        %get3A_456 = arith.constant 64 : index
        %get3A_457 = tpu.vector_load %arg6[%get3A_455, %get3A_456] {strides = array<i32>} : memref<126x80xi32, #tpu.memory_space<vmem>>, vector<1x16xi32>,
        %get3A_458 = vector.shape_cast %get3A_457 : vector<1x16xi32> to vector<16xi32>
        %and3A_459 = arith.constant 16383 : i32
        %and3A_460 = vector.broadcast %and3A_459 : i32 to vector<16xi32>
        %and3A_461 = arith.andi %get3A_458, %and3A_460 : vector<16xi32>
        %swap3A_462 = arith.constant 64 : index
        %swap3A_463 = tpu.vector_load %arg8[%swap3A_462] {strides = array<i32>} : memref<80xi32, #tpu.memory_space<vmem>>, vector<16xi32>,
        %swap3A_464 = vector.shape_cast %swap3A_463 : vector<16xi32> to vector<16xi32>
        %swap3A_465 = vector.shape_cast %and3A_461 : vector<16xi32> to vector<16xi32>
        tpu.vector_store %arg8[%swap3A_462], %swap3A_465 {strides = array<i32>} : memref<80xi32, #tpu.memory_space<vmem>>, vector<16xi32>,
        %dma_start3A_466 = arith.constant 0 : i32
        %dma_start3A_467 = arith.constant 0 : i32
        %dma_start3A_468 = tpu.memref_slice %arg2[%dma_start3A_466, %dma_start3A_467] : memref<10112x128xf32, #tpu.memory_space<hbm>> -> memref<10112x128xf32, #tpu.memory_space<hbm>>
        tpu.enqueue_indirect_dma source(%dma_start3A_468 : memref<10112x128xf32, #tpu.memory_space<hbm>>) target(%arg12 : memref<80x128xf32, #tpu.memory_space<vmem>>) offsets(%arg8 : memref<80xi32, #tpu.memory_space<vmem>>) semaphore(%arg16 : memref<!tpu.dma_semaphore, #tpu.memory_space<semaphore_mem>>)
      } else {
      }
      %mul3A_337 = arith.constant 3 : i32
      %mul3A_338 = arith.muli %add3A_197, %mul3A_337 : i32
      %add3A_339 = arith.constant 2 : i32
      %add3A_340 = arith.addi %mul3A_338, %add3A_339 : i32
      %dma_wait3A_341 = arith.constant 0 : i32
      %dma_wait3A_342 = arith.constant 0 : i32
      %dma_wait3A_343 = tpu.memref_slice %arg2[%dma_wait3A_341, %dma_wait3A_342] : memref<10112x128xf32, #tpu.memory_space<hbm>> -> memref<80x128xf32, #tpu.memory_space<hbm>>
      %dma_wait3A_344 = arith.constant 0 : i32
      %dma_wait3A_345 = arith.constant 0 : i32
      %dma_wait3A_346 = tpu.memref_slice %arg2[%dma_wait3A_344, %dma_wait3A_345] : memref<10112x128xf32, #tpu.memory_space<hbm>> -> memref<80x128xf32, #tpu.memory_space<hbm>>
      tpu.wait_dma2 semaphore(%arg17 : memref<!tpu.dma_semaphore, #tpu.memory_space<semaphore_mem>>) src(%dma_wait3A_346 : memref<80x128xf32, #tpu.memory_space<hbm>>) dst(%arg13 : memref<80x128xf32, #tpu.memory_space<vmem>>)
      %get3A_347 = arith.index_cast %add3A_340 : i32 to index
      %get3A_348 = arith.constant 0 : index
      %get3A_349 = tpu.vector_load %arg6[%get3A_347, %get3A_348] {strides = array<i32>} : memref<126x80xi32, #tpu.memory_space<vmem>>, vector<1x16xi32>,
      %get3A_350 = vector.shape_cast %get3A_349 : vector<1x16xi32> to vector<16xi32>
      %shift_right_logical3A_351 = arith.constant 14 : i32
      %shift_right_logical3A_352 = vector.broadcast %shift_right_logical3A_351 : i32 to vector<16xi32>
      %shift_right_logical3A_353 = arith.shrui %get3A_350, %shift_right_logical3A_352 : vector<16xi32>
      %swap3A_354 = arith.constant 0 : index
      %swap3A_355 = tpu.vector_load %arg10[%swap3A_354] {strides = array<i32>} : memref<80xi32, #tpu.memory_space<vmem>>, vector<16xi32>,
      %swap3A_356 = vector.shape_cast %swap3A_355 : vector<16xi32> to vector<16xi32>
      %swap3A_357 = vector.shape_cast %shift_right_logical3A_353 : vector<16xi32> to vector<16xi32>
      tpu.vector_store %arg10[%swap3A_354], %swap3A_357 {strides = array<i32>} : memref<80xi32, #tpu.memory_space<vmem>>, vector<16xi32>,
      %get3A_358 = arith.index_cast %add3A_340 : i32 to index
      %get3A_359 = arith.constant 16 : index
      %get3A_360 = tpu.vector_load %arg6[%get3A_358, %get3A_359] {strides = array<i32>} : memref<126x80xi32, #tpu.memory_space<vmem>>, vector<1x16xi32>,
      %get3A_361 = vector.shape_cast %get3A_360 : vector<1x16xi32> to vector<16xi32>
      %shift_right_logical3A_362 = arith.constant 14 : i32
      %shift_right_logical3A_363 = vector.broadcast %shift_right_logical3A_362 : i32 to vector<16xi32>
      %shift_right_logical3A_364 = arith.shrui %get3A_361, %shift_right_logical3A_363 : vector<16xi32>
      %swap3A_365 = arith.constant 16 : index
      %swap3A_366 = tpu.vector_load %arg10[%swap3A_365] {strides = array<i32>} : memref<80xi32, #tpu.memory_space<vmem>>, vector<16xi32>,
      %swap3A_367 = vector.shape_cast %swap3A_366 : vector<16xi32> to vector<16xi32>
      %swap3A_368 = vector.shape_cast %shift_right_logical3A_364 : vector<16xi32> to vector<16xi32>
      tpu.vector_store %arg10[%swap3A_365], %swap3A_368 {strides = array<i32>} : memref<80xi32, #tpu.memory_space<vmem>>, vector<16xi32>,
      %get3A_369 = arith.index_cast %add3A_340 : i32 to index
      %get3A_370 = arith.constant 32 : index
      %get3A_371 = tpu.vector_load %arg6[%get3A_369, %get3A_370] {strides = array<i32>} : memref<126x80xi32, #tpu.memory_space<vmem>>, vector<1x16xi32>,
      %get3A_372 = vector.shape_cast %get3A_371 : vector<1x16xi32> to vector<16xi32>
      %shift_right_logical3A_373 = arith.constant 14 : i32
      %shift_right_logical3A_374 = vector.broadcast %shift_right_logical3A_373 : i32 to vector<16xi32>
      %shift_right_logical3A_375 = arith.shrui %get3A_372, %shift_right_logical3A_374 : vector<16xi32>
      %swap3A_376 = arith.constant 32 : index
      %swap3A_377 = tpu.vector_load %arg10[%swap3A_376] {strides = array<i32>} : memref<80xi32, #tpu.memory_space<vmem>>, vector<16xi32>,
      %swap3A_378 = vector.shape_cast %swap3A_377 : vector<16xi32> to vector<16xi32>
      %swap3A_379 = vector.shape_cast %shift_right_logical3A_375 : vector<16xi32> to vector<16xi32>
      tpu.vector_store %arg10[%swap3A_376], %swap3A_379 {strides = array<i32>} : memref<80xi32, #tpu.memory_space<vmem>>, vector<16xi32>,
      %get3A_380 = arith.index_cast %add3A_340 : i32 to index
      %get3A_381 = arith.constant 48 : index
      %get3A_382 = tpu.vector_load %arg6[%get3A_380, %get3A_381] {strides = array<i32>} : memref<126x80xi32, #tpu.memory_space<vmem>>, vector<1x16xi32>,
      %get3A_383 = vector.shape_cast %get3A_382 : vector<1x16xi32> to vector<16xi32>
      %shift_right_logical3A_384 = arith.constant 14 : i32
      %shift_right_logical3A_385 = vector.broadcast %shift_right_logical3A_384 : i32 to vector<16xi32>
      %shift_right_logical3A_386 = arith.shrui %get3A_383, %shift_right_logical3A_385 : vector<16xi32>
      %swap3A_387 = arith.constant 48 : index
      %swap3A_388 = tpu.vector_load %arg10[%swap3A_387] {strides = array<i32>} : memref<80xi32, #tpu.memory_space<vmem>>, vector<16xi32>,
      %swap3A_389 = vector.shape_cast %swap3A_388 : vector<16xi32> to vector<16xi32>
      %swap3A_390 = vector.shape_cast %shift_right_logical3A_386 : vector<16xi32> to vector<16xi32>
      tpu.vector_store %arg10[%swap3A_387], %swap3A_390 {strides = array<i32>} : memref<80xi32, #tpu.memory_space<vmem>>, vector<16xi32>,
      %get3A_391 = arith.index_cast %add3A_340 : i32 to index
      %get3A_392 = arith.constant 64 : index
      %get3A_393 = tpu.vector_load %arg6[%get3A_391, %get3A_392] {strides = array<i32>} : memref<126x80xi32, #tpu.memory_space<vmem>>, vector<1x16xi32>,
      %get3A_394 = vector.shape_cast %get3A_393 : vector<1x16xi32> to vector<16xi32>
      %shift_right_logical3A_395 = arith.constant 14 : i32
      %shift_right_logical3A_396 = vector.broadcast %shift_right_logical3A_395 : i32 to vector<16xi32>
      %shift_right_logical3A_397 = arith.shrui %get3A_394, %shift_right_logical3A_396 : vector<16xi32>
      %swap3A_398 = arith.constant 64 : index
      %swap3A_399 = tpu.vector_load %arg10[%swap3A_398] {strides = array<i32>} : memref<80xi32, #tpu.memory_space<vmem>>, vector<16xi32>,
      %swap3A_400 = vector.shape_cast %swap3A_399 : vector<16xi32> to vector<16xi32>
      %swap3A_401 = vector.shape_cast %shift_right_logical3A_397 : vector<16xi32> to vector<16xi32>
      tpu.vector_store %arg10[%swap3A_398], %swap3A_401 {strides = array<i32>} : memref<80xi32, #tpu.memory_space<vmem>>, vector<16xi32>,
      "tpu.region"() ({
        %run_scoped3A = tpu.sem_alloc : memref<!tpu.dma_semaphore, #tpu.memory_space<semaphore_mem>>
        %dma_start3A_409 = arith.constant 0 : i32
        %dma_start3A_410 = arith.constant 0 : i32
        %dma_start3A_411 = tpu.memref_slice %arg14[%dma_start3A_409, %dma_start3A_410] : memref<10112x128xf32, #tpu.memory_space<vmem_shared>> -> memref<10112x128xf32, #tpu.memory_space<vmem_shared>>
        tpu.enqueue_indirect_dma source(%arg13 : memref<80x128xf32, #tpu.memory_space<vmem>>) target(%dma_start3A_411 : memref<10112x128xf32, #tpu.memory_space<vmem_shared>>) offsets(%arg10 : memref<80xi32, #tpu.memory_space<vmem>>) semaphore(%run_scoped3A : memref<!tpu.dma_semaphore, #tpu.memory_space<semaphore_mem>>) {add = true}
        %dma_wait3A_412 = arith.constant 0 : i32
        %dma_wait3A_413 = arith.constant 0 : i32
        %dma_wait3A_414 = tpu.memref_slice %arg14[%dma_wait3A_412, %dma_wait3A_413] : memref<10112x128xf32, #tpu.memory_space<vmem_shared>> -> memref<10112x128xf32, #tpu.memory_space<vmem_shared>>
        tpu.wait_indirect_dma semaphore(%run_scoped3A : memref<!tpu.dma_semaphore, #tpu.memory_space<semaphore_mem>>) src(%arg13 : memref<80x128xf32, #tpu.memory_space<vmem>>) dst(%dma_wait3A_414 : memref<10112x128xf32, #tpu.memory_space<vmem_shared>>)
        tpu.yield
      }) : () -> ()
      %add3A_402 = arith.constant 3 : i32
      %add3A_403 = arith.addi %add3A_340, %add3A_402 : i32
      %lt3A_404 = arith.constant 126 : i32
      %lt3A_405 = arith.cmpi slt, %add3A_403, %lt3A_404 : i32
      %convert_element_type3A_406 = arith.extui %lt3A_405 : i1 to i32
      %cond3A_407 = arith.constant 0 : i32
      %cond3A_408 = arith.cmpi ne, %convert_element_type3A_406, %cond3A_407 : i32
      scf.if %cond3A_408 {
        %add3A_409 = arith.constant 3 : i32
        %add3A_410 = arith.addi %add3A_340, %add3A_409 : i32
        %get3A_411 = arith.index_cast %add3A_410 : i32 to index
        %get3A_412 = arith.constant 0 : index
        %get3A_413 = tpu.vector_load %arg6[%get3A_411, %get3A_412] {strides = array<i32>} : memref<126x80xi32, #tpu.memory_space<vmem>>, vector<1x16xi32>,
        %get3A_414 = vector.shape_cast %get3A_413 : vector<1x16xi32> to vector<16xi32>
        %and3A_415 = arith.constant 16383 : i32
        %and3A_416 = vector.broadcast %and3A_415 : i32 to vector<16xi32>
        %and3A_417 = arith.andi %get3A_414, %and3A_416 : vector<16xi32>
        %swap3A_418 = arith.constant 0 : index
        %swap3A_419 = tpu.vector_load %arg9[%swap3A_418] {strides = array<i32>} : memref<80xi32, #tpu.memory_space<vmem>>, vector<16xi32>,
        %swap3A_420 = vector.shape_cast %swap3A_419 : vector<16xi32> to vector<16xi32>
        %swap3A_421 = vector.shape_cast %and3A_417 : vector<16xi32> to vector<16xi32>
        tpu.vector_store %arg9[%swap3A_418], %swap3A_421 {strides = array<i32>} : memref<80xi32, #tpu.memory_space<vmem>>, vector<16xi32>,
        %get3A_422 = arith.index_cast %add3A_410 : i32 to index
        %get3A_423 = arith.constant 16 : index
        %get3A_424 = tpu.vector_load %arg6[%get3A_422, %get3A_423] {strides = array<i32>} : memref<126x80xi32, #tpu.memory_space<vmem>>, vector<1x16xi32>,
        %get3A_425 = vector.shape_cast %get3A_424 : vector<1x16xi32> to vector<16xi32>
        %and3A_426 = arith.constant 16383 : i32
        %and3A_427 = vector.broadcast %and3A_426 : i32 to vector<16xi32>
        %and3A_428 = arith.andi %get3A_425, %and3A_427 : vector<16xi32>
        %swap3A_429 = arith.constant 16 : index
        %swap3A_430 = tpu.vector_load %arg9[%swap3A_429] {strides = array<i32>} : memref<80xi32, #tpu.memory_space<vmem>>, vector<16xi32>,
        %swap3A_431 = vector.shape_cast %swap3A_430 : vector<16xi32> to vector<16xi32>
        %swap3A_432 = vector.shape_cast %and3A_428 : vector<16xi32> to vector<16xi32>
        tpu.vector_store %arg9[%swap3A_429], %swap3A_432 {strides = array<i32>} : memref<80xi32, #tpu.memory_space<vmem>>, vector<16xi32>,
        %get3A_433 = arith.index_cast %add3A_410 : i32 to index
        %get3A_434 = arith.constant 32 : index
        %get3A_435 = tpu.vector_load %arg6[%get3A_433, %get3A_434] {strides = array<i32>} : memref<126x80xi32, #tpu.memory_space<vmem>>, vector<1x16xi32>,
        %get3A_436 = vector.shape_cast %get3A_435 : vector<1x16xi32> to vector<16xi32>
        %and3A_437 = arith.constant 16383 : i32
        %and3A_438 = vector.broadcast %and3A_437 : i32 to vector<16xi32>
        %and3A_439 = arith.andi %get3A_436, %and3A_438 : vector<16xi32>
        %swap3A_440 = arith.constant 32 : index
        %swap3A_441 = tpu.vector_load %arg9[%swap3A_440] {strides = array<i32>} : memref<80xi32, #tpu.memory_space<vmem>>, vector<16xi32>,
        %swap3A_442 = vector.shape_cast %swap3A_441 : vector<16xi32> to vector<16xi32>
        %swap3A_443 = vector.shape_cast %and3A_439 : vector<16xi32> to vector<16xi32>
        tpu.vector_store %arg9[%swap3A_440], %swap3A_443 {strides = array<i32>} : memref<80xi32, #tpu.memory_space<vmem>>, vector<16xi32>,
        %get3A_444 = arith.index_cast %add3A_410 : i32 to index
        %get3A_445 = arith.constant 48 : index
        %get3A_446 = tpu.vector_load %arg6[%get3A_444, %get3A_445] {strides = array<i32>} : memref<126x80xi32, #tpu.memory_space<vmem>>, vector<1x16xi32>,
        %get3A_447 = vector.shape_cast %get3A_446 : vector<1x16xi32> to vector<16xi32>
        %and3A_448 = arith.constant 16383 : i32
        %and3A_449 = vector.broadcast %and3A_448 : i32 to vector<16xi32>
        %and3A_450 = arith.andi %get3A_447, %and3A_449 : vector<16xi32>
        %swap3A_451 = arith.constant 48 : index
        %swap3A_452 = tpu.vector_load %arg9[%swap3A_451] {strides = array<i32>} : memref<80xi32, #tpu.memory_space<vmem>>, vector<16xi32>,
        %swap3A_453 = vector.shape_cast %swap3A_452 : vector<16xi32> to vector<16xi32>
        %swap3A_454 = vector.shape_cast %and3A_450 : vector<16xi32> to vector<16xi32>
        tpu.vector_store %arg9[%swap3A_451], %swap3A_454 {strides = array<i32>} : memref<80xi32, #tpu.memory_space<vmem>>, vector<16xi32>,
        %get3A_455 = arith.index_cast %add3A_410 : i32 to index
        %get3A_456 = arith.constant 64 : index
        %get3A_457 = tpu.vector_load %arg6[%get3A_455, %get3A_456] {strides = array<i32>} : memref<126x80xi32, #tpu.memory_space<vmem>>, vector<1x16xi32>,
        %get3A_458 = vector.shape_cast %get3A_457 : vector<1x16xi32> to vector<16xi32>
        %and3A_459 = arith.constant 16383 : i32
        %and3A_460 = vector.broadcast %and3A_459 : i32 to vector<16xi32>
        %and3A_461 = arith.andi %get3A_458, %and3A_460 : vector<16xi32>
        %swap3A_462 = arith.constant 64 : index
        %swap3A_463 = tpu.vector_load %arg9[%swap3A_462] {strides = array<i32>} : memref<80xi32, #tpu.memory_space<vmem>>, vector<16xi32>,
        %swap3A_464 = vector.shape_cast %swap3A_463 : vector<16xi32> to vector<16xi32>
        %swap3A_465 = vector.shape_cast %and3A_461 : vector<16xi32> to vector<16xi32>
        tpu.vector_store %arg9[%swap3A_462], %swap3A_465 {strides = array<i32>} : memref<80xi32, #tpu.memory_space<vmem>>, vector<16xi32>,
        %dma_start3A_466 = arith.constant 0 : i32
        %dma_start3A_467 = arith.constant 0 : i32
        %dma_start3A_468 = tpu.memref_slice %arg2[%dma_start3A_466, %dma_start3A_467] : memref<10112x128xf32, #tpu.memory_space<hbm>> -> memref<10112x128xf32, #tpu.memory_space<hbm>>
        tpu.enqueue_indirect_dma source(%dma_start3A_468 : memref<10112x128xf32, #tpu.memory_space<hbm>>) target(%arg13 : memref<80x128xf32, #tpu.memory_space<vmem>>) offsets(%arg9 : memref<80xi32, #tpu.memory_space<vmem>>) semaphore(%arg17 : memref<!tpu.dma_semaphore, #tpu.memory_space<semaphore_mem>>)
      } else {
      }
    }
    %scan3A_191 = arith.constant 42 : i32
    %barrier3A_192 = arith.constant 0 : index
    tpu.barrier barrier_id(%barrier3A_192)
    "tpu.region"() ({
      %run_scoped3A = tpu.sem_alloc : memref<!tpu.dma_semaphore, #tpu.memory_space<semaphore_mem>>
      %dma_start3A_193 = arith.constant 0 : i32
      %dma_start3A_194 = arith.constant 0 : i32
      %dma_start3A_195 = tpu.memref_slice %arg5[%arg0, %dma_start3A_193, %dma_start3A_194] : memref<2x10112x128xf32, #tpu.memory_space<hbm>> -> memref<1x10112x128xf32, #tpu.memory_space<hbm>>
      %dma_start3A_196 = tpu.memref_squeeze %dma_start3A_195 : memref<1x10112x128xf32, #tpu.memory_space<hbm>> -> memref<10112x128xf32, #tpu.memory_space<hbm>>
      %dma_start3A_197 = arith.constant 0 : i32
      %dma_start3A_198 = tpu.memref_slice %dma_start3A_196[%mul3A_2, %dma_start3A_197] : memref<10112x128xf32, #tpu.memory_space<hbm>> -> memref<632x128xf32, #tpu.memory_space<hbm>>
      %dma_start3A_199 = arith.constant 0 : i32
      %dma_start3A_200 = tpu.memref_slice %arg14[%mul3A_2, %dma_start3A_199] : memref<10112x128xf32, #tpu.memory_space<vmem_shared>> -> memref<632x128xf32, #tpu.memory_space<vmem_shared>>
      tpu.enqueue_dma source(%dma_start3A_200 : memref<632x128xf32, #tpu.memory_space<vmem_shared>>) target(%dma_start3A_198 : memref<632x128xf32, #tpu.memory_space<hbm>>) target_semaphore(%run_scoped3A : memref<!tpu.dma_semaphore, #tpu.memory_space<semaphore_mem>>)
      %dma_wait3A = arith.constant 0 : i32
      %dma_wait3A_201 = arith.constant 0 : i32
      %dma_wait3A_202 = tpu.memref_slice %arg5[%arg0, %dma_wait3A, %dma_wait3A_201] : memref<2x10112x128xf32, #tpu.memory_space<hbm>> -> memref<1x10112x128xf32, #tpu.memory_space<hbm>>
      %dma_wait3A_203 = tpu.memref_squeeze %dma_wait3A_202 : memref<1x10112x128xf32, #tpu.memory_space<hbm>> -> memref<10112x128xf32, #tpu.memory_space<hbm>>
      %dma_wait3A_204 = arith.constant 0 : i32
      %dma_wait3A_205 = tpu.memref_slice %dma_wait3A_203[%mul3A_2, %dma_wait3A_204] : memref<10112x128xf32, #tpu.memory_space<hbm>> -> memref<632x128xf32, #tpu.memory_space<hbm>>
      %dma_wait3A_206 = arith.constant 0 : i32
      %dma_wait3A_207 = tpu.memref_slice %arg14[%mul3A_2, %dma_wait3A_206] : memref<10112x128xf32, #tpu.memory_space<vmem_shared>> -> memref<632x128xf32, #tpu.memory_space<vmem_shared>>
      tpu.wait_dma2 semaphore(%run_scoped3A : memref<!tpu.dma_semaphore, #tpu.memory_space<semaphore_mem>>) src(%dma_wait3A_207 : memref<632x128xf32, #tpu.memory_space<vmem_shared>>) dst(%dma_wait3A_205 : memref<632x128xf32, #tpu.memory_space<hbm>>)
      tpu.yield
    }) : () -> ()
    return
  }
}

module attributes {stable_mosaic.version = 14 : i64} {
  func.func @_mm1_body(%arg0: memref<10112x128xf32, #tpu.memory_space<vmem>>, %arg1: memref<128x128xf32, #tpu.memory_space<vmem>>, %arg2: memref<2x10112x128xf32, #tpu.memory_space<vmem>>, %arg3: memref<10112x128xf32, #tpu.memory_space<vmem>>, %arg4: memref<10112x128xf32, #tpu.memory_space<vmem>>) attributes {dimension_semantics = [], scalar_prefetch = 0 : i64, scratch_operands = 0 : i64, tpu.core_type = #tpu.core_type<tc>} {
    %get3A = arith.constant 0 : index
    %get3A_0 = arith.constant 0 : index
    %get3A_1 = arith.constant 0 : index
    %get3A_2 = vector.load %arg2[%get3A, %get3A_0, %get3A_1] : memref<2x10112x128xf32, #tpu.memory_space<vmem>>, vector<1x10112x128xf32>
    %get3A_3 = vector.shape_cast %get3A_2 : vector<1x10112x128xf32> to vector<10112x128xf32>
    %slice3A = vector.extract_strided_slice %get3A_3 {offsets = [0, 0], sizes = [10112, 1], strides = [1, 1]} : vector<10112x128xf32> to vector<10112x1xf32>
    %get3A_4 = arith.constant 1 : index
    %get3A_5 = arith.constant 0 : index
    %get3A_6 = arith.constant 0 : index
    %get3A_7 = vector.load %arg2[%get3A_4, %get3A_5, %get3A_6] : memref<2x10112x128xf32, #tpu.memory_space<vmem>>, vector<1x10112x128xf32>
    %get3A_8 = vector.shape_cast %get3A_7 : vector<1x10112x128xf32> to vector<10112x128xf32>
    %slice3A_9 = vector.extract_strided_slice %get3A_8 {offsets = [0, 0], sizes = [10112, 1], strides = [1, 1]} : vector<10112x128xf32> to vector<10112x1xf32>
    %add3A = arith.addf %slice3A, %slice3A_9 : vector<10112x1xf32>
    %add3A_10 = arith.constant 1.000000e+00 : f32
    %add3A_11 = vector.broadcast %add3A_10 : f32 to vector<10112x1xf32>
    %add3A_12 = arith.addf %add3A, %add3A_11 : vector<10112x1xf32>
    %rsqrt3A = math.rsqrt %add3A_12 : vector<10112x1xf32>
    %broadcast_in_dim3A = vector.shape_cast %rsqrt3A : vector<10112x1xf32> to vector<10112x1xf32>
    %broadcast_in_dim3A_13 = vector.broadcast %broadcast_in_dim3A : vector<10112x1xf32> to vector<10112x128xf32>
    %get3A_14 = arith.constant 0 : index
    %get3A_15 = arith.constant 0 : index
    %get3A_16 = vector.load %arg0[%get3A_14, %get3A_15] : memref<10112x128xf32, #tpu.memory_space<vmem>>, vector<10112x128xf32>
    %get3A_17 = arith.constant 0 : index
    %get3A_18 = arith.constant 0 : index
    %get3A_19 = vector.load %arg1[%get3A_17, %get3A_18] : memref<128x128xf32, #tpu.memory_space<vmem>>, vector<128x128xf32>
    %dot_general3A = arith.constant dense<0.000000e+00> : vector<10112x128xf32>
    %dot_general3A_20 = tpu.matmul %get3A_16, %get3A_19, %dot_general3A {dimension_numbers = #tpu.dot_dimension_numbers<[1], [0], [0], [1], [0, 0, 1, 1], [], []>, transpose_lhs_hint = false} : vector<10112x128xf32>, vector<128x128xf32>, vector<10112x128xf32> -> vector<10112x128xf32>
    %mul3A = arith.mulf %dot_general3A_20, %broadcast_in_dim3A_13 : vector<10112x128xf32>
    %swap3A = arith.constant 0 : index
    %swap3A_21 = arith.constant 0 : index
    %swap3A_22 = vector.load %arg3[%swap3A, %swap3A_21] : memref<10112x128xf32, #tpu.memory_space<vmem>>, vector<10112x128xf32>
    tpu.vector_store %arg3[%swap3A, %swap3A_21], %mul3A {strides = array<i32>} : memref<10112x128xf32, #tpu.memory_space<vmem>>, vector<10112x128xf32>,
    %swap3A_23 = arith.constant 0 : index
    %swap3A_24 = arith.constant 0 : index
    %swap3A_25 = vector.load %arg4[%swap3A_23, %swap3A_24] : memref<10112x128xf32, #tpu.memory_space<vmem>>, vector<10112x128xf32>
    tpu.vector_store %arg4[%swap3A_23, %swap3A_24], %broadcast_in_dim3A_13 {strides = array<i32>} : memref<10112x128xf32, #tpu.memory_space<vmem>>, vector<10112x128xf32>,
    return
  }
}

module attributes {stable_mosaic.version = 14 : i64} {
  func.func @_comb_body(%arg0: memref<2x10112x128xf32, #tpu.memory_space<vmem>>, %arg1: memref<10112x128xf32, #tpu.memory_space<vmem>>, %arg2: memref<10112x128xf32, #tpu.memory_space<vmem>>, %arg3: memref<1x128xf32, #tpu.memory_space<vmem>>, %arg4: memref<128x128xf32, #tpu.memory_space<vmem>>, %arg5: memref<10112x128xf32, #tpu.memory_space<vmem>>) attributes {dimension_semantics = [], scalar_prefetch = 0 : i64, scratch_operands = 0 : i64, tpu.core_type = #tpu.core_type<tc>} {
    %get3A = arith.constant 0 : index
    %get3A_0 = arith.constant 0 : index
    %get3A_1 = arith.constant 0 : index
    %get3A_2 = vector.load %arg0[%get3A, %get3A_0, %get3A_1] : memref<2x10112x128xf32, #tpu.memory_space<vmem>>, vector<1x10112x128xf32>
    %get3A_3 = vector.shape_cast %get3A_2 : vector<1x10112x128xf32> to vector<10112x128xf32>
    %get3A_4 = arith.constant 1 : index
    %get3A_5 = arith.constant 0 : index
    %get3A_6 = arith.constant 0 : index
    %get3A_7 = vector.load %arg0[%get3A_4, %get3A_5, %get3A_6] : memref<2x10112x128xf32, #tpu.memory_space<vmem>>, vector<1x10112x128xf32>
    %get3A_8 = vector.shape_cast %get3A_7 : vector<1x10112x128xf32> to vector<10112x128xf32>
    %add3A = arith.addf %get3A_3, %get3A_8 : vector<10112x128xf32>
    %get3A_9 = arith.constant 0 : index
    %get3A_10 = arith.constant 0 : index
    %get3A_11 = vector.load %arg1[%get3A_9, %get3A_10] : memref<10112x128xf32, #tpu.memory_space<vmem>>, vector<10112x128xf32>
    %add3A_12 = arith.addf %add3A, %get3A_11 : vector<10112x128xf32>
    %get3A_13 = arith.constant 0 : index
    %get3A_14 = arith.constant 0 : index
    %get3A_15 = vector.load %arg2[%get3A_13, %get3A_14] : memref<10112x128xf32, #tpu.memory_space<vmem>>, vector<10112x128xf32>
    %mul3A = arith.mulf %add3A_12, %get3A_15 : vector<10112x128xf32>
    %get3A_16 = arith.constant 0 : index
    %get3A_17 = arith.constant 0 : index
    %get3A_18 = vector.load %arg3[%get3A_16, %get3A_17] : memref<1x128xf32, #tpu.memory_space<vmem>>, vector<1x128xf32>
    %add3A_19 = vector.broadcast %get3A_18 : vector<1x128xf32> to vector<10112x128xf32>
    %add3A_20 = arith.addf %mul3A, %add3A_19 : vector<10112x128xf32>
    %max3A = arith.constant 0.000000e+00 : f32
    %max3A_21 = vector.broadcast %max3A : f32 to vector<10112x128xf32>
    %max3A_22 = arith.maximumf %add3A_20, %max3A_21 : vector<10112x128xf32>
    %iota3A = tpu.iota {dimensions = array<i32: 0>} : vector<10112x128xi32>
    %lt3A = arith.constant 10000 : i32
    %lt3A_23 = vector.broadcast %lt3A : i32 to vector<10112x128xi32>
    %lt3A_24 = arith.cmpi slt, %iota3A, %lt3A_23 : vector<10112x128xi32>
    %jit3A = arith.constant 0.000000e+00 : f32
    %broadcast_in_dim3A = vector.broadcast %jit3A : f32 to vector<10112x128xf32>
    %select_n3A = arith.select %lt3A_24, %max3A_22, %broadcast_in_dim3A : vector<10112x128xi1>, vector<10112x128xf32>
    %get3A_25 = arith.constant 0 : index
    %get3A_26 = arith.constant 0 : index
    %get3A_27 = vector.load %arg4[%get3A_25, %get3A_26] : memref<128x128xf32, #tpu.memory_space<vmem>>, vector<128x128xf32>
    %dot_general3A = arith.constant dense<0.000000e+00> : vector<10112x128xf32>
    %dot_general3A_28 = tpu.matmul %select_n3A, %get3A_27, %dot_general3A {dimension_numbers = #tpu.dot_dimension_numbers<[1], [0], [0], [1], [0, 0, 1, 1], [], []>, transpose_lhs_hint = false} : vector<10112x128xf32>, vector<128x128xf32>, vector<10112x128xf32> -> vector<10112x128xf32>
    %get3A_29 = arith.constant 0 : index
    %get3A_30 = arith.constant 0 : index
    %get3A_31 = vector.load %arg2[%get3A_29, %get3A_30] : memref<10112x128xf32, #tpu.memory_space<vmem>>, vector<10112x128xf32>
    %mul3A_32 = arith.mulf %dot_general3A_28, %get3A_31 : vector<10112x128xf32>
    %swap3A = arith.constant 0 : index
    %swap3A_33 = arith.constant 0 : index
    %swap3A_34 = vector.load %arg5[%swap3A, %swap3A_33] : memref<10112x128xf32, #tpu.memory_space<vmem>>, vector<10112x128xf32>
    tpu.vector_store %arg5[%swap3A, %swap3A_33], %mul3A_32 {strides = array<i32>} : memref<10112x128xf32, #tpu.memory_space<vmem>>, vector<10112x128xf32>,
    return
  }
}

module attributes {stable_mosaic.version = 14 : i64} {
  func.func @_head_body(%arg0: memref<2x10112x128xf32, #tpu.memory_space<vmem>>, %arg1: memref<10112x128xf32, #tpu.memory_space<vmem>>, %arg2: memref<10112x128xf32, #tpu.memory_space<vmem>>, %arg3: memref<1x128xf32, #tpu.memory_space<vmem>>, %arg4: memref<1x10112xi32, #tpu.memory_space<vmem>>, %arg5: memref<1x128xf32, #tpu.memory_space<vmem>>, %arg6: memref<1x128xf32, #tpu.memory_space<vmem>>, %arg7: memref<128x128xf32, #tpu.memory_space<vmem>>, %arg8: memref<1x128xf32, #tpu.memory_space<vmem>>, %arg9: memref<128x128xf32, #tpu.memory_space<vmem>>, %arg10: memref<1x128xf32, #tpu.memory_space<vmem>>, %arg11: memref<64x128xf32, #tpu.memory_space<vmem>>) attributes {dimension_semantics = [], scalar_prefetch = 0 : i64, scratch_operands = 0 : i64, tpu.core_type = #tpu.core_type<tc>} {
    %get3A = arith.constant 0 : index
    %get3A_0 = arith.constant 0 : index
    %get3A_1 = arith.constant 0 : index
    %get3A_2 = vector.load %arg0[%get3A, %get3A_0, %get3A_1] : memref<2x10112x128xf32, #tpu.memory_space<vmem>>, vector<1x10112x128xf32>
    %get3A_3 = vector.shape_cast %get3A_2 : vector<1x10112x128xf32> to vector<10112x128xf32>
    %get3A_4 = arith.constant 1 : index
    %get3A_5 = arith.constant 0 : index
    %get3A_6 = arith.constant 0 : index
    %get3A_7 = vector.load %arg0[%get3A_4, %get3A_5, %get3A_6] : memref<2x10112x128xf32, #tpu.memory_space<vmem>>, vector<1x10112x128xf32>
    %get3A_8 = vector.shape_cast %get3A_7 : vector<1x10112x128xf32> to vector<10112x128xf32>
    %add3A = arith.addf %get3A_3, %get3A_8 : vector<10112x128xf32>
    %get3A_9 = arith.constant 0 : index
    %get3A_10 = arith.constant 0 : index
    %get3A_11 = vector.load %arg1[%get3A_9, %get3A_10] : memref<10112x128xf32, #tpu.memory_space<vmem>>, vector<10112x128xf32>
    %add3A_12 = arith.addf %add3A, %get3A_11 : vector<10112x128xf32>
    %get3A_13 = arith.constant 0 : index
    %get3A_14 = arith.constant 0 : index
    %get3A_15 = vector.load %arg2[%get3A_13, %get3A_14] : memref<10112x128xf32, #tpu.memory_space<vmem>>, vector<10112x128xf32>
    %mul3A = arith.mulf %add3A_12, %get3A_15 : vector<10112x128xf32>
    %get3A_16 = arith.constant 0 : index
    %get3A_17 = arith.constant 0 : index
    %get3A_18 = vector.load %arg3[%get3A_16, %get3A_17] : memref<1x128xf32, #tpu.memory_space<vmem>>, vector<1x128xf32>
    %add3A_19 = vector.broadcast %get3A_18 : vector<1x128xf32> to vector<10112x128xf32>
    %add3A_20 = arith.addf %mul3A, %add3A_19 : vector<10112x128xf32>
    %max3A = arith.constant 0.000000e+00 : f32
    %max3A_21 = vector.broadcast %max3A : f32 to vector<10112x128xf32>
    %max3A_22 = arith.maximumf %add3A_20, %max3A_21 : vector<10112x128xf32>
    %get3A_23 = arith.constant 0 : index
    %get3A_24 = arith.constant 0 : index
    %get3A_25 = vector.load %arg4[%get3A_23, %get3A_24] : memref<1x10112xi32, #tpu.memory_space<vmem>>, vector<1x10112xi32>
    %iota3A = tpu.iota {dimensions = array<i32: 0>} : vector<64x10112xi32>
    %eq3A = vector.broadcast %get3A_25 : vector<1x10112xi32> to vector<64x10112xi32>
    %eq3A_26 = arith.cmpi eq, %eq3A, %iota3A : vector<64x10112xi32>
    %convert_element_type3A = arith.extui %eq3A_26 : vector<64x10112xi1> to vector<64x10112xi32>
    %convert_element_type3A_27 = arith.sitofp %convert_element_type3A : vector<64x10112xi32> to vector<64x10112xf32>
    %dot_general3A = arith.constant dense<0.000000e+00> : vector<64x128xf32>
    %dot_general3A_28 = tpu.matmul %convert_element_type3A_27, %max3A_22, %dot_general3A {dimension_numbers = #tpu.dot_dimension_numbers<[1], [0], [0], [1], [0, 0, 1, 1], [], []>, transpose_lhs_hint = false} : vector<64x10112xf32>, vector<10112x128xf32>, vector<64x128xf32> -> vector<64x128xf32>
    %reduce_sum3A = arith.constant dense<0.000000e+00> : vector<64xf32>
    %reduce_sum3A_29 = vector.multi_reduction <add>, %convert_element_type3A_27, %reduce_sum3A [1] : vector<64x10112xf32> to vector<64xf32>
    %broadcast_in_dim3A = vector.shape_cast %reduce_sum3A_29 : vector<64xf32> to vector<64x1xf32>
    %max3A_30 = arith.constant 1.000000e+00 : f32
    %max3A_31 = vector.broadcast %max3A_30 : f32 to vector<64x1xf32>
    %max3A_32 = arith.maximumf %broadcast_in_dim3A, %max3A_31 : vector<64x1xf32>
    %div3A = vector.broadcast %max3A_32 : vector<64x1xf32> to vector<64x128xf32>
    %div3A_33 = arith.divf %dot_general3A_28, %div3A : vector<64x128xf32>
    %reduce_sum3A_34 = arith.constant dense<0.000000e+00> : vector<128xf32>
    %reduce_sum3A_35 = vector.multi_reduction <add>, %div3A_33, %reduce_sum3A_34 [0] : vector<64x128xf32> to vector<128xf32>
    %broadcast_in_dim3A_36 = vector.shape_cast %reduce_sum3A_35 : vector<128xf32> to vector<1x128xf32>
    %div3A_37 = arith.constant 6.400000e+01 : f32
    %div3A_38 = vector.broadcast %div3A_37 : f32 to vector<1x128xf32>
    %div3A_39 = arith.divf %broadcast_in_dim3A_36, %div3A_38 : vector<1x128xf32>
    %sub3A = vector.broadcast %div3A_39 : vector<1x128xf32> to vector<64x128xf32>
    %sub3A_40 = arith.subf %div3A_33, %sub3A : vector<64x128xf32>
    %sub3A_41 = vector.broadcast %div3A_39 : vector<1x128xf32> to vector<64x128xf32>
    %sub3A_42 = arith.subf %div3A_33, %sub3A_41 : vector<64x128xf32>
    %mul3A_43 = arith.mulf %sub3A_40, %sub3A_42 : vector<64x128xf32>
    %reduce_sum3A_44 = arith.constant dense<0.000000e+00> : vector<128xf32>
    %reduce_sum3A_45 = vector.multi_reduction <add>, %mul3A_43, %reduce_sum3A_44 [0] : vector<64x128xf32> to vector<128xf32>
    %broadcast_in_dim3A_46 = vector.shape_cast %reduce_sum3A_45 : vector<128xf32> to vector<1x128xf32>
    %div3A_47 = arith.constant 6.400000e+01 : f32
    %div3A_48 = vector.broadcast %div3A_47 : f32 to vector<1x128xf32>
    %div3A_49 = arith.divf %broadcast_in_dim3A_46, %div3A_48 : vector<1x128xf32>
    %sub3A_50 = vector.broadcast %div3A_39 : vector<1x128xf32> to vector<64x128xf32>
    %sub3A_51 = arith.subf %div3A_33, %sub3A_50 : vector<64x128xf32>
    %add3A_52 = arith.constant 9.99999974E-6 : f32
    %add3A_53 = vector.broadcast %add3A_52 : f32 to vector<1x128xf32>
    %add3A_54 = arith.addf %div3A_49, %add3A_53 : vector<1x128xf32>
    %rsqrt3A = math.rsqrt %add3A_54 : vector<1x128xf32>
    %mul3A_55 = vector.broadcast %rsqrt3A : vector<1x128xf32> to vector<64x128xf32>
    %mul3A_56 = arith.mulf %sub3A_51, %mul3A_55 : vector<64x128xf32>
    %get3A_57 = arith.constant 0 : index
    %get3A_58 = arith.constant 0 : index
    %get3A_59 = vector.load %arg5[%get3A_57, %get3A_58] : memref<1x128xf32, #tpu.memory_space<vmem>>, vector<1x128xf32>
    %mul3A_60 = vector.broadcast %get3A_59 : vector<1x128xf32> to vector<64x128xf32>
    %mul3A_61 = arith.mulf %mul3A_56, %mul3A_60 : vector<64x128xf32>
    %get3A_62 = arith.constant 0 : index
    %get3A_63 = arith.constant 0 : index
    %get3A_64 = vector.load %arg6[%get3A_62, %get3A_63] : memref<1x128xf32, #tpu.memory_space<vmem>>, vector<1x128xf32>
    %add3A_65 = vector.broadcast %get3A_64 : vector<1x128xf32> to vector<64x128xf32>
    %add3A_66 = arith.addf %mul3A_61, %add3A_65 : vector<64x128xf32>
    %get3A_67 = arith.constant 0 : index
    %get3A_68 = arith.constant 0 : index
    %get3A_69 = vector.load %arg7[%get3A_67, %get3A_68] : memref<128x128xf32, #tpu.memory_space<vmem>>, vector<128x128xf32>
    %dot_general3A_70 = arith.constant dense<0.000000e+00> : vector<64x128xf32>
    %dot_general3A_71 = tpu.matmul %add3A_66, %get3A_69, %dot_general3A_70 {dimension_numbers = #tpu.dot_dimension_numbers<[1], [0], [0], [1], [0, 0, 1, 1], [], []>, transpose_lhs_hint = false} : vector<64x128xf32>, vector<128x128xf32>, vector<64x128xf32> -> vector<64x128xf32>
    %get3A_72 = arith.constant 0 : index
    %get3A_73 = arith.constant 0 : index
    %get3A_74 = vector.load %arg8[%get3A_72, %get3A_73] : memref<1x128xf32, #tpu.memory_space<vmem>>, vector<1x128xf32>
    %add3A_75 = vector.broadcast %get3A_74 : vector<1x128xf32> to vector<64x128xf32>
    %add3A_76 = arith.addf %dot_general3A_71, %add3A_75 : vector<64x128xf32>
    %get3A_77 = arith.constant 0 : index
    %get3A_78 = arith.constant 0 : index
    %get3A_79 = vector.load %arg9[%get3A_77, %get3A_78] : memref<128x128xf32, #tpu.memory_space<vmem>>, vector<128x128xf32>
    %dot_general3A_80 = arith.constant dense<0.000000e+00> : vector<64x128xf32>
    %dot_general3A_81 = tpu.matmul %add3A_76, %get3A_79, %dot_general3A_80 {dimension_numbers = #tpu.dot_dimension_numbers<[1], [0], [0], [1], [0, 0, 1, 1], [], []>, transpose_lhs_hint = false} : vector<64x128xf32>, vector<128x128xf32>, vector<64x128xf32> -> vector<64x128xf32>
    %get3A_82 = arith.constant 0 : index
    %get3A_83 = arith.constant 0 : index
    %get3A_84 = vector.load %arg10[%get3A_82, %get3A_83] : memref<1x128xf32, #tpu.memory_space<vmem>>, vector<1x128xf32>
    %add3A_85 = vector.broadcast %get3A_84 : vector<1x128xf32> to vector<64x128xf32>
    %add3A_86 = arith.addf %dot_general3A_81, %add3A_85 : vector<64x128xf32>
    %reduce_max3A = arith.constant dense<0xFF800000> : vector<64xf32>
    %reduce_max3A_87 = vector.multi_reduction <maximumf>, %add3A_86, %reduce_max3A [1] : vector<64x128xf32> to vector<64xf32>
    %broadcast_in_dim3A_88 = vector.shape_cast %reduce_max3A_87 : vector<64xf32> to vector<64x1xf32>
    %sub3A_89 = vector.broadcast %broadcast_in_dim3A_88 : vector<64x1xf32> to vector<64x128xf32>
    %sub3A_90 = arith.subf %add3A_86, %sub3A_89 : vector<64x128xf32>
    %exp3A = math.exp %sub3A_90 : vector<64x128xf32>
    %reduce_sum3A_91 = arith.constant dense<0.000000e+00> : vector<64xf32>
    %reduce_sum3A_92 = vector.multi_reduction <add>, %exp3A, %reduce_sum3A_91 [1] : vector<64x128xf32> to vector<64xf32>
    %broadcast_in_dim3A_93 = vector.shape_cast %reduce_sum3A_92 : vector<64xf32> to vector<64x1xf32>
    %div3A_94 = vector.broadcast %broadcast_in_dim3A_93 : vector<64x1xf32> to vector<64x128xf32>
    %div3A_95 = arith.divf %exp3A, %div3A_94 : vector<64x128xf32>
    %swap3A = arith.constant 0 : index
    %swap3A_96 = arith.constant 0 : index
    %swap3A_97 = vector.load %arg11[%swap3A, %swap3A_96] : memref<64x128xf32, #tpu.memory_space<vmem>>, vector<64x128xf32>
    tpu.vector_store %arg11[%swap3A, %swap3A_96], %div3A_95 {strides = array<i32>} : memref<64x128xf32, #tpu.memory_space<vmem>>, vector<64x128xf32>,
    return
  }
}

</mosaic_0001>

<sc_bundles>
// kernel: kernel.10.cloned.1.call-start
scs
__scs_entry_jumppad:
0x0: {  	(pc) =	sbr.rel $0x88, $3  }
0x1: {  	(tag) =	ssettag $0x0;
	lr =	simm.s32 $0x1  }
0x2: {  	[smem:$0x3F92] =	sst lr;
	_ =	strace $0xD0000000  }
0x3: {  	_ = 	snop  }
0x4: {  	_ = 	snop  }
0x5: {  	_ = 	snop  }
0x6: {  	_ = 	snop  }
0x7: {  	_ = 	snop  }
__scs_overlays_trampoline_lowered:
0x8: {  	[smem:$0x3FA1] =	sst s0  }
0x9: {  	[smem:$0x3FA2] =	sst s1  }
0xa: {  	[smem:$0x3FA3] =	sst s2  }
0xb: {  	[smem:$0x3FA4] =	sst s3  }
0xc: {  	[smem:$0x3FA5] =	sst s4  }
0xd: {  	[smem:$0x3FA6] =	sst s5  }
0xe: {  	[smem:$0x3FA7] =	sst s6  }
0xf: {  	[smem:$0x3FA8] =	sst s7  }
0x10: {  	[smem:$0x3FA9] =	sst s8  }
0x11: {  	[smem:$0x3FAA] =	sst s9;
	s0 =	simm.s32 @!p0 $0x0  }
0x12: {  	s1 =	sld [smem:$0x3F90];
	s0 =	simm.s32 @p0 $0x1  }
0x13: {  	[smem:$0x3FAB] =	sst s0;
	s0 =	simm.s32 @!p1 $0x0  }
0x14: {  	s2 =	sld [smem:$0x3F8F];
	s0 =	simm.s32 @p1 $0x1  }
0x15: {  	[smem:$0x3FAC] =	sst s0;
	s0 =	simm.s32 @!p2 $0x0  }
0x16: {  	s3 =	sld [smem:$0x3FDB];
	s0 =	simm.s32 @p2 $0x1  }
0x17: {  	s4 =	simm.s32 $0x1BF5;
	[smem:$0x3FAE] =	sst s0  }
0x18: {  	s0 =	sld [smem:$0x3F91];
	_ =	swait.ge [sflag:s4], $0x0  }
0x19: {  	s7 =	sld [smem:$0x3F92]  }
0x1a: {  	s8 =	sadd.s32 $0xFFFFE003, lr  }
0x1b: {  	s9 =	sadd.s32 $0xFFFFFEF7, lr;
	s5 =	simm.s32 $0xFFFFFFFF;
	p2 =	slt.u32 s8, $0xFFFFF086  }
0x1c: {  	p1 =	slt.u32 s9, $0xF7A;
	s5 =	simm.s32 @!p2 $0x0  }
0x1d: {  	s5 =	simm.s32 @p1 $0x1;
	p0 =	seq.s32 s7, s2  }
0x1e: {  	s7 =	smul.u32 @!p0 $0xF7A, s2;
	p2 =	seq.s32 @!p0 s5, $0x0  }
0x1f: {  	s9 =	smul.u32 $0xF7A, s1;
	s8 =	simm.s32 @!p0 $0x1BF5;
	p2 =	por !p2, p0  }
0x20: {  	[sflag:s8] =	ssyncset.s32 @!p0 $0xFFFFF086;
	s6 =	sadd.s32 @!p0 s3, s7;
	s7 =	simm.s32 @!p0 $0x108  }
0x21: {  	s3 =	sadd.s32 s3, s9;
	s6 =	sadd.s32 @!p0 $0x88, s6;
	s7 =	simm.s32 @p2 $0x1082  }
0x22: {  	[simem:s7], [sflag:s8] =	dma.local @!p0 [hbm:s6], $0xF7A  }
0x23: {  	s9 =	sor.u32 $0xD0000000, s2;
	s6 =	simm.s32 $0x108;
	_ =	swait.ge @!p0 [sflag:s8], $0x0  }
0x24: {  	s3 =	sadd.s32 $0x88, s3;
	s6 =	simm.s32 @!p1 $0x1082;
	[sflag:s4] =	ssyncset.s32 $0xFFFFF086  }
0x25: {  	[simem:s6], [sflag:s4] =	dma.local [hbm:s3], $0xF7A  }
0x26: {  	[smem:$0x3F92] =	sst s1;
	(tag) =	ssettag s2;
	_ =	strace s9  }
0x27: {  	s1 =	sld [smem:$0x3FA2]  }
0x28: {  	s2 =	sld [smem:$0x3FA3]  }
0x29: {  	s4 =	sld [smem:$0x3FA5]  }
0x2a: {  	p0 =	seq.s32 s5, $0x0;
	s5 =	sld [smem:$0x3FA6]  }
0x2b: {  	s6 =	sld [smem:$0x3FA7]  }
0x2c: {  	s7 =	sld [smem:$0x3FA8]  }
0x2d: {  	s3 =	simm.s32 $0x108;
	s8 =	sld [smem:$0x3FA9]  }
0x2e: {  	s3 =	simm.s32 @!p0 $0x1082;
	s9 =	sld [smem:$0x3FAA]  }
0x2f: {  	lr =	sadd.s32 s0, s3;
	s0 =	sld [smem:$0x3FA1]  }
0x30: {  	s3 =	sld [smem:$0x3FA4]  }
0x31: {  	[smem:$0x3FAD] =	sst s10  }
0x32: {  	s10 =	sld [smem:$0x3FAB];
	_ =	sdelay $0x3  }
0x33: {  	p0 =	seq.s32 s10, $0x1;
	s10 =	sld [smem:$0x3FAD];
	_ =	sdelay $0x3  }
0x34: {  	[smem:$0x3FAD] =	sst s10  }
0x35: {  	s10 =	sld [smem:$0x3FAC];
	_ =	sdelay $0x3  }
0x36: {  	p1 =	seq.s32 s10, $0x1;
	s10 =	sld [smem:$0x3FAD];
	_ =	sdelay $0x3  }
0x37: {  	[smem:$0x3FAD] =	sst s10  }
0x38: {  	s10 =	sld [smem:$0x3FAE]  }
0x39: {  	_ = 	snop;
	(pc) =	sbr.ind lr, $3  }
0x3a: {  	_ = 	snop  }
0x3b: {  	_ = 	snop  }
0x3c: {  	p2 =	seq.s32 s10, $0x1;
	s10 =	sld [smem:$0x3FAD]  }
0x3d: {  	_ =	shalt  }
0x3e: {  	_ =	shalt  }
0x3f: {  	_ =	shalt  }
0x40: {  	_ =	shalt  }
0x41: {  	_ =	shalt  }
0x42: {  	_ =	shalt  }
0x43: {  	_ =	shalt  }
0x44: {  	_ =	shalt  }
0x45: {  	_ =	shalt  }
0x46: {  	_ =	shalt  }
0x47: {  	_ =	shalt  }
0x48: {  	_ =	shalt  }
0x49: {  	_ =	shalt  }
0x4a: {  	_ =	shalt  }
0x4b: {  	_ =	shalt  }
0x4c: {  	_ =	shalt  }
0x4d: {  	_ =	shalt  }
0x4e: {  	_ =	shalt  }
0x4f: {  	_ =	shalt  }
0x50: {  	_ =	shalt  }
0x51: {  	_ =	shalt  }
0x52: {  	_ =	shalt  }
0x53: {  	_ =	shalt  }
0x54: {  	_ =	shalt  }
0x55: {  	_ =	shalt  }
0x56: {  	_ =	shalt  }
0x57: {  	_ =	shalt  }
0x58: {  	_ =	shalt  }
0x59: {  	_ =	shalt  }
0x5a: {  	_ =	shalt  }
0x5b: {  	_ =	shalt  }
0x5c: {  	_ =	shalt  }
0x5d: {  	_ =	shalt  }
0x5e: {  	_ =	shalt  }
0x5f: {  	_ =	shalt  }
0x60: {  	_ =	shalt  }
0x61: {  	_ =	shalt  }
0x62: {  	_ =	shalt  }
0x63: {  	_ =	shalt  }
0x64: {  	_ =	shalt  }
0x65: {  	_ =	shalt  }
0x66: {  	_ =	shalt  }
0x67: {  	_ =	shalt  }
0x68: {  	_ =	shalt  }
0x69: {  	_ =	shalt  }
0x6a: {  	_ =	shalt  }
0x6b: {  	_ =	shalt  }
0x6c: {  	_ =	shalt  }
0x6d: {  	_ =	shalt  }
0x6e: {  	_ =	shalt  }
0x6f: {  	_ =	shalt  }
0x70: {  	_ =	shalt  }
0x71: {  	_ =	shalt  }
0x72: {  	_ =	shalt  }
0x73: {  	_ =	shalt  }
0x74: {  	_ =	shalt  }
0x75: {  	_ =	shalt  }
0x76: {  	_ =	shalt  }
0x77: {  	_ =	shalt  }
0x78: {  	_ =	shalt  }
0x79: {  	_ =	shalt  }
0x7a: {  	_ =	shalt  }
0x7b: {  	_ =	shalt  }
0x7c: {  	_ =	shalt  }
0x7d: {  	_ =	shalt  }
0x7e: {  	_ =	shalt  }
0x7f: {  	_ =	shalt  }
0x80: {  	_ =	shalt  }
0x81: {  	_ =	shalt  }
0x82: {  	_ =	shalt  }
0x83: {  	_ =	shalt  }
0x84: {  	_ =	shalt  }
0x85: {  	_ =	shalt  }
0x86: {  	_ =	shalt  }
0x87: {  	_ =	shalt  }
.Lfunc_end0:
.L_simem_size_0:
called_computation_lowered:
.L_overlay_start_0:
0x88: {  	s2 =	sld [smem:$0x3FD9]  }
0x89: {  	s3 =	sld [smem:$0x3FFE];
	_ =	sdelay $0x1  }
0x8a: {  	s1 =	srdreg.scid  }
0x8b: {  	s0 =	sand.u32 $0x1, s1  }
0x8c: {  	s16 =	sshll.u32 s0, $0xA;
	s2 =	sadd.s32 s3, s2  }
0x8d: {  	s2 =	sadd.s32 s2, s16  }
0x8e: {  	[smem:$0x3FB9] =	sst s2  }
0x8f: {  	_ = 	snop  }
0x90: {  	(tm) =	ssettm $0x1  }
0x91: {  	s17 =	sld [smem:$0x3FFB];
	_ =	sdelay $0x3  }
0x92: {  	_ =	strace s17  }
0x93: {  	s2 =	sld [smem:$0x3FFC];
	_ =	sdelay $0x3  }
0x94: {  	_ =	strace s2  }
0x95: {  	s2 =	sld [smem:$0x3FFD];
	_ =	sdelay $0x3  }
0x96: {  	_ =	strace s2  }
0x97: {  	_ =	strace $0x8FFFFFFF  }
0x98: {  	s18 =	sld [smem:$0x3FDB];
	_ =	sdelay $0x1  }
0x99: {  	s19 =	simm.s32 $_scs_section_size  }
0x9a: {  	s4 =	simm.s32 $_size__tile_overlayer_lowered;
	s5 =	simm.s32 $_tile_overlayer_lowered  }
0x9b: {  	s22 =	simm.s32 $0x1BFF;
	s21 =	sshll.u32 s5, $0x1;
	s2 =	sadd.s32 s19, s18  }
0x9c: {  	s6 =	simm.s32 $0x0;
	s20 =	sshll.u32 s4, $0x1;
	s4 =	sadd.s32 s21, s2  }
0x9d: {  	[timem:s6], [sflag:s22] =	dma.local [hbm:s4], s20  }
0x9e: {  	_ =	swait.ge [sflag:s22], s20  }
0x9f: {  	s3 =	ssub.s32 $0x0, s20;
	[sflag:s22] =	ssyncset.done $0x0  }
0xa0: {  	[sflag:s22] =	ssyncadd.s32 s3;
	_ =	sdelay $0x1  }
0xa1: {  	s23 =	simm.s32 $0x1B8B  }
0xa2: {  	_ =	swait.ge [sflag:s23], $0x1  }
0xa3: {  	[sflag:s23] =	ssyncset.done $0x0  }
0xa4: {  	s25 =	simm.s32 $0x1B8E;
	s24 =	sld [smem:$0x3FFE];
	[sflag:s23] =	ssyncadd.s32 $0xFFFFFFFF  }
0xa5: {  	s26 =	simm.s32 $execute0_lowered;
	[smem:$0x3FD2] =	sst s25  }
0xa6: {  	s4 =	sshll.u32 s26, $0x1;
	_ =	strace $0x80000046;
	[dreg:$0x1] =	wrdreg $0xFFFFFFFF  }
0xa7: {  	s28 =	simm.s32 $_size_execute0_lowered;
	s2 =	sadd.s32 s2, s4;
	[dreg:$0x0] =	wrdreg $0x0  }
0xa8: {  	s4 =	sshll.u32 s28, $0x1;
	[dreg:$0x2] =	wrdreg s2  }
0xa9: {  	[dreg:$0x3] =	wrdreg s4  }
0xaa: {  	[dreg:$0x4] =	wrdreg $0xC0  }
0xab: {  	_ =	task [dreg:s6], $0x5FFFF  }
0xac: {  	[dreg:$0x1] =	wrdreg $0xFFFFFFFF  }
0xad: {  	[dreg:$0x0] =	wrdreg $0x60  }
0xae: {  	[dreg:$0x2] =	wrdreg s24  }
0xaf: {  	[dreg:$0x3] =	wrdreg $0x6B000  }
0xb0: {  	[dreg:$0x4] =	wrdreg $0x9  }
0xb1: {  	_ =	task.clear_ibuf [dreg:s6], $0x5FFFF;
	_ =	strace $0x90000046  }
0xb2: {  	s29 =	simm.s32 $0x9;
	_ =	strace $0x80000048  }
0xb3: {  	_ =	swait.ge [sflag:s29], $0x1  }
0xb4: {  	[sflag:s29] =	ssyncadd.s32 $0xFFFFFFFF  }
0xb5: {  	_ =	strace $0x90000048  }
0xb6: {  	_ =	sfence  }
0xb7: {  	s30 =	sld [smem:$0x0];
	_ =	sdelay $0x2  }
0xb8: {  	s31 =	sshll.u32 s1, $0xD;
	s1 =	sshrl.u32 s1, $0x2  }
0xb9: {  	s3 =	sand.u32 $0x4000, s31;
	s1 =	sadd.s32 s1, s30  }
0xba: {  	s0 =	sor.u32 s3, s0;
	s1 =	sshll.u32 s1, $0x11  }
0xbb: {  	s0 =	sor.u32 s1, s0  }
0xbc: {  	s0 =	sadd.s32 $0x8F2B, s0  }
0xbd: {  	[sflag:s0] =	ssyncadd.remote.s32 $0x1  }
0xbe: {  	_ =	sfence.sel $0xFFFF  }
0xbf: {  	[dreg:$0x0] =	wrdreg $0xFFFFFFFF;
	(pc) =	sbr.abs _section_cstart, $3  }
0xc0: {  	[dreg:$0x1] =	wrdreg $0xFFFFFFFF  }
0xc1: {  	_ =	task.clear_ibuf [dreg:s6], $0x2FFFF;
	_ =	strace $0x9FFFFFFF  }
0xc2: {  	(tm) =	ssettm $0x7FFFFFFF  }
0xc3: {  	_ =	shalt  }
tec
execute0_lowered:
.L_overlay_start_1:
0x0: {  	(tag) =	ssettag $0x1  }
0x1: {  	s5 =	rddreg [dreg:$0x0]  }
0x2: {  	s2 =	rddreg [dreg:$0x1]  }
0x3: {  	s0 =	rddreg [dreg:$0x2];
	s3 =	simm.s32 $0x0  }
0x4: {  	s1 =	stileid.u32;
	s4 =	srdreg.scid;
	s12 =	simm.s32 $0x50  }
0x5: {  	s13 =	simm.s32 $0x4000;
	s14 =	simm.s32 $0x4080;
	s15 =	simm.s32 $0x4100  }
0x6: {  	s16 =	simm.s32 $0x4180;
	s17 =	simm.s32 $0x4200;
	s18 =	simm.s32 $0x4280  }
0x7: {  	s19 =	simm.s32 $0x1;
	[smem:$0x7FF] =	sst s3;
	s6 =	sshll.u32 s1, $0xB  }
0x8: {  	s20 =	smul.u32 $0x2780, s1;
	s7 =	sand.u32 $0x1, s4;
	s4 =	sadd.s32 $0x3B800, s5  }
0x9: {  	s10 =	smul.u32 $0x4F000, s1;
	s31 =	sshll.u32 s1, $0x6;
	_ =	strace $0x80000047  }
0xa: {  	s6 =	sadd.s32 s6, s5;
	s8 =	smul.u32 $0x27800, s7;
	s26 =	ssub.s32 $0x2, s7  }
0xb: {  	s7 =	sshll.u32 s7, $0xF;
	s9 =	sadd.s32 s20, s5;
	s11 =	sshrl.u32 s26, $0x1  }
0xc: {  	s6 =	sadd.s32 s7, s6;
	s28 =	sshrl.u32 s10, $0x2;
	s8 =	sadd.s32 s8, s5  }
0xd: {  	s29 =	ssub.s32 s26, s11;
	s5 =	sadd.s32 $0x4000, s6;
	s30 =	sadd.s32 s28, s2  }
0xe: {  	s6 =	sadd.s32 $0x14000, s9;
	s9 =	sor.u32 $0x1C02, s31;
	s11 =	simm.s32 $0x4300  }
0xf: {  	s21 =	sadd.s32 $0x3BE00, s8;
	s7 =	smax.u32 s29, $0x1;
	s8 =	simm.s32 $0x2  }
0x10: {  	s10 =	sshrl.u32 s30, $0x3;
	s20 =	sadd.s32 s20, s21;
	s21 =	simm.s32 $0x0  }
.LBB2_1:
0x11: {  	[tilespmem:s3], [sflag:$0x2] =	stream.linear.gather [hbm4b:s5+s3], $0x3F00, $0x38;
	[tilespmem:$0x1A700] =	vst v63  }
0x12: {  	_ =	swait.ge [sflag:s8], $0x3F00  }
0x13: {  	[sflag:s8] =	ssyncset.done $0x0  }
0x14: {  	[sflag:s8] =	ssyncadd.s32 $0xFFFFC100  }
0x15: {  	[spmem:s10], [sflag:s9] =	dma.local [hbm:s6], $0x2780  }
0x16: {  	_ =	swait.ge [sflag:s8], $0x2780  }
0x17: {  	[sflag:s8] =	ssyncset.done $0x0  }
0x18: {  	[sflag:s8] =	ssyncadd.s32 $0xFFFFD880  }
0x19: {  	[tilespmem:s11], [sflag:$0x2] =	stream.linear.gather [hbm4b:s4+s3], $0x2800, $0x38;
	[tilespmem:$0x1A700] =	vst v63  }
0x1a: {  	_ =	swait.ge [sflag:s8], $0x2800  }
0x1b: {  	[sflag:s8] =	ssyncset.done $0x0  }
0x1c: {  	[sflag:s8] =	ssyncadd.s32 $0xFFFFD800  }
0x1d: {  	s22 =	simm.s32 $0x0;
	[bflag:$0x0] =	sbarrier.arrive $0xFFFF  }
0x1e: {  	v0 =	vld [tilespmem:s22+$0x0];
	_ =	sdelay $0x4  }
0x1f: {  	v0 =	vshrl.u32 v0, $0xE  }
0x20: {  	[tilespmem:$0x4000] =	vst v0  }
0x21: {  	v0 =	vld [tilespmem:s22+$0x10];
	_ =	sdelay $0x4  }
0x22: {  	v0 =	vshrl.u32 v0, $0xE  }
0x23: {  	[tilespmem:$0x4010] =	vst v0  }
0x24: {  	v0 =	vld [tilespmem:s22+$0x20];
	_ =	sdelay $0x4  }
0x25: {  	v0 =	vshrl.u32 v0, $0xE  }
0x26: {  	[tilespmem:$0x4020] =	vst v0  }
0x27: {  	v0 =	vld [tilespmem:s22+$0x30];
	_ =	sdelay $0x4  }
0x28: {  	v0 =	vshrl.u32 v0, $0xE  }
0x29: {  	[tilespmem:$0x4030] =	vst v0  }
0x2a: {  	v0 =	vld [tilespmem:s22+$0x40];
	_ =	sdelay $0x4  }
0x2b: {  	v0 =	vshrl.u32 v0, $0xE  }
0x2c: {  	[tilespmem:$0x4040] =	vst v0  }
0x2d: {  	[spmem:s2] =	stream.indirect.scatter.add.f32 [tilespmem:s11], [sflag:$0x1], $0x80, s13, s12, $0xb8;
	[tilespmem:$0x1A700] =	vst v63  }
0x2e: {  	v0 =	vld [tilespmem:s22+$0x80];
	_ =	sdelay $0x4  }
0x2f: {  	v0 =	vshrl.u32 v0, $0xE  }
0x30: {  	[tilespmem:$0x4080] =	vst v0  }
0x31: {  	v0 =	vld [tilespmem:s22+$0x90];
	_ =	sdelay $0x4  }
0x32: {  	v0 =	vshrl.u32 v0, $0xE  }
0x33: {  	[tilespmem:$0x4090] =	vst v0  }
0x34: {  	v0 =	vld [tilespmem:s22+$0xA0];
	_ =	sdelay $0x4  }
0x35: {  	v0 =	vshrl.u32 v0, $0xE  }
0x36: {  	[tilespmem:$0x40A0] =	vst v0  }
0x37: {  	v0 =	vld [tilespmem:s22+$0xB0];
	_ =	sdelay $0x4  }
0x38: {  	v0 =	vshrl.u32 v0, $0xE  }
0x39: {  	[tilespmem:$0x40B0] =	vst v0  }
0x3a: {  	v0 =	vld [tilespmem:s22+$0xC0];
	_ =	sdelay $0x4  }
0x3b: {  	v0 =	vshrl.u32 v0, $0xE  }
0x3c: {  	[tilespmem:$0x40C0] =	vst v0  }
0x3d: {  	[spmem:s2] =	stream.indirect.scatter.add.f32 [tilespmem:s11], [sflag:$0x1], $0x80, s14, s12, $0xb8;
	[tilespmem:$0x1A700] =	vst v63  }
0x3e: {  	v0 =	vld [tilespmem:s22+$0x100];
	_ =	sdelay $0x4  }
0x3f: {  	v0 =	vshrl.u32 v0, $0xE  }
0x40: {  	[tilespmem:$0x4100] =	vst v0  }
0x41: {  	v0 =	vld [tilespmem:s22+$0x110];
	_ =	sdelay $0x4  }
0x42: {  	v0 =	vshrl.u32 v0, $0xE  }
0x43: {  	[tilespmem:$0x4110] =	vst v0  }
0x44: {  	v0 =	vld [tilespmem:s22+$0x120];
	_ =	sdelay $0x4  }
0x45: {  	v0 =	vshrl.u32 v0, $0xE  }
0x46: {  	[tilespmem:$0x4120] =	vst v0  }
0x47: {  	v0 =	vld [tilespmem:s22+$0x130];
	_ =	sdelay $0x4  }
0x48: {  	v0 =	vshrl.u32 v0, $0xE  }
0x49: {  	[tilespmem:$0x4130] =	vst v0  }
0x4a: {  	v0 =	vld [tilespmem:s22+$0x140];
	_ =	sdelay $0x4  }
0x4b: {  	v0 =	vshrl.u32 v0, $0xE  }
0x4c: {  	[tilespmem:$0x4140] =	vst v0  }
0x4d: {  	[spmem:s2] =	stream.indirect.scatter.add.f32 [tilespmem:s11], [sflag:$0x1], $0x80, s15, s12, $0xb8;
	[tilespmem:$0x1A700] =	vst v63  }
0x4e: {  	v0 =	vld [tilespmem:s22+$0x180];
	_ =	sdelay $0x4  }
0x4f: {  	v0 =	vshrl.u32 v0, $0xE  }
0x50: {  	[tilespmem:$0x4180] =	vst v0  }
0x51: {  	v0 =	vld [tilespmem:s22+$0x190];
	_ =	sdelay $0x4  }
0x52: {  	v0 =	vshrl.u32 v0, $0xE  }
0x53: {  	[tilespmem:$0x4190] =	vst v0  }
0x54: {  	v0 =	vld [tilespmem:s22+$0x1A0];
	_ =	sdelay $0x4  }
0x55: {  	v0 =	vshrl.u32 v0, $0xE  }
0x56: {  	[tilespmem:$0x41A0] =	vst v0  }
0x57: {  	v0 =	vld [tilespmem:s22+$0x1B0];
	_ =	sdelay $0x4  }
0x58: {  	v0 =	vshrl.u32 v0, $0xE  }
0x59: {  	[tilespmem:$0x41B0] =	vst v0  }
0x5a: {  	v0 =	vld [tilespmem:s22+$0x1C0];
	_ =	sdelay $0x4  }
0x5b: {  	v0 =	vshrl.u32 v0, $0xE  }
0x5c: {  	[tilespmem:$0x41C0] =	vst v0  }
0x5d: {  	[spmem:s2] =	stream.indirect.scatter.add.f32 [tilespmem:s11], [sflag:$0x1], $0x80, s16, s12, $0xb8;
	[tilespmem:$0x1A700] =	vst v63  }
0x5e: {  	v0 =	vld [tilespmem:s22+$0x200];
	_ =	sdelay $0x4  }
0x5f: {  	v0 =	vshrl.u32 v0, $0xE  }
0x60: {  	[tilespmem:$0x4200] =	vst v0  }
0x61: {  	v0 =	vld [tilespmem:s22+$0x210];
	_ =	sdelay $0x4  }
0x62: {  	v0 =	vshrl.u32 v0, $0xE  }
0x63: {  	[tilespmem:$0x4210] =	vst v0  }
0x64: {  	v0 =	vld [tilespmem:s22+$0x220];
	_ =	sdelay $0x4  }
0x65: {  	v0 =	vshrl.u32 v0, $0xE  }
0x66: {  	[tilespmem:$0x4220] =	vst v0  }
0x67: {  	v0 =	vld [tilespmem:s22+$0x230];
	_ =	sdelay $0x4  }
0x68: {  	v0 =	vshrl.u32 v0, $0xE  }
0x69: {  	[tilespmem:$0x4230] =	vst v0  }
0x6a: {  	v0 =	vld [tilespmem:s22+$0x240];
	_ =	sdelay $0x4  }
0x6b: {  	v0 =	vshrl.u32 v0, $0xE  }
0x6c: {  	[tilespmem:$0x4240] =	vst v0  }
0x6d: {  	[spmem:s2] =	stream.indirect.scatter.add.f32 [tilespmem:s11], [sflag:$0x1], $0x80, s17, s12, $0xb8;
	[tilespmem:$0x1A700] =	vst v63  }
0x6e: {  	v0 =	vld [tilespmem:s22+$0x280];
	_ =	sdelay $0x4  }
0x6f: {  	v0 =	vshrl.u32 v0, $0xE  }
0x70: {  	[tilespmem:$0x4280] =	vst v0  }
0x71: {  	v0 =	vld [tilespmem:s22+$0x290];
	_ =	sdelay $0x4  }
0x72: {  	v0 =	vshrl.u32 v0, $0xE  }
0x73: {  	[tilespmem:$0x4290] =	vst v0  }
0x74: {  	v0 =	vld [tilespmem:s22+$0x2A0];
	_ =	sdelay $0x4  }
0x75: {  	v0 =	vshrl.u32 v0, $0xE  }
0x76: {  	[tilespmem:$0x42A0] =	vst v0  }
0x77: {  	v0 =	vld [tilespmem:s22+$0x2B0];
	_ =	sdelay $0x4  }
0x78: {  	v0 =	vshrl.u32 v0, $0xE  }
0x79: {  	[tilespmem:$0x42B0] =	vst v0  }
0x7a: {  	v0 =	vld [tilespmem:s22+$0x2C0];
	_ =	sdelay $0x4  }
0x7b: {  	v0 =	vshrl.u32 v0, $0xE  }
0x7c: {  	[tilespmem:$0x42C0] =	vst v0  }
0x7d: {  	[spmem:s2] =	stream.indirect.scatter.add.f32 [tilespmem:s11], [sflag:$0x1], $0x80, s18, s12, $0xb8;
	[tilespmem:$0x1A700] =	vst v63  }
0x7e: {  	_ =	swait.ge [sflag:s19], $0x2800  }
0x7f: {  	[sflag:s19] =	ssyncset.done $0x0  }
0x80: {  	[sflag:s19] =	ssyncadd.s32 $0xFFFFD800  }
0x81: {  	_ =	swait.ge [sflag:s19], $0x2800  }
0x82: {  	[sflag:s19] =	ssyncset.done $0x0  }
0x83: {  	[sflag:s19] =	ssyncadd.s32 $0xFFFFD800  }
0x84: {  	_ =	swait.ge [sflag:s19], $0x2800  }
0x85: {  	[sflag:s19] =	ssyncset.done $0x0  }
0x86: {  	[sflag:s19] =	ssyncadd.s32 $0xFFFFD800  }
0x87: {  	_ =	swait.ge [sflag:s19], $0x2800  }
0x88: {  	[sflag:s19] =	ssyncset.done $0x0  }
0x89: {  	[sflag:s19] =	ssyncadd.s32 $0xFFFFD800  }
0x8a: {  	_ =	swait.ge [sflag:s19], $0x2800  }
0x8b: {  	[sflag:s19] =	ssyncset.done $0x0  }
0x8c: {  	[sflag:s19] =	ssyncadd.s32 $0xFFFFD800  }
0x8d: {  	_ =	swait.ge [sflag:s19], $0x2800  }
0x8e: {  	s25 =	simm.s32 $0x1800;
	s22 =	simm.s32 $0xC00;
	[sflag:s19] =	ssyncset.done $0x0  }
.LBB2_2:
0x8f: {  	s24 =	sshra.s32 s22, $0x2  }
0x90: {  	[sflag:s19] =	ssyncadd.s32 $0xFFFFD800;
	s22 =	smov.u32 s25;
	s23 =	sadd.s32 $0xC00, s25  }
0x91: {  	p0 =	sne.s32 s25, $0xF000;
	v0 =	vld [tilespmem:s24+$0x0];
	_ =	sdelay $0x4  }
0x92: {  	v0 =	vshrl.u32 v0, $0xE  }
0x93: {  	[tilespmem:$0x4000] =	vst v0  }
0x94: {  	v0 =	vld [tilespmem:s24+$0x10];
	_ =	sdelay $0x4  }
0x95: {  	v0 =	vshrl.u32 v0, $0xE  }
0x96: {  	[tilespmem:$0x4010] =	vst v0  }
0x97: {  	v0 =	vld [tilespmem:s24+$0x20];
	_ =	sdelay $0x4  }
0x98: {  	v0 =	vshrl.u32 v0, $0xE  }
0x99: {  	[tilespmem:$0x4020] =	vst v0  }
0x9a: {  	v0 =	vld [tilespmem:s24+$0x30];
	_ =	sdelay $0x4  }
0x9b: {  	v0 =	vshrl.u32 v0, $0xE  }
0x9c: {  	[tilespmem:$0x4030] =	vst v0  }
0x9d: {  	v0 =	vld [tilespmem:s24+$0x40];
	_ =	sdelay $0x4  }
0x9e: {  	v0 =	vshrl.u32 v0, $0xE  }
0x9f: {  	[tilespmem:$0x4040] =	vst v0  }
0xa0: {  	[spmem:s2] =	stream.indirect.scatter.add.f32 [tilespmem:s11], [sflag:$0x1], $0x80, s13, s12, $0xb8;
	[tilespmem:$0x1A700] =	vst v63  }
0xa1: {  	v0 =	vld [tilespmem:s24+$0x80];
	_ =	sdelay $0x4  }
0xa2: {  	v0 =	vshrl.u32 v0, $0xE  }
0xa3: {  	[tilespmem:$0x4080] =	vst v0  }
0xa4: {  	v0 =	vld [tilespmem:s24+$0x90];
	_ =	sdelay $0x4  }
0xa5: {  	v0 =	vshrl.u32 v0, $0xE  }
0xa6: {  	[tilespmem:$0x4090] =	vst v0  }
0xa7: {  	v0 =	vld [tilespmem:s24+$0xA0];
	_ =	sdelay $0x4  }
0xa8: {  	v0 =	vshrl.u32 v0, $0xE  }
0xa9: {  	[tilespmem:$0x40A0] =	vst v0  }
0xaa: {  	v0 =	vld [tilespmem:s24+$0xB0];
	_ =	sdelay $0x4  }
0xab: {  	v0 =	vshrl.u32 v0, $0xE  }
0xac: {  	[tilespmem:$0x40B0] =	vst v0  }
0xad: {  	v0 =	vld [tilespmem:s24+$0xC0];
	_ =	sdelay $0x4  }
0xae: {  	v0 =	vshrl.u32 v0, $0xE  }
0xaf: {  	[tilespmem:$0x40C0] =	vst v0  }
0xb0: {  	[spmem:s2] =	stream.indirect.scatter.add.f32 [tilespmem:s11], [sflag:$0x1], $0x80, s14, s12, $0xb8;
	[tilespmem:$0x1A700] =	vst v63  }
0xb1: {  	v0 =	vld [tilespmem:s24+$0x100];
	_ =	sdelay $0x4  }
0xb2: {  	v0 =	vshrl.u32 v0, $0xE  }
0xb3: {  	[tilespmem:$0x4100] =	vst v0  }
0xb4: {  	v0 =	vld [tilespmem:s24+$0x110];
	_ =	sdelay $0x4  }
0xb5: {  	v0 =	vshrl.u32 v0, $0xE  }
0xb6: {  	[tilespmem:$0x4110] =	vst v0  }
0xb7: {  	v0 =	vld [tilespmem:s24+$0x120];
	_ =	sdelay $0x4  }
0xb8: {  	v0 =	vshrl.u32 v0, $0xE  }
0xb9: {  	[tilespmem:$0x4120] =	vst v0  }
0xba: {  	v0 =	vld [tilespmem:s24+$0x130];
	_ =	sdelay $0x4  }
0xbb: {  	v0 =	vshrl.u32 v0, $0xE  }
0xbc: {  	[tilespmem:$0x4130] =	vst v0  }
0xbd: {  	v0 =	vld [tilespmem:s24+$0x140];
	_ =	sdelay $0x4  }
0xbe: {  	v0 =	vshrl.u32 v0, $0xE  }
0xbf: {  	[tilespmem:$0x4140] =	vst v0  }
0xc0: {  	[spmem:s2] =	stream.indirect.scatter.add.f32 [tilespmem:s11], [sflag:$0x1], $0x80, s15, s12, $0xb8;
	[tilespmem:$0x1A700] =	vst v63  }
0xc1: {  	v0 =	vld [tilespmem:s24+$0x180];
	_ =	sdelay $0x4  }
0xc2: {  	v0 =	vshrl.u32 v0, $0xE  }
0xc3: {  	[tilespmem:$0x4180] =	vst v0  }
0xc4: {  	v0 =	vld [tilespmem:s24+$0x190];
	_ =	sdelay $0x4  }
0xc5: {  	v0 =	vshrl.u32 v0, $0xE  }
0xc6: {  	[tilespmem:$0x4190] =	vst v0  }
0xc7: {  	v0 =	vld [tilespmem:s24+$0x1A0];
	_ =	sdelay $0x4  }
0xc8: {  	v0 =	vshrl.u32 v0, $0xE  }
0xc9: {  	[tilespmem:$0x41A0] =	vst v0  }
0xca: {  	v0 =	vld [tilespmem:s24+$0x1B0];
	_ =	sdelay $0x4  }
0xcb: {  	v0 =	vshrl.u32 v0, $0xE  }
0xcc: {  	[tilespmem:$0x41B0] =	vst v0  }
0xcd: {  	v0 =	vld [tilespmem:s24+$0x1C0];
	_ =	sdelay $0x4  }
0xce: {  	v0 =	vshrl.u32 v0, $0xE  }
0xcf: {  	[tilespmem:$0x41C0] =	vst v0  }
0xd0: {  	[spmem:s2] =	stream.indirect.scatter.add.f32 [tilespmem:s11], [sflag:$0x1], $0x80, s16, s12, $0xb8;
	[tilespmem:$0x1A700] =	vst v63  }
0xd1: {  	v0 =	vld [tilespmem:s24+$0x200];
	_ =	sdelay $0x4  }
0xd2: {  	v0 =	vshrl.u32 v0, $0xE  }
0xd3: {  	[tilespmem:$0x4200] =	vst v0  }
0xd4: {  	v0 =	vld [tilespmem:s24+$0x210];
	_ =	sdelay $0x4  }
0xd5: {  	v0 =	vshrl.u32 v0, $0xE  }
0xd6: {  	[tilespmem:$0x4210] =	vst v0  }
0xd7: {  	v0 =	vld [tilespmem:s24+$0x220];
	_ =	sdelay $0x4  }
0xd8: {  	v0 =	vshrl.u32 v0, $0xE  }
0xd9: {  	[tilespmem:$0x4220] =	vst v0  }
0xda: {  	v0 =	vld [tilespmem:s24+$0x230];
	_ =	sdelay $0x4  }
0xdb: {  	v0 =	vshrl.u32 v0, $0xE  }
0xdc: {  	[tilespmem:$0x4230] =	vst v0  }
0xdd: {  	v0 =	vld [tilespmem:s24+$0x240];
	_ =	sdelay $0x4  }
0xde: {  	v0 =	vshrl.u32 v0, $0xE  }
0xdf: {  	[tilespmem:$0x4240] =	vst v0  }
0xe0: {  	[spmem:s2] =	stream.indirect.scatter.add.f32 [tilespmem:s11], [sflag:$0x1], $0x80, s17, s12, $0xb8;
	[tilespmem:$0x1A700] =	vst v63  }
0xe1: {  	v0 =	vld [tilespmem:s24+$0x280];
	_ =	sdelay $0x4  }
0xe2: {  	v0 =	vshrl.u32 v0, $0xE  }
0xe3: {  	[tilespmem:$0x4280] =	vst v0  }
0xe4: {  	v0 =	vld [tilespmem:s24+$0x290];
	_ =	sdelay $0x4  }
0xe5: {  	v0 =	vshrl.u32 v0, $0xE  }
0xe6: {  	[tilespmem:$0x4290] =	vst v0  }
0xe7: {  	v0 =	vld [tilespmem:s24+$0x2A0];
	_ =	sdelay $0x4  }
0xe8: {  	v0 =	vshrl.u32 v0, $0xE  }
0xe9: {  	[tilespmem:$0x42A0] =	vst v0  }
0xea: {  	v0 =	vld [tilespmem:s24+$0x2B0];
	_ =	sdelay $0x4  }
0xeb: {  	v0 =	vshrl.u32 v0, $0xE  }
0xec: {  	[tilespmem:$0x42B0] =	vst v0  }
0xed: {  	v0 =	vld [tilespmem:s24+$0x2C0];
	_ =	sdelay $0x4  }
0xee: {  	v0 =	vshrl.u32 v0, $0xE  }
0xef: {  	[tilespmem:$0x42C0] =	vst v0  }
0xf0: {  	[spmem:s2] =	stream.indirect.scatter.add.f32 [tilespmem:s11], [sflag:$0x1], $0x80, s18, s12, $0xb8;
	[tilespmem:$0x1A700] =	vst v63  }
0xf1: {  	_ =	swait.ge [sflag:s19], $0x2800  }
0xf2: {  	[sflag:s19] =	ssyncset.done $0x0  }
0xf3: {  	[sflag:s19] =	ssyncadd.s32 $0xFFFFD800  }
0xf4: {  	_ =	swait.ge [sflag:s19], $0x2800  }
0xf5: {  	[sflag:s19] =	ssyncset.done $0x0  }
0xf6: {  	[sflag:s19] =	ssyncadd.s32 $0xFFFFD800  }
0xf7: {  	_ =	swait.ge [sflag:s19], $0x2800  }
0xf8: {  	[sflag:s19] =	ssyncset.done $0x0  }
0xf9: {  	[sflag:s19] =	ssyncadd.s32 $0xFFFFD800  }
0xfa: {  	_ =	swait.ge [sflag:s19], $0x2800  }
0xfb: {  	[sflag:s19] =	ssyncset.done $0x0  }
0xfc: {  	[sflag:s19] =	ssyncadd.s32 $0xFFFFD800  }
.Ltmp0:
0xfd: {  	_ =	swait.ge [sflag:s19], $0x2800;
	(pc) =	sbr.rel @p0 .LBB2_2-.Ltmp0, $4  }
0xfe: {  	[sflag:s19] =	ssyncset.done $0x0  }
0xff: {  	[sflag:s19] =	ssyncadd.s32 $0xFFFFD800  }
0x100: {  	_ =	swait.ge [sflag:s19], $0x2800  }
0x101: {  	s25 =	smov.u32 s23;
	[sflag:s19] =	ssyncset.done $0x0  }
0x102: {  	s22 =	sshra.s32 s22, $0x2;
	[sflag:s19] =	ssyncadd.s32 $0xFFFFD800  }
0x103: {  	v0 =	vld [tilespmem:s22+$0x0];
	_ =	sdelay $0x4  }
0x104: {  	v0 =	vshrl.u32 v0, $0xE  }
0x105: {  	[tilespmem:$0x4000] =	vst v0  }
0x106: {  	v0 =	vld [tilespmem:s22+$0x10];
	_ =	sdelay $0x4  }
0x107: {  	v0 =	vshrl.u32 v0, $0xE  }
0x108: {  	[tilespmem:$0x4010] =	vst v0  }
0x109: {  	v0 =	vld [tilespmem:s22+$0x20];
	_ =	sdelay $0x4  }
0x10a: {  	v0 =	vshrl.u32 v0, $0xE  }
0x10b: {  	[tilespmem:$0x4020] =	vst v0  }
0x10c: {  	v0 =	vld [tilespmem:s22+$0x30];
	_ =	sdelay $0x4  }
0x10d: {  	v0 =	vshrl.u32 v0, $0xE  }
0x10e: {  	[tilespmem:$0x4030] =	vst v0  }
0x10f: {  	v0 =	vld [tilespmem:s22+$0x40];
	_ =	sdelay $0x4  }
0x110: {  	v0 =	vshrl.u32 v0, $0xE  }
0x111: {  	[tilespmem:$0x4040] =	vst v0  }
0x112: {  	[spmem:s2] =	stream.indirect.scatter.add.f32 [tilespmem:s11], [sflag:$0x1], $0x80, s13, s12, $0xb8;
	[tilespmem:$0x1A700] =	vst v63  }
0x113: {  	v0 =	vld [tilespmem:s22+$0x80];
	_ =	sdelay $0x4  }
0x114: {  	v0 =	vshrl.u32 v0, $0xE  }
0x115: {  	[tilespmem:$0x4080] =	vst v0  }
0x116: {  	v0 =	vld [tilespmem:s22+$0x90];
	_ =	sdelay $0x4  }
0x117: {  	v0 =	vshrl.u32 v0, $0xE  }
0x118: {  	[tilespmem:$0x4090] =	vst v0  }
0x119: {  	v0 =	vld [tilespmem:s22+$0xA0];
	_ =	sdelay $0x4  }
0x11a: {  	v0 =	vshrl.u32 v0, $0xE  }
0x11b: {  	[tilespmem:$0x40A0] =	vst v0  }
0x11c: {  	v0 =	vld [tilespmem:s22+$0xB0];
	_ =	sdelay $0x4  }
0x11d: {  	v0 =	vshrl.u32 v0, $0xE  }
0x11e: {  	[tilespmem:$0x40B0] =	vst v0  }
0x11f: {  	v0 =	vld [tilespmem:s22+$0xC0];
	_ =	sdelay $0x4  }
0x120: {  	v0 =	vshrl.u32 v0, $0xE  }
0x121: {  	[tilespmem:$0x40C0] =	vst v0  }
0x122: {  	[spmem:s2] =	stream.indirect.scatter.add.f32 [tilespmem:s11], [sflag:$0x1], $0x80, s14, s12, $0xb8;
	[tilespmem:$0x1A700] =	vst v63  }
0x123: {  	v0 =	vld [tilespmem:s22+$0x100];
	_ =	sdelay $0x4  }
0x124: {  	v0 =	vshrl.u32 v0, $0xE  }
0x125: {  	[tilespmem:$0x4100] =	vst v0  }
0x126: {  	v0 =	vld [tilespmem:s22+$0x110];
	_ =	sdelay $0x4  }
0x127: {  	v0 =	vshrl.u32 v0, $0xE  }
0x128: {  	[tilespmem:$0x4110] =	vst v0  }
0x129: {  	v0 =	vld [tilespmem:s22+$0x120];
	_ =	sdelay $0x4  }
0x12a: {  	v0 =	vshrl.u32 v0, $0xE  }
0x12b: {  	[tilespmem:$0x4120] =	vst v0  }
0x12c: {  	v0 =	vld [tilespmem:s22+$0x130];
	_ =	sdelay $0x4  }
0x12d: {  	v0 =	vshrl.u32 v0, $0xE  }
0x12e: {  	[tilespmem:$0x4130] =	vst v0  }
0x12f: {  	v0 =	vld [tilespmem:s22+$0x140];
	_ =	sdelay $0x4  }
0x130: {  	v0 =	vshrl.u32 v0, $0xE  }
0x131: {  	[tilespmem:$0x4140] =	vst v0  }
0x132: {  	[spmem:s2] =	stream.indirect.scatter.add.f32 [tilespmem:s11], [sflag:$0x1], $0x80, s15, s12, $0xb8;
	[tilespmem:$0x1A700] =	vst v63  }
0x133: {  	v0 =	vld [tilespmem:s22+$0x180];
	_ =	sdelay $0x4  }
0x134: {  	v0 =	vshrl.u32 v0, $0xE  }
0x135: {  	[tilespmem:$0x4180] =	vst v0  }
0x136: {  	v0 =	vld [tilespmem:s22+$0x190];
	_ =	sdelay $0x4  }
0x137: {  	v0 =	vshrl.u32 v0, $0xE  }
0x138: {  	[tilespmem:$0x4190] =	vst v0  }
0x139: {  	v0 =	vld [tilespmem:s22+$0x1A0];
	_ =	sdelay $0x4  }
0x13a: {  	v0 =	vshrl.u32 v0, $0xE  }
0x13b: {  	[tilespmem:$0x41A0] =	vst v0  }
0x13c: {  	v0 =	vld [tilespmem:s22+$0x1B0];
	_ =	sdelay $0x4  }
0x13d: {  	v0 =	vshrl.u32 v0, $0xE  }
0x13e: {  	[tilespmem:$0x41B0] =	vst v0  }
0x13f: {  	v0 =	vld [tilespmem:s22+$0x1C0];
	_ =	sdelay $0x4  }
0x140: {  	v0 =	vshrl.u32 v0, $0xE  }
0x141: {  	[tilespmem:$0x41C0] =	vst v0  }
0x142: {  	[spmem:s2] =	stream.indirect.scatter.add.f32 [tilespmem:s11], [sflag:$0x1], $0x80, s16, s12, $0xb8;
	[tilespmem:$0x1A700] =	vst v63  }
0x143: {  	v0 =	vld [tilespmem:s22+$0x200];
	_ =	sdelay $0x4  }
0x144: {  	v0 =	vshrl.u32 v0, $0xE  }
0x145: {  	[tilespmem:$0x4200] =	vst v0  }
0x146: {  	v0 =	vld [tilespmem:s22+$0x210];
	_ =	sdelay $0x4  }
0x147: {  	v0 =	vshrl.u32 v0, $0xE  }
0x148: {  	[tilespmem:$0x4210] =	vst v0  }
0x149: {  	v0 =	vld [tilespmem:s22+$0x220];
	_ =	sdelay $0x4  }
0x14a: {  	v0 =	vshrl.u32 v0, $0xE  }
0x14b: {  	[tilespmem:$0x4220] =	vst v0  }
0x14c: {  	v0 =	vld [tilespmem:s22+$0x230];
	_ =	sdelay $0x4  }
0x14d: {  	v0 =	vshrl.u32 v0, $0xE  }
0x14e: {  	[tilespmem:$0x4230] =	vst v0  }
0x14f: {  	v0 =	vld [tilespmem:s22+$0x240];
	_ =	sdelay $0x4  }
0x150: {  	v0 =	vshrl.u32 v0, $0xE  }
0x151: {  	[tilespmem:$0x4240] =	vst v0  }
0x152: {  	[spmem:s2] =	stream.indirect.scatter.add.f32 [tilespmem:s11], [sflag:$0x1], $0x80, s17, s12, $0xb8;
	[tilespmem:$0x1A700] =	vst v63  }
0x153: {  	v0 =	vld [tilespmem:s22+$0x280];
	_ =	sdelay $0x4  }
0x154: {  	v0 =	vshrl.u32 v0, $0xE  }
0x155: {  	[tilespmem:$0x4280] =	vst v0  }
0x156: {  	v0 =	vld [tilespmem:s22+$0x290];
	_ =	sdelay $0x4  }
0x157: {  	v0 =	vshrl.u32 v0, $0xE  }
0x158: {  	[tilespmem:$0x4290] =	vst v0  }
0x159: {  	v0 =	vld [tilespmem:s22+$0x2A0];
	_ =	sdelay $0x4  }
0x15a: {  	v0 =	vshrl.u32 v0, $0xE  }
0x15b: {  	[tilespmem:$0x42A0] =	vst v0  }
0x15c: {  	v0 =	vld [tilespmem:s22+$0x2B0];
	_ =	sdelay $0x4  }
0x15d: {  	v0 =	vshrl.u32 v0, $0xE  }
0x15e: {  	[tilespmem:$0x42B0] =	vst v0  }
0x15f: {  	v0 =	vld [tilespmem:s22+$0x2C0];
	_ =	sdelay $0x4  }
0x160: {  	v0 =	vshrl.u32 v0, $0xE  }
0x161: {  	[tilespmem:$0x42C0] =	vst v0  }
0x162: {  	[spmem:s2] =	stream.indirect.scatter.add.f32 [tilespmem:s11], [sflag:$0x1], $0x80, s18, s12, $0xb8;
	[tilespmem:$0x1A700] =	vst v63  }
0x163: {  	_ =	swait.ge [sflag:s19], $0x2800  }
0x164: {  	[sflag:s19] =	ssyncset.done $0x0  }
0x165: {  	[sflag:s19] =	ssyncadd.s32 $0xFFFFD800  }
0x166: {  	_ =	swait.ge [sflag:s19], $0x2800  }
0x167: {  	[sflag:s19] =	ssyncset.done $0x0  }
0x168: {  	[sflag:s19] =	ssyncadd.s32 $0xFFFFD800  }
0x169: {  	_ =	swait.ge [sflag:s19], $0x2800  }
0x16a: {  	[sflag:s19] =	ssyncset.done $0x0  }
0x16b: {  	[sflag:s19] =	ssyncadd.s32 $0xFFFFD800  }
0x16c: {  	_ =	swait.ge [sflag:s19], $0x2800  }
0x16d: {  	[sflag:s19] =	ssyncset.done $0x0  }
0x16e: {  	[sflag:s19] =	ssyncadd.s32 $0xFFFFD800  }
0x16f: {  	_ =	swait.ge [sflag:s19], $0x2800  }
0x170: {  	[sflag:s19] =	ssyncset.done $0x0  }
0x171: {  	[sflag:s19] =	ssyncadd.s32 $0xFFFFD800  }
0x172: {  	_ =	swait.ge [sflag:s19], $0x2800  }
0x173: {  	s21 =	sadd.s32 $0x1, s21;
	[sflag:s19] =	ssyncset.done $0x0  }
0x174: {  	p0 =	sne.s32 s21, s7;
	[sflag:s19] =	ssyncadd.s32 $0xFFFFD800  }
.Ltmp1:
0x175: {  	[bflag:$0x0] =	sbarrier.arrive $0xFFFF;
	(pc) =	sbr.rel @p0 .LBB2_1-.Ltmp1, $4  }
0x176: {  	[hbm:s20], [sflag:s9] =	dma.local [spmem:s10], $0x2780  }
0x177: {  	_ =	swait.ge [sflag:s8], $0x2780  }
0x178: {  	[sflag:s8] =	ssyncset.done $0x0  }
0x179: {  	[sflag:s8] =	ssyncadd.s32 $0xFFFFD880  }
0x17a: {  	_ =	sfence.sel $0x180000  }
0x17b: {  	[bflag:$0x0] =	sbarrier.arrive $0xFFFF  }
0x17c: {  	p0 =	sne.s32 s1, $0x0;
	_ =	strace $0x90000047  }
0x17d: {  	s0 =	sadd.s32 @!p0 $0x100000, s0;
	[bflag:$0x2] =	sbarrier.arrive $0xFFFF  }
0x17e: {  	[sflag:s0] =	ssyncadd.tile.s32 @!p0 $0x1;
	_ =	shalt  }
.Lfunc_end2:
_tile_overlayer_lowered:
.L_overlay_start_2:
0x17f: {  	(tag) =	ssettag $0x2  }
0x180: {  	s0 =	rddreg [dreg:$0x0];
	s2 =	stileid.u32  }
0x181: {  	s1 =	rddreg [dreg:$0x1];
	p0 =	sne.s32 s2, $0x0  }
0x182: {  	s3 =	rddreg [dreg:$0x2];
	[bflag:$0x3] =	sbarrier.arrive $0xFFFF;
	s2 =	simm.s32 @!p0 $0x1C02  }
0x183: {  	[timem:s3], [sflag:s2] =	dma.local @!p0 [hbm:s0], s1  }
0x184: {  	s0 =	simm.s32 @!p0 $0x2  }
0x185: {  	_ =	swait.ge @!p0 [sflag:s0], s1  }
0x186: {  	s1 =	ssub.s32 @!p0 $0x0, s1;
	[sflag:s0] =	ssyncset.done @!p0 $0x0  }
0x187: {  	[sflag:s0] =	ssyncadd.s32 @!p0 s1  }
0x188: {  	[bflag:$0x3] =	sbarrier.arrive $0xFFFF  }
0x189: {  	_ =	shalt  }

// kernel: kernel.13.cloned.1.call-start
scs
__scs_entry_jumppad:
0x0: {  	(pc) =	sbr.rel $0x88, $3  }
0x1: {  	(tag) =	ssettag $0x0;
	lr =	simm.s32 $0x1  }
0x2: {  	[smem:$0x3F92] =	sst lr;
	_ =	strace $0xD0000000  }
0x3: {  	_ = 	snop  }
0x4: {  	_ = 	snop  }
0x5: {  	_ = 	snop  }
0x6: {  	_ = 	snop  }
0x7: {  	_ = 	snop  }
__scs_overlays_trampoline_lowered:
0x8: {  	[smem:$0x3FA1] =	sst s0  }
0x9: {  	[smem:$0x3FA2] =	sst s1  }
0xa: {  	[smem:$0x3FA3] =	sst s2  }
0xb: {  	[smem:$0x3FA4] =	sst s3  }
0xc: {  	[smem:$0x3FA5] =	sst s4  }
0xd: {  	[smem:$0x3FA6] =	sst s5  }
0xe: {  	[smem:$0x3FA7] =	sst s6  }
0xf: {  	[smem:$0x3FA8] =	sst s7  }
0x10: {  	[smem:$0x3FA9] =	sst s8  }
0x11: {  	[smem:$0x3FAA] =	sst s9;
	s0 =	simm.s32 @!p0 $0x0  }
0x12: {  	s1 =	sld [smem:$0x3F90];
	s0 =	simm.s32 @p0 $0x1  }
0x13: {  	[smem:$0x3FAB] =	sst s0;
	s0 =	simm.s32 @!p1 $0x0  }
0x14: {  	s2 =	sld [smem:$0x3F8F];
	s0 =	simm.s32 @p1 $0x1  }
0x15: {  	[smem:$0x3FAC] =	sst s0;
	s0 =	simm.s32 @!p2 $0x0  }
0x16: {  	s3 =	sld [smem:$0x3FDB];
	s0 =	simm.s32 @p2 $0x1  }
0x17: {  	s4 =	simm.s32 $0x1BF5;
	[smem:$0x3FAE] =	sst s0  }
0x18: {  	s0 =	sld [smem:$0x3F91];
	_ =	swait.ge [sflag:s4], $0x0  }
0x19: {  	s7 =	sld [smem:$0x3F92]  }
0x1a: {  	s8 =	sadd.s32 $0xFFFFE003, lr  }
0x1b: {  	s9 =	sadd.s32 $0xFFFFFEF7, lr;
	s5 =	simm.s32 $0xFFFFFFFF;
	p2 =	slt.u32 s8, $0xFFFFF086  }
0x1c: {  	p1 =	slt.u32 s9, $0xF7A;
	s5 =	simm.s32 @!p2 $0x0  }
0x1d: {  	s5 =	simm.s32 @p1 $0x1;
	p0 =	seq.s32 s7, s2  }
0x1e: {  	s7 =	smul.u32 @!p0 $0xF7A, s2;
	p2 =	seq.s32 @!p0 s5, $0x0  }
0x1f: {  	s9 =	smul.u32 $0xF7A, s1;
	s8 =	simm.s32 @!p0 $0x1BF5;
	p2 =	por !p2, p0  }
0x20: {  	[sflag:s8] =	ssyncset.s32 @!p0 $0xFFFFF086;
	s6 =	sadd.s32 @!p0 s3, s7;
	s7 =	simm.s32 @!p0 $0x108  }
0x21: {  	s3 =	sadd.s32 s3, s9;
	s6 =	sadd.s32 @!p0 $0x88, s6;
	s7 =	simm.s32 @p2 $0x1082  }
0x22: {  	[simem:s7], [sflag:s8] =	dma.local @!p0 [hbm:s6], $0xF7A  }
0x23: {  	s9 =	sor.u32 $0xD0000000, s2;
	s6 =	simm.s32 $0x108;
	_ =	swait.ge @!p0 [sflag:s8], $0x0  }
0x24: {  	s3 =	sadd.s32 $0x88, s3;
	s6 =	simm.s32 @!p1 $0x1082;
	[sflag:s4] =	ssyncset.s32 $0xFFFFF086  }
0x25: {  	[simem:s6], [sflag:s4] =	dma.local [hbm:s3], $0xF7A  }
0x26: {  	[smem:$0x3F92] =	sst s1;
	(tag) =	ssettag s2;
	_ =	strace s9  }
0x27: {  	s1 =	sld [smem:$0x3FA2]  }
0x28: {  	s2 =	sld [smem:$0x3FA3]  }
0x29: {  	s4 =	sld [smem:$0x3FA5]  }
0x2a: {  	p0 =	seq.s32 s5, $0x0;
	s5 =	sld [smem:$0x3FA6]  }
0x2b: {  	s6 =	sld [smem:$0x3FA7]  }
0x2c: {  	s7 =	sld [smem:$0x3FA8]  }
0x2d: {  	s3 =	simm.s32 $0x108;
	s8 =	sld [smem:$0x3FA9]  }
0x2e: {  	s3 =	simm.s32 @!p0 $0x1082;
	s9 =	sld [smem:$0x3FAA]  }
0x2f: {  	lr =	sadd.s32 s0, s3;
	s0 =	sld [smem:$0x3FA1]  }
0x30: {  	s3 =	sld [smem:$0x3FA4]  }
0x31: {  	[smem:$0x3FAD] =	sst s10  }
0x32: {  	s10 =	sld [smem:$0x3FAB];
	_ =	sdelay $0x3  }
0x33: {  	p0 =	seq.s32 s10, $0x1;
	s10 =	sld [smem:$0x3FAD];
	_ =	sdelay $0x3  }
0x34: {  	[smem:$0x3FAD] =	sst s10  }
0x35: {  	s10 =	sld [smem:$0x3FAC];
	_ =	sdelay $0x3  }
0x36: {  	p1 =	seq.s32 s10, $0x1;
	s10 =	sld [smem:$0x3FAD];
	_ =	sdelay $0x3  }
0x37: {  	[smem:$0x3FAD] =	sst s10  }
0x38: {  	s10 =	sld [smem:$0x3FAE]  }
0x39: {  	_ = 	snop;
	(pc) =	sbr.ind lr, $3  }
0x3a: {  	_ = 	snop  }
0x3b: {  	_ = 	snop  }
0x3c: {  	p2 =	seq.s32 s10, $0x1;
	s10 =	sld [smem:$0x3FAD]  }
0x3d: {  	_ =	shalt  }
0x3e: {  	_ =	shalt  }
0x3f: {  	_ =	shalt  }
0x40: {  	_ =	shalt  }
0x41: {  	_ =	shalt  }
0x42: {  	_ =	shalt  }
0x43: {  	_ =	shalt  }
0x44: {  	_ =	shalt  }
0x45: {  	_ =	shalt  }
0x46: {  	_ =	shalt  }
0x47: {  	_ =	shalt  }
0x48: {  	_ =	shalt  }
0x49: {  	_ =	shalt  }
0x4a: {  	_ =	shalt  }
0x4b: {  	_ =	shalt  }
0x4c: {  	_ =	shalt  }
0x4d: {  	_ =	shalt  }
0x4e: {  	_ =	shalt  }
0x4f: {  	_ =	shalt  }
0x50: {  	_ =	shalt  }
0x51: {  	_ =	shalt  }
0x52: {  	_ =	shalt  }
0x53: {  	_ =	shalt  }
0x54: {  	_ =	shalt  }
0x55: {  	_ =	shalt  }
0x56: {  	_ =	shalt  }
0x57: {  	_ =	shalt  }
0x58: {  	_ =	shalt  }
0x59: {  	_ =	shalt  }
0x5a: {  	_ =	shalt  }
0x5b: {  	_ =	shalt  }
0x5c: {  	_ =	shalt  }
0x5d: {  	_ =	shalt  }
0x5e: {  	_ =	shalt  }
0x5f: {  	_ =	shalt  }
0x60: {  	_ =	shalt  }
0x61: {  	_ =	shalt  }
0x62: {  	_ =	shalt  }
0x63: {  	_ =	shalt  }
0x64: {  	_ =	shalt  }
0x65: {  	_ =	shalt  }
0x66: {  	_ =	shalt  }
0x67: {  	_ =	shalt  }
0x68: {  	_ =	shalt  }
0x69: {  	_ =	shalt  }
0x6a: {  	_ =	shalt  }
0x6b: {  	_ =	shalt  }
0x6c: {  	_ =	shalt  }
0x6d: {  	_ =	shalt  }
0x6e: {  	_ =	shalt  }
0x6f: {  	_ =	shalt  }
0x70: {  	_ =	shalt  }
0x71: {  	_ =	shalt  }
0x72: {  	_ =	shalt  }
0x73: {  	_ =	shalt  }
0x74: {  	_ =	shalt  }
0x75: {  	_ =	shalt  }
0x76: {  	_ =	shalt  }
0x77: {  	_ =	shalt  }
0x78: {  	_ =	shalt  }
0x79: {  	_ =	shalt  }
0x7a: {  	_ =	shalt  }
0x7b: {  	_ =	shalt  }
0x7c: {  	_ =	shalt  }
0x7d: {  	_ =	shalt  }
0x7e: {  	_ =	shalt  }
0x7f: {  	_ =	shalt  }
0x80: {  	_ =	shalt  }
0x81: {  	_ =	shalt  }
0x82: {  	_ =	shalt  }
0x83: {  	_ =	shalt  }
0x84: {  	_ =	shalt  }
0x85: {  	_ =	shalt  }
0x86: {  	_ =	shalt  }
0x87: {  	_ =	shalt  }
.Lfunc_end0:
.L_simem_size_0:
called_computation.1_lowered:
.L_overlay_start_0:
0x88: {  	s2 =	sld [smem:$0x3FD9]  }
0x89: {  	s3 =	sld [smem:$0x3FFE];
	_ =	sdelay $0x1  }
0x8a: {  	s1 =	srdreg.scid  }
0x8b: {  	s0 =	sand.u32 $0x1, s1  }
0x8c: {  	s16 =	sshll.u32 s0, $0xA;
	s2 =	sadd.s32 s3, s2  }
0x8d: {  	s2 =	sadd.s32 s2, s16  }
0x8e: {  	[smem:$0x3FB9] =	sst s2  }
0x8f: {  	_ = 	snop  }
0x90: {  	(tm) =	ssettm $0x1  }
0x91: {  	s17 =	sld [smem:$0x3FFB];
	_ =	sdelay $0x3  }
0x92: {  	_ =	strace s17  }
0x93: {  	s2 =	sld [smem:$0x3FFC];
	_ =	sdelay $0x3  }
0x94: {  	_ =	strace s2  }
0x95: {  	s2 =	sld [smem:$0x3FFD];
	_ =	sdelay $0x3  }
0x96: {  	_ =	strace s2  }
0x97: {  	_ =	strace $0x8FFFFFFF  }
0x98: {  	s18 =	sld [smem:$0x3FDB];
	_ =	sdelay $0x1  }
0x99: {  	s19 =	simm.s32 $_scs_section_size  }
0x9a: {  	s4 =	simm.s32 $_size__tile_overlayer_lowered;
	s5 =	simm.s32 $_tile_overlayer_lowered  }
0x9b: {  	s22 =	simm.s32 $0x1BFF;
	s21 =	sshll.u32 s5, $0x1;
	s2 =	sadd.s32 s19, s18  }
0x9c: {  	s6 =	simm.s32 $0x0;
	s20 =	sshll.u32 s4, $0x1;
	s4 =	sadd.s32 s21, s2  }
0x9d: {  	[timem:s6], [sflag:s22] =	dma.local [hbm:s4], s20  }
0x9e: {  	_ =	swait.ge [sflag:s22], s20  }
0x9f: {  	s3 =	ssub.s32 $0x0, s20;
	[sflag:s22] =	ssyncset.done $0x0  }
0xa0: {  	[sflag:s22] =	ssyncadd.s32 s3;
	_ =	sdelay $0x1  }
0xa1: {  	s23 =	simm.s32 $0x1B8B  }
0xa2: {  	_ =	swait.ge [sflag:s23], $0x1  }
0xa3: {  	[sflag:s23] =	ssyncset.done $0x0  }
0xa4: {  	s25 =	simm.s32 $0x1B8E;
	s24 =	sld [smem:$0x3FFE];
	[sflag:s23] =	ssyncadd.s32 $0xFFFFFFFF  }
0xa5: {  	s26 =	simm.s32 $execute0_lowered;
	[smem:$0x3FD2] =	sst s25  }
0xa6: {  	s4 =	sshll.u32 s26, $0x1;
	_ =	strace $0x80000049;
	[dreg:$0x1] =	wrdreg $0xFFFFFFFF  }
0xa7: {  	s28 =	simm.s32 $_size_execute0_lowered;
	s2 =	sadd.s32 s2, s4;
	[dreg:$0x0] =	wrdreg $0x0  }
0xa8: {  	s4 =	sshll.u32 s28, $0x1;
	[dreg:$0x2] =	wrdreg s2  }
0xa9: {  	[dreg:$0x3] =	wrdreg s4  }
0xaa: {  	[dreg:$0x4] =	wrdreg $0xC0  }
0xab: {  	_ =	task [dreg:s6], $0x5FFFF  }
0xac: {  	[dreg:$0x1] =	wrdreg $0xFFFFFFFF  }
0xad: {  	[dreg:$0x0] =	wrdreg $0x60  }
0xae: {  	[dreg:$0x2] =	wrdreg s24  }
0xaf: {  	[dreg:$0x3] =	wrdreg $0xBA000  }
0xb0: {  	[dreg:$0x4] =	wrdreg $0x9  }
0xb1: {  	_ =	task.clear_ibuf [dreg:s6], $0x5FFFF;
	_ =	strace $0x90000049  }
0xb2: {  	s29 =	simm.s32 $0x9;
	_ =	strace $0x8000004B  }
0xb3: {  	_ =	swait.ge [sflag:s29], $0x1  }
0xb4: {  	[sflag:s29] =	ssyncadd.s32 $0xFFFFFFFF  }
0xb5: {  	_ =	strace $0x9000004B  }
0xb6: {  	_ =	sfence  }
0xb7: {  	s30 =	sld [smem:$0x0];
	_ =	sdelay $0x2  }
0xb8: {  	s31 =	sshll.u32 s1, $0xD;
	s1 =	sshrl.u32 s1, $0x2  }
0xb9: {  	s3 =	sand.u32 $0x4000, s31;
	s1 =	sadd.s32 s1, s30  }
0xba: {  	s0 =	sor.u32 s3, s0;
	s1 =	sshll.u32 s1, $0x11  }
0xbb: {  	s0 =	sor.u32 s1, s0  }
0xbc: {  	s0 =	sadd.s32 $0x8F2B, s0  }
0xbd: {  	[sflag:s0] =	ssyncadd.remote.s32 $0x1  }
0xbe: {  	_ =	sfence.sel $0xFFFF  }
0xbf: {  	[dreg:$0x0] =	wrdreg $0xFFFFFFFF;
	(pc) =	sbr.abs _section_cstart, $3  }
0xc0: {  	[dreg:$0x1] =	wrdreg $0xFFFFFFFF  }
0xc1: {  	_ =	task.clear_ibuf [dreg:s6], $0x2FFFF;
	_ =	strace $0x9FFFFFFF  }
0xc2: {  	(tm) =	ssettm $0x7FFFFFFF  }
0xc3: {  	_ =	shalt  }
tec
execute0_lowered:
.L_overlay_start_1:
0x0: {  	(tag) =	ssettag $0x1  }
0x1: {  	s5 =	rddreg [dreg:$0x0]  }
0x2: {  	s2 =	rddreg [dreg:$0x1]  }
0x3: {  	s0 =	rddreg [dreg:$0x2];
	s3 =	simm.s32 $0x0  }
0x4: {  	s1 =	stileid.u32;
	s6 =	srdreg.scid;
	s12 =	simm.s32 $0x4080  }
0x5: {  	s13 =	simm.s32 $0x6A00;
	s14 =	simm.s32 $0x4100;
	s15 =	simm.s32 $0x9200  }
0x6: {  	s18 =	simm.s32 $0x1;
	s19 =	simm.s32 $0x4180;
	s20 =	simm.s32 $0x2  }
0x7: {  	s21 =	simm.s32 $0x3;
	[smem:$0x7FF] =	sst s3;
	s22 =	smul.u32 $0x2780, s1  }
0x8: {  	s4 =	sadd.s32 $0x3B800, s5;
	s7 =	sshll.u32 s1, $0xB;
	s6 =	sand.u32 $0x1, s6  }
0x9: {  	s11 =	smul.u32 $0x4F000, s1;
	s16 =	sshll.u32 s1, $0x6;
	_ =	strace $0x8000004A  }
0xa: {  	s7 =	sadd.s32 s7, s5;
	s9 =	smul.u32 $0x27800, s6;
	s10 =	ssub.s32 $0x2, s6  }
0xb: {  	s6 =	sshll.u32 s6, $0xF;
	s16 =	sor.u32 $0x1C04, s16;
	s8 =	sadd.s32 s22, s5  }
0xc: {  	s29 =	sshrl.u32 s10, $0x1;
	s6 =	sadd.s32 s6, s7;
	s31 =	sshrl.u32 s11, $0x2  }
.Ltmp0:
0xd: {  	s11 =	simm.s32 $0x4200;
	s9 =	sadd.s32 s9, s5;
	(pc) =	sbr.rel .LBB2_1-.Ltmp0, $4  }
0xe: {  	s30 =	ssub.s32 s10, s29;
	s5 =	sadd.s32 $0x4000, s6;
	s17 =	sadd.s32 s31, s2  }
0xf: {  	s6 =	sadd.s32 $0x14000, s8;
	s8 =	simm.s32 $0x4;
	s10 =	simm.s32 $0x4000  }
0x10: {  	s23 =	sadd.s32 $0x63000, s9;
	s7 =	smax.u32 s30, $0x1;
	s9 =	simm.s32 $0x50  }
0x11: {  	s17 =	sshrl.u32 s17, $0x3;
	s22 =	sadd.s32 s22, s23;
	s23 =	simm.s32 $0x0  }
.LBB2_4:
0x12: {  	s23 =	sadd.s32 $0x1, s23  }
0x13: {  	p0 =	sne.s32 s23, s7  }
.Ltmp1:
0x14: {  	[bflag:$0x0] =	sbarrier.arrive $0xFFFF;
	(pc) =	sbr.rel @!p0 .LBB2_5-.Ltmp1, $4  }
0x15: {  	[hbm:s22], [sflag:s16] =	dma.local [spmem:s17], $0x2780  }
0x16: {  	_ =	swait.ge [sflag:s8], $0x2780  }
0x17: {  	[sflag:s8] =	ssyncset.done $0x0  }
0x18: {  	[sflag:s8] =	ssyncadd.s32 $0xFFFFD880  }
.LBB2_1:
0x19: {  	[tilespmem:s3], [sflag:$0x4] =	stream.linear.gather [hbm4b:s5+s3], $0x3F00, $0x38;
	[tilespmem:$0x1F600] =	vst v63  }
0x1a: {  	_ =	swait.ge [sflag:s8], $0x3F00  }
0x1b: {  	[sflag:s8] =	ssyncset.done $0x0  }
0x1c: {  	[sflag:s8] =	ssyncadd.s32 $0xFFFFC100  }
0x1d: {  	v0 =	vld [tilespmem:$0x0]  }
0x1e: {  	v1 =	vld [tilespmem:$0x10]  }
0x1f: {  	v2 =	vld [tilespmem:$0x20]  }
0x20: {  	v3 =	vld [tilespmem:$0x30]  }
0x21: {  	v4 =	vld [tilespmem:$0x40]  }
0x22: {  	v0 =	vand.u32 $0x3FFF, v0  }
0x23: {  	v42 =	vand.u32 $0x3FFF, v1;
	[tilespmem:$0x4000] =	vst v0  }
0x24: {  	v43 =	vand.u32 $0x3FFF, v2;
	[tilespmem:$0x4010] =	vst v42  }
0x25: {  	v44 =	vand.u32 $0x3FFF, v3;
	[tilespmem:$0x4020] =	vst v43  }
0x26: {  	v45 =	vand.u32 $0x3FFF, v4;
	[tilespmem:$0x4030] =	vst v44  }
0x27: {  	[tilespmem:$0x4040] =	vst v45  }
0x28: {  	[tilespmem:s11], [sflag:$0x1] =	stream.indirect.gather [hbm4b:s4+s9], $0x80, s10, s9, $0xb8;
	[tilespmem:$0x1F600] =	vst v63  }
0x29: {  	v46 =	vld [tilespmem:$0x80]  }
0x2a: {  	v47 =	vld [tilespmem:$0x90]  }
0x2b: {  	v48 =	vld [tilespmem:$0xA0]  }
0x2c: {  	v49 =	vld [tilespmem:$0xB0]  }
0x2d: {  	v50 =	vld [tilespmem:$0xC0]  }
0x2e: {  	v0 =	vand.u32 $0x3FFF, v46  }
0x2f: {  	v51 =	vand.u32 $0x3FFF, v47;
	[tilespmem:$0x4080] =	vst v0  }
0x30: {  	v52 =	vand.u32 $0x3FFF, v48;
	[tilespmem:$0x4090] =	vst v51  }
0x31: {  	v53 =	vand.u32 $0x3FFF, v49;
	[tilespmem:$0x40A0] =	vst v52  }
0x32: {  	v54 =	vand.u32 $0x3FFF, v50;
	[tilespmem:$0x40B0] =	vst v53  }
0x33: {  	[tilespmem:$0x40C0] =	vst v54  }
0x34: {  	[tilespmem:s13], [sflag:$0x2] =	stream.indirect.gather [hbm4b:s4+s9], $0x80, s12, s9, $0xb8;
	[tilespmem:$0x1F600] =	vst v63  }
0x35: {  	v55 =	vld [tilespmem:$0x100]  }
0x36: {  	v56 =	vld [tilespmem:$0x110]  }
0x37: {  	v57 =	vld [tilespmem:$0x120]  }
0x38: {  	v58 =	vld [tilespmem:$0x130]  }
0x39: {  	v59 =	vld [tilespmem:$0x140]  }
0x3a: {  	v0 =	vand.u32 $0x3FFF, v55  }
0x3b: {  	v60 =	vand.u32 $0x3FFF, v56;
	[tilespmem:$0x4100] =	vst v0  }
0x3c: {  	v61 =	vand.u32 $0x3FFF, v57;
	[tilespmem:$0x4110] =	vst v60  }
0x3d: {  	v62 =	vand.u32 $0x3FFF, v58;
	[tilespmem:$0x4120] =	vst v61  }
0x3e: {  	v63 =	vand.u32 $0x3FFF, v59;
	[tilespmem:$0x4130] =	vst v62  }
0x3f: {  	[tilespmem:$0x4140] =	vst v63  }
0x40: {  	[tilespmem:s15], [sflag:$0x3] =	stream.indirect.gather [hbm4b:s4+s9], $0x80, s14, s9, $0xb8;
	[tilespmem:$0x1F600] =	vst v63  }
0x41: {  	[spmem:s17], [sflag:s16] =	dma.local [hbm:s6], $0x2780  }
0x42: {  	_ =	swait.ge [sflag:s8], $0x2780  }
0x43: {  	[sflag:s8] =	ssyncset.done $0x0  }
0x44: {  	[sflag:s8] =	ssyncadd.s32 $0xFFFFD880  }
0x45: {  	s24 =	simm.s32 $0x0;
	[bflag:$0x0] =	sbarrier.arrive $0xFFFF  }
.LBB2_2:
0x46: {  	_ =	swait.ge [sflag:s18], $0x2800  }
0x47: {  	[sflag:s18] =	ssyncset.done $0x0  }
0x48: {  	s25 =	sshra.s32 s24, $0x2;
	[sflag:s18] =	ssyncadd.s32 $0xFFFFD800  }
0x49: {  	v0 =	vld [tilespmem:s25+$0x0];
	_ =	sdelay $0x4  }
0x4a: {  	v0 =	vshrl.u32 v0, $0xE  }
0x4b: {  	[tilespmem:$0x4180] =	vst v0  }
0x4c: {  	v0 =	vld [tilespmem:s25+$0x10];
	_ =	sdelay $0x4  }
0x4d: {  	v0 =	vshrl.u32 v0, $0xE  }
0x4e: {  	[tilespmem:$0x4190] =	vst v0  }
0x4f: {  	v0 =	vld [tilespmem:s25+$0x20];
	_ =	sdelay $0x4  }
0x50: {  	v0 =	vshrl.u32 v0, $0xE  }
0x51: {  	[tilespmem:$0x41A0] =	vst v0  }
0x52: {  	v0 =	vld [tilespmem:s25+$0x30];
	_ =	sdelay $0x4  }
0x53: {  	v0 =	vshrl.u32 v0, $0xE  }
0x54: {  	[tilespmem:$0x41B0] =	vst v0  }
0x55: {  	v0 =	vld [tilespmem:s25+$0x40];
	_ =	sdelay $0x4  }
0x56: {  	v0 =	vshrl.u32 v0, $0xE  }
0x57: {  	[tilespmem:$0x41C0] =	vst v0  }
0x58: {  	[spmem:s2] =	stream.indirect.scatter.add.f32 [tilespmem:s11], [sflag:$0x4], $0x80, s19, s9, $0xb8;
	[tilespmem:$0x1F600] =	vst v63  }
0x59: {  	_ =	swait.ge [sflag:s8], $0x2800  }
0x5a: {  	p0 =	seq.s32 s24, $0xF600;
	[sflag:s8] =	ssyncset.done $0x0  }
0x5b: {  	s26 =	sshra.s32 @!p0 s24, $0x2;
	[sflag:s8] =	ssyncadd.s32 $0xFFFFD800  }
0x5c: {  	v0 =	vld @!p0 [tilespmem:s26+$0x180];
	_ =	sdelay $0x4  }
0x5d: {  	v0 =	vand.u32 @!p0 $0x3FFF, v0  }
0x5e: {  	[tilespmem:$0x4000] =	vst @!p0 v0  }
0x5f: {  	v0 =	vld @!p0 [tilespmem:s26+$0x190];
	_ =	sdelay $0x4  }
0x60: {  	v0 =	vand.u32 @!p0 $0x3FFF, v0  }
0x61: {  	[tilespmem:$0x4010] =	vst @!p0 v0  }
0x62: {  	v0 =	vld @!p0 [tilespmem:s26+$0x1A0];
	_ =	sdelay $0x4  }
0x63: {  	v0 =	vand.u32 @!p0 $0x3FFF, v0  }
0x64: {  	[tilespmem:$0x4020] =	vst @!p0 v0  }
0x65: {  	v0 =	vld @!p0 [tilespmem:s26+$0x1B0];
	_ =	sdelay $0x4  }
0x66: {  	v0 =	vand.u32 @!p0 $0x3FFF, v0  }
0x67: {  	[tilespmem:$0x4030] =	vst @!p0 v0  }
0x68: {  	v0 =	vld @!p0 [tilespmem:s26+$0x1C0];
	_ =	sdelay $0x4  }
0x69: {  	v0 =	vand.u32 @!p0 $0x3FFF, v0  }
0x6a: {  	s28 =	simm.s32 @!p0 $0x50;
	s29 =	simm.s32 @!p0 $0x4000;
	s30 =	simm.s32 @!p0 $0x4200;
	[tilespmem:$0x4040] =	vst @!p0 v0  }
0x6b: {  	[tilespmem:s30], [sflag:$0x1] =	stream.indirect.gather @!p0 [hbm4b:s4+s28], $0x80, s29, s28, $0xb8;
	[tilespmem:$0x1F600] =	vst v63  }
0x6c: {  	_ =	swait.ge [sflag:s20], $0x2800  }
0x6d: {  	[sflag:s20] =	ssyncset.done $0x0  }
0x6e: {  	[sflag:s20] =	ssyncadd.s32 $0xFFFFD800  }
0x6f: {  	v62 =	vld [tilespmem:s25+$0x80];
	_ =	sdelay $0x4  }
0x70: {  	v0 =	vshrl.u32 v62, $0xE  }
0x71: {  	[tilespmem:$0x4180] =	vst v0  }
0x72: {  	v0 =	vld [tilespmem:s25+$0x90];
	_ =	sdelay $0x4  }
0x73: {  	v0 =	vshrl.u32 v0, $0xE  }
0x74: {  	[tilespmem:$0x4190] =	vst v0  }
0x75: {  	v0 =	vld [tilespmem:s25+$0xA0];
	_ =	sdelay $0x4  }
0x76: {  	v0 =	vshrl.u32 v0, $0xE  }
0x77: {  	[tilespmem:$0x41A0] =	vst v0  }
0x78: {  	v0 =	vld [tilespmem:s25+$0xB0];
	_ =	sdelay $0x4  }
0x79: {  	v0 =	vshrl.u32 v0, $0xE  }
0x7a: {  	[tilespmem:$0x41B0] =	vst v0  }
0x7b: {  	v0 =	vld [tilespmem:s25+$0xC0];
	_ =	sdelay $0x4  }
0x7c: {  	v0 =	vshrl.u32 v0, $0xE  }
0x7d: {  	[tilespmem:$0x41C0] =	vst v0  }
0x7e: {  	[spmem:s2] =	stream.indirect.scatter.add.f32 [tilespmem:s13], [sflag:$0x4], $0x80, s19, s9, $0xb8;
	[tilespmem:$0x1F600] =	vst v63  }
0x7f: {  	_ =	swait.ge [sflag:s8], $0x2800  }
0x80: {  	[sflag:s8] =	ssyncset.done $0x0  }
0x81: {  	[sflag:s8] =	ssyncadd.s32 $0xFFFFD800  }
0x82: {  	v0 =	vld @!p0 [tilespmem:s26+$0x200];
	_ =	sdelay $0x4  }
0x83: {  	v0 =	vand.u32 @!p0 $0x3FFF, v0  }
0x84: {  	[tilespmem:$0x4080] =	vst @!p0 v0  }
0x85: {  	v0 =	vld @!p0 [tilespmem:s26+$0x210];
	_ =	sdelay $0x4  }
0x86: {  	v0 =	vand.u32 @!p0 $0x3FFF, v0  }
0x87: {  	[tilespmem:$0x4090] =	vst @!p0 v0  }
0x88: {  	v0 =	vld @!p0 [tilespmem:s26+$0x220];
	_ =	sdelay $0x4  }
0x89: {  	v0 =	vand.u32 @!p0 $0x3FFF, v0  }
0x8a: {  	[tilespmem:$0x40A0] =	vst @!p0 v0  }
0x8b: {  	v0 =	vld @!p0 [tilespmem:s26+$0x230];
	_ =	sdelay $0x4  }
0x8c: {  	v0 =	vand.u32 @!p0 $0x3FFF, v0  }
0x8d: {  	[tilespmem:$0x40B0] =	vst @!p0 v0  }
0x8e: {  	v0 =	vld @!p0 [tilespmem:s26+$0x240];
	_ =	sdelay $0x4  }
0x8f: {  	v0 =	vand.u32 @!p0 $0x3FFF, v0  }
0x90: {  	s29 =	simm.s32 @!p0 $0x6A00;
	s26 =	simm.s32 @!p0 $0x4080;
	[tilespmem:$0x40C0] =	vst @!p0 v0  }
0x91: {  	[tilespmem:s29], [sflag:$0x2] =	stream.indirect.gather @!p0 [hbm4b:s4+s28], $0x80, s26, s28, $0xb8;
	[tilespmem:$0x1F600] =	vst v63  }
0x92: {  	_ =	swait.ge [sflag:s21], $0x2800  }
0x93: {  	[sflag:s21] =	ssyncset.done $0x0  }
0x94: {  	[sflag:s21] =	ssyncadd.s32 $0xFFFFD800  }
0x95: {  	v63 =	vld [tilespmem:s25+$0x100];
	_ =	sdelay $0x4  }
0x96: {  	v0 =	vshrl.u32 v63, $0xE  }
0x97: {  	[tilespmem:$0x4180] =	vst v0  }
0x98: {  	v0 =	vld [tilespmem:s25+$0x110];
	_ =	sdelay $0x4  }
0x99: {  	v0 =	vshrl.u32 v0, $0xE  }
0x9a: {  	[tilespmem:$0x4190] =	vst v0  }
0x9b: {  	v0 =	vld [tilespmem:s25+$0x120];
	_ =	sdelay $0x4  }
0x9c: {  	v0 =	vshrl.u32 v0, $0xE  }
0x9d: {  	[tilespmem:$0x41A0] =	vst v0  }
0x9e: {  	v0 =	vld [tilespmem:s25+$0x130];
	_ =	sdelay $0x4  }
0x9f: {  	v0 =	vshrl.u32 v0, $0xE  }
0xa0: {  	[tilespmem:$0x41B0] =	vst v0  }
0xa1: {  	v0 =	vld [tilespmem:s25+$0x140];
	_ =	sdelay $0x4  }
0xa2: {  	v0 =	vshrl.u32 v0, $0xE  }
.Ltmp2:
0xa3: {  	[tilespmem:$0x41C0] =	vst v0;
	(pc) =	sbr.rel @p0 .LBB2_4-.Ltmp2, $4  }
0xa4: {  	[spmem:s2] =	stream.indirect.scatter.add.f32 [tilespmem:s15], [sflag:$0x4], $0x80, s19, s9, $0xb8;
	[tilespmem:$0x1F600] =	vst v63  }
0xa5: {  	_ =	swait.ge [sflag:s8], $0x2800  }
0xa6: {  	[sflag:s8] =	ssyncset.done $0x0  }
0xa7: {  	[sflag:s8] =	ssyncadd.s32 $0xFFFFD800  }
0xa8: {  	v0 =	vld [tilespmem:s25+$0x280];
	_ =	sdelay $0x4  }
0xa9: {  	v0 =	vand.u32 $0x3FFF, v0  }
0xaa: {  	[tilespmem:$0x4100] =	vst v0  }
0xab: {  	v0 =	vld [tilespmem:s25+$0x290];
	_ =	sdelay $0x4  }
0xac: {  	v0 =	vand.u32 $0x3FFF, v0  }
0xad: {  	[tilespmem:$0x4110] =	vst v0  }
0xae: {  	v0 =	vld [tilespmem:s25+$0x2A0];
	_ =	sdelay $0x4  }
0xaf: {  	v0 =	vand.u32 $0x3FFF, v0  }
0xb0: {  	[tilespmem:$0x4120] =	vst v0  }
0xb1: {  	v0 =	vld [tilespmem:s25+$0x2B0];
	_ =	sdelay $0x4  }
0xb2: {  	v0 =	vand.u32 $0x3FFF, v0  }
0xb3: {  	[tilespmem:$0x4130] =	vst v0  }
0xb4: {  	v0 =	vld [tilespmem:s25+$0x2C0];
	_ =	sdelay $0x2  }
.Ltmp3:
0xb5: {  	_ = 	snop;
	(pc) =	sbr.rel .LBB2_2-.Ltmp3, $4  }
0xb6: {  	_ = 	snop  }
0xb7: {  	v0 =	vand.u32 $0x3FFF, v0  }
0xb8: {  	s24 =	sadd.s32 $0x600, s24;
	[tilespmem:$0x4140] =	vst v0  }
0xb9: {  	[tilespmem:s15], [sflag:$0x3] =	stream.indirect.gather [hbm4b:s4+s9], $0x80, s14, s9, $0xb8;
	[tilespmem:$0x1F600] =	vst v63  }
.LBB2_5:
0xba: {  	_ =	sfence.sel $0x180000  }
0xbb: {  	[bflag:$0x0] =	sbarrier.arrive $0xFFFF  }
0xbc: {  	p0 =	sne.s32 s1, $0x0;
	_ =	strace $0x9000004A  }
0xbd: {  	s0 =	sadd.s32 @!p0 $0x100000, s0;
	[bflag:$0x2] =	sbarrier.arrive $0xFFFF  }
0xbe: {  	[sflag:s0] =	ssyncadd.tile.s32 @!p0 $0x1;
	_ =	shalt  }
.Lfunc_end2:
_tile_overlayer_lowered:
.L_overlay_start_2:
0xbf: {  	(tag) =	ssettag $0x2  }
0xc0: {  	s0 =	rddreg [dreg:$0x0];
	s2 =	stileid.u32  }
0xc1: {  	s1 =	rddreg [dreg:$0x1];
	p0 =	sne.s32 s2, $0x0  }
0xc2: {  	s3 =	rddreg [dreg:$0x2];
	[bflag:$0x3] =	sbarrier.arrive $0xFFFF;
	s2 =	simm.s32 @!p0 $0x1C04  }
0xc3: {  	[timem:s3], [sflag:s2] =	dma.local @!p0 [hbm:s0], s1  }
0xc4: {  	s0 =	simm.s32 @!p0 $0x4  }
0xc5: {  	_ =	swait.ge @!p0 [sflag:s0], s1  }
0xc6: {  	s1 =	ssub.s32 @!p0 $0x0, s1;
	[sflag:s0] =	ssyncset.done @!p0 $0x0  }
0xc7: {  	[sflag:s0] =	ssyncadd.s32 @!p0 s1  }
0xc8: {  	[bflag:$0x3] =	sbarrier.arrive $0xFFFF  }
0xc9: {  	_ =	shalt  }

// kernel: kernel.16.cloned.1.call-start
scs
__scs_entry_jumppad:
0x0: {  	(pc) =	sbr.rel $0x88, $3  }
0x1: {  	(tag) =	ssettag $0x0;
	lr =	simm.s32 $0x1  }
0x2: {  	[smem:$0x3F92] =	sst lr;
	_ =	strace $0xD0000000  }
0x3: {  	_ = 	snop  }
0x4: {  	_ = 	snop  }
0x5: {  	_ = 	snop  }
0x6: {  	_ = 	snop  }
0x7: {  	_ = 	snop  }
__scs_overlays_trampoline_lowered:
0x8: {  	[smem:$0x3FA1] =	sst s0  }
0x9: {  	[smem:$0x3FA2] =	sst s1  }
0xa: {  	[smem:$0x3FA3] =	sst s2  }
0xb: {  	[smem:$0x3FA4] =	sst s3  }
0xc: {  	[smem:$0x3FA5] =	sst s4  }
0xd: {  	[smem:$0x3FA6] =	sst s5  }
0xe: {  	[smem:$0x3FA7] =	sst s6  }
0xf: {  	[smem:$0x3FA8] =	sst s7  }
0x10: {  	[smem:$0x3FA9] =	sst s8  }
0x11: {  	[smem:$0x3FAA] =	sst s9;
	s0 =	simm.s32 @!p0 $0x0  }
0x12: {  	s1 =	sld [smem:$0x3F90];
	s0 =	simm.s32 @p0 $0x1  }
0x13: {  	[smem:$0x3FAB] =	sst s0;
	s0 =	simm.s32 @!p1 $0x0  }
0x14: {  	s2 =	sld [smem:$0x3F8F];
	s0 =	simm.s32 @p1 $0x1  }
0x15: {  	[smem:$0x3FAC] =	sst s0;
	s0 =	simm.s32 @!p2 $0x0  }
0x16: {  	s3 =	sld [smem:$0x3FDB];
	s0 =	simm.s32 @p2 $0x1  }
0x17: {  	s4 =	simm.s32 $0x1BF5;
	[smem:$0x3FAE] =	sst s0  }
0x18: {  	s0 =	sld [smem:$0x3F91];
	_ =	swait.ge [sflag:s4], $0x0  }
0x19: {  	s7 =	sld [smem:$0x3F92]  }
0x1a: {  	s8 =	sadd.s32 $0xFFFFE003, lr  }
0x1b: {  	s9 =	sadd.s32 $0xFFFFFEF7, lr;
	s5 =	simm.s32 $0xFFFFFFFF;
	p2 =	slt.u32 s8, $0xFFFFF086  }
0x1c: {  	p1 =	slt.u32 s9, $0xF7A;
	s5 =	simm.s32 @!p2 $0x0  }
0x1d: {  	s5 =	simm.s32 @p1 $0x1;
	p0 =	seq.s32 s7, s2  }
0x1e: {  	s7 =	smul.u32 @!p0 $0xF7A, s2;
	p2 =	seq.s32 @!p0 s5, $0x0  }
0x1f: {  	s9 =	smul.u32 $0xF7A, s1;
	s8 =	simm.s32 @!p0 $0x1BF5;
	p2 =	por !p2, p0  }
0x20: {  	[sflag:s8] =	ssyncset.s32 @!p0 $0xFFFFF086;
	s6 =	sadd.s32 @!p0 s3, s7;
	s7 =	simm.s32 @!p0 $0x108  }
0x21: {  	s3 =	sadd.s32 s3, s9;
	s6 =	sadd.s32 @!p0 $0x88, s6;
	s7 =	simm.s32 @p2 $0x1082  }
0x22: {  	[simem:s7], [sflag:s8] =	dma.local @!p0 [hbm:s6], $0xF7A  }
0x23: {  	s9 =	sor.u32 $0xD0000000, s2;
	s6 =	simm.s32 $0x108;
	_ =	swait.ge @!p0 [sflag:s8], $0x0  }
0x24: {  	s3 =	sadd.s32 $0x88, s3;
	s6 =	simm.s32 @!p1 $0x1082;
	[sflag:s4] =	ssyncset.s32 $0xFFFFF086  }
0x25: {  	[simem:s6], [sflag:s4] =	dma.local [hbm:s3], $0xF7A  }
0x26: {  	[smem:$0x3F92] =	sst s1;
	(tag) =	ssettag s2;
	_ =	strace s9  }
0x27: {  	s1 =	sld [smem:$0x3FA2]  }
0x28: {  	s2 =	sld [smem:$0x3FA3]  }
0x29: {  	s4 =	sld [smem:$0x3FA5]  }
0x2a: {  	p0 =	seq.s32 s5, $0x0;
	s5 =	sld [smem:$0x3FA6]  }
0x2b: {  	s6 =	sld [smem:$0x3FA7]  }
0x2c: {  	s7 =	sld [smem:$0x3FA8]  }
0x2d: {  	s3 =	simm.s32 $0x108;
	s8 =	sld [smem:$0x3FA9]  }
0x2e: {  	s3 =	simm.s32 @!p0 $0x1082;
	s9 =	sld [smem:$0x3FAA]  }
0x2f: {  	lr =	sadd.s32 s0, s3;
	s0 =	sld [smem:$0x3FA1]  }
0x30: {  	s3 =	sld [smem:$0x3FA4]  }
0x31: {  	[smem:$0x3FAD] =	sst s10  }
0x32: {  	s10 =	sld [smem:$0x3FAB];
	_ =	sdelay $0x3  }
0x33: {  	p0 =	seq.s32 s10, $0x1;
	s10 =	sld [smem:$0x3FAD];
	_ =	sdelay $0x3  }
0x34: {  	[smem:$0x3FAD] =	sst s10  }
0x35: {  	s10 =	sld [smem:$0x3FAC];
	_ =	sdelay $0x3  }
0x36: {  	p1 =	seq.s32 s10, $0x1;
	s10 =	sld [smem:$0x3FAD];
	_ =	sdelay $0x3  }
0x37: {  	[smem:$0x3FAD] =	sst s10  }
0x38: {  	s10 =	sld [smem:$0x3FAE]  }
0x39: {  	_ = 	snop;
	(pc) =	sbr.ind lr, $3  }
0x3a: {  	_ = 	snop  }
0x3b: {  	_ = 	snop  }
0x3c: {  	p2 =	seq.s32 s10, $0x1;
	s10 =	sld [smem:$0x3FAD]  }
0x3d: {  	_ =	shalt  }
0x3e: {  	_ =	shalt  }
0x3f: {  	_ =	shalt  }
0x40: {  	_ =	shalt  }
0x41: {  	_ =	shalt  }
0x42: {  	_ =	shalt  }
0x43: {  	_ =	shalt  }
0x44: {  	_ =	shalt  }
0x45: {  	_ =	shalt  }
0x46: {  	_ =	shalt  }
0x47: {  	_ =	shalt  }
0x48: {  	_ =	shalt  }
0x49: {  	_ =	shalt  }
0x4a: {  	_ =	shalt  }
0x4b: {  	_ =	shalt  }
0x4c: {  	_ =	shalt  }
0x4d: {  	_ =	shalt  }
0x4e: {  	_ =	shalt  }
0x4f: {  	_ =	shalt  }
0x50: {  	_ =	shalt  }
0x51: {  	_ =	shalt  }
0x52: {  	_ =	shalt  }
0x53: {  	_ =	shalt  }
0x54: {  	_ =	shalt  }
0x55: {  	_ =	shalt  }
0x56: {  	_ =	shalt  }
0x57: {  	_ =	shalt  }
0x58: {  	_ =	shalt  }
0x59: {  	_ =	shalt  }
0x5a: {  	_ =	shalt  }
0x5b: {  	_ =	shalt  }
0x5c: {  	_ =	shalt  }
0x5d: {  	_ =	shalt  }
0x5e: {  	_ =	shalt  }
0x5f: {  	_ =	shalt  }
0x60: {  	_ =	shalt  }
0x61: {  	_ =	shalt  }
0x62: {  	_ =	shalt  }
0x63: {  	_ =	shalt  }
0x64: {  	_ =	shalt  }
0x65: {  	_ =	shalt  }
0x66: {  	_ =	shalt  }
0x67: {  	_ =	shalt  }
0x68: {  	_ =	shalt  }
0x69: {  	_ =	shalt  }
0x6a: {  	_ =	shalt  }
0x6b: {  	_ =	shalt  }
0x6c: {  	_ =	shalt  }
0x6d: {  	_ =	shalt  }
0x6e: {  	_ =	shalt  }
0x6f: {  	_ =	shalt  }
0x70: {  	_ =	shalt  }
0x71: {  	_ =	shalt  }
0x72: {  	_ =	shalt  }
0x73: {  	_ =	shalt  }
0x74: {  	_ =	shalt  }
0x75: {  	_ =	shalt  }
0x76: {  	_ =	shalt  }
0x77: {  	_ =	shalt  }
0x78: {  	_ =	shalt  }
0x79: {  	_ =	shalt  }
0x7a: {  	_ =	shalt  }
0x7b: {  	_ =	shalt  }
0x7c: {  	_ =	shalt  }
0x7d: {  	_ =	shalt  }
0x7e: {  	_ =	shalt  }
0x7f: {  	_ =	shalt  }
0x80: {  	_ =	shalt  }
0x81: {  	_ =	shalt  }
0x82: {  	_ =	shalt  }
0x83: {  	_ =	shalt  }
0x84: {  	_ =	shalt  }
0x85: {  	_ =	shalt  }
0x86: {  	_ =	shalt  }
0x87: {  	_ =	shalt  }
.Lfunc_end0:
.L_simem_size_0:
called_computation.2_lowered:
.L_overlay_start_0:
0x88: {  	s2 =	sld [smem:$0x3FD9]  }
0x89: {  	s3 =	sld [smem:$0x3FFE];
	_ =	sdelay $0x1  }
0x8a: {  	s1 =	srdreg.scid  }
0x8b: {  	s0 =	sand.u32 $0x1, s1  }
0x8c: {  	s16 =	sshll.u32 s0, $0xA;
	s2 =	sadd.s32 s3, s2  }
0x8d: {  	s2 =	sadd.s32 s2, s16  }
0x8e: {  	[smem:$0x3FB9] =	sst s2  }
0x8f: {  	_ = 	snop  }
0x90: {  	(tm) =	ssettm $0x1  }
0x91: {  	s17 =	sld [smem:$0x3FFB];
	_ =	sdelay $0x3  }
0x92: {  	_ =	strace s17  }
0x93: {  	s2 =	sld [smem:$0x3FFC];
	_ =	sdelay $0x3  }
0x94: {  	_ =	strace s2  }
0x95: {  	s2 =	sld [smem:$0x3FFD];
	_ =	sdelay $0x3  }
0x96: {  	_ =	strace s2  }
0x97: {  	_ =	strace $0x8FFFFFFF  }
0x98: {  	s18 =	sld [smem:$0x3FDB];
	_ =	sdelay $0x1  }
0x99: {  	s19 =	simm.s32 $_scs_section_size  }
0x9a: {  	s4 =	simm.s32 $_size__tile_overlayer_lowered;
	s5 =	simm.s32 $_tile_overlayer_lowered  }
0x9b: {  	s22 =	simm.s32 $0x1BFF;
	s21 =	sshll.u32 s5, $0x1;
	s2 =	sadd.s32 s19, s18  }
0x9c: {  	s6 =	simm.s32 $0x0;
	s20 =	sshll.u32 s4, $0x1;
	s4 =	sadd.s32 s21, s2  }
0x9d: {  	[timem:s6], [sflag:s22] =	dma.local [hbm:s4], s20  }
0x9e: {  	_ =	swait.ge [sflag:s22], s20  }
0x9f: {  	s3 =	ssub.s32 $0x0, s20;
	[sflag:s22] =	ssyncset.done $0x0  }
0xa0: {  	[sflag:s22] =	ssyncadd.s32 s3;
	_ =	sdelay $0x1  }
0xa1: {  	s23 =	simm.s32 $0x1B8B  }
0xa2: {  	_ =	swait.ge [sflag:s23], $0x1  }
0xa3: {  	[sflag:s23] =	ssyncset.done $0x0  }
0xa4: {  	s25 =	simm.s32 $0x1B8E;
	s24 =	sld [smem:$0x3FFE];
	[sflag:s23] =	ssyncadd.s32 $0xFFFFFFFF  }
0xa5: {  	s26 =	simm.s32 $execute0_lowered;
	[smem:$0x3FD2] =	sst s25  }
0xa6: {  	s4 =	sshll.u32 s26, $0x1;
	_ =	strace $0x8000004C;
	[dreg:$0x1] =	wrdreg $0xFFFFFFFF  }
0xa7: {  	s28 =	simm.s32 $_size_execute0_lowered;
	s2 =	sadd.s32 s2, s4;
	[dreg:$0x0] =	wrdreg $0x0  }
0xa8: {  	s4 =	sshll.u32 s28, $0x1;
	[dreg:$0x2] =	wrdreg s2  }
0xa9: {  	[dreg:$0x3] =	wrdreg s4  }
0xaa: {  	[dreg:$0x4] =	wrdreg $0xC0  }
0xab: {  	_ =	task [dreg:s6], $0x5FFFF  }
0xac: {  	[dreg:$0x1] =	wrdreg $0xFFFFFFFF  }
0xad: {  	[dreg:$0x0] =	wrdreg $0x60  }
0xae: {  	[dreg:$0x2] =	wrdreg s24  }
0xaf: {  	[dreg:$0x3] =	wrdreg $0xBA000  }
0xb0: {  	[dreg:$0x4] =	wrdreg $0x9  }
0xb1: {  	_ =	task.clear_ibuf [dreg:s6], $0x5FFFF;
	_ =	strace $0x9000004C  }
0xb2: {  	s29 =	simm.s32 $0x9;
	_ =	strace $0x8000004E  }
0xb3: {  	_ =	swait.ge [sflag:s29], $0x1  }
0xb4: {  	[sflag:s29] =	ssyncadd.s32 $0xFFFFFFFF  }
0xb5: {  	_ =	strace $0x9000004E  }
0xb6: {  	_ =	sfence  }
0xb7: {  	s30 =	sld [smem:$0x0];
	_ =	sdelay $0x2  }
0xb8: {  	s31 =	sshll.u32 s1, $0xD;
	s1 =	sshrl.u32 s1, $0x2  }
0xb9: {  	s3 =	sand.u32 $0x4000, s31;
	s1 =	sadd.s32 s1, s30  }
0xba: {  	s0 =	sor.u32 s3, s0;
	s1 =	sshll.u32 s1, $0x11  }
0xbb: {  	s0 =	sor.u32 s1, s0  }
0xbc: {  	s0 =	sadd.s32 $0x8F2B, s0  }
0xbd: {  	[sflag:s0] =	ssyncadd.remote.s32 $0x1  }
0xbe: {  	_ =	sfence.sel $0xFFFF  }
0xbf: {  	[dreg:$0x0] =	wrdreg $0xFFFFFFFF;
	(pc) =	sbr.abs _section_cstart, $3  }
0xc0: {  	[dreg:$0x1] =	wrdreg $0xFFFFFFFF  }
0xc1: {  	_ =	task.clear_ibuf [dreg:s6], $0x2FFFF;
	_ =	strace $0x9FFFFFFF  }
0xc2: {  	(tm) =	ssettm $0x7FFFFFFF  }
0xc3: {  	_ =	shalt  }
tec
execute0_lowered:
.L_overlay_start_1:
0x0: {  	(tag) =	ssettag $0x1  }
0x1: {  	s5 =	rddreg [dreg:$0x0]  }
0x2: {  	s2 =	rddreg [dreg:$0x1]  }
0x3: {  	s0 =	rddreg [dreg:$0x2];
	s3 =	simm.s32 $0x0  }
0x4: {  	s1 =	stileid.u32;
	s6 =	srdreg.scid;
	s12 =	simm.s32 $0x4080  }
0x5: {  	s13 =	simm.s32 $0x6A00;
	s14 =	simm.s32 $0x4100;
	s15 =	simm.s32 $0x9200  }
0x6: {  	s18 =	simm.s32 $0x1;
	s19 =	simm.s32 $0x4180;
	s20 =	simm.s32 $0x2  }
0x7: {  	s21 =	simm.s32 $0x3;
	[smem:$0x7FF] =	sst s3;
	s22 =	smul.u32 $0x2780, s1  }
0x8: {  	s4 =	sadd.s32 $0x3B800, s5;
	s7 =	sshll.u32 s1, $0xB;
	s6 =	sand.u32 $0x1, s6  }
0x9: {  	s11 =	smul.u32 $0x4F000, s1;
	s16 =	sshll.u32 s1, $0x6;
	_ =	strace $0x8000004D  }
0xa: {  	s7 =	sadd.s32 s7, s5;
	s9 =	smul.u32 $0x27800, s6;
	s10 =	ssub.s32 $0x2, s6  }
0xb: {  	s6 =	sshll.u32 s6, $0xF;
	s16 =	sor.u32 $0x1C04, s16;
	s8 =	sadd.s32 s22, s5  }
0xc: {  	s29 =	sshrl.u32 s10, $0x1;
	s6 =	sadd.s32 s6, s7;
	s31 =	sshrl.u32 s11, $0x2  }
.Ltmp0:
0xd: {  	s11 =	simm.s32 $0x4200;
	s9 =	sadd.s32 s9, s5;
	(pc) =	sbr.rel .LBB2_1-.Ltmp0, $4  }
0xe: {  	s30 =	ssub.s32 s10, s29;
	s5 =	sadd.s32 $0x4000, s6;
	s17 =	sadd.s32 s31, s2  }
0xf: {  	s6 =	sadd.s32 $0x14000, s8;
	s8 =	simm.s32 $0x4;
	s10 =	simm.s32 $0x4000  }
0x10: {  	s23 =	sadd.s32 $0x63000, s9;
	s7 =	smax.u32 s30, $0x1;
	s9 =	simm.s32 $0x50  }
0x11: {  	s17 =	sshrl.u32 s17, $0x3;
	s22 =	sadd.s32 s22, s23;
	s23 =	simm.s32 $0x0  }
.LBB2_4:
0x12: {  	s23 =	sadd.s32 $0x1, s23  }
0x13: {  	p0 =	sne.s32 s23, s7  }
.Ltmp1:
0x14: {  	[bflag:$0x0] =	sbarrier.arrive $0xFFFF;
	(pc) =	sbr.rel @!p0 .LBB2_5-.Ltmp1, $4  }
0x15: {  	[hbm:s22], [sflag:s16] =	dma.local [spmem:s17], $0x2780  }
0x16: {  	_ =	swait.ge [sflag:s8], $0x2780  }
0x17: {  	[sflag:s8] =	ssyncset.done $0x0  }
0x18: {  	[sflag:s8] =	ssyncadd.s32 $0xFFFFD880  }
.LBB2_1:
0x19: {  	[tilespmem:s3], [sflag:$0x4] =	stream.linear.gather [hbm4b:s5+s3], $0x3F00, $0x38;
	[tilespmem:$0x1F600] =	vst v63  }
0x1a: {  	_ =	swait.ge [sflag:s8], $0x3F00  }
0x1b: {  	[sflag:s8] =	ssyncset.done $0x0  }
0x1c: {  	[sflag:s8] =	ssyncadd.s32 $0xFFFFC100  }
0x1d: {  	v0 =	vld [tilespmem:$0x0]  }
0x1e: {  	v1 =	vld [tilespmem:$0x10]  }
0x1f: {  	v2 =	vld [tilespmem:$0x20]  }
0x20: {  	v3 =	vld [tilespmem:$0x30]  }
0x21: {  	v4 =	vld [tilespmem:$0x40]  }
0x22: {  	v0 =	vand.u32 $0x3FFF, v0  }
0x23: {  	v42 =	vand.u32 $0x3FFF, v1;
	[tilespmem:$0x4000] =	vst v0  }
0x24: {  	v43 =	vand.u32 $0x3FFF, v2;
	[tilespmem:$0x4010] =	vst v42  }
0x25: {  	v44 =	vand.u32 $0x3FFF, v3;
	[tilespmem:$0x4020] =	vst v43  }
0x26: {  	v45 =	vand.u32 $0x3FFF, v4;
	[tilespmem:$0x4030] =	vst v44  }
0x27: {  	[tilespmem:$0x4040] =	vst v45  }
0x28: {  	[tilespmem:s11], [sflag:$0x1] =	stream.indirect.gather [hbm4b:s4+s9], $0x80, s10, s9, $0xb8;
	[tilespmem:$0x1F600] =	vst v63  }
0x29: {  	v46 =	vld [tilespmem:$0x80]  }
0x2a: {  	v47 =	vld [tilespmem:$0x90]  }
0x2b: {  	v48 =	vld [tilespmem:$0xA0]  }
0x2c: {  	v49 =	vld [tilespmem:$0xB0]  }
0x2d: {  	v50 =	vld [tilespmem:$0xC0]  }
0x2e: {  	v0 =	vand.u32 $0x3FFF, v46  }
0x2f: {  	v51 =	vand.u32 $0x3FFF, v47;
	[tilespmem:$0x4080] =	vst v0  }
0x30: {  	v52 =	vand.u32 $0x3FFF, v48;
	[tilespmem:$0x4090] =	vst v51  }
0x31: {  	v53 =	vand.u32 $0x3FFF, v49;
	[tilespmem:$0x40A0] =	vst v52  }
0x32: {  	v54 =	vand.u32 $0x3FFF, v50;
	[tilespmem:$0x40B0] =	vst v53  }
0x33: {  	[tilespmem:$0x40C0] =	vst v54  }
0x34: {  	[tilespmem:s13], [sflag:$0x2] =	stream.indirect.gather [hbm4b:s4+s9], $0x80, s12, s9, $0xb8;
	[tilespmem:$0x1F600] =	vst v63  }
0x35: {  	v55 =	vld [tilespmem:$0x100]  }
0x36: {  	v56 =	vld [tilespmem:$0x110]  }
0x37: {  	v57 =	vld [tilespmem:$0x120]  }
0x38: {  	v58 =	vld [tilespmem:$0x130]  }
0x39: {  	v59 =	vld [tilespmem:$0x140]  }
0x3a: {  	v0 =	vand.u32 $0x3FFF, v55  }
0x3b: {  	v60 =	vand.u32 $0x3FFF, v56;
	[tilespmem:$0x4100] =	vst v0  }
0x3c: {  	v61 =	vand.u32 $0x3FFF, v57;
	[tilespmem:$0x4110] =	vst v60  }
0x3d: {  	v62 =	vand.u32 $0x3FFF, v58;
	[tilespmem:$0x4120] =	vst v61  }
0x3e: {  	v63 =	vand.u32 $0x3FFF, v59;
	[tilespmem:$0x4130] =	vst v62  }
0x3f: {  	[tilespmem:$0x4140] =	vst v63  }
0x40: {  	[tilespmem:s15], [sflag:$0x3] =	stream.indirect.gather [hbm4b:s4+s9], $0x80, s14, s9, $0xb8;
	[tilespmem:$0x1F600] =	vst v63  }
0x41: {  	[spmem:s17], [sflag:s16] =	dma.local [hbm:s6], $0x2780  }
0x42: {  	_ =	swait.ge [sflag:s8], $0x2780  }
0x43: {  	[sflag:s8] =	ssyncset.done $0x0  }
0x44: {  	[sflag:s8] =	ssyncadd.s32 $0xFFFFD880  }
0x45: {  	s24 =	simm.s32 $0x0;
	[bflag:$0x0] =	sbarrier.arrive $0xFFFF  }
.LBB2_2:
0x46: {  	_ =	swait.ge [sflag:s18], $0x2800  }
0x47: {  	[sflag:s18] =	ssyncset.done $0x0  }
0x48: {  	s25 =	sshra.s32 s24, $0x2;
	[sflag:s18] =	ssyncadd.s32 $0xFFFFD800  }
0x49: {  	v0 =	vld [tilespmem:s25+$0x0];
	_ =	sdelay $0x4  }
0x4a: {  	v0 =	vshrl.u32 v0, $0xE  }
0x4b: {  	[tilespmem:$0x4180] =	vst v0  }
0x4c: {  	v0 =	vld [tilespmem:s25+$0x10];
	_ =	sdelay $0x4  }
0x4d: {  	v0 =	vshrl.u32 v0, $0xE  }
0x4e: {  	[tilespmem:$0x4190] =	vst v0  }
0x4f: {  	v0 =	vld [tilespmem:s25+$0x20];
	_ =	sdelay $0x4  }
0x50: {  	v0 =	vshrl.u32 v0, $0xE  }
0x51: {  	[tilespmem:$0x41A0] =	vst v0  }
0x52: {  	v0 =	vld [tilespmem:s25+$0x30];
	_ =	sdelay $0x4  }
0x53: {  	v0 =	vshrl.u32 v0, $0xE  }
0x54: {  	[tilespmem:$0x41B0] =	vst v0  }
0x55: {  	v0 =	vld [tilespmem:s25+$0x40];
	_ =	sdelay $0x4  }
0x56: {  	v0 =	vshrl.u32 v0, $0xE  }
0x57: {  	[tilespmem:$0x41C0] =	vst v0  }
0x58: {  	[spmem:s2] =	stream.indirect.scatter.add.f32 [tilespmem:s11], [sflag:$0x4], $0x80, s19, s9, $0xb8;
	[tilespmem:$0x1F600] =	vst v63  }
0x59: {  	_ =	swait.ge [sflag:s8], $0x2800  }
0x5a: {  	p0 =	seq.s32 s24, $0xF600;
	[sflag:s8] =	ssyncset.done $0x0  }
0x5b: {  	s26 =	sshra.s32 @!p0 s24, $0x2;
	[sflag:s8] =	ssyncadd.s32 $0xFFFFD800  }
0x5c: {  	v0 =	vld @!p0 [tilespmem:s26+$0x180];
	_ =	sdelay $0x4  }
0x5d: {  	v0 =	vand.u32 @!p0 $0x3FFF, v0  }
0x5e: {  	[tilespmem:$0x4000] =	vst @!p0 v0  }
0x5f: {  	v0 =	vld @!p0 [tilespmem:s26+$0x190];
	_ =	sdelay $0x4  }
0x60: {  	v0 =	vand.u32 @!p0 $0x3FFF, v0  }
0x61: {  	[tilespmem:$0x4010] =	vst @!p0 v0  }
0x62: {  	v0 =	vld @!p0 [tilespmem:s26+$0x1A0];
	_ =	sdelay $0x4  }
0x63: {  	v0 =	vand.u32 @!p0 $0x3FFF, v0  }
0x64: {  	[tilespmem:$0x4020] =	vst @!p0 v0  }
0x65: {  	v0 =	vld @!p0 [tilespmem:s26+$0x1B0];
	_ =	sdelay $0x4  }
0x66: {  	v0 =	vand.u32 @!p0 $0x3FFF, v0  }
0x67: {  	[tilespmem:$0x4030] =	vst @!p0 v0  }
0x68: {  	v0 =	vld @!p0 [tilespmem:s26+$0x1C0];
	_ =	sdelay $0x4  }
0x69: {  	v0 =	vand.u32 @!p0 $0x3FFF, v0  }
0x6a: {  	s28 =	simm.s32 @!p0 $0x50;
	s29 =	simm.s32 @!p0 $0x4000;
	s30 =	simm.s32 @!p0 $0x4200;
	[tilespmem:$0x4040] =	vst @!p0 v0  }
0x6b: {  	[tilespmem:s30], [sflag:$0x1] =	stream.indirect.gather @!p0 [hbm4b:s4+s28], $0x80, s29, s28, $0xb8;
	[tilespmem:$0x1F600] =	vst v63  }
0x6c: {  	_ =	swait.ge [sflag:s20], $0x2800  }
0x6d: {  	[sflag:s20] =	ssyncset.done $0x0  }
0x6e: {  	[sflag:s20] =	ssyncadd.s32 $0xFFFFD800  }
0x6f: {  	v62 =	vld [tilespmem:s25+$0x80];
	_ =	sdelay $0x4  }
0x70: {  	v0 =	vshrl.u32 v62, $0xE  }
0x71: {  	[tilespmem:$0x4180] =	vst v0  }
0x72: {  	v0 =	vld [tilespmem:s25+$0x90];
	_ =	sdelay $0x4  }
0x73: {  	v0 =	vshrl.u32 v0, $0xE  }
0x74: {  	[tilespmem:$0x4190] =	vst v0  }
0x75: {  	v0 =	vld [tilespmem:s25+$0xA0];
	_ =	sdelay $0x4  }
0x76: {  	v0 =	vshrl.u32 v0, $0xE  }
0x77: {  	[tilespmem:$0x41A0] =	vst v0  }
0x78: {  	v0 =	vld [tilespmem:s25+$0xB0];
	_ =	sdelay $0x4  }
0x79: {  	v0 =	vshrl.u32 v0, $0xE  }
0x7a: {  	[tilespmem:$0x41B0] =	vst v0  }
0x7b: {  	v0 =	vld [tilespmem:s25+$0xC0];
	_ =	sdelay $0x4  }
0x7c: {  	v0 =	vshrl.u32 v0, $0xE  }
0x7d: {  	[tilespmem:$0x41C0] =	vst v0  }
0x7e: {  	[spmem:s2] =	stream.indirect.scatter.add.f32 [tilespmem:s13], [sflag:$0x4], $0x80, s19, s9, $0xb8;
	[tilespmem:$0x1F600] =	vst v63  }
0x7f: {  	_ =	swait.ge [sflag:s8], $0x2800  }
0x80: {  	[sflag:s8] =	ssyncset.done $0x0  }
0x81: {  	[sflag:s8] =	ssyncadd.s32 $0xFFFFD800  }
0x82: {  	v0 =	vld @!p0 [tilespmem:s26+$0x200];
	_ =	sdelay $0x4  }
0x83: {  	v0 =	vand.u32 @!p0 $0x3FFF, v0  }
0x84: {  	[tilespmem:$0x4080] =	vst @!p0 v0  }
0x85: {  	v0 =	vld @!p0 [tilespmem:s26+$0x210];
	_ =	sdelay $0x4  }
0x86: {  	v0 =	vand.u32 @!p0 $0x3FFF, v0  }
0x87: {  	[tilespmem:$0x4090] =	vst @!p0 v0  }
0x88: {  	v0 =	vld @!p0 [tilespmem:s26+$0x220];
	_ =	sdelay $0x4  }
0x89: {  	v0 =	vand.u32 @!p0 $0x3FFF, v0  }
0x8a: {  	[tilespmem:$0x40A0] =	vst @!p0 v0  }
0x8b: {  	v0 =	vld @!p0 [tilespmem:s26+$0x230];
	_ =	sdelay $0x4  }
0x8c: {  	v0 =	vand.u32 @!p0 $0x3FFF, v0  }
0x8d: {  	[tilespmem:$0x40B0] =	vst @!p0 v0  }
0x8e: {  	v0 =	vld @!p0 [tilespmem:s26+$0x240];
	_ =	sdelay $0x4  }
0x8f: {  	v0 =	vand.u32 @!p0 $0x3FFF, v0  }
0x90: {  	s29 =	simm.s32 @!p0 $0x6A00;
	s26 =	simm.s32 @!p0 $0x4080;
	[tilespmem:$0x40C0] =	vst @!p0 v0  }
0x91: {  	[tilespmem:s29], [sflag:$0x2] =	stream.indirect.gather @!p0 [hbm4b:s4+s28], $0x80, s26, s28, $0xb8;
	[tilespmem:$0x1F600] =	vst v63  }
0x92: {  	_ =	swait.ge [sflag:s21], $0x2800  }
0x93: {  	[sflag:s21] =	ssyncset.done $0x0  }
0x94: {  	[sflag:s21] =	ssyncadd.s32 $0xFFFFD800  }
0x95: {  	v63 =	vld [tilespmem:s25+$0x100];
	_ =	sdelay $0x4  }
0x96: {  	v0 =	vshrl.u32 v63, $0xE  }
0x97: {  	[tilespmem:$0x4180] =	vst v0  }
0x98: {  	v0 =	vld [tilespmem:s25+$0x110];
	_ =	sdelay $0x4  }
0x99: {  	v0 =	vshrl.u32 v0, $0xE  }
0x9a: {  	[tilespmem:$0x4190] =	vst v0  }
0x9b: {  	v0 =	vld [tilespmem:s25+$0x120];
	_ =	sdelay $0x4  }
0x9c: {  	v0 =	vshrl.u32 v0, $0xE  }
0x9d: {  	[tilespmem:$0x41A0] =	vst v0  }
0x9e: {  	v0 =	vld [tilespmem:s25+$0x130];
	_ =	sdelay $0x4  }
0x9f: {  	v0 =	vshrl.u32 v0, $0xE  }
0xa0: {  	[tilespmem:$0x41B0] =	vst v0  }
0xa1: {  	v0 =	vld [tilespmem:s25+$0x140];
	_ =	sdelay $0x4  }
0xa2: {  	v0 =	vshrl.u32 v0, $0xE  }
.Ltmp2:
0xa3: {  	[tilespmem:$0x41C0] =	vst v0;
	(pc) =	sbr.rel @p0 .LBB2_4-.Ltmp2, $4  }
0xa4: {  	[spmem:s2] =	stream.indirect.scatter.add.f32 [tilespmem:s15], [sflag:$0x4], $0x80, s19, s9, $0xb8;
	[tilespmem:$0x1F600] =	vst v63  }
0xa5: {  	_ =	swait.ge [sflag:s8], $0x2800  }
0xa6: {  	[sflag:s8] =	ssyncset.done $0x0  }
0xa7: {  	[sflag:s8] =	ssyncadd.s32 $0xFFFFD800  }
0xa8: {  	v0 =	vld [tilespmem:s25+$0x280];
	_ =	sdelay $0x4  }
0xa9: {  	v0 =	vand.u32 $0x3FFF, v0  }
0xaa: {  	[tilespmem:$0x4100] =	vst v0  }
0xab: {  	v0 =	vld [tilespmem:s25+$0x290];
	_ =	sdelay $0x4  }
0xac: {  	v0 =	vand.u32 $0x3FFF, v0  }
0xad: {  	[tilespmem:$0x4110] =	vst v0  }
0xae: {  	v0 =	vld [tilespmem:s25+$0x2A0];
	_ =	sdelay $0x4  }
0xaf: {  	v0 =	vand.u32 $0x3FFF, v0  }
0xb0: {  	[tilespmem:$0x4120] =	vst v0  }
0xb1: {  	v0 =	vld [tilespmem:s25+$0x2B0];
	_ =	sdelay $0x4  }
0xb2: {  	v0 =	vand.u32 $0x3FFF, v0  }
0xb3: {  	[tilespmem:$0x4130] =	vst v0  }
0xb4: {  	v0 =	vld [tilespmem:s25+$0x2C0];
	_ =	sdelay $0x2  }
.Ltmp3:
0xb5: {  	_ = 	snop;
	(pc) =	sbr.rel .LBB2_2-.Ltmp3, $4  }
0xb6: {  	_ = 	snop  }
0xb7: {  	v0 =	vand.u32 $0x3FFF, v0  }
0xb8: {  	s24 =	sadd.s32 $0x600, s24;
	[tilespmem:$0x4140] =	vst v0  }
0xb9: {  	[tilespmem:s15], [sflag:$0x3] =	stream.indirect.gather [hbm4b:s4+s9], $0x80, s14, s9, $0xb8;
	[tilespmem:$0x1F600] =	vst v63  }
.LBB2_5:
0xba: {  	_ =	sfence.sel $0x180000  }
0xbb: {  	[bflag:$0x0] =	sbarrier.arrive $0xFFFF  }
0xbc: {  	p0 =	sne.s32 s1, $0x0;
	_ =	strace $0x9000004D  }
0xbd: {  	s0 =	sadd.s32 @!p0 $0x100000, s0;
	[bflag:$0x2] =	sbarrier.arrive $0xFFFF  }
0xbe: {  	[sflag:s0] =	ssyncadd.tile.s32 @!p0 $0x1;
	_ =	shalt  }
.Lfunc_end2:
_tile_overlayer_lowered:
.L_overlay_start_2:
0xbf: {  	(tag) =	ssettag $0x2  }
0xc0: {  	s0 =	rddreg [dreg:$0x0];
	s2 =	stileid.u32  }
0xc1: {  	s1 =	rddreg [dreg:$0x1];
	p0 =	sne.s32 s2, $0x0  }
0xc2: {  	s3 =	rddreg [dreg:$0x2];
	[bflag:$0x3] =	sbarrier.arrive $0xFFFF;
	s2 =	simm.s32 @!p0 $0x1C04  }
0xc3: {  	[timem:s3], [sflag:s2] =	dma.local @!p0 [hbm:s0], s1  }
0xc4: {  	s0 =	simm.s32 @!p0 $0x4  }
0xc5: {  	_ =	swait.ge @!p0 [sflag:s0], s1  }
0xc6: {  	s1 =	ssub.s32 @!p0 $0x0, s1;
	[sflag:s0] =	ssyncset.done @!p0 $0x0  }
0xc7: {  	[sflag:s0] =	ssyncadd.s32 @!p0 s1  }
0xc8: {  	[bflag:$0x3] =	sbarrier.arrive $0xFFFF  }
0xc9: {  	_ =	shalt  }

// kernel: kernel.19.cloned.1.call-start
scs
__scs_entry_jumppad:
0x0: {  	(pc) =	sbr.rel $0x88, $3  }
0x1: {  	(tag) =	ssettag $0x0;
	lr =	simm.s32 $0x1  }
0x2: {  	[smem:$0x3F92] =	sst lr;
	_ =	strace $0xD0000000  }
0x3: {  	_ = 	snop  }
0x4: {  	_ = 	snop  }
0x5: {  	_ = 	snop  }
0x6: {  	_ = 	snop  }
0x7: {  	_ = 	snop  }
__scs_overlays_trampoline_lowered:
0x8: {  	[smem:$0x3FA1] =	sst s0  }
0x9: {  	[smem:$0x3FA2] =	sst s1  }
0xa: {  	[smem:$0x3FA3] =	sst s2  }
0xb: {  	[smem:$0x3FA4] =	sst s3  }
0xc: {  	[smem:$0x3FA5] =	sst s4  }
0xd: {  	[smem:$0x3FA6] =	sst s5  }
0xe: {  	[smem:$0x3FA7] =	sst s6  }
0xf: {  	[smem:$0x3FA8] =	sst s7  }
0x10: {  	[smem:$0x3FA9] =	sst s8  }
0x11: {  	[smem:$0x3FAA] =	sst s9;
	s0 =	simm.s32 @!p0 $0x0  }
0x12: {  	s1 =	sld [smem:$0x3F90];
	s0 =	simm.s32 @p0 $0x1  }
0x13: {  	[smem:$0x3FAB] =	sst s0;
	s0 =	simm.s32 @!p1 $0x0  }
0x14: {  	s2 =	sld [smem:$0x3F8F];
	s0 =	simm.s32 @p1 $0x1  }
0x15: {  	[smem:$0x3FAC] =	sst s0;
	s0 =	simm.s32 @!p2 $0x0  }
0x16: {  	s3 =	sld [smem:$0x3FDB];
	s0 =	simm.s32 @p2 $0x1  }
0x17: {  	s4 =	simm.s32 $0x1BF5;
	[smem:$0x3FAE] =	sst s0  }
0x18: {  	s0 =	sld [smem:$0x3F91];
	_ =	swait.ge [sflag:s4], $0x0  }
0x19: {  	s7 =	sld [smem:$0x3F92]  }
0x1a: {  	s8 =	sadd.s32 $0xFFFFE003, lr  }
0x1b: {  	s9 =	sadd.s32 $0xFFFFFEF7, lr;
	s5 =	simm.s32 $0xFFFFFFFF;
	p2 =	slt.u32 s8, $0xFFFFF086  }
0x1c: {  	p1 =	slt.u32 s9, $0xF7A;
	s5 =	simm.s32 @!p2 $0x0  }
0x1d: {  	s5 =	simm.s32 @p1 $0x1;
	p0 =	seq.s32 s7, s2  }
0x1e: {  	s7 =	smul.u32 @!p0 $0xF7A, s2;
	p2 =	seq.s32 @!p0 s5, $0x0  }
0x1f: {  	s9 =	smul.u32 $0xF7A, s1;
	s8 =	simm.s32 @!p0 $0x1BF5;
	p2 =	por !p2, p0  }
0x20: {  	[sflag:s8] =	ssyncset.s32 @!p0 $0xFFFFF086;
	s6 =	sadd.s32 @!p0 s3, s7;
	s7 =	simm.s32 @!p0 $0x108  }
0x21: {  	s3 =	sadd.s32 s3, s9;
	s6 =	sadd.s32 @!p0 $0x88, s6;
	s7 =	simm.s32 @p2 $0x1082  }
0x22: {  	[simem:s7], [sflag:s8] =	dma.local @!p0 [hbm:s6], $0xF7A  }
0x23: {  	s9 =	sor.u32 $0xD0000000, s2;
	s6 =	simm.s32 $0x108;
	_ =	swait.ge @!p0 [sflag:s8], $0x0  }
0x24: {  	s3 =	sadd.s32 $0x88, s3;
	s6 =	simm.s32 @!p1 $0x1082;
	[sflag:s4] =	ssyncset.s32 $0xFFFFF086  }
0x25: {  	[simem:s6], [sflag:s4] =	dma.local [hbm:s3], $0xF7A  }
0x26: {  	[smem:$0x3F92] =	sst s1;
	(tag) =	ssettag s2;
	_ =	strace s9  }
0x27: {  	s1 =	sld [smem:$0x3FA2]  }
0x28: {  	s2 =	sld [smem:$0x3FA3]  }
0x29: {  	s4 =	sld [smem:$0x3FA5]  }
0x2a: {  	p0 =	seq.s32 s5, $0x0;
	s5 =	sld [smem:$0x3FA6]  }
0x2b: {  	s6 =	sld [smem:$0x3FA7]  }
0x2c: {  	s7 =	sld [smem:$0x3FA8]  }
0x2d: {  	s3 =	simm.s32 $0x108;
	s8 =	sld [smem:$0x3FA9]  }
0x2e: {  	s3 =	simm.s32 @!p0 $0x1082;
	s9 =	sld [smem:$0x3FAA]  }
0x2f: {  	lr =	sadd.s32 s0, s3;
	s0 =	sld [smem:$0x3FA1]  }
0x30: {  	s3 =	sld [smem:$0x3FA4]  }
0x31: {  	[smem:$0x3FAD] =	sst s10  }
0x32: {  	s10 =	sld [smem:$0x3FAB];
	_ =	sdelay $0x3  }
0x33: {  	p0 =	seq.s32 s10, $0x1;
	s10 =	sld [smem:$0x3FAD];
	_ =	sdelay $0x3  }
0x34: {  	[smem:$0x3FAD] =	sst s10  }
0x35: {  	s10 =	sld [smem:$0x3FAC];
	_ =	sdelay $0x3  }
0x36: {  	p1 =	seq.s32 s10, $0x1;
	s10 =	sld [smem:$0x3FAD];
	_ =	sdelay $0x3  }
0x37: {  	[smem:$0x3FAD] =	sst s10  }
0x38: {  	s10 =	sld [smem:$0x3FAE]  }
0x39: {  	_ = 	snop;
	(pc) =	sbr.ind lr, $3  }
0x3a: {  	_ = 	snop  }
0x3b: {  	_ = 	snop  }
0x3c: {  	p2 =	seq.s32 s10, $0x1;
	s10 =	sld [smem:$0x3FAD]  }
0x3d: {  	_ =	shalt  }
0x3e: {  	_ =	shalt  }
0x3f: {  	_ =	shalt  }
0x40: {  	_ =	shalt  }
0x41: {  	_ =	shalt  }
0x42: {  	_ =	shalt  }
0x43: {  	_ =	shalt  }
0x44: {  	_ =	shalt  }
0x45: {  	_ =	shalt  }
0x46: {  	_ =	shalt  }
0x47: {  	_ =	shalt  }
0x48: {  	_ =	shalt  }
0x49: {  	_ =	shalt  }
0x4a: {  	_ =	shalt  }
0x4b: {  	_ =	shalt  }
0x4c: {  	_ =	shalt  }
0x4d: {  	_ =	shalt  }
0x4e: {  	_ =	shalt  }
0x4f: {  	_ =	shalt  }
0x50: {  	_ =	shalt  }
0x51: {  	_ =	shalt  }
0x52: {  	_ =	shalt  }
0x53: {  	_ =	shalt  }
0x54: {  	_ =	shalt  }
0x55: {  	_ =	shalt  }
0x56: {  	_ =	shalt  }
0x57: {  	_ =	shalt  }
0x58: {  	_ =	shalt  }
0x59: {  	_ =	shalt  }
0x5a: {  	_ =	shalt  }
0x5b: {  	_ =	shalt  }
0x5c: {  	_ =	shalt  }
0x5d: {  	_ =	shalt  }
0x5e: {  	_ =	shalt  }
0x5f: {  	_ =	shalt  }
0x60: {  	_ =	shalt  }
0x61: {  	_ =	shalt  }
0x62: {  	_ =	shalt  }
0x63: {  	_ =	shalt  }
0x64: {  	_ =	shalt  }
0x65: {  	_ =	shalt  }
0x66: {  	_ =	shalt  }
0x67: {  	_ =	shalt  }
0x68: {  	_ =	shalt  }
0x69: {  	_ =	shalt  }
0x6a: {  	_ =	shalt  }
0x6b: {  	_ =	shalt  }
0x6c: {  	_ =	shalt  }
0x6d: {  	_ =	shalt  }
0x6e: {  	_ =	shalt  }
0x6f: {  	_ =	shalt  }
0x70: {  	_ =	shalt  }
0x71: {  	_ =	shalt  }
0x72: {  	_ =	shalt  }
0x73: {  	_ =	shalt  }
0x74: {  	_ =	shalt  }
0x75: {  	_ =	shalt  }
0x76: {  	_ =	shalt  }
0x77: {  	_ =	shalt  }
0x78: {  	_ =	shalt  }
0x79: {  	_ =	shalt  }
0x7a: {  	_ =	shalt  }
0x7b: {  	_ =	shalt  }
0x7c: {  	_ =	shalt  }
0x7d: {  	_ =	shalt  }
0x7e: {  	_ =	shalt  }
0x7f: {  	_ =	shalt  }
0x80: {  	_ =	shalt  }
0x81: {  	_ =	shalt  }
0x82: {  	_ =	shalt  }
0x83: {  	_ =	shalt  }
0x84: {  	_ =	shalt  }
0x85: {  	_ =	shalt  }
0x86: {  	_ =	shalt  }
0x87: {  	_ =	shalt  }
.Lfunc_end0:
.L_simem_size_0:
called_computation.3_lowered:
.L_overlay_start_0:
0x88: {  	s2 =	sld [smem:$0x3FD9]  }
0x89: {  	s3 =	sld [smem:$0x3FFE];
	_ =	sdelay $0x1  }
0x8a: {  	s1 =	srdreg.scid  }
0x8b: {  	s0 =	sand.u32 $0x1, s1  }
0x8c: {  	s16 =	sshll.u32 s0, $0xA;
	s2 =	sadd.s32 s3, s2  }
0x8d: {  	s2 =	sadd.s32 s2, s16  }
0x8e: {  	[smem:$0x3FB9] =	sst s2  }
0x8f: {  	_ = 	snop  }
0x90: {  	(tm) =	ssettm $0x1  }
0x91: {  	s17 =	sld [smem:$0x3FFB];
	_ =	sdelay $0x3  }
0x92: {  	_ =	strace s17  }
0x93: {  	s2 =	sld [smem:$0x3FFC];
	_ =	sdelay $0x3  }
0x94: {  	_ =	strace s2  }
0x95: {  	s2 =	sld [smem:$0x3FFD];
	_ =	sdelay $0x3  }
0x96: {  	_ =	strace s2  }
0x97: {  	_ =	strace $0x8FFFFFFF  }
0x98: {  	s18 =	sld [smem:$0x3FDB];
	_ =	sdelay $0x1  }
0x99: {  	s19 =	simm.s32 $_scs_section_size  }
0x9a: {  	s4 =	simm.s32 $_size__tile_overlayer_lowered;
	s5 =	simm.s32 $_tile_overlayer_lowered  }
0x9b: {  	s22 =	simm.s32 $0x1BFF;
	s21 =	sshll.u32 s5, $0x1;
	s2 =	sadd.s32 s19, s18  }
0x9c: {  	s6 =	simm.s32 $0x0;
	s20 =	sshll.u32 s4, $0x1;
	s4 =	sadd.s32 s21, s2  }
0x9d: {  	[timem:s6], [sflag:s22] =	dma.local [hbm:s4], s20  }
0x9e: {  	_ =	swait.ge [sflag:s22], s20  }
0x9f: {  	s3 =	ssub.s32 $0x0, s20;
	[sflag:s22] =	ssyncset.done $0x0  }
0xa0: {  	[sflag:s22] =	ssyncadd.s32 s3;
	_ =	sdelay $0x1  }
0xa1: {  	s23 =	simm.s32 $0x1B8B  }
0xa2: {  	_ =	swait.ge [sflag:s23], $0x1  }
0xa3: {  	[sflag:s23] =	ssyncset.done $0x0  }
0xa4: {  	s25 =	simm.s32 $0x1B8E;
	s24 =	sld [smem:$0x3FFE];
	[sflag:s23] =	ssyncadd.s32 $0xFFFFFFFF  }
0xa5: {  	s26 =	simm.s32 $execute0_lowered;
	[smem:$0x3FD2] =	sst s25  }
0xa6: {  	s4 =	sshll.u32 s26, $0x1;
	_ =	strace $0x8000004F;
	[dreg:$0x1] =	wrdreg $0xFFFFFFFF  }
0xa7: {  	s28 =	simm.s32 $_size_execute0_lowered;
	s2 =	sadd.s32 s2, s4;
	[dreg:$0x0] =	wrdreg $0x0  }
0xa8: {  	s4 =	sshll.u32 s28, $0x1;
	[dreg:$0x2] =	wrdreg s2  }
0xa9: {  	[dreg:$0x3] =	wrdreg s4  }
0xaa: {  	[dreg:$0x4] =	wrdreg $0xC0  }
0xab: {  	_ =	task [dreg:s6], $0x5FFFF  }
0xac: {  	[dreg:$0x1] =	wrdreg $0xFFFFFFFF  }
0xad: {  	[dreg:$0x0] =	wrdreg $0x60  }
0xae: {  	[dreg:$0x2] =	wrdreg s24  }
0xaf: {  	[dreg:$0x3] =	wrdreg $0xBA000  }
0xb0: {  	[dreg:$0x4] =	wrdreg $0x9  }
0xb1: {  	_ =	task.clear_ibuf [dreg:s6], $0x5FFFF;
	_ =	strace $0x9000004F  }
0xb2: {  	s29 =	simm.s32 $0x9;
	_ =	strace $0x80000051  }
0xb3: {  	_ =	swait.ge [sflag:s29], $0x1  }
0xb4: {  	[sflag:s29] =	ssyncadd.s32 $0xFFFFFFFF  }
0xb5: {  	_ =	strace $0x90000051  }
0xb6: {  	_ =	sfence  }
0xb7: {  	s30 =	sld [smem:$0x0];
	_ =	sdelay $0x2  }
0xb8: {  	s31 =	sshll.u32 s1, $0xD;
	s1 =	sshrl.u32 s1, $0x2  }
0xb9: {  	s3 =	sand.u32 $0x4000, s31;
	s1 =	sadd.s32 s1, s30  }
0xba: {  	s0 =	sor.u32 s3, s0;
	s1 =	sshll.u32 s1, $0x11  }
0xbb: {  	s0 =	sor.u32 s1, s0  }
0xbc: {  	s0 =	sadd.s32 $0x8F2B, s0  }
0xbd: {  	[sflag:s0] =	ssyncadd.remote.s32 $0x1  }
0xbe: {  	_ =	sfence.sel $0xFFFF  }
0xbf: {  	[dreg:$0x0] =	wrdreg $0xFFFFFFFF;
	(pc) =	sbr.abs _section_cstart, $3  }
0xc0: {  	[dreg:$0x1] =	wrdreg $0xFFFFFFFF  }
0xc1: {  	_ =	task.clear_ibuf [dreg:s6], $0x2FFFF;
	_ =	strace $0x9FFFFFFF  }
0xc2: {  	(tm) =	ssettm $0x7FFFFFFF  }
0xc3: {  	_ =	shalt  }
tec
execute0_lowered:
.L_overlay_start_1:
0x0: {  	(tag) =	ssettag $0x1  }
0x1: {  	s5 =	rddreg [dreg:$0x0]  }
0x2: {  	s2 =	rddreg [dreg:$0x1]  }
0x3: {  	s0 =	rddreg [dreg:$0x2];
	s3 =	simm.s32 $0x0  }
0x4: {  	s1 =	stileid.u32;
	s6 =	srdreg.scid;
	s12 =	simm.s32 $0x4080  }
0x5: {  	s13 =	simm.s32 $0x6A00;
	s14 =	simm.s32 $0x4100;
	s15 =	simm.s32 $0x9200  }
0x6: {  	s18 =	simm.s32 $0x1;
	s19 =	simm.s32 $0x4180;
	s20 =	simm.s32 $0x2  }
0x7: {  	s21 =	simm.s32 $0x3;
	[smem:$0x7FF] =	sst s3;
	s22 =	smul.u32 $0x2780, s1  }
0x8: {  	s4 =	sadd.s32 $0x3B800, s5;
	s7 =	sshll.u32 s1, $0xB;
	s6 =	sand.u32 $0x1, s6  }
0x9: {  	s11 =	smul.u32 $0x4F000, s1;
	s16 =	sshll.u32 s1, $0x6;
	_ =	strace $0x80000050  }
0xa: {  	s7 =	sadd.s32 s7, s5;
	s9 =	smul.u32 $0x27800, s6;
	s10 =	ssub.s32 $0x2, s6  }
0xb: {  	s6 =	sshll.u32 s6, $0xF;
	s16 =	sor.u32 $0x1C04, s16;
	s8 =	sadd.s32 s22, s5  }
0xc: {  	s29 =	sshrl.u32 s10, $0x1;
	s6 =	sadd.s32 s6, s7;
	s31 =	sshrl.u32 s11, $0x2  }
.Ltmp0:
0xd: {  	s11 =	simm.s32 $0x4200;
	s9 =	sadd.s32 s9, s5;
	(pc) =	sbr.rel .LBB2_1-.Ltmp0, $4  }
0xe: {  	s30 =	ssub.s32 s10, s29;
	s5 =	sadd.s32 $0x4000, s6;
	s17 =	sadd.s32 s31, s2  }
0xf: {  	s6 =	sadd.s32 $0x14000, s8;
	s8 =	simm.s32 $0x4;
	s10 =	simm.s32 $0x4000  }
0x10: {  	s23 =	sadd.s32 $0x63000, s9;
	s7 =	smax.u32 s30, $0x1;
	s9 =	simm.s32 $0x50  }
0x11: {  	s17 =	sshrl.u32 s17, $0x3;
	s22 =	sadd.s32 s22, s23;
	s23 =	simm.s32 $0x0  }
.LBB2_4:
0x12: {  	s23 =	sadd.s32 $0x1, s23  }
0x13: {  	p0 =	sne.s32 s23, s7  }
.Ltmp1:
0x14: {  	[bflag:$0x0] =	sbarrier.arrive $0xFFFF;
	(pc) =	sbr.rel @!p0 .LBB2_5-.Ltmp1, $4  }
0x15: {  	[hbm:s22], [sflag:s16] =	dma.local [spmem:s17], $0x2780  }
0x16: {  	_ =	swait.ge [sflag:s8], $0x2780  }
0x17: {  	[sflag:s8] =	ssyncset.done $0x0  }
0x18: {  	[sflag:s8] =	ssyncadd.s32 $0xFFFFD880  }
.LBB2_1:
0x19: {  	[tilespmem:s3], [sflag:$0x4] =	stream.linear.gather [hbm4b:s5+s3], $0x3F00, $0x38;
	[tilespmem:$0x1F600] =	vst v63  }
0x1a: {  	_ =	swait.ge [sflag:s8], $0x3F00  }
0x1b: {  	[sflag:s8] =	ssyncset.done $0x0  }
0x1c: {  	[sflag:s8] =	ssyncadd.s32 $0xFFFFC100  }
0x1d: {  	v0 =	vld [tilespmem:$0x0]  }
0x1e: {  	v1 =	vld [tilespmem:$0x10]  }
0x1f: {  	v2 =	vld [tilespmem:$0x20]  }
0x20: {  	v3 =	vld [tilespmem:$0x30]  }
0x21: {  	v4 =	vld [tilespmem:$0x40]  }
0x22: {  	v0 =	vand.u32 $0x3FFF, v0  }
0x23: {  	v42 =	vand.u32 $0x3FFF, v1;
	[tilespmem:$0x4000] =	vst v0  }
0x24: {  	v43 =	vand.u32 $0x3FFF, v2;
	[tilespmem:$0x4010] =	vst v42  }
0x25: {  	v44 =	vand.u32 $0x3FFF, v3;
	[tilespmem:$0x4020] =	vst v43  }
0x26: {  	v45 =	vand.u32 $0x3FFF, v4;
	[tilespmem:$0x4030] =	vst v44  }
0x27: {  	[tilespmem:$0x4040] =	vst v45  }
0x28: {  	[tilespmem:s11], [sflag:$0x1] =	stream.indirect.gather [hbm4b:s4+s9], $0x80, s10, s9, $0xb8;
	[tilespmem:$0x1F600] =	vst v63  }
0x29: {  	v46 =	vld [tilespmem:$0x80]  }
0x2a: {  	v47 =	vld [tilespmem:$0x90]  }
0x2b: {  	v48 =	vld [tilespmem:$0xA0]  }
0x2c: {  	v49 =	vld [tilespmem:$0xB0]  }
0x2d: {  	v50 =	vld [tilespmem:$0xC0]  }
0x2e: {  	v0 =	vand.u32 $0x3FFF, v46  }
0x2f: {  	v51 =	vand.u32 $0x3FFF, v47;
	[tilespmem:$0x4080] =	vst v0  }
0x30: {  	v52 =	vand.u32 $0x3FFF, v48;
	[tilespmem:$0x4090] =	vst v51  }
0x31: {  	v53 =	vand.u32 $0x3FFF, v49;
	[tilespmem:$0x40A0] =	vst v52  }
0x32: {  	v54 =	vand.u32 $0x3FFF, v50;
	[tilespmem:$0x40B0] =	vst v53  }
0x33: {  	[tilespmem:$0x40C0] =	vst v54  }
0x34: {  	[tilespmem:s13], [sflag:$0x2] =	stream.indirect.gather [hbm4b:s4+s9], $0x80, s12, s9, $0xb8;
	[tilespmem:$0x1F600] =	vst v63  }
0x35: {  	v55 =	vld [tilespmem:$0x100]  }
0x36: {  	v56 =	vld [tilespmem:$0x110]  }
0x37: {  	v57 =	vld [tilespmem:$0x120]  }
0x38: {  	v58 =	vld [tilespmem:$0x130]  }
0x39: {  	v59 =	vld [tilespmem:$0x140]  }
0x3a: {  	v0 =	vand.u32 $0x3FFF, v55  }
0x3b: {  	v60 =	vand.u32 $0x3FFF, v56;
	[tilespmem:$0x4100] =	vst v0  }
0x3c: {  	v61 =	vand.u32 $0x3FFF, v57;
	[tilespmem:$0x4110] =	vst v60  }
0x3d: {  	v62 =	vand.u32 $0x3FFF, v58;
	[tilespmem:$0x4120] =	vst v61  }
0x3e: {  	v63 =	vand.u32 $0x3FFF, v59;
	[tilespmem:$0x4130] =	vst v62  }
0x3f: {  	[tilespmem:$0x4140] =	vst v63  }
0x40: {  	[tilespmem:s15], [sflag:$0x3] =	stream.indirect.gather [hbm4b:s4+s9], $0x80, s14, s9, $0xb8;
	[tilespmem:$0x1F600] =	vst v63  }
0x41: {  	[spmem:s17], [sflag:s16] =	dma.local [hbm:s6], $0x2780  }
0x42: {  	_ =	swait.ge [sflag:s8], $0x2780  }
0x43: {  	[sflag:s8] =	ssyncset.done $0x0  }
0x44: {  	[sflag:s8] =	ssyncadd.s32 $0xFFFFD880  }
0x45: {  	s24 =	simm.s32 $0x0;
	[bflag:$0x0] =	sbarrier.arrive $0xFFFF  }
.LBB2_2:
0x46: {  	_ =	swait.ge [sflag:s18], $0x2800  }
0x47: {  	[sflag:s18] =	ssyncset.done $0x0  }
0x48: {  	s25 =	sshra.s32 s24, $0x2;
	[sflag:s18] =	ssyncadd.s32 $0xFFFFD800  }
0x49: {  	v0 =	vld [tilespmem:s25+$0x0];
	_ =	sdelay $0x4  }
0x4a: {  	v0 =	vshrl.u32 v0, $0xE  }
0x4b: {  	[tilespmem:$0x4180] =	vst v0  }
0x4c: {  	v0 =	vld [tilespmem:s25+$0x10];
	_ =	sdelay $0x4  }
0x4d: {  	v0 =	vshrl.u32 v0, $0xE  }
0x4e: {  	[tilespmem:$0x4190] =	vst v0  }
0x4f: {  	v0 =	vld [tilespmem:s25+$0x20];
	_ =	sdelay $0x4  }
0x50: {  	v0 =	vshrl.u32 v0, $0xE  }
0x51: {  	[tilespmem:$0x41A0] =	vst v0  }
0x52: {  	v0 =	vld [tilespmem:s25+$0x30];
	_ =	sdelay $0x4  }
0x53: {  	v0 =	vshrl.u32 v0, $0xE  }
0x54: {  	[tilespmem:$0x41B0] =	vst v0  }
0x55: {  	v0 =	vld [tilespmem:s25+$0x40];
	_ =	sdelay $0x4  }
0x56: {  	v0 =	vshrl.u32 v0, $0xE  }
0x57: {  	[tilespmem:$0x41C0] =	vst v0  }
0x58: {  	[spmem:s2] =	stream.indirect.scatter.add.f32 [tilespmem:s11], [sflag:$0x4], $0x80, s19, s9, $0xb8;
	[tilespmem:$0x1F600] =	vst v63  }
0x59: {  	_ =	swait.ge [sflag:s8], $0x2800  }
0x5a: {  	p0 =	seq.s32 s24, $0xF600;
	[sflag:s8] =	ssyncset.done $0x0  }
0x5b: {  	s26 =	sshra.s32 @!p0 s24, $0x2;
	[sflag:s8] =	ssyncadd.s32 $0xFFFFD800  }
0x5c: {  	v0 =	vld @!p0 [tilespmem:s26+$0x180];
	_ =	sdelay $0x4  }
0x5d: {  	v0 =	vand.u32 @!p0 $0x3FFF, v0  }
0x5e: {  	[tilespmem:$0x4000] =	vst @!p0 v0  }
0x5f: {  	v0 =	vld @!p0 [tilespmem:s26+$0x190];
	_ =	sdelay $0x4  }
0x60: {  	v0 =	vand.u32 @!p0 $0x3FFF, v0  }
0x61: {  	[tilespmem:$0x4010] =	vst @!p0 v0  }
0x62: {  	v0 =	vld @!p0 [tilespmem:s26+$0x1A0];
	_ =	sdelay $0x4  }
0x63: {  	v0 =	vand.u32 @!p0 $0x3FFF, v0  }
0x64: {  	[tilespmem:$0x4020] =	vst @!p0 v0  }
0x65: {  	v0 =	vld @!p0 [tilespmem:s26+$0x1B0];
	_ =	sdelay $0x4  }
0x66: {  	v0 =	vand.u32 @!p0 $0x3FFF, v0  }
0x67: {  	[tilespmem:$0x4030] =	vst @!p0 v0  }
0x68: {  	v0 =	vld @!p0 [tilespmem:s26+$0x1C0];
	_ =	sdelay $0x4  }
0x69: {  	v0 =	vand.u32 @!p0 $0x3FFF, v0  }
0x6a: {  	s28 =	simm.s32 @!p0 $0x50;
	s29 =	simm.s32 @!p0 $0x4000;
	s30 =	simm.s32 @!p0 $0x4200;
	[tilespmem:$0x4040] =	vst @!p0 v0  }
0x6b: {  	[tilespmem:s30], [sflag:$0x1] =	stream.indirect.gather @!p0 [hbm4b:s4+s28], $0x80, s29, s28, $0xb8;
	[tilespmem:$0x1F600] =	vst v63  }
0x6c: {  	_ =	swait.ge [sflag:s20], $0x2800  }
0x6d: {  	[sflag:s20] =	ssyncset.done $0x0  }
0x6e: {  	[sflag:s20] =	ssyncadd.s32 $0xFFFFD800  }
0x6f: {  	v62 =	vld [tilespmem:s25+$0x80];
	_ =	sdelay $0x4  }
0x70: {  	v0 =	vshrl.u32 v62, $0xE  }
0x71: {  	[tilespmem:$0x4180] =	vst v0  }
0x72: {  	v0 =	vld [tilespmem:s25+$0x90];
	_ =	sdelay $0x4  }
0x73: {  	v0 =	vshrl.u32 v0, $0xE  }
0x74: {  	[tilespmem:$0x4190] =	vst v0  }
0x75: {  	v0 =	vld [tilespmem:s25+$0xA0];
	_ =	sdelay $0x4  }
0x76: {  	v0 =	vshrl.u32 v0, $0xE  }
0x77: {  	[tilespmem:$0x41A0] =	vst v0  }
0x78: {  	v0 =	vld [tilespmem:s25+$0xB0];
	_ =	sdelay $0x4  }
0x79: {  	v0 =	vshrl.u32 v0, $0xE  }
0x7a: {  	[tilespmem:$0x41B0] =	vst v0  }
0x7b: {  	v0 =	vld [tilespmem:s25+$0xC0];
	_ =	sdelay $0x4  }
0x7c: {  	v0 =	vshrl.u32 v0, $0xE  }
0x7d: {  	[tilespmem:$0x41C0] =	vst v0  }
0x7e: {  	[spmem:s2] =	stream.indirect.scatter.add.f32 [tilespmem:s13], [sflag:$0x4], $0x80, s19, s9, $0xb8;
	[tilespmem:$0x1F600] =	vst v63  }
0x7f: {  	_ =	swait.ge [sflag:s8], $0x2800  }
0x80: {  	[sflag:s8] =	ssyncset.done $0x0  }
0x81: {  	[sflag:s8] =	ssyncadd.s32 $0xFFFFD800  }
0x82: {  	v0 =	vld @!p0 [tilespmem:s26+$0x200];
	_ =	sdelay $0x4  }
0x83: {  	v0 =	vand.u32 @!p0 $0x3FFF, v0  }
0x84: {  	[tilespmem:$0x4080] =	vst @!p0 v0  }
0x85: {  	v0 =	vld @!p0 [tilespmem:s26+$0x210];
	_ =	sdelay $0x4  }
0x86: {  	v0 =	vand.u32 @!p0 $0x3FFF, v0  }
0x87: {  	[tilespmem:$0x4090] =	vst @!p0 v0  }
0x88: {  	v0 =	vld @!p0 [tilespmem:s26+$0x220];
	_ =	sdelay $0x4  }
0x89: {  	v0 =	vand.u32 @!p0 $0x3FFF, v0  }
0x8a: {  	[tilespmem:$0x40A0] =	vst @!p0 v0  }
0x8b: {  	v0 =	vld @!p0 [tilespmem:s26+$0x230];
	_ =	sdelay $0x4  }
0x8c: {  	v0 =	vand.u32 @!p0 $0x3FFF, v0  }
0x8d: {  	[tilespmem:$0x40B0] =	vst @!p0 v0  }
0x8e: {  	v0 =	vld @!p0 [tilespmem:s26+$0x240];
	_ =	sdelay $0x4  }
0x8f: {  	v0 =	vand.u32 @!p0 $0x3FFF, v0  }
0x90: {  	s29 =	simm.s32 @!p0 $0x6A00;
	s26 =	simm.s32 @!p0 $0x4080;
	[tilespmem:$0x40C0] =	vst @!p0 v0  }
0x91: {  	[tilespmem:s29], [sflag:$0x2] =	stream.indirect.gather @!p0 [hbm4b:s4+s28], $0x80, s26, s28, $0xb8;
	[tilespmem:$0x1F600] =	vst v63  }
0x92: {  	_ =	swait.ge [sflag:s21], $0x2800  }
0x93: {  	[sflag:s21] =	ssyncset.done $0x0  }
0x94: {  	[sflag:s21] =	ssyncadd.s32 $0xFFFFD800  }
0x95: {  	v63 =	vld [tilespmem:s25+$0x100];
	_ =	sdelay $0x4  }
0x96: {  	v0 =	vshrl.u32 v63, $0xE  }
0x97: {  	[tilespmem:$0x4180] =	vst v0  }
0x98: {  	v0 =	vld [tilespmem:s25+$0x110];
	_ =	sdelay $0x4  }
0x99: {  	v0 =	vshrl.u32 v0, $0xE  }
0x9a: {  	[tilespmem:$0x4190] =	vst v0  }
0x9b: {  	v0 =	vld [tilespmem:s25+$0x120];
	_ =	sdelay $0x4  }
0x9c: {  	v0 =	vshrl.u32 v0, $0xE  }
0x9d: {  	[tilespmem:$0x41A0] =	vst v0  }
0x9e: {  	v0 =	vld [tilespmem:s25+$0x130];
	_ =	sdelay $0x4  }
0x9f: {  	v0 =	vshrl.u32 v0, $0xE  }
0xa0: {  	[tilespmem:$0x41B0] =	vst v0  }
0xa1: {  	v0 =	vld [tilespmem:s25+$0x140];
	_ =	sdelay $0x4  }
0xa2: {  	v0 =	vshrl.u32 v0, $0xE  }
.Ltmp2:
0xa3: {  	[tilespmem:$0x41C0] =	vst v0;
	(pc) =	sbr.rel @p0 .LBB2_4-.Ltmp2, $4  }
0xa4: {  	[spmem:s2] =	stream.indirect.scatter.add.f32 [tilespmem:s15], [sflag:$0x4], $0x80, s19, s9, $0xb8;
	[tilespmem:$0x1F600] =	vst v63  }
0xa5: {  	_ =	swait.ge [sflag:s8], $0x2800  }
0xa6: {  	[sflag:s8] =	ssyncset.done $0x0  }
0xa7: {  	[sflag:s8] =	ssyncadd.s32 $0xFFFFD800  }
0xa8: {  	v0 =	vld [tilespmem:s25+$0x280];
	_ =	sdelay $0x4  }
0xa9: {  	v0 =	vand.u32 $0x3FFF, v0  }
0xaa: {  	[tilespmem:$0x4100] =	vst v0  }
0xab: {  	v0 =	vld [tilespmem:s25+$0x290];
	_ =	sdelay $0x4  }
0xac: {  	v0 =	vand.u32 $0x3FFF, v0  }
0xad: {  	[tilespmem:$0x4110] =	vst v0  }
0xae: {  	v0 =	vld [tilespmem:s25+$0x2A0];
	_ =	sdelay $0x4  }
0xaf: {  	v0 =	vand.u32 $0x3FFF, v0  }
0xb0: {  	[tilespmem:$0x4120] =	vst v0  }
0xb1: {  	v0 =	vld [tilespmem:s25+$0x2B0];
	_ =	sdelay $0x4  }
0xb2: {  	v0 =	vand.u32 $0x3FFF, v0  }
0xb3: {  	[tilespmem:$0x4130] =	vst v0  }
0xb4: {  	v0 =	vld [tilespmem:s25+$0x2C0];
	_ =	sdelay $0x2  }
.Ltmp3:
0xb5: {  	_ = 	snop;
	(pc) =	sbr.rel .LBB2_2-.Ltmp3, $4  }
0xb6: {  	_ = 	snop  }
0xb7: {  	v0 =	vand.u32 $0x3FFF, v0  }
0xb8: {  	s24 =	sadd.s32 $0x600, s24;
	[tilespmem:$0x4140] =	vst v0  }
0xb9: {  	[tilespmem:s15], [sflag:$0x3] =	stream.indirect.gather [hbm4b:s4+s9], $0x80, s14, s9, $0xb8;
	[tilespmem:$0x1F600] =	vst v63  }
.LBB2_5:
0xba: {  	_ =	sfence.sel $0x180000  }
0xbb: {  	[bflag:$0x0] =	sbarrier.arrive $0xFFFF  }
0xbc: {  	p0 =	sne.s32 s1, $0x0;
	_ =	strace $0x90000050  }
0xbd: {  	s0 =	sadd.s32 @!p0 $0x100000, s0;
	[bflag:$0x2] =	sbarrier.arrive $0xFFFF  }
0xbe: {  	[sflag:s0] =	ssyncadd.tile.s32 @!p0 $0x1;
	_ =	shalt  }
.Lfunc_end2:
_tile_overlayer_lowered:
.L_overlay_start_2:
0xbf: {  	(tag) =	ssettag $0x2  }
0xc0: {  	s0 =	rddreg [dreg:$0x0];
	s2 =	stileid.u32  }
0xc1: {  	s1 =	rddreg [dreg:$0x1];
	p0 =	sne.s32 s2, $0x0  }
0xc2: {  	s3 =	rddreg [dreg:$0x2];
	[bflag:$0x3] =	sbarrier.arrive $0xFFFF;
	s2 =	simm.s32 @!p0 $0x1C04  }
0xc3: {  	[timem:s3], [sflag:s2] =	dma.local @!p0 [hbm:s0], s1  }
0xc4: {  	s0 =	simm.s32 @!p0 $0x4  }
0xc5: {  	_ =	swait.ge @!p0 [sflag:s0], s1  }
0xc6: {  	s1 =	ssub.s32 @!p0 $0x0, s1;
	[sflag:s0] =	ssyncset.done @!p0 $0x0  }
0xc7: {  	[sflag:s0] =	ssyncadd.s32 @!p0 s1  }
0xc8: {  	[bflag:$0x3] =	sbarrier.arrive $0xFFFF  }
0xc9: {  	_ =	shalt  }

</sc_bundles>
